<compile_context>
chip_gen: v7x
topology: tpu7x:2x2x1
jax: 0.10.2.dev20260603
libtpu: 0.0.44.dev20260713+nightly
codegen_flags: <defaults>
</compile_context>

<pallas_src>
import jax
import jax.numpy as jnp
from jax import lax
from jax.experimental import pallas as pl
from jax.experimental.pallas import tpu as pltpu
from jax.experimental.pallas import tpu_sc as plsc

START_VAL = 1.0
STOP_VAL = 2.0

B = 1024
L = 4096
LP1 = L + 1

_info = plsc.get_sparse_core_info()
NC, NS = _info.num_cores, _info.num_subcores
NW = NC * NS
ROWS_PER_W = B // NW
CHUNK = 8
N_CHUNKS = ROWS_PER_W // CHUNK
SLICES = CHUNK * L // 16


def _collate_body(samples, inp_out, len1_out, tgt_out, len2_out,
                  stage, img, len_buf, sem_in, sem_out):
    wid = lax.axis_index("s") * NC + lax.axis_index("c")
    base = wid * ROWS_PER_W

    iota = lax.iota(jnp.int32, 16)

    lenv = jnp.full((16,), LP1, dtype=jnp.int32)
    for j in range(ROWS_PER_W // 16):
        len_buf[pl.ds(j * 16, 16)] = lenv
    pltpu.sync_copy(len_buf, len1_out.at[pl.ds(base, ROWS_PER_W)])
    pltpu.sync_copy(len_buf, len2_out.at[pl.ds(base, ROWS_PER_W)])

    def do_chunk(rr, ch, shift, out_ref):
        cps = [pltpu.async_copy(samples.at[rr + r, ch],
                                stage.at[pl.ds(r * L, L)], sem_in)
               for r in range(CHUNK)]
        for cp in cps:
            cp.wait()

        def cp_step(i, _):
            v = stage[pl.ds(i * 16, 16)]
            img[pl.ds(i * 16 + lax.shift_right_logical(i, 8) + shift, 16)] = v
            return ()
        lax.fori_loop(0, SLICES, cp_step, ())

        for r in range(CHUNK):
            if shift:
                off = r * LP1
                va = img[pl.ds(off, 16)]
                img[pl.ds(off, 16)] = jnp.where(iota == 0, START_VAL, va)
            else:
                off = r * LP1 + LP1 - 16
                vb = img[pl.ds(off, 16)]
                img[pl.ds(off, 16)] = jnp.where(iota == 15, STOP_VAL, vb)

        off = pl.multiple_of(rr * LP1, 8)
        pltpu.async_copy(img, out_ref.at[pl.ds(off, CHUNK * LP1)],
                         sem_out).wait()

    for c in range(N_CHUNKS):
        rr = base + c * CHUNK
        do_chunk(rr, 0, 1, inp_out)
        do_chunk(rr, 1, 0, tgt_out)


@jax.jit
def _collate(samples):
    mesh = plsc.VectorSubcoreMesh(core_axis_name="c", subcore_axis_name="s")
    f = pl.kernel(
        _collate_body,
        out_type=(
            jax.ShapeDtypeStruct((B * LP1,), jnp.float32),
            jax.ShapeDtypeStruct((B,), jnp.int32),
            jax.ShapeDtypeStruct((B * LP1,), jnp.float32),
            jax.ShapeDtypeStruct((B,), jnp.int32),
        ),
        mesh=mesh,
        scratch_types=[
            pltpu.VMEM((CHUNK * L,), jnp.float32),
            pltpu.VMEM((CHUNK * LP1,), jnp.float32),
            pltpu.VMEM((ROWS_PER_W,), jnp.int32),
            pltpu.SemaphoreType.DMA,
            pltpu.SemaphoreType.DMA,
        ],
    )
    inp_flat, len1, tgt_flat, len2 = f(samples)
    return (inp_flat.reshape(B, LP1), len1, tgt_flat.reshape(B, LP1), len2)


def kernel(samples):
    return _collate(samples)

# --- scband reference (transcript-rebuilt; emitter-appended) ---
"""Pipeline reference for scband-collate-fn0-47132971106692 (READ-ONLY COPY).

The authoritative reference and input builder live on the scoring server;
editing this copy changes nothing except your own understanding.
"""

import jax, jax.numpy as jnp
import numpy as np

START_TOKEN = 1.0
STOP_TOKEN = 2.0

def setup_inputs(seed: int = 0):
    key = jax.random.key(seed)
    samples = jax.random.normal(key, (1024, 2, 4096), dtype=jnp.float32)
    return {"samples": samples}

def reference(samples):
    # samples: [B, 2, L]; iterating over the torch list-of-samples with sample[0]=input,
    # sample[1]=target is equivalent to slicing axis 1.
    B, _, L = samples.shape
    inp = samples[:, 0, :]
    tgt = samples[:, 1, :]
    # start_token prepended to inputs (F.pad(..., pad=(1,0), value=start_token))
    inp_padded = jnp.pad(inp, ((0, 0), (1, 0)), constant_values=START_TOKEN)
    # stop_token appended to targets (F.pad(..., pad=(0,1), value=stop_token))
    tgt_padded = jnp.pad(tgt, ((0, 0), (0, 1)), constant_values=STOP_TOKEN)
    # pad_sequence over equal-length sequences == stack (already [B, L+1])
    inputs_lengths = jnp.full((B,), L + 1, dtype=jnp.int32)
    targets_lengths = jnp.full((B,), L + 1, dtype=jnp.int32)
    # flatten the {'inputs': {...}, 'targets': {...}} dict into a tuple:
    # (inputs.samples, inputs.lengths, targets.samples, targets.lengths)
    return (inp_padded, inputs_lengths, tgt_padded, targets_lengths)

if __name__ == "__main__":
    import jax
    _d = setup_inputs()
    print(jax.jit(kernel)(*tuple(_d.values())))

</pallas_src>

<mosaic_0001>
#map = affine_map<(d0, d1) -> (0, 0, 0)>
#map1 = affine_map<(d0, d1) -> (0)>
module attributes {stable_mosaic.version = 14 : i64} {
  func.func @_collate_body(%arg0: i32, %arg1: i32, %arg2: memref<1024x2x4096xf32, #tpu.memory_space<hbm>>, %arg3: memref<4195328xf32, #tpu.memory_space<hbm>>, %arg4: memref<1024xi32, #tpu.memory_space<hbm>>, %arg5: memref<4195328xf32, #tpu.memory_space<hbm>>, %arg6: memref<1024xi32, #tpu.memory_space<hbm>>, %arg7: memref<32768xf32, #tpu.memory_space<vmem>>, %arg8: memref<32776xf32, #tpu.memory_space<vmem>>, %arg9: memref<32xi32, #tpu.memory_space<vmem>>, %arg10: memref<!tpu.dma_semaphore, #tpu.memory_space<semaphore_mem>>, %arg11: memref<!tpu.dma_semaphore, #tpu.memory_space<semaphore_mem>>) attributes {dimension_semantics = [#tpu.dimension_semantics<core_parallel>, #tpu.dimension_semantics<subcore_parallel>], iteration_bounds = array<i64: 2, 16>, scalar_prefetch = 0 : i64, scratch_operands = 5 : i64, tpu.core_type = #tpu.core_type<sc_vector_subcore>, window_params = [{transform_indices = #map}, {transform_indices = #map1}, {transform_indices = #map1}, {transform_indices = #map1}, {transform_indices = #map1}]} {
    %mul3A = arith.constant 2 : i32
    %mul3A_0 = arith.muli %arg1, %mul3A : i32
    %add3A = arith.addi %mul3A_0, %arg0 : i32
    %mul3A_1 = arith.constant 32 : i32
    %mul3A_2 = arith.muli %add3A, %mul3A_1 : i32
    %iota3A = tpu.iota {dimensions = array<i32: 0>} : vector<16xi32>
    %broadcast_in_dim3A = arith.constant 4097 : i32
    %broadcast_in_dim3A_3 = vector.broadcast %broadcast_in_dim3A : i32 to vector<16xi32>
    %swap3A = arith.constant 0 : index
    %swap3A_4 = tpu.vector_load %arg9[%swap3A] {strides = array<i32>} : memref<32xi32, #tpu.memory_space<vmem>>, vector<16xi32>,
    %swap3A_5 = vector.shape_cast %swap3A_4 : vector<16xi32> to vector<16xi32>
    %swap3A_6 = vector.shape_cast %broadcast_in_dim3A_3 : vector<16xi32> to vector<16xi32>
    tpu.vector_store %arg9[%swap3A], %swap3A_6 {strides = array<i32>} : memref<32xi32, #tpu.memory_space<vmem>>, vector<16xi32>,
    %swap3A_7 = arith.constant 16 : index
    %swap3A_8 = tpu.vector_load %arg9[%swap3A_7] {strides = array<i32>} : memref<32xi32, #tpu.memory_space<vmem>>, vector<16xi32>,
    %swap3A_9 = vector.shape_cast %swap3A_8 : vector<16xi32> to vector<16xi32>
    %swap3A_10 = vector.shape_cast %broadcast_in_dim3A_3 : vector<16xi32> to vector<16xi32>
    tpu.vector_store %arg9[%swap3A_7], %swap3A_10 {strides = array<i32>} : memref<32xi32, #tpu.memory_space<vmem>>, vector<16xi32>,
    "tpu.region"() ({
      %run_scoped3A = tpu.sem_alloc : memref<!tpu.dma_semaphore, #tpu.memory_space<semaphore_mem>>
      %dma_start3A_2475 = tpu.memref_slice %arg4[%mul3A_2] : memref<1024xi32, #tpu.memory_space<hbm>> -> memref<32xi32, #tpu.memory_space<hbm>>
      %dma_start3A_2476 = tpu.memref_slice %arg4[%mul3A_2] : memref<1024xi32, #tpu.memory_space<hbm>> -> memref<32xi32, #tpu.memory_space<hbm>>
      tpu.enqueue_dma source(%arg9 : memref<32xi32, #tpu.memory_space<vmem>>) target(%dma_start3A_2476 : memref<32xi32, #tpu.memory_space<hbm>>) target_semaphore(%run_scoped3A : memref<!tpu.dma_semaphore, #tpu.memory_space<semaphore_mem>>)
      %dma_wait3A_2477 = tpu.memref_slice %arg4[%mul3A_2] : memref<1024xi32, #tpu.memory_space<hbm>> -> memref<32xi32, #tpu.memory_space<hbm>>
      %dma_wait3A_2478 = tpu.memref_slice %arg4[%mul3A_2] : memref<1024xi32, #tpu.memory_space<hbm>> -> memref<32xi32, #tpu.memory_space<hbm>>
      tpu.wait_dma2 semaphore(%run_scoped3A : memref<!tpu.dma_semaphore, #tpu.memory_space<semaphore_mem>>) src(%arg9 : memref<32xi32, #tpu.memory_space<vmem>>) dst(%dma_wait3A_2478 : memref<32xi32, #tpu.memory_space<hbm>>)
      tpu.yield
    }) : () -> ()
    "tpu.region"() ({
      %run_scoped3A = tpu.sem_alloc : memref<!tpu.dma_semaphore, #tpu.memory_space<semaphore_mem>>
      %dma_start3A_2475 = tpu.memref_slice %arg6[%mul3A_2] : memref<1024xi32, #tpu.memory_space<hbm>> -> memref<32xi32, #tpu.memory_space<hbm>>
      %dma_start3A_2476 = tpu.memref_slice %arg6[%mul3A_2] : memref<1024xi32, #tpu.memory_space<hbm>> -> memref<32xi32, #tpu.memory_space<hbm>>
      tpu.enqueue_dma source(%arg9 : memref<32xi32, #tpu.memory_space<vmem>>) target(%dma_start3A_2476 : memref<32xi32, #tpu.memory_space<hbm>>) target_semaphore(%run_scoped3A : memref<!tpu.dma_semaphore, #tpu.memory_space<semaphore_mem>>)
      %dma_wait3A_2477 = tpu.memref_slice %arg6[%mul3A_2] : memref<1024xi32, #tpu.memory_space<hbm>> -> memref<32xi32, #tpu.memory_space<hbm>>
      %dma_wait3A_2478 = tpu.memref_slice %arg6[%mul3A_2] : memref<1024xi32, #tpu.memory_space<hbm>> -> memref<32xi32, #tpu.memory_space<hbm>>
      tpu.wait_dma2 semaphore(%run_scoped3A : memref<!tpu.dma_semaphore, #tpu.memory_space<semaphore_mem>>) src(%arg9 : memref<32xi32, #tpu.memory_space<vmem>>) dst(%dma_wait3A_2478 : memref<32xi32, #tpu.memory_space<hbm>>)
      tpu.yield
    }) : () -> ()
    %add3A_11 = arith.constant 0 : i32
    %add3A_12 = arith.addi %mul3A_2, %add3A_11 : i32
    %add3A_13 = arith.constant 0 : i32
    %add3A_14 = arith.addi %add3A_12, %add3A_13 : i32
    %dma_start3A = arith.constant 0 : i32
    %dma_start3A_15 = arith.constant 0 : i32
    %dma_start3A_16 = tpu.memref_slice %arg7[%dma_start3A_15] : memref<32768xf32, #tpu.memory_space<vmem>> -> memref<4096xf32, #tpu.memory_space<vmem>>
    %dma_start3A_17 = arith.constant 0 : i32
    %dma_start3A_18 = tpu.memref_slice %arg2[%add3A_14, %dma_start3A, %dma_start3A_17] : memref<1024x2x4096xf32, #tpu.memory_space<hbm>> -> memref<1x1x4096xf32, #tpu.memory_space<hbm>>
    %dma_start3A_19 = tpu.memref_squeeze %dma_start3A_18 : memref<1x1x4096xf32, #tpu.memory_space<hbm>> -> memref<4096xf32, #tpu.memory_space<hbm>>
    %dma_start3A_20 = arith.constant 0 : i32
    %dma_start3A_21 = tpu.memref_slice %arg7[%dma_start3A_20] : memref<32768xf32, #tpu.memory_space<vmem>> -> memref<4096xf32, #tpu.memory_space<vmem>>
    %dma_start3A_22 = arith.constant 0 : i32
    %dma_start3A_23 = tpu.memref_slice %arg2[%add3A_14, %dma_start3A, %dma_start3A_22] : memref<1024x2x4096xf32, #tpu.memory_space<hbm>> -> memref<1x1x4096xf32, #tpu.memory_space<hbm>>
    %dma_start3A_24 = tpu.memref_squeeze %dma_start3A_23 : memref<1x1x4096xf32, #tpu.memory_space<hbm>> -> memref<4096xf32, #tpu.memory_space<hbm>>
    tpu.enqueue_dma source(%dma_start3A_24 : memref<4096xf32, #tpu.memory_space<hbm>>) target(%dma_start3A_21 : memref<4096xf32, #tpu.memory_space<vmem>>) target_semaphore(%arg10 : memref<!tpu.dma_semaphore, #tpu.memory_space<semaphore_mem>>)
    %add3A_25 = arith.constant 1 : i32
    %add3A_26 = arith.addi %add3A_12, %add3A_25 : i32
    %dma_start3A_27 = arith.constant 0 : i32
    %dma_start3A_28 = arith.constant 4096 : i32
    %dma_start3A_29 = tpu.memref_slice %arg7[%dma_start3A_28] : memref<32768xf32, #tpu.memory_space<vmem>> -> memref<4096xf32, #tpu.memory_space<vmem>>
    %dma_start3A_30 = arith.constant 0 : i32
    %dma_start3A_31 = tpu.memref_slice %arg2[%add3A_26, %dma_start3A_27, %dma_start3A_30] : memref<1024x2x4096xf32, #tpu.memory_space<hbm>> -> memref<1x1x4096xf32, #tpu.memory_space<hbm>>
    %dma_start3A_32 = tpu.memref_squeeze %dma_start3A_31 : memref<1x1x4096xf32, #tpu.memory_space<hbm>> -> memref<4096xf32, #tpu.memory_space<hbm>>
    %dma_start3A_33 = arith.constant 4096 : i32
    %dma_start3A_34 = tpu.memref_slice %arg7[%dma_start3A_33] : memref<32768xf32, #tpu.memory_space<vmem>> -> memref<4096xf32, #tpu.memory_space<vmem>>
    %dma_start3A_35 = arith.constant 0 : i32
    %dma_start3A_36 = tpu.memref_slice %arg2[%add3A_26, %dma_start3A_27, %dma_start3A_35] : memref<1024x2x4096xf32, #tpu.memory_space<hbm>> -> memref<1x1x4096xf32, #tpu.memory_space<hbm>>
    %dma_start3A_37 = tpu.memref_squeeze %dma_start3A_36 : memref<1x1x4096xf32, #tpu.memory_space<hbm>> -> memref<4096xf32, #tpu.memory_space<hbm>>
    tpu.enqueue_dma source(%dma_start3A_37 : memref<4096xf32, #tpu.memory_space<hbm>>) target(%dma_start3A_34 : memref<4096xf32, #tpu.memory_space<vmem>>) target_semaphore(%arg10 : memref<!tpu.dma_semaphore, #tpu.memory_space<semaphore_mem>>)
    %add3A_38 = arith.constant 2 : i32
    %add3A_39 = arith.addi %add3A_12, %add3A_38 : i32
    %dma_start3A_40 = arith.constant 0 : i32
    %dma_start3A_41 = arith.constant 8192 : i32
    %dma_start3A_42 = tpu.memref_slice %arg7[%dma_start3A_41] : memref<32768xf32, #tpu.memory_space<vmem>> -> memref<4096xf32, #tpu.memory_space<vmem>>
    %dma_start3A_43 = arith.constant 0 : i32
    %dma_start3A_44 = tpu.memref_slice %arg2[%add3A_39, %dma_start3A_40, %dma_start3A_43] : memref<1024x2x4096xf32, #tpu.memory_space<hbm>> -> memref<1x1x4096xf32, #tpu.memory_space<hbm>>
    %dma_start3A_45 = tpu.memref_squeeze %dma_start3A_44 : memref<1x1x4096xf32, #tpu.memory_space<hbm>> -> memref<4096xf32, #tpu.memory_space<hbm>>
    %dma_start3A_46 = arith.constant 8192 : i32
    %dma_start3A_47 = tpu.memref_slice %arg7[%dma_start3A_46] : memref<32768xf32, #tpu.memory_space<vmem>> -> memref<4096xf32, #tpu.memory_space<vmem>>
    %dma_start3A_48 = arith.constant 0 : i32
    %dma_start3A_49 = tpu.memref_slice %arg2[%add3A_39, %dma_start3A_40, %dma_start3A_48] : memref<1024x2x4096xf32, #tpu.memory_space<hbm>> -> memref<1x1x4096xf32, #tpu.memory_space<hbm>>
    %dma_start3A_50 = tpu.memref_squeeze %dma_start3A_49 : memref<1x1x4096xf32, #tpu.memory_space<hbm>> -> memref<4096xf32, #tpu.memory_space<hbm>>
    tpu.enqueue_dma source(%dma_start3A_50 : memref<4096xf32, #tpu.memory_space<hbm>>) target(%dma_start3A_47 : memref<4096xf32, #tpu.memory_space<vmem>>) target_semaphore(%arg10 : memref<!tpu.dma_semaphore, #tpu.memory_space<semaphore_mem>>)
    %add3A_51 = arith.constant 3 : i32
    %add3A_52 = arith.addi %add3A_12, %add3A_51 : i32
    %dma_start3A_53 = arith.constant 0 : i32
    %dma_start3A_54 = arith.constant 12288 : i32
    %dma_start3A_55 = tpu.memref_slice %arg7[%dma_start3A_54] : memref<32768xf32, #tpu.memory_space<vmem>> -> memref<4096xf32, #tpu.memory_space<vmem>>
    %dma_start3A_56 = arith.constant 0 : i32
    %dma_start3A_57 = tpu.memref_slice %arg2[%add3A_52, %dma_start3A_53, %dma_start3A_56] : memref<1024x2x4096xf32, #tpu.memory_space<hbm>> -> memref<1x1x4096xf32, #tpu.memory_space<hbm>>
    %dma_start3A_58 = tpu.memref_squeeze %dma_start3A_57 : memref<1x1x4096xf32, #tpu.memory_space<hbm>> -> memref<4096xf32, #tpu.memory_space<hbm>>
    %dma_start3A_59 = arith.constant 12288 : i32
    %dma_start3A_60 = tpu.memref_slice %arg7[%dma_start3A_59] : memref<32768xf32, #tpu.memory_space<vmem>> -> memref<4096xf32, #tpu.memory_space<vmem>>
    %dma_start3A_61 = arith.constant 0 : i32
    %dma_start3A_62 = tpu.memref_slice %arg2[%add3A_52, %dma_start3A_53, %dma_start3A_61] : memref<1024x2x4096xf32, #tpu.memory_space<hbm>> -> memref<1x1x4096xf32, #tpu.memory_space<hbm>>
    %dma_start3A_63 = tpu.memref_squeeze %dma_start3A_62 : memref<1x1x4096xf32, #tpu.memory_space<hbm>> -> memref<4096xf32, #tpu.memory_space<hbm>>
    tpu.enqueue_dma source(%dma_start3A_63 : memref<4096xf32, #tpu.memory_space<hbm>>) target(%dma_start3A_60 : memref<4096xf32, #tpu.memory_space<vmem>>) target_semaphore(%arg10 : memref<!tpu.dma_semaphore, #tpu.memory_space<semaphore_mem>>)
    %add3A_64 = arith.constant 4 : i32
    %add3A_65 = arith.addi %add3A_12, %add3A_64 : i32
    %dma_start3A_66 = arith.constant 0 : i32
    %dma_start3A_67 = arith.constant 16384 : i32
    %dma_start3A_68 = tpu.memref_slice %arg7[%dma_start3A_67] : memref<32768xf32, #tpu.memory_space<vmem>> -> memref<4096xf32, #tpu.memory_space<vmem>>
    %dma_start3A_69 = arith.constant 0 : i32
    %dma_start3A_70 = tpu.memref_slice %arg2[%add3A_65, %dma_start3A_66, %dma_start3A_69] : memref<1024x2x4096xf32, #tpu.memory_space<hbm>> -> memref<1x1x4096xf32, #tpu.memory_space<hbm>>
    %dma_start3A_71 = tpu.memref_squeeze %dma_start3A_70 : memref<1x1x4096xf32, #tpu.memory_space<hbm>> -> memref<4096xf32, #tpu.memory_space<hbm>>
    %dma_start3A_72 = arith.constant 16384 : i32
    %dma_start3A_73 = tpu.memref_slice %arg7[%dma_start3A_72] : memref<32768xf32, #tpu.memory_space<vmem>> -> memref<4096xf32, #tpu.memory_space<vmem>>
    %dma_start3A_74 = arith.constant 0 : i32
    %dma_start3A_75 = tpu.memref_slice %arg2[%add3A_65, %dma_start3A_66, %dma_start3A_74] : memref<1024x2x4096xf32, #tpu.memory_space<hbm>> -> memref<1x1x4096xf32, #tpu.memory_space<hbm>>
    %dma_start3A_76 = tpu.memref_squeeze %dma_start3A_75 : memref<1x1x4096xf32, #tpu.memory_space<hbm>> -> memref<4096xf32, #tpu.memory_space<hbm>>
    tpu.enqueue_dma source(%dma_start3A_76 : memref<4096xf32, #tpu.memory_space<hbm>>) target(%dma_start3A_73 : memref<4096xf32, #tpu.memory_space<vmem>>) target_semaphore(%arg10 : memref<!tpu.dma_semaphore, #tpu.memory_space<semaphore_mem>>)
    %add3A_77 = arith.constant 5 : i32
    %add3A_78 = arith.addi %add3A_12, %add3A_77 : i32
    %dma_start3A_79 = arith.constant 0 : i32
    %dma_start3A_80 = arith.constant 20480 : i32
    %dma_start3A_81 = tpu.memref_slice %arg7[%dma_start3A_80] : memref<32768xf32, #tpu.memory_space<vmem>> -> memref<4096xf32, #tpu.memory_space<vmem>>
    %dma_start3A_82 = arith.constant 0 : i32
    %dma_start3A_83 = tpu.memref_slice %arg2[%add3A_78, %dma_start3A_79, %dma_start3A_82] : memref<1024x2x4096xf32, #tpu.memory_space<hbm>> -> memref<1x1x4096xf32, #tpu.memory_space<hbm>>
    %dma_start3A_84 = tpu.memref_squeeze %dma_start3A_83 : memref<1x1x4096xf32, #tpu.memory_space<hbm>> -> memref<4096xf32, #tpu.memory_space<hbm>>
    %dma_start3A_85 = arith.constant 20480 : i32
    %dma_start3A_86 = tpu.memref_slice %arg7[%dma_start3A_85] : memref<32768xf32, #tpu.memory_space<vmem>> -> memref<4096xf32, #tpu.memory_space<vmem>>
    %dma_start3A_87 = arith.constant 0 : i32
    %dma_start3A_88 = tpu.memref_slice %arg2[%add3A_78, %dma_start3A_79, %dma_start3A_87] : memref<1024x2x4096xf32, #tpu.memory_space<hbm>> -> memref<1x1x4096xf32, #tpu.memory_space<hbm>>
    %dma_start3A_89 = tpu.memref_squeeze %dma_start3A_88 : memref<1x1x4096xf32, #tpu.memory_space<hbm>> -> memref<4096xf32, #tpu.memory_space<hbm>>
    tpu.enqueue_dma source(%dma_start3A_89 : memref<4096xf32, #tpu.memory_space<hbm>>) target(%dma_start3A_86 : memref<4096xf32, #tpu.memory_space<vmem>>) target_semaphore(%arg10 : memref<!tpu.dma_semaphore, #tpu.memory_space<semaphore_mem>>)
    %add3A_90 = arith.constant 6 : i32
    %add3A_91 = arith.addi %add3A_12, %add3A_90 : i32
    %dma_start3A_92 = arith.constant 0 : i32
    %dma_start3A_93 = arith.constant 24576 : i32
    %dma_start3A_94 = tpu.memref_slice %arg7[%dma_start3A_93] : memref<32768xf32, #tpu.memory_space<vmem>> -> memref<4096xf32, #tpu.memory_space<vmem>>
    %dma_start3A_95 = arith.constant 0 : i32
    %dma_start3A_96 = tpu.memref_slice %arg2[%add3A_91, %dma_start3A_92, %dma_start3A_95] : memref<1024x2x4096xf32, #tpu.memory_space<hbm>> -> memref<1x1x4096xf32, #tpu.memory_space<hbm>>
    %dma_start3A_97 = tpu.memref_squeeze %dma_start3A_96 : memref<1x1x4096xf32, #tpu.memory_space<hbm>> -> memref<4096xf32, #tpu.memory_space<hbm>>
    %dma_start3A_98 = arith.constant 24576 : i32
    %dma_start3A_99 = tpu.memref_slice %arg7[%dma_start3A_98] : memref<32768xf32, #tpu.memory_space<vmem>> -> memref<4096xf32, #tpu.memory_space<vmem>>
    %dma_start3A_100 = arith.constant 0 : i32
    %dma_start3A_101 = tpu.memref_slice %arg2[%add3A_91, %dma_start3A_92, %dma_start3A_100] : memref<1024x2x4096xf32, #tpu.memory_space<hbm>> -> memref<1x1x4096xf32, #tpu.memory_space<hbm>>
    %dma_start3A_102 = tpu.memref_squeeze %dma_start3A_101 : memref<1x1x4096xf32, #tpu.memory_space<hbm>> -> memref<4096xf32, #tpu.memory_space<hbm>>
    tpu.enqueue_dma source(%dma_start3A_102 : memref<4096xf32, #tpu.memory_space<hbm>>) target(%dma_start3A_99 : memref<4096xf32, #tpu.memory_space<vmem>>) target_semaphore(%arg10 : memref<!tpu.dma_semaphore, #tpu.memory_space<semaphore_mem>>)
    %add3A_103 = arith.constant 7 : i32
    %add3A_104 = arith.addi %add3A_12, %add3A_103 : i32
    %dma_start3A_105 = arith.constant 0 : i32
    %dma_start3A_106 = arith.constant 28672 : i32
    %dma_start3A_107 = tpu.memref_slice %arg7[%dma_start3A_106] : memref<32768xf32, #tpu.memory_space<vmem>> -> memref<4096xf32, #tpu.memory_space<vmem>>
    %dma_start3A_108 = arith.constant 0 : i32
    %dma_start3A_109 = tpu.memref_slice %arg2[%add3A_104, %dma_start3A_105, %dma_start3A_108] : memref<1024x2x4096xf32, #tpu.memory_space<hbm>> -> memref<1x1x4096xf32, #tpu.memory_space<hbm>>
    %dma_start3A_110 = tpu.memref_squeeze %dma_start3A_109 : memref<1x1x4096xf32, #tpu.memory_space<hbm>> -> memref<4096xf32, #tpu.memory_space<hbm>>
    %dma_start3A_111 = arith.constant 28672 : i32
    %dma_start3A_112 = tpu.memref_slice %arg7[%dma_start3A_111] : memref<32768xf32, #tpu.memory_space<vmem>> -> memref<4096xf32, #tpu.memory_space<vmem>>
    %dma_start3A_113 = arith.constant 0 : i32
    %dma_start3A_114 = tpu.memref_slice %arg2[%add3A_104, %dma_start3A_105, %dma_start3A_113] : memref<1024x2x4096xf32, #tpu.memory_space<hbm>> -> memref<1x1x4096xf32, #tpu.memory_space<hbm>>
    %dma_start3A_115 = tpu.memref_squeeze %dma_start3A_114 : memref<1x1x4096xf32, #tpu.memory_space<hbm>> -> memref<4096xf32, #tpu.memory_space<hbm>>
    tpu.enqueue_dma source(%dma_start3A_115 : memref<4096xf32, #tpu.memory_space<hbm>>) target(%dma_start3A_112 : memref<4096xf32, #tpu.memory_space<vmem>>) target_semaphore(%arg10 : memref<!tpu.dma_semaphore, #tpu.memory_space<semaphore_mem>>)
    %dma_wait3A = arith.constant 0 : i32
    %dma_wait3A_116 = arith.constant 0 : i32
    %dma_wait3A_117 = tpu.memref_slice %arg7[%dma_wait3A_116] : memref<32768xf32, #tpu.memory_space<vmem>> -> memref<4096xf32, #tpu.memory_space<vmem>>
    %dma_wait3A_118 = arith.constant 0 : i32
    %dma_wait3A_119 = tpu.memref_slice %arg2[%add3A_14, %dma_wait3A, %dma_wait3A_118] : memref<1024x2x4096xf32, #tpu.memory_space<hbm>> -> memref<1x1x4096xf32, #tpu.memory_space<hbm>>
    %dma_wait3A_120 = tpu.memref_squeeze %dma_wait3A_119 : memref<1x1x4096xf32, #tpu.memory_space<hbm>> -> memref<4096xf32, #tpu.memory_space<hbm>>
    %dma_wait3A_121 = arith.constant 0 : i32
    %dma_wait3A_122 = tpu.memref_slice %arg7[%dma_wait3A_121] : memref<32768xf32, #tpu.memory_space<vmem>> -> memref<4096xf32, #tpu.memory_space<vmem>>
    %dma_wait3A_123 = arith.constant 0 : i32
    %dma_wait3A_124 = tpu.memref_slice %arg2[%add3A_14, %dma_wait3A, %dma_wait3A_123] : memref<1024x2x4096xf32, #tpu.memory_space<hbm>> -> memref<1x1x4096xf32, #tpu.memory_space<hbm>>
    %dma_wait3A_125 = tpu.memref_squeeze %dma_wait3A_124 : memref<1x1x4096xf32, #tpu.memory_space<hbm>> -> memref<4096xf32, #tpu.memory_space<hbm>>
    tpu.wait_dma2 semaphore(%arg10 : memref<!tpu.dma_semaphore, #tpu.memory_space<semaphore_mem>>) src(%dma_wait3A_125 : memref<4096xf32, #tpu.memory_space<hbm>>) dst(%dma_wait3A_122 : memref<4096xf32, #tpu.memory_space<vmem>>)
    %dma_wait3A_126 = arith.constant 0 : i32
    %dma_wait3A_127 = arith.constant 4096 : i32
    %dma_wait3A_128 = tpu.memref_slice %arg7[%dma_wait3A_127] : memref<32768xf32, #tpu.memory_space<vmem>> -> memref<4096xf32, #tpu.memory_space<vmem>>
    %dma_wait3A_129 = arith.constant 0 : i32
    %dma_wait3A_130 = tpu.memref_slice %arg2[%add3A_26, %dma_wait3A_126, %dma_wait3A_129] : memref<1024x2x4096xf32, #tpu.memory_space<hbm>> -> memref<1x1x4096xf32, #tpu.memory_space<hbm>>
    %dma_wait3A_131 = tpu.memref_squeeze %dma_wait3A_130 : memref<1x1x4096xf32, #tpu.memory_space<hbm>> -> memref<4096xf32, #tpu.memory_space<hbm>>
    %dma_wait3A_132 = arith.constant 4096 : i32
    %dma_wait3A_133 = tpu.memref_slice %arg7[%dma_wait3A_132] : memref<32768xf32, #tpu.memory_space<vmem>> -> memref<4096xf32, #tpu.memory_space<vmem>>
    %dma_wait3A_134 = arith.constant 0 : i32
    %dma_wait3A_135 = tpu.memref_slice %arg2[%add3A_26, %dma_wait3A_126, %dma_wait3A_134] : memref<1024x2x4096xf32, #tpu.memory_space<hbm>> -> memref<1x1x4096xf32, #tpu.memory_space<hbm>>
    %dma_wait3A_136 = tpu.memref_squeeze %dma_wait3A_135 : memref<1x1x4096xf32, #tpu.memory_space<hbm>> -> memref<4096xf32, #tpu.memory_space<hbm>>
    tpu.wait_dma2 semaphore(%arg10 : memref<!tpu.dma_semaphore, #tpu.memory_space<semaphore_mem>>) src(%dma_wait3A_136 : memref<4096xf32, #tpu.memory_space<hbm>>) dst(%dma_wait3A_133 : memref<4096xf32, #tpu.memory_space<vmem>>)
    %dma_wait3A_137 = arith.constant 0 : i32
    %dma_wait3A_138 = arith.constant 8192 : i32
    %dma_wait3A_139 = tpu.memref_slice %arg7[%dma_wait3A_138] : memref<32768xf32, #tpu.memory_space<vmem>> -> memref<4096xf32, #tpu.memory_space<vmem>>
    %dma_wait3A_140 = arith.constant 0 : i32
    %dma_wait3A_141 = tpu.memref_slice %arg2[%add3A_39, %dma_wait3A_137, %dma_wait3A_140] : memref<1024x2x4096xf32, #tpu.memory_space<hbm>> -> memref<1x1x4096xf32, #tpu.memory_space<hbm>>
    %dma_wait3A_142 = tpu.memref_squeeze %dma_wait3A_141 : memref<1x1x4096xf32, #tpu.memory_space<hbm>> -> memref<4096xf32, #tpu.memory_space<hbm>>
    %dma_wait3A_143 = arith.constant 8192 : i32
    %dma_wait3A_144 = tpu.memref_slice %arg7[%dma_wait3A_143] : memref<32768xf32, #tpu.memory_space<vmem>> -> memref<4096xf32, #tpu.memory_space<vmem>>
    %dma_wait3A_145 = arith.constant 0 : i32
    %dma_wait3A_146 = tpu.memref_slice %arg2[%add3A_39, %dma_wait3A_137, %dma_wait3A_145] : memref<1024x2x4096xf32, #tpu.memory_space<hbm>> -> memref<1x1x4096xf32, #tpu.memory_space<hbm>>
    %dma_wait3A_147 = tpu.memref_squeeze %dma_wait3A_146 : memref<1x1x4096xf32, #tpu.memory_space<hbm>> -> memref<4096xf32, #tpu.memory_space<hbm>>
    tpu.wait_dma2 semaphore(%arg10 : memref<!tpu.dma_semaphore, #tpu.memory_space<semaphore_mem>>) src(%dma_wait3A_147 : memref<4096xf32, #tpu.memory_space<hbm>>) dst(%dma_wait3A_144 : memref<4096xf32, #tpu.memory_space<vmem>>)
    %dma_wait3A_148 = arith.constant 0 : i32
    %dma_wait3A_149 = arith.constant 12288 : i32
    %dma_wait3A_150 = tpu.memref_slice %arg7[%dma_wait3A_149] : memref<32768xf32, #tpu.memory_space<vmem>> -> memref<4096xf32, #tpu.memory_space<vmem>>
    %dma_wait3A_151 = arith.constant 0 : i32
    %dma_wait3A_152 = tpu.memref_slice %arg2[%add3A_52, %dma_wait3A_148, %dma_wait3A_151] : memref<1024x2x4096xf32, #tpu.memory_space<hbm>> -> memref<1x1x4096xf32, #tpu.memory_space<hbm>>
    %dma_wait3A_153 = tpu.memref_squeeze %dma_wait3A_152 : memref<1x1x4096xf32, #tpu.memory_space<hbm>> -> memref<4096xf32, #tpu.memory_space<hbm>>
    %dma_wait3A_154 = arith.constant 12288 : i32
    %dma_wait3A_155 = tpu.memref_slice %arg7[%dma_wait3A_154] : memref<32768xf32, #tpu.memory_space<vmem>> -> memref<4096xf32, #tpu.memory_space<vmem>>
    %dma_wait3A_156 = arith.constant 0 : i32
    %dma_wait3A_157 = tpu.memref_slice %arg2[%add3A_52, %dma_wait3A_148, %dma_wait3A_156] : memref<1024x2x4096xf32, #tpu.memory_space<hbm>> -> memref<1x1x4096xf32, #tpu.memory_space<hbm>>
    %dma_wait3A_158 = tpu.memref_squeeze %dma_wait3A_157 : memref<1x1x4096xf32, #tpu.memory_space<hbm>> -> memref<4096xf32, #tpu.memory_space<hbm>>
    tpu.wait_dma2 semaphore(%arg10 : memref<!tpu.dma_semaphore, #tpu.memory_space<semaphore_mem>>) src(%dma_wait3A_158 : memref<4096xf32, #tpu.memory_space<hbm>>) dst(%dma_wait3A_155 : memref<4096xf32, #tpu.memory_space<vmem>>)
    %dma_wait3A_159 = arith.constant 0 : i32
    %dma_wait3A_160 = arith.constant 16384 : i32
    %dma_wait3A_161 = tpu.memref_slice %arg7[%dma_wait3A_160] : memref<32768xf32, #tpu.memory_space<vmem>> -> memref<4096xf32, #tpu.memory_space<vmem>>
    %dma_wait3A_162 = arith.constant 0 : i32
    %dma_wait3A_163 = tpu.memref_slice %arg2[%add3A_65, %dma_wait3A_159, %dma_wait3A_162] : memref<1024x2x4096xf32, #tpu.memory_space<hbm>> -> memref<1x1x4096xf32, #tpu.memory_space<hbm>>
    %dma_wait3A_164 = tpu.memref_squeeze %dma_wait3A_163 : memref<1x1x4096xf32, #tpu.memory_space<hbm>> -> memref<4096xf32, #tpu.memory_space<hbm>>
    %dma_wait3A_165 = arith.constant 16384 : i32
    %dma_wait3A_166 = tpu.memref_slice %arg7[%dma_wait3A_165] : memref<32768xf32, #tpu.memory_space<vmem>> -> memref<4096xf32, #tpu.memory_space<vmem>>
    %dma_wait3A_167 = arith.constant 0 : i32
    %dma_wait3A_168 = tpu.memref_slice %arg2[%add3A_65, %dma_wait3A_159, %dma_wait3A_167] : memref<1024x2x4096xf32, #tpu.memory_space<hbm>> -> memref<1x1x4096xf32, #tpu.memory_space<hbm>>
    %dma_wait3A_169 = tpu.memref_squeeze %dma_wait3A_168 : memref<1x1x4096xf32, #tpu.memory_space<hbm>> -> memref<4096xf32, #tpu.memory_space<hbm>>
    tpu.wait_dma2 semaphore(%arg10 : memref<!tpu.dma_semaphore, #tpu.memory_space<semaphore_mem>>) src(%dma_wait3A_169 : memref<4096xf32, #tpu.memory_space<hbm>>) dst(%dma_wait3A_166 : memref<4096xf32, #tpu.memory_space<vmem>>)
    %dma_wait3A_170 = arith.constant 0 : i32
    %dma_wait3A_171 = arith.constant 20480 : i32
    %dma_wait3A_172 = tpu.memref_slice %arg7[%dma_wait3A_171] : memref<32768xf32, #tpu.memory_space<vmem>> -> memref<4096xf32, #tpu.memory_space<vmem>>
    %dma_wait3A_173 = arith.constant 0 : i32
    %dma_wait3A_174 = tpu.memref_slice %arg2[%add3A_78, %dma_wait3A_170, %dma_wait3A_173] : memref<1024x2x4096xf32, #tpu.memory_space<hbm>> -> memref<1x1x4096xf32, #tpu.memory_space<hbm>>
    %dma_wait3A_175 = tpu.memref_squeeze %dma_wait3A_174 : memref<1x1x4096xf32, #tpu.memory_space<hbm>> -> memref<4096xf32, #tpu.memory_space<hbm>>
    %dma_wait3A_176 = arith.constant 20480 : i32
    %dma_wait3A_177 = tpu.memref_slice %arg7[%dma_wait3A_176] : memref<32768xf32, #tpu.memory_space<vmem>> -> memref<4096xf32, #tpu.memory_space<vmem>>
    %dma_wait3A_178 = arith.constant 0 : i32
    %dma_wait3A_179 = tpu.memref_slice %arg2[%add3A_78, %dma_wait3A_170, %dma_wait3A_178] : memref<1024x2x4096xf32, #tpu.memory_space<hbm>> -> memref<1x1x4096xf32, #tpu.memory_space<hbm>>
    %dma_wait3A_180 = tpu.memref_squeeze %dma_wait3A_179 : memref<1x1x4096xf32, #tpu.memory_space<hbm>> -> memref<4096xf32, #tpu.memory_space<hbm>>
    tpu.wait_dma2 semaphore(%arg10 : memref<!tpu.dma_semaphore, #tpu.memory_space<semaphore_mem>>) src(%dma_wait3A_180 : memref<4096xf32, #tpu.memory_space<hbm>>) dst(%dma_wait3A_177 : memref<4096xf32, #tpu.memory_space<vmem>>)
    %dma_wait3A_181 = arith.constant 0 : i32
    %dma_wait3A_182 = arith.constant 24576 : i32
    %dma_wait3A_183 = tpu.memref_slice %arg7[%dma_wait3A_182] : memref<32768xf32, #tpu.memory_space<vmem>> -> memref<4096xf32, #tpu.memory_space<vmem>>
    %dma_wait3A_184 = arith.constant 0 : i32
    %dma_wait3A_185 = tpu.memref_slice %arg2[%add3A_91, %dma_wait3A_181, %dma_wait3A_184] : memref<1024x2x4096xf32, #tpu.memory_space<hbm>> -> memref<1x1x4096xf32, #tpu.memory_space<hbm>>
    %dma_wait3A_186 = tpu.memref_squeeze %dma_wait3A_185 : memref<1x1x4096xf32, #tpu.memory_space<hbm>> -> memref<4096xf32, #tpu.memory_space<hbm>>
    %dma_wait3A_187 = arith.constant 24576 : i32
    %dma_wait3A_188 = tpu.memref_slice %arg7[%dma_wait3A_187] : memref<32768xf32, #tpu.memory_space<vmem>> -> memref<4096xf32, #tpu.memory_space<vmem>>
    %dma_wait3A_189 = arith.constant 0 : i32
    %dma_wait3A_190 = tpu.memref_slice %arg2[%add3A_91, %dma_wait3A_181, %dma_wait3A_189] : memref<1024x2x4096xf32, #tpu.memory_space<hbm>> -> memref<1x1x4096xf32, #tpu.memory_space<hbm>>
    %dma_wait3A_191 = tpu.memref_squeeze %dma_wait3A_190 : memref<1x1x4096xf32, #tpu.memory_space<hbm>> -> memref<4096xf32, #tpu.memory_space<hbm>>
    tpu.wait_dma2 semaphore(%arg10 : memref<!tpu.dma_semaphore, #tpu.memory_space<semaphore_mem>>) src(%dma_wait3A_191 : memref<4096xf32, #tpu.memory_space<hbm>>) dst(%dma_wait3A_188 : memref<4096xf32, #tpu.memory_space<vmem>>)
    %dma_wait3A_192 = arith.constant 0 : i32
    %dma_wait3A_193 = arith.constant 28672 : i32
    %dma_wait3A_194 = tpu.memref_slice %arg7[%dma_wait3A_193] : memref<32768xf32, #tpu.memory_space<vmem>> -> memref<4096xf32, #tpu.memory_space<vmem>>
    %dma_wait3A_195 = arith.constant 0 : i32
    %dma_wait3A_196 = tpu.memref_slice %arg2[%add3A_104, %dma_wait3A_192, %dma_wait3A_195] : memref<1024x2x4096xf32, #tpu.memory_space<hbm>> -> memref<1x1x4096xf32, #tpu.memory_space<hbm>>
    %dma_wait3A_197 = tpu.memref_squeeze %dma_wait3A_196 : memref<1x1x4096xf32, #tpu.memory_space<hbm>> -> memref<4096xf32, #tpu.memory_space<hbm>>
    %dma_wait3A_198 = arith.constant 28672 : i32
    %dma_wait3A_199 = tpu.memref_slice %arg7[%dma_wait3A_198] : memref<32768xf32, #tpu.memory_space<vmem>> -> memref<4096xf32, #tpu.memory_space<vmem>>
    %dma_wait3A_200 = arith.constant 0 : i32
    %dma_wait3A_201 = tpu.memref_slice %arg2[%add3A_104, %dma_wait3A_192, %dma_wait3A_200] : memref<1024x2x4096xf32, #tpu.memory_space<hbm>> -> memref<1x1x4096xf32, #tpu.memory_space<hbm>>
    %dma_wait3A_202 = tpu.memref_squeeze %dma_wait3A_201 : memref<1x1x4096xf32, #tpu.memory_space<hbm>> -> memref<4096xf32, #tpu.memory_space<hbm>>
    tpu.wait_dma2 semaphore(%arg10 : memref<!tpu.dma_semaphore, #tpu.memory_space<semaphore_mem>>) src(%dma_wait3A_202 : memref<4096xf32, #tpu.memory_space<hbm>>) dst(%dma_wait3A_199 : memref<4096xf32, #tpu.memory_space<vmem>>)
    %scan3A = arith.constant 0 : i32
    %scan3A_203 = arith.constant 2048 : i32
    %scan3A_204 = arith.addi %scan3A, %scan3A_203 : i32
    %scan3A_205 = arith.constant 1 : i32
    scf.for %scan3A_2475 = %scan3A to %scan3A_204 step %scan3A_205  : i32 {
      %mul3A_2476 = arith.constant 16 : i32
      %mul3A_2477 = arith.muli %scan3A_2475, %mul3A_2476 : i32
      %get3A_2478 = arith.index_cast %mul3A_2477 : i32 to index
      %get3A_2479 = tpu.vector_load %arg7[%get3A_2478] {strides = array<i32>} : memref<32768xf32, #tpu.memory_space<vmem>>, vector<16xf32>,
      %get3A_2480 = vector.shape_cast %get3A_2479 : vector<16xf32> to vector<16xf32>
      %mul3A_2481 = arith.constant 16 : i32
      %mul3A_2482 = arith.muli %scan3A_2475, %mul3A_2481 : i32
      %shift_right_logical3A = arith.constant 8 : i32
      %shift_right_logical3A_2483 = arith.shrui %scan3A_2475, %shift_right_logical3A : i32
      %add3A_2484 = arith.addi %mul3A_2482, %shift_right_logical3A_2483 : i32
      %add3A_2485 = arith.constant 1 : i32
      %add3A_2486 = arith.addi %add3A_2484, %add3A_2485 : i32
      %swap3A_2487 = arith.index_cast %add3A_2486 : i32 to index
      %swap3A_2488 = tpu.vector_load %arg8[%swap3A_2487] {strides = array<i32>} : memref<32776xf32, #tpu.memory_space<vmem>>, vector<16xf32>,
      %swap3A_2489 = vector.shape_cast %swap3A_2488 : vector<16xf32> to vector<16xf32>
      %swap3A_2490 = vector.shape_cast %get3A_2480 : vector<16xf32> to vector<16xf32>
      tpu.vector_store %arg8[%swap3A_2487], %swap3A_2490 {strides = array<i32>} : memref<32776xf32, #tpu.memory_space<vmem>>, vector<16xf32>,
    }
    %scan3A_206 = arith.constant 2048 : i32
    %get3A = arith.constant 0 : index
    %get3A_207 = tpu.vector_load %arg8[%get3A] {strides = array<i32>} : memref<32776xf32, #tpu.memory_space<vmem>>, vector<16xf32>,
    %get3A_208 = vector.shape_cast %get3A_207 : vector<16xf32> to vector<16xf32>
    %eq3A = arith.constant 0 : i32
    %eq3A_209 = vector.broadcast %eq3A : i32 to vector<16xi32>
    %eq3A_210 = arith.cmpi eq, %iota3A, %eq3A_209 : vector<16xi32>
    %jit3A = arith.constant 1.000000e+00 : f32
    %broadcast_in_dim3A_211 = vector.broadcast %jit3A : f32 to vector<16xf32>
    %select_n3A = arith.select %eq3A_210, %broadcast_in_dim3A_211, %get3A_208 : vector<16xi1>, vector<16xf32>
    %swap3A_212 = arith.constant 0 : index
    %swap3A_213 = tpu.vector_load %arg8[%swap3A_212] {strides = array<i32>} : memref<32776xf32, #tpu.memory_space<vmem>>, vector<16xf32>,
    %swap3A_214 = vector.shape_cast %swap3A_213 : vector<16xf32> to vector<16xf32>
    %swap3A_215 = vector.shape_cast %select_n3A : vector<16xf32> to vector<16xf32>
    tpu.vector_store %arg8[%swap3A_212], %swap3A_215 {strides = array<i32>} : memref<32776xf32, #tpu.memory_space<vmem>>, vector<16xf32>,
    %get3A_216 = arith.constant 4097 : index
    %get3A_217 = tpu.vector_load %arg8[%get3A_216] {strides = array<i32>} : memref<32776xf32, #tpu.memory_space<vmem>>, vector<16xf32>,
    %get3A_218 = vector.shape_cast %get3A_217 : vector<16xf32> to vector<16xf32>
    %eq3A_219 = arith.constant 0 : i32
    %eq3A_220 = vector.broadcast %eq3A_219 : i32 to vector<16xi32>
    %eq3A_221 = arith.cmpi eq, %iota3A, %eq3A_220 : vector<16xi32>
    %jit3A_222 = arith.constant 1.000000e+00 : f32
    %broadcast_in_dim3A_223 = vector.broadcast %jit3A_222 : f32 to vector<16xf32>
    %select_n3A_224 = arith.select %eq3A_221, %broadcast_in_dim3A_223, %get3A_218 : vector<16xi1>, vector<16xf32>
    %swap3A_225 = arith.constant 4097 : index
    %swap3A_226 = tpu.vector_load %arg8[%swap3A_225] {strides = array<i32>} : memref<32776xf32, #tpu.memory_space<vmem>>, vector<16xf32>,
    %swap3A_227 = vector.shape_cast %swap3A_226 : vector<16xf32> to vector<16xf32>
    %swap3A_228 = vector.shape_cast %select_n3A_224 : vector<16xf32> to vector<16xf32>
    tpu.vector_store %arg8[%swap3A_225], %swap3A_228 {strides = array<i32>} : memref<32776xf32, #tpu.memory_space<vmem>>, vector<16xf32>,
    %get3A_229 = arith.constant 8194 : index
    %get3A_230 = tpu.vector_load %arg8[%get3A_229] {strides = array<i32>} : memref<32776xf32, #tpu.memory_space<vmem>>, vector<16xf32>,
    %get3A_231 = vector.shape_cast %get3A_230 : vector<16xf32> to vector<16xf32>
    %eq3A_232 = arith.constant 0 : i32
    %eq3A_233 = vector.broadcast %eq3A_232 : i32 to vector<16xi32>
    %eq3A_234 = arith.cmpi eq, %iota3A, %eq3A_233 : vector<16xi32>
    %jit3A_235 = arith.constant 1.000000e+00 : f32
    %broadcast_in_dim3A_236 = vector.broadcast %jit3A_235 : f32 to vector<16xf32>
    %select_n3A_237 = arith.select %eq3A_234, %broadcast_in_dim3A_236, %get3A_231 : vector<16xi1>, vector<16xf32>
    %swap3A_238 = arith.constant 8194 : index
    %swap3A_239 = tpu.vector_load %arg8[%swap3A_238] {strides = array<i32>} : memref<32776xf32, #tpu.memory_space<vmem>>, vector<16xf32>,
    %swap3A_240 = vector.shape_cast %swap3A_239 : vector<16xf32> to vector<16xf32>
    %swap3A_241 = vector.shape_cast %select_n3A_237 : vector<16xf32> to vector<16xf32>
    tpu.vector_store %arg8[%swap3A_238], %swap3A_241 {strides = array<i32>} : memref<32776xf32, #tpu.memory_space<vmem>>, vector<16xf32>,
    %get3A_242 = arith.constant 12291 : index
    %get3A_243 = tpu.vector_load %arg8[%get3A_242] {strides = array<i32>} : memref<32776xf32, #tpu.memory_space<vmem>>, vector<16xf32>,
    %get3A_244 = vector.shape_cast %get3A_243 : vector<16xf32> to vector<16xf32>
    %eq3A_245 = arith.constant 0 : i32
    %eq3A_246 = vector.broadcast %eq3A_245 : i32 to vector<16xi32>
    %eq3A_247 = arith.cmpi eq, %iota3A, %eq3A_246 : vector<16xi32>
    %jit3A_248 = arith.constant 1.000000e+00 : f32
    %broadcast_in_dim3A_249 = vector.broadcast %jit3A_248 : f32 to vector<16xf32>
    %select_n3A_250 = arith.select %eq3A_247, %broadcast_in_dim3A_249, %get3A_244 : vector<16xi1>, vector<16xf32>
    %swap3A_251 = arith.constant 12291 : index
    %swap3A_252 = tpu.vector_load %arg8[%swap3A_251] {strides = array<i32>} : memref<32776xf32, #tpu.memory_space<vmem>>, vector<16xf32>,
    %swap3A_253 = vector.shape_cast %swap3A_252 : vector<16xf32> to vector<16xf32>
    %swap3A_254 = vector.shape_cast %select_n3A_250 : vector<16xf32> to vector<16xf32>
    tpu.vector_store %arg8[%swap3A_251], %swap3A_254 {strides = array<i32>} : memref<32776xf32, #tpu.memory_space<vmem>>, vector<16xf32>,
    %get3A_255 = arith.constant 16388 : index
    %get3A_256 = tpu.vector_load %arg8[%get3A_255] {strides = array<i32>} : memref<32776xf32, #tpu.memory_space<vmem>>, vector<16xf32>,
    %get3A_257 = vector.shape_cast %get3A_256 : vector<16xf32> to vector<16xf32>
    %eq3A_258 = arith.constant 0 : i32
    %eq3A_259 = vector.broadcast %eq3A_258 : i32 to vector<16xi32>
    %eq3A_260 = arith.cmpi eq, %iota3A, %eq3A_259 : vector<16xi32>
    %jit3A_261 = arith.constant 1.000000e+00 : f32
    %broadcast_in_dim3A_262 = vector.broadcast %jit3A_261 : f32 to vector<16xf32>
    %select_n3A_263 = arith.select %eq3A_260, %broadcast_in_dim3A_262, %get3A_257 : vector<16xi1>, vector<16xf32>
    %swap3A_264 = arith.constant 16388 : index
    %swap3A_265 = tpu.vector_load %arg8[%swap3A_264] {strides = array<i32>} : memref<32776xf32, #tpu.memory_space<vmem>>, vector<16xf32>,
    %swap3A_266 = vector.shape_cast %swap3A_265 : vector<16xf32> to vector<16xf32>
    %swap3A_267 = vector.shape_cast %select_n3A_263 : vector<16xf32> to vector<16xf32>
    tpu.vector_store %arg8[%swap3A_264], %swap3A_267 {strides = array<i32>} : memref<32776xf32, #tpu.memory_space<vmem>>, vector<16xf32>,
    %get3A_268 = arith.constant 20485 : index
    %get3A_269 = tpu.vector_load %arg8[%get3A_268] {strides = array<i32>} : memref<32776xf32, #tpu.memory_space<vmem>>, vector<16xf32>,
    %get3A_270 = vector.shape_cast %get3A_269 : vector<16xf32> to vector<16xf32>
    %eq3A_271 = arith.constant 0 : i32
    %eq3A_272 = vector.broadcast %eq3A_271 : i32 to vector<16xi32>
    %eq3A_273 = arith.cmpi eq, %iota3A, %eq3A_272 : vector<16xi32>
    %jit3A_274 = arith.constant 1.000000e+00 : f32
    %broadcast_in_dim3A_275 = vector.broadcast %jit3A_274 : f32 to vector<16xf32>
    %select_n3A_276 = arith.select %eq3A_273, %broadcast_in_dim3A_275, %get3A_270 : vector<16xi1>, vector<16xf32>
    %swap3A_277 = arith.constant 20485 : index
    %swap3A_278 = tpu.vector_load %arg8[%swap3A_277] {strides = array<i32>} : memref<32776xf32, #tpu.memory_space<vmem>>, vector<16xf32>,
    %swap3A_279 = vector.shape_cast %swap3A_278 : vector<16xf32> to vector<16xf32>
    %swap3A_280 = vector.shape_cast %select_n3A_276 : vector<16xf32> to vector<16xf32>
    tpu.vector_store %arg8[%swap3A_277], %swap3A_280 {strides = array<i32>} : memref<32776xf32, #tpu.memory_space<vmem>>, vector<16xf32>,
    %get3A_281 = arith.constant 24582 : index
    %get3A_282 = tpu.vector_load %arg8[%get3A_281] {strides = array<i32>} : memref<32776xf32, #tpu.memory_space<vmem>>, vector<16xf32>,
    %get3A_283 = vector.shape_cast %get3A_282 : vector<16xf32> to vector<16xf32>
    %eq3A_284 = arith.constant 0 : i32
    %eq3A_285 = vector.broadcast %eq3A_284 : i32 to vector<16xi32>
    %eq3A_286 = arith.cmpi eq, %iota3A, %eq3A_285 : vector<16xi32>
    %jit3A_287 = arith.constant 1.000000e+00 : f32
    %broadcast_in_dim3A_288 = vector.broadcast %jit3A_287 : f32 to vector<16xf32>
    %select_n3A_289 = arith.select %eq3A_286, %broadcast_in_dim3A_288, %get3A_283 : vector<16xi1>, vector<16xf32>
    %swap3A_290 = arith.constant 24582 : index
    %swap3A_291 = tpu.vector_load %arg8[%swap3A_290] {strides = array<i32>} : memref<32776xf32, #tpu.memory_space<vmem>>, vector<16xf32>,
    %swap3A_292 = vector.shape_cast %swap3A_291 : vector<16xf32> to vector<16xf32>
    %swap3A_293 = vector.shape_cast %select_n3A_289 : vector<16xf32> to vector<16xf32>
    tpu.vector_store %arg8[%swap3A_290], %swap3A_293 {strides = array<i32>} : memref<32776xf32, #tpu.memory_space<vmem>>, vector<16xf32>,
    %get3A_294 = arith.constant 28679 : index
    %get3A_295 = tpu.vector_load %arg8[%get3A_294] {strides = array<i32>} : memref<32776xf32, #tpu.memory_space<vmem>>, vector<16xf32>,
    %get3A_296 = vector.shape_cast %get3A_295 : vector<16xf32> to vector<16xf32>
    %eq3A_297 = arith.constant 0 : i32
    %eq3A_298 = vector.broadcast %eq3A_297 : i32 to vector<16xi32>
    %eq3A_299 = arith.cmpi eq, %iota3A, %eq3A_298 : vector<16xi32>
    %jit3A_300 = arith.constant 1.000000e+00 : f32
    %broadcast_in_dim3A_301 = vector.broadcast %jit3A_300 : f32 to vector<16xf32>
    %select_n3A_302 = arith.select %eq3A_299, %broadcast_in_dim3A_301, %get3A_296 : vector<16xi1>, vector<16xf32>
    %swap3A_303 = arith.constant 28679 : index
    %swap3A_304 = tpu.vector_load %arg8[%swap3A_303] {strides = array<i32>} : memref<32776xf32, #tpu.memory_space<vmem>>, vector<16xf32>,
    %swap3A_305 = vector.shape_cast %swap3A_304 : vector<16xf32> to vector<16xf32>
    %swap3A_306 = vector.shape_cast %select_n3A_302 : vector<16xf32> to vector<16xf32>
    tpu.vector_store %arg8[%swap3A_303], %swap3A_306 {strides = array<i32>} : memref<32776xf32, #tpu.memory_space<vmem>>, vector<16xf32>,
    %mul3A_307 = arith.constant 4097 : i32
    %mul3A_308 = arith.muli %add3A_12, %mul3A_307 : i32
    %multiple_of3A = tpu.assume_multiple %mul3A_308, 8 : i32
    %dma_start3A_309 = tpu.memref_slice %arg3[%multiple_of3A] : memref<4195328xf32, #tpu.memory_space<hbm>> -> memref<32776xf32, #tpu.memory_space<hbm>>
    %dma_start3A_310 = tpu.memref_slice %arg3[%multiple_of3A] : memref<4195328xf32, #tpu.memory_space<hbm>> -> memref<32776xf32, #tpu.memory_space<hbm>>
    tpu.enqueue_dma source(%arg8 : memref<32776xf32, #tpu.memory_space<vmem>>) target(%dma_start3A_310 : memref<32776xf32, #tpu.memory_space<hbm>>) target_semaphore(%arg11 : memref<!tpu.dma_semaphore, #tpu.memory_space<semaphore_mem>>)
    %dma_wait3A_311 = tpu.memref_slice %arg3[%multiple_of3A] : memref<4195328xf32, #tpu.memory_space<hbm>> -> memref<32776xf32, #tpu.memory_space<hbm>>
    %dma_wait3A_312 = tpu.memref_slice %arg3[%multiple_of3A] : memref<4195328xf32, #tpu.memory_space<hbm>> -> memref<32776xf32, #tpu.memory_space<hbm>>
    tpu.wait_dma2 semaphore(%arg11 : memref<!tpu.dma_semaphore, #tpu.memory_space<semaphore_mem>>) src(%arg8 : memref<32776xf32, #tpu.memory_space<vmem>>) dst(%dma_wait3A_312 : memref<32776xf32, #tpu.memory_space<hbm>>)
    %add3A_313 = arith.constant 0 : i32
    %add3A_314 = arith.addi %add3A_12, %add3A_313 : i32
    %dma_start3A_315 = arith.constant 1 : i32
    %dma_start3A_316 = arith.constant 0 : i32
    %dma_start3A_317 = tpu.memref_slice %arg7[%dma_start3A_316] : memref<32768xf32, #tpu.memory_space<vmem>> -> memref<4096xf32, #tpu.memory_space<vmem>>
    %dma_start3A_318 = arith.constant 0 : i32
    %dma_start3A_319 = tpu.memref_slice %arg2[%add3A_314, %dma_start3A_315, %dma_start3A_318] : memref<1024x2x4096xf32, #tpu.memory_space<hbm>> -> memref<1x1x4096xf32, #tpu.memory_space<hbm>>
    %dma_start3A_320 = tpu.memref_squeeze %dma_start3A_319 : memref<1x1x4096xf32, #tpu.memory_space<hbm>> -> memref<4096xf32, #tpu.memory_space<hbm>>
    %dma_start3A_321 = arith.constant 0 : i32
    %dma_start3A_322 = tpu.memref_slice %arg7[%dma_start3A_321] : memref<32768xf32, #tpu.memory_space<vmem>> -> memref<4096xf32, #tpu.memory_space<vmem>>
    %dma_start3A_323 = arith.constant 0 : i32
    %dma_start3A_324 = tpu.memref_slice %arg2[%add3A_314, %dma_start3A_315, %dma_start3A_323] : memref<1024x2x4096xf32, #tpu.memory_space<hbm>> -> memref<1x1x4096xf32, #tpu.memory_space<hbm>>
    %dma_start3A_325 = tpu.memref_squeeze %dma_start3A_324 : memref<1x1x4096xf32, #tpu.memory_space<hbm>> -> memref<4096xf32, #tpu.memory_space<hbm>>
    tpu.enqueue_dma source(%dma_start3A_325 : memref<4096xf32, #tpu.memory_space<hbm>>) target(%dma_start3A_322 : memref<4096xf32, #tpu.memory_space<vmem>>) target_semaphore(%arg10 : memref<!tpu.dma_semaphore, #tpu.memory_space<semaphore_mem>>)
    %add3A_326 = arith.constant 1 : i32
    %add3A_327 = arith.addi %add3A_12, %add3A_326 : i32
    %dma_start3A_328 = arith.constant 1 : i32
    %dma_start3A_329 = arith.constant 4096 : i32
    %dma_start3A_330 = tpu.memref_slice %arg7[%dma_start3A_329] : memref<32768xf32, #tpu.memory_space<vmem>> -> memref<4096xf32, #tpu.memory_space<vmem>>
    %dma_start3A_331 = arith.constant 0 : i32
    %dma_start3A_332 = tpu.memref_slice %arg2[%add3A_327, %dma_start3A_328, %dma_start3A_331] : memref<1024x2x4096xf32, #tpu.memory_space<hbm>> -> memref<1x1x4096xf32, #tpu.memory_space<hbm>>
    %dma_start3A_333 = tpu.memref_squeeze %dma_start3A_332 : memref<1x1x4096xf32, #tpu.memory_space<hbm>> -> memref<4096xf32, #tpu.memory_space<hbm>>
    %dma_start3A_334 = arith.constant 4096 : i32
    %dma_start3A_335 = tpu.memref_slice %arg7[%dma_start3A_334] : memref<32768xf32, #tpu.memory_space<vmem>> -> memref<4096xf32, #tpu.memory_space<vmem>>
    %dma_start3A_336 = arith.constant 0 : i32
    %dma_start3A_337 = tpu.memref_slice %arg2[%add3A_327, %dma_start3A_328, %dma_start3A_336] : memref<1024x2x4096xf32, #tpu.memory_space<hbm>> -> memref<1x1x4096xf32, #tpu.memory_space<hbm>>
    %dma_start3A_338 = tpu.memref_squeeze %dma_start3A_337 : memref<1x1x4096xf32, #tpu.memory_space<hbm>> -> memref<4096xf32, #tpu.memory_space<hbm>>
    tpu.enqueue_dma source(%dma_start3A_338 : memref<4096xf32, #tpu.memory_space<hbm>>) target(%dma_start3A_335 : memref<4096xf32, #tpu.memory_space<vmem>>) target_semaphore(%arg10 : memref<!tpu.dma_semaphore, #tpu.memory_space<semaphore_mem>>)
    %add3A_339 = arith.constant 2 : i32
    %add3A_340 = arith.addi %add3A_12, %add3A_339 : i32
    %dma_start3A_341 = arith.constant 1 : i32
    %dma_start3A_342 = arith.constant 8192 : i32
    %dma_start3A_343 = tpu.memref_slice %arg7[%dma_start3A_342] : memref<32768xf32, #tpu.memory_space<vmem>> -> memref<4096xf32, #tpu.memory_space<vmem>>
    %dma_start3A_344 = arith.constant 0 : i32
    %dma_start3A_345 = tpu.memref_slice %arg2[%add3A_340, %dma_start3A_341, %dma_start3A_344] : memref<1024x2x4096xf32, #tpu.memory_space<hbm>> -> memref<1x1x4096xf32, #tpu.memory_space<hbm>>
    %dma_start3A_346 = tpu.memref_squeeze %dma_start3A_345 : memref<1x1x4096xf32, #tpu.memory_space<hbm>> -> memref<4096xf32, #tpu.memory_space<hbm>>
    %dma_start3A_347 = arith.constant 8192 : i32
    %dma_start3A_348 = tpu.memref_slice %arg7[%dma_start3A_347] : memref<32768xf32, #tpu.memory_space<vmem>> -> memref<4096xf32, #tpu.memory_space<vmem>>
    %dma_start3A_349 = arith.constant 0 : i32
    %dma_start3A_350 = tpu.memref_slice %arg2[%add3A_340, %dma_start3A_341, %dma_start3A_349] : memref<1024x2x4096xf32, #tpu.memory_space<hbm>> -> memref<1x1x4096xf32, #tpu.memory_space<hbm>>
    %dma_start3A_351 = tpu.memref_squeeze %dma_start3A_350 : memref<1x1x4096xf32, #tpu.memory_space<hbm>> -> memref<4096xf32, #tpu.memory_space<hbm>>
    tpu.enqueue_dma source(%dma_start3A_351 : memref<4096xf32, #tpu.memory_space<hbm>>) target(%dma_start3A_348 : memref<4096xf32, #tpu.memory_space<vmem>>) target_semaphore(%arg10 : memref<!tpu.dma_semaphore, #tpu.memory_space<semaphore_mem>>)
    %add3A_352 = arith.constant 3 : i32
    %add3A_353 = arith.addi %add3A_12, %add3A_352 : i32
    %dma_start3A_354 = arith.constant 1 : i32
    %dma_start3A_355 = arith.constant 12288 : i32
    %dma_start3A_356 = tpu.memref_slice %arg7[%dma_start3A_355] : memref<32768xf32, #tpu.memory_space<vmem>> -> memref<4096xf32, #tpu.memory_space<vmem>>
    %dma_start3A_357 = arith.constant 0 : i32
    %dma_start3A_358 = tpu.memref_slice %arg2[%add3A_353, %dma_start3A_354, %dma_start3A_357] : memref<1024x2x4096xf32, #tpu.memory_space<hbm>> -> memref<1x1x4096xf32, #tpu.memory_space<hbm>>
    %dma_start3A_359 = tpu.memref_squeeze %dma_start3A_358 : memref<1x1x4096xf32, #tpu.memory_space<hbm>> -> memref<4096xf32, #tpu.memory_space<hbm>>
    %dma_start3A_360 = arith.constant 12288 : i32
    %dma_start3A_361 = tpu.memref_slice %arg7[%dma_start3A_360] : memref<32768xf32, #tpu.memory_space<vmem>> -> memref<4096xf32, #tpu.memory_space<vmem>>
    %dma_start3A_362 = arith.constant 0 : i32
    %dma_start3A_363 = tpu.memref_slice %arg2[%add3A_353, %dma_start3A_354, %dma_start3A_362] : memref<1024x2x4096xf32, #tpu.memory_space<hbm>> -> memref<1x1x4096xf32, #tpu.memory_space<hbm>>
    %dma_start3A_364 = tpu.memref_squeeze %dma_start3A_363 : memref<1x1x4096xf32, #tpu.memory_space<hbm>> -> memref<4096xf32, #tpu.memory_space<hbm>>
    tpu.enqueue_dma source(%dma_start3A_364 : memref<4096xf32, #tpu.memory_space<hbm>>) target(%dma_start3A_361 : memref<4096xf32, #tpu.memory_space<vmem>>) target_semaphore(%arg10 : memref<!tpu.dma_semaphore, #tpu.memory_space<semaphore_mem>>)
    %add3A_365 = arith.constant 4 : i32
    %add3A_366 = arith.addi %add3A_12, %add3A_365 : i32
    %dma_start3A_367 = arith.constant 1 : i32
    %dma_start3A_368 = arith.constant 16384 : i32
    %dma_start3A_369 = tpu.memref_slice %arg7[%dma_start3A_368] : memref<32768xf32, #tpu.memory_space<vmem>> -> memref<4096xf32, #tpu.memory_space<vmem>>
    %dma_start3A_370 = arith.constant 0 : i32
    %dma_start3A_371 = tpu.memref_slice %arg2[%add3A_366, %dma_start3A_367, %dma_start3A_370] : memref<1024x2x4096xf32, #tpu.memory_space<hbm>> -> memref<1x1x4096xf32, #tpu.memory_space<hbm>>
    %dma_start3A_372 = tpu.memref_squeeze %dma_start3A_371 : memref<1x1x4096xf32, #tpu.memory_space<hbm>> -> memref<4096xf32, #tpu.memory_space<hbm>>
    %dma_start3A_373 = arith.constant 16384 : i32
    %dma_start3A_374 = tpu.memref_slice %arg7[%dma_start3A_373] : memref<32768xf32, #tpu.memory_space<vmem>> -> memref<4096xf32, #tpu.memory_space<vmem>>
    %dma_start3A_375 = arith.constant 0 : i32
    %dma_start3A_376 = tpu.memref_slice %arg2[%add3A_366, %dma_start3A_367, %dma_start3A_375] : memref<1024x2x4096xf32, #tpu.memory_space<hbm>> -> memref<1x1x4096xf32, #tpu.memory_space<hbm>>
    %dma_start3A_377 = tpu.memref_squeeze %dma_start3A_376 : memref<1x1x4096xf32, #tpu.memory_space<hbm>> -> memref<4096xf32, #tpu.memory_space<hbm>>
    tpu.enqueue_dma source(%dma_start3A_377 : memref<4096xf32, #tpu.memory_space<hbm>>) target(%dma_start3A_374 : memref<4096xf32, #tpu.memory_space<vmem>>) target_semaphore(%arg10 : memref<!tpu.dma_semaphore, #tpu.memory_space<semaphore_mem>>)
    %add3A_378 = arith.constant 5 : i32
    %add3A_379 = arith.addi %add3A_12, %add3A_378 : i32
    %dma_start3A_380 = arith.constant 1 : i32
    %dma_start3A_381 = arith.constant 20480 : i32
    %dma_start3A_382 = tpu.memref_slice %arg7[%dma_start3A_381] : memref<32768xf32, #tpu.memory_space<vmem>> -> memref<4096xf32, #tpu.memory_space<vmem>>
    %dma_start3A_383 = arith.constant 0 : i32
    %dma_start3A_384 = tpu.memref_slice %arg2[%add3A_379, %dma_start3A_380, %dma_start3A_383] : memref<1024x2x4096xf32, #tpu.memory_space<hbm>> -> memref<1x1x4096xf32, #tpu.memory_space<hbm>>
    %dma_start3A_385 = tpu.memref_squeeze %dma_start3A_384 : memref<1x1x4096xf32, #tpu.memory_space<hbm>> -> memref<4096xf32, #tpu.memory_space<hbm>>
    %dma_start3A_386 = arith.constant 20480 : i32
    %dma_start3A_387 = tpu.memref_slice %arg7[%dma_start3A_386] : memref<32768xf32, #tpu.memory_space<vmem>> -> memref<4096xf32, #tpu.memory_space<vmem>>
    %dma_start3A_388 = arith.constant 0 : i32
    %dma_start3A_389 = tpu.memref_slice %arg2[%add3A_379, %dma_start3A_380, %dma_start3A_388] : memref<1024x2x4096xf32, #tpu.memory_space<hbm>> -> memref<1x1x4096xf32, #tpu.memory_space<hbm>>
    %dma_start3A_390 = tpu.memref_squeeze %dma_start3A_389 : memref<1x1x4096xf32, #tpu.memory_space<hbm>> -> memref<4096xf32, #tpu.memory_space<hbm>>
    tpu.enqueue_dma source(%dma_start3A_390 : memref<4096xf32, #tpu.memory_space<hbm>>) target(%dma_start3A_387 : memref<4096xf32, #tpu.memory_space<vmem>>) target_semaphore(%arg10 : memref<!tpu.dma_semaphore, #tpu.memory_space<semaphore_mem>>)
    %add3A_391 = arith.constant 6 : i32
    %add3A_392 = arith.addi %add3A_12, %add3A_391 : i32
    %dma_start3A_393 = arith.constant 1 : i32
    %dma_start3A_394 = arith.constant 24576 : i32
    %dma_start3A_395 = tpu.memref_slice %arg7[%dma_start3A_394] : memref<32768xf32, #tpu.memory_space<vmem>> -> memref<4096xf32, #tpu.memory_space<vmem>>
    %dma_start3A_396 = arith.constant 0 : i32
    %dma_start3A_397 = tpu.memref_slice %arg2[%add3A_392, %dma_start3A_393, %dma_start3A_396] : memref<1024x2x4096xf32, #tpu.memory_space<hbm>> -> memref<1x1x4096xf32, #tpu.memory_space<hbm>>
    %dma_start3A_398 = tpu.memref_squeeze %dma_start3A_397 : memref<1x1x4096xf32, #tpu.memory_space<hbm>> -> memref<4096xf32, #tpu.memory_space<hbm>>
    %dma_start3A_399 = arith.constant 24576 : i32
    %dma_start3A_400 = tpu.memref_slice %arg7[%dma_start3A_399] : memref<32768xf32, #tpu.memory_space<vmem>> -> memref<4096xf32, #tpu.memory_space<vmem>>
    %dma_start3A_401 = arith.constant 0 : i32
    %dma_start3A_402 = tpu.memref_slice %arg2[%add3A_392, %dma_start3A_393, %dma_start3A_401] : memref<1024x2x4096xf32, #tpu.memory_space<hbm>> -> memref<1x1x4096xf32, #tpu.memory_space<hbm>>
    %dma_start3A_403 = tpu.memref_squeeze %dma_start3A_402 : memref<1x1x4096xf32, #tpu.memory_space<hbm>> -> memref<4096xf32, #tpu.memory_space<hbm>>
    tpu.enqueue_dma source(%dma_start3A_403 : memref<4096xf32, #tpu.memory_space<hbm>>) target(%dma_start3A_400 : memref<4096xf32, #tpu.memory_space<vmem>>) target_semaphore(%arg10 : memref<!tpu.dma_semaphore, #tpu.memory_space<semaphore_mem>>)
    %add3A_404 = arith.constant 7 : i32
    %add3A_405 = arith.addi %add3A_12, %add3A_404 : i32
    %dma_start3A_406 = arith.constant 1 : i32
    %dma_start3A_407 = arith.constant 28672 : i32
    %dma_start3A_408 = tpu.memref_slice %arg7[%dma_start3A_407] : memref<32768xf32, #tpu.memory_space<vmem>> -> memref<4096xf32, #tpu.memory_space<vmem>>
    %dma_start3A_409 = arith.constant 0 : i32
    %dma_start3A_410 = tpu.memref_slice %arg2[%add3A_405, %dma_start3A_406, %dma_start3A_409] : memref<1024x2x4096xf32, #tpu.memory_space<hbm>> -> memref<1x1x4096xf32, #tpu.memory_space<hbm>>
    %dma_start3A_411 = tpu.memref_squeeze %dma_start3A_410 : memref<1x1x4096xf32, #tpu.memory_space<hbm>> -> memref<4096xf32, #tpu.memory_space<hbm>>
    %dma_start3A_412 = arith.constant 28672 : i32
    %dma_start3A_413 = tpu.memref_slice %arg7[%dma_start3A_412] : memref<32768xf32, #tpu.memory_space<vmem>> -> memref<4096xf32, #tpu.memory_space<vmem>>
    %dma_start3A_414 = arith.constant 0 : i32
    %dma_start3A_415 = tpu.memref_slice %arg2[%add3A_405, %dma_start3A_406, %dma_start3A_414] : memref<1024x2x4096xf32, #tpu.memory_space<hbm>> -> memref<1x1x4096xf32, #tpu.memory_space<hbm>>
    %dma_start3A_416 = tpu.memref_squeeze %dma_start3A_415 : memref<1x1x4096xf32, #tpu.memory_space<hbm>> -> memref<4096xf32, #tpu.memory_space<hbm>>
    tpu.enqueue_dma source(%dma_start3A_416 : memref<4096xf32, #tpu.memory_space<hbm>>) target(%dma_start3A_413 : memref<4096xf32, #tpu.memory_space<vmem>>) target_semaphore(%arg10 : memref<!tpu.dma_semaphore, #tpu.memory_space<semaphore_mem>>)
    %dma_wait3A_417 = arith.constant 1 : i32
    %dma_wait3A_418 = arith.constant 0 : i32
    %dma_wait3A_419 = tpu.memref_slice %arg7[%dma_wait3A_418] : memref<32768xf32, #tpu.memory_space<vmem>> -> memref<4096xf32, #tpu.memory_space<vmem>>
    %dma_wait3A_420 = arith.constant 0 : i32
    %dma_wait3A_421 = tpu.memref_slice %arg2[%add3A_314, %dma_wait3A_417, %dma_wait3A_420] : memref<1024x2x4096xf32, #tpu.memory_space<hbm>> -> memref<1x1x4096xf32, #tpu.memory_space<hbm>>
    %dma_wait3A_422 = tpu.memref_squeeze %dma_wait3A_421 : memref<1x1x4096xf32, #tpu.memory_space<hbm>> -> memref<4096xf32, #tpu.memory_space<hbm>>
    %dma_wait3A_423 = arith.constant 0 : i32
    %dma_wait3A_424 = tpu.memref_slice %arg7[%dma_wait3A_423] : memref<32768xf32, #tpu.memory_space<vmem>> -> memref<4096xf32, #tpu.memory_space<vmem>>
    %dma_wait3A_425 = arith.constant 0 : i32
    %dma_wait3A_426 = tpu.memref_slice %arg2[%add3A_314, %dma_wait3A_417, %dma_wait3A_425] : memref<1024x2x4096xf32, #tpu.memory_space<hbm>> -> memref<1x1x4096xf32, #tpu.memory_space<hbm>>
    %dma_wait3A_427 = tpu.memref_squeeze %dma_wait3A_426 : memref<1x1x4096xf32, #tpu.memory_space<hbm>> -> memref<4096xf32, #tpu.memory_space<hbm>>
    tpu.wait_dma2 semaphore(%arg10 : memref<!tpu.dma_semaphore, #tpu.memory_space<semaphore_mem>>) src(%dma_wait3A_427 : memref<4096xf32, #tpu.memory_space<hbm>>) dst(%dma_wait3A_424 : memref<4096xf32, #tpu.memory_space<vmem>>)
    %dma_wait3A_428 = arith.constant 1 : i32
    %dma_wait3A_429 = arith.constant 4096 : i32
    %dma_wait3A_430 = tpu.memref_slice %arg7[%dma_wait3A_429] : memref<32768xf32, #tpu.memory_space<vmem>> -> memref<4096xf32, #tpu.memory_space<vmem>>
    %dma_wait3A_431 = arith.constant 0 : i32
    %dma_wait3A_432 = tpu.memref_slice %arg2[%add3A_327, %dma_wait3A_428, %dma_wait3A_431] : memref<1024x2x4096xf32, #tpu.memory_space<hbm>> -> memref<1x1x4096xf32, #tpu.memory_space<hbm>>
    %dma_wait3A_433 = tpu.memref_squeeze %dma_wait3A_432 : memref<1x1x4096xf32, #tpu.memory_space<hbm>> -> memref<4096xf32, #tpu.memory_space<hbm>>
    %dma_wait3A_434 = arith.constant 4096 : i32
    %dma_wait3A_435 = tpu.memref_slice %arg7[%dma_wait3A_434] : memref<32768xf32, #tpu.memory_space<vmem>> -> memref<4096xf32, #tpu.memory_space<vmem>>
    %dma_wait3A_436 = arith.constant 0 : i32
    %dma_wait3A_437 = tpu.memref_slice %arg2[%add3A_327, %dma_wait3A_428, %dma_wait3A_436] : memref<1024x2x4096xf32, #tpu.memory_space<hbm>> -> memref<1x1x4096xf32, #tpu.memory_space<hbm>>
    %dma_wait3A_438 = tpu.memref_squeeze %dma_wait3A_437 : memref<1x1x4096xf32, #tpu.memory_space<hbm>> -> memref<4096xf32, #tpu.memory_space<hbm>>
    tpu.wait_dma2 semaphore(%arg10 : memref<!tpu.dma_semaphore, #tpu.memory_space<semaphore_mem>>) src(%dma_wait3A_438 : memref<4096xf32, #tpu.memory_space<hbm>>) dst(%dma_wait3A_435 : memref<4096xf32, #tpu.memory_space<vmem>>)
    %dma_wait3A_439 = arith.constant 1 : i32
    %dma_wait3A_440 = arith.constant 8192 : i32
    %dma_wait3A_441 = tpu.memref_slice %arg7[%dma_wait3A_440] : memref<32768xf32, #tpu.memory_space<vmem>> -> memref<4096xf32, #tpu.memory_space<vmem>>
    %dma_wait3A_442 = arith.constant 0 : i32
    %dma_wait3A_443 = tpu.memref_slice %arg2[%add3A_340, %dma_wait3A_439, %dma_wait3A_442] : memref<1024x2x4096xf32, #tpu.memory_space<hbm>> -> memref<1x1x4096xf32, #tpu.memory_space<hbm>>
    %dma_wait3A_444 = tpu.memref_squeeze %dma_wait3A_443 : memref<1x1x4096xf32, #tpu.memory_space<hbm>> -> memref<4096xf32, #tpu.memory_space<hbm>>
    %dma_wait3A_445 = arith.constant 8192 : i32
    %dma_wait3A_446 = tpu.memref_slice %arg7[%dma_wait3A_445] : memref<32768xf32, #tpu.memory_space<vmem>> -> memref<4096xf32, #tpu.memory_space<vmem>>
    %dma_wait3A_447 = arith.constant 0 : i32
    %dma_wait3A_448 = tpu.memref_slice %arg2[%add3A_340, %dma_wait3A_439, %dma_wait3A_447] : memref<1024x2x4096xf32, #tpu.memory_space<hbm>> -> memref<1x1x4096xf32, #tpu.memory_space<hbm>>
    %dma_wait3A_449 = tpu.memref_squeeze %dma_wait3A_448 : memref<1x1x4096xf32, #tpu.memory_space<hbm>> -> memref<4096xf32, #tpu.memory_space<hbm>>
    tpu.wait_dma2 semaphore(%arg10 : memref<!tpu.dma_semaphore, #tpu.memory_space<semaphore_mem>>) src(%dma_wait3A_449 : memref<4096xf32, #tpu.memory_space<hbm>>) dst(%dma_wait3A_446 : memref<4096xf32, #tpu.memory_space<vmem>>)
    %dma_wait3A_450 = arith.constant 1 : i32
    %dma_wait3A_451 = arith.constant 12288 : i32
    %dma_wait3A_452 = tpu.memref_slice %arg7[%dma_wait3A_451] : memref<32768xf32, #tpu.memory_space<vmem>> -> memref<4096xf32, #tpu.memory_space<vmem>>
    %dma_wait3A_453 = arith.constant 0 : i32
    %dma_wait3A_454 = tpu.memref_slice %arg2[%add3A_353, %dma_wait3A_450, %dma_wait3A_453] : memref<1024x2x4096xf32, #tpu.memory_space<hbm>> -> memref<1x1x4096xf32, #tpu.memory_space<hbm>>
    %dma_wait3A_455 = tpu.memref_squeeze %dma_wait3A_454 : memref<1x1x4096xf32, #tpu.memory_space<hbm>> -> memref<4096xf32, #tpu.memory_space<hbm>>
    %dma_wait3A_456 = arith.constant 12288 : i32
    %dma_wait3A_457 = tpu.memref_slice %arg7[%dma_wait3A_456] : memref<32768xf32, #tpu.memory_space<vmem>> -> memref<4096xf32, #tpu.memory_space<vmem>>
    %dma_wait3A_458 = arith.constant 0 : i32
    %dma_wait3A_459 = tpu.memref_slice %arg2[%add3A_353, %dma_wait3A_450, %dma_wait3A_458] : memref<1024x2x4096xf32, #tpu.memory_space<hbm>> -> memref<1x1x4096xf32, #tpu.memory_space<hbm>>
    %dma_wait3A_460 = tpu.memref_squeeze %dma_wait3A_459 : memref<1x1x4096xf32, #tpu.memory_space<hbm>> -> memref<4096xf32, #tpu.memory_space<hbm>>
    tpu.wait_dma2 semaphore(%arg10 : memref<!tpu.dma_semaphore, #tpu.memory_space<semaphore_mem>>) src(%dma_wait3A_460 : memref<4096xf32, #tpu.memory_space<hbm>>) dst(%dma_wait3A_457 : memref<4096xf32, #tpu.memory_space<vmem>>)
    %dma_wait3A_461 = arith.constant 1 : i32
    %dma_wait3A_462 = arith.constant 16384 : i32
    %dma_wait3A_463 = tpu.memref_slice %arg7[%dma_wait3A_462] : memref<32768xf32, #tpu.memory_space<vmem>> -> memref<4096xf32, #tpu.memory_space<vmem>>
    %dma_wait3A_464 = arith.constant 0 : i32
    %dma_wait3A_465 = tpu.memref_slice %arg2[%add3A_366, %dma_wait3A_461, %dma_wait3A_464] : memref<1024x2x4096xf32, #tpu.memory_space<hbm>> -> memref<1x1x4096xf32, #tpu.memory_space<hbm>>
    %dma_wait3A_466 = tpu.memref_squeeze %dma_wait3A_465 : memref<1x1x4096xf32, #tpu.memory_space<hbm>> -> memref<4096xf32, #tpu.memory_space<hbm>>
    %dma_wait3A_467 = arith.constant 16384 : i32
    %dma_wait3A_468 = tpu.memref_slice %arg7[%dma_wait3A_467] : memref<32768xf32, #tpu.memory_space<vmem>> -> memref<4096xf32, #tpu.memory_space<vmem>>
    %dma_wait3A_469 = arith.constant 0 : i32
    %dma_wait3A_470 = tpu.memref_slice %arg2[%add3A_366, %dma_wait3A_461, %dma_wait3A_469] : memref<1024x2x4096xf32, #tpu.memory_space<hbm>> -> memref<1x1x4096xf32, #tpu.memory_space<hbm>>
    %dma_wait3A_471 = tpu.memref_squeeze %dma_wait3A_470 : memref<1x1x4096xf32, #tpu.memory_space<hbm>> -> memref<4096xf32, #tpu.memory_space<hbm>>
    tpu.wait_dma2 semaphore(%arg10 : memref<!tpu.dma_semaphore, #tpu.memory_space<semaphore_mem>>) src(%dma_wait3A_471 : memref<4096xf32, #tpu.memory_space<hbm>>) dst(%dma_wait3A_468 : memref<4096xf32, #tpu.memory_space<vmem>>)
    %dma_wait3A_472 = arith.constant 1 : i32
    %dma_wait3A_473 = arith.constant 20480 : i32
    %dma_wait3A_474 = tpu.memref_slice %arg7[%dma_wait3A_473] : memref<32768xf32, #tpu.memory_space<vmem>> -> memref<4096xf32, #tpu.memory_space<vmem>>
    %dma_wait3A_475 = arith.constant 0 : i32
    %dma_wait3A_476 = tpu.memref_slice %arg2[%add3A_379, %dma_wait3A_472, %dma_wait3A_475] : memref<1024x2x4096xf32, #tpu.memory_space<hbm>> -> memref<1x1x4096xf32, #tpu.memory_space<hbm>>
    %dma_wait3A_477 = tpu.memref_squeeze %dma_wait3A_476 : memref<1x1x4096xf32, #tpu.memory_space<hbm>> -> memref<4096xf32, #tpu.memory_space<hbm>>
    %dma_wait3A_478 = arith.constant 20480 : i32
    %dma_wait3A_479 = tpu.memref_slice %arg7[%dma_wait3A_478] : memref<32768xf32, #tpu.memory_space<vmem>> -> memref<4096xf32, #tpu.memory_space<vmem>>
    %dma_wait3A_480 = arith.constant 0 : i32
    %dma_wait3A_481 = tpu.memref_slice %arg2[%add3A_379, %dma_wait3A_472, %dma_wait3A_480] : memref<1024x2x4096xf32, #tpu.memory_space<hbm>> -> memref<1x1x4096xf32, #tpu.memory_space<hbm>>
    %dma_wait3A_482 = tpu.memref_squeeze %dma_wait3A_481 : memref<1x1x4096xf32, #tpu.memory_space<hbm>> -> memref<4096xf32, #tpu.memory_space<hbm>>
    tpu.wait_dma2 semaphore(%arg10 : memref<!tpu.dma_semaphore, #tpu.memory_space<semaphore_mem>>) src(%dma_wait3A_482 : memref<4096xf32, #tpu.memory_space<hbm>>) dst(%dma_wait3A_479 : memref<4096xf32, #tpu.memory_space<vmem>>)
    %dma_wait3A_483 = arith.constant 1 : i32
    %dma_wait3A_484 = arith.constant 24576 : i32
    %dma_wait3A_485 = tpu.memref_slice %arg7[%dma_wait3A_484] : memref<32768xf32, #tpu.memory_space<vmem>> -> memref<4096xf32, #tpu.memory_space<vmem>>
    %dma_wait3A_486 = arith.constant 0 : i32
    %dma_wait3A_487 = tpu.memref_slice %arg2[%add3A_392, %dma_wait3A_483, %dma_wait3A_486] : memref<1024x2x4096xf32, #tpu.memory_space<hbm>> -> memref<1x1x4096xf32, #tpu.memory_space<hbm>>
    %dma_wait3A_488 = tpu.memref_squeeze %dma_wait3A_487 : memref<1x1x4096xf32, #tpu.memory_space<hbm>> -> memref<4096xf32, #tpu.memory_space<hbm>>
    %dma_wait3A_489 = arith.constant 24576 : i32
    %dma_wait3A_490 = tpu.memref_slice %arg7[%dma_wait3A_489] : memref<32768xf32, #tpu.memory_space<vmem>> -> memref<4096xf32, #tpu.memory_space<vmem>>
    %dma_wait3A_491 = arith.constant 0 : i32
    %dma_wait3A_492 = tpu.memref_slice %arg2[%add3A_392, %dma_wait3A_483, %dma_wait3A_491] : memref<1024x2x4096xf32, #tpu.memory_space<hbm>> -> memref<1x1x4096xf32, #tpu.memory_space<hbm>>
    %dma_wait3A_493 = tpu.memref_squeeze %dma_wait3A_492 : memref<1x1x4096xf32, #tpu.memory_space<hbm>> -> memref<4096xf32, #tpu.memory_space<hbm>>
    tpu.wait_dma2 semaphore(%arg10 : memref<!tpu.dma_semaphore, #tpu.memory_space<semaphore_mem>>) src(%dma_wait3A_493 : memref<4096xf32, #tpu.memory_space<hbm>>) dst(%dma_wait3A_490 : memref<4096xf32, #tpu.memory_space<vmem>>)
    %dma_wait3A_494 = arith.constant 1 : i32
    %dma_wait3A_495 = arith.constant 28672 : i32
    %dma_wait3A_496 = tpu.memref_slice %arg7[%dma_wait3A_495] : memref<32768xf32, #tpu.memory_space<vmem>> -> memref<4096xf32, #tpu.memory_space<vmem>>
    %dma_wait3A_497 = arith.constant 0 : i32
    %dma_wait3A_498 = tpu.memref_slice %arg2[%add3A_405, %dma_wait3A_494, %dma_wait3A_497] : memref<1024x2x4096xf32, #tpu.memory_space<hbm>> -> memref<1x1x4096xf32, #tpu.memory_space<hbm>>
    %dma_wait3A_499 = tpu.memref_squeeze %dma_wait3A_498 : memref<1x1x4096xf32, #tpu.memory_space<hbm>> -> memref<4096xf32, #tpu.memory_space<hbm>>
    %dma_wait3A_500 = arith.constant 28672 : i32
    %dma_wait3A_501 = tpu.memref_slice %arg7[%dma_wait3A_500] : memref<32768xf32, #tpu.memory_space<vmem>> -> memref<4096xf32, #tpu.memory_space<vmem>>
    %dma_wait3A_502 = arith.constant 0 : i32
    %dma_wait3A_503 = tpu.memref_slice %arg2[%add3A_405, %dma_wait3A_494, %dma_wait3A_502] : memref<1024x2x4096xf32, #tpu.memory_space<hbm>> -> memref<1x1x4096xf32, #tpu.memory_space<hbm>>
    %dma_wait3A_504 = tpu.memref_squeeze %dma_wait3A_503 : memref<1x1x4096xf32, #tpu.memory_space<hbm>> -> memref<4096xf32, #tpu.memory_space<hbm>>
    tpu.wait_dma2 semaphore(%arg10 : memref<!tpu.dma_semaphore, #tpu.memory_space<semaphore_mem>>) src(%dma_wait3A_504 : memref<4096xf32, #tpu.memory_space<hbm>>) dst(%dma_wait3A_501 : memref<4096xf32, #tpu.memory_space<vmem>>)
    %scan3A_505 = arith.constant 0 : i32
    %scan3A_506 = arith.constant 2048 : i32
    %scan3A_507 = arith.addi %scan3A_505, %scan3A_506 : i32
    %scan3A_508 = arith.constant 1 : i32
    scf.for %scan3A_2475 = %scan3A_505 to %scan3A_507 step %scan3A_508  : i32 {
      %mul3A_2476 = arith.constant 16 : i32
      %mul3A_2477 = arith.muli %scan3A_2475, %mul3A_2476 : i32
      %get3A_2478 = arith.index_cast %mul3A_2477 : i32 to index
      %get3A_2479 = tpu.vector_load %arg7[%get3A_2478] {strides = array<i32>} : memref<32768xf32, #tpu.memory_space<vmem>>, vector<16xf32>,
      %get3A_2480 = vector.shape_cast %get3A_2479 : vector<16xf32> to vector<16xf32>
      %mul3A_2481 = arith.constant 16 : i32
      %mul3A_2482 = arith.muli %scan3A_2475, %mul3A_2481 : i32
      %shift_right_logical3A = arith.constant 8 : i32
      %shift_right_logical3A_2483 = arith.shrui %scan3A_2475, %shift_right_logical3A : i32
      %add3A_2484 = arith.addi %mul3A_2482, %shift_right_logical3A_2483 : i32
      %add3A_2485 = arith.constant 0 : i32
      %add3A_2486 = arith.addi %add3A_2484, %add3A_2485 : i32
      %swap3A_2487 = arith.index_cast %add3A_2486 : i32 to index
      %swap3A_2488 = tpu.vector_load %arg8[%swap3A_2487] {strides = array<i32>} : memref<32776xf32, #tpu.memory_space<vmem>>, vector<16xf32>,
      %swap3A_2489 = vector.shape_cast %swap3A_2488 : vector<16xf32> to vector<16xf32>
      %swap3A_2490 = vector.shape_cast %get3A_2480 : vector<16xf32> to vector<16xf32>
      tpu.vector_store %arg8[%swap3A_2487], %swap3A_2490 {strides = array<i32>} : memref<32776xf32, #tpu.memory_space<vmem>>, vector<16xf32>,
    }
    %scan3A_509 = arith.constant 2048 : i32
    %get3A_510 = arith.constant 4081 : index
    %get3A_511 = tpu.vector_load %arg8[%get3A_510] {strides = array<i32>} : memref<32776xf32, #tpu.memory_space<vmem>>, vector<16xf32>,
    %get3A_512 = vector.shape_cast %get3A_511 : vector<16xf32> to vector<16xf32>
    %eq3A_513 = arith.constant 15 : i32
    %eq3A_514 = vector.broadcast %eq3A_513 : i32 to vector<16xi32>
    %eq3A_515 = arith.cmpi eq, %iota3A, %eq3A_514 : vector<16xi32>
    %jit3A_516 = arith.constant 2.000000e+00 : f32
    %broadcast_in_dim3A_517 = vector.broadcast %jit3A_516 : f32 to vector<16xf32>
    %select_n3A_518 = arith.select %eq3A_515, %broadcast_in_dim3A_517, %get3A_512 : vector<16xi1>, vector<16xf32>
    %swap3A_519 = arith.constant 4081 : index
    %swap3A_520 = tpu.vector_load %arg8[%swap3A_519] {strides = array<i32>} : memref<32776xf32, #tpu.memory_space<vmem>>, vector<16xf32>,
    %swap3A_521 = vector.shape_cast %swap3A_520 : vector<16xf32> to vector<16xf32>
    %swap3A_522 = vector.shape_cast %select_n3A_518 : vector<16xf32> to vector<16xf32>
    tpu.vector_store %arg8[%swap3A_519], %swap3A_522 {strides = array<i32>} : memref<32776xf32, #tpu.memory_space<vmem>>, vector<16xf32>,
    %get3A_523 = arith.constant 8178 : index
    %get3A_524 = tpu.vector_load %arg8[%get3A_523] {strides = array<i32>} : memref<32776xf32, #tpu.memory_space<vmem>>, vector<16xf32>,
    %get3A_525 = vector.shape_cast %get3A_524 : vector<16xf32> to vector<16xf32>
    %eq3A_526 = arith.constant 15 : i32
    %eq3A_527 = vector.broadcast %eq3A_526 : i32 to vector<16xi32>
    %eq3A_528 = arith.cmpi eq, %iota3A, %eq3A_527 : vector<16xi32>
    %jit3A_529 = arith.constant 2.000000e+00 : f32
    %broadcast_in_dim3A_530 = vector.broadcast %jit3A_529 : f32 to vector<16xf32>
    %select_n3A_531 = arith.select %eq3A_528, %broadcast_in_dim3A_530, %get3A_525 : vector<16xi1>, vector<16xf32>
    %swap3A_532 = arith.constant 8178 : index
    %swap3A_533 = tpu.vector_load %arg8[%swap3A_532] {strides = array<i32>} : memref<32776xf32, #tpu.memory_space<vmem>>, vector<16xf32>,
    %swap3A_534 = vector.shape_cast %swap3A_533 : vector<16xf32> to vector<16xf32>
    %swap3A_535 = vector.shape_cast %select_n3A_531 : vector<16xf32> to vector<16xf32>
    tpu.vector_store %arg8[%swap3A_532], %swap3A_535 {strides = array<i32>} : memref<32776xf32, #tpu.memory_space<vmem>>, vector<16xf32>,
    %get3A_536 = arith.constant 12275 : index
    %get3A_537 = tpu.vector_load %arg8[%get3A_536] {strides = array<i32>} : memref<32776xf32, #tpu.memory_space<vmem>>, vector<16xf32>,
    %get3A_538 = vector.shape_cast %get3A_537 : vector<16xf32> to vector<16xf32>
    %eq3A_539 = arith.constant 15 : i32
    %eq3A_540 = vector.broadcast %eq3A_539 : i32 to vector<16xi32>
    %eq3A_541 = arith.cmpi eq, %iota3A, %eq3A_540 : vector<16xi32>
    %jit3A_542 = arith.constant 2.000000e+00 : f32
    %broadcast_in_dim3A_543 = vector.broadcast %jit3A_542 : f32 to vector<16xf32>
    %select_n3A_544 = arith.select %eq3A_541, %broadcast_in_dim3A_543, %get3A_538 : vector<16xi1>, vector<16xf32>
    %swap3A_545 = arith.constant 12275 : index
    %swap3A_546 = tpu.vector_load %arg8[%swap3A_545] {strides = array<i32>} : memref<32776xf32, #tpu.memory_space<vmem>>, vector<16xf32>,
    %swap3A_547 = vector.shape_cast %swap3A_546 : vector<16xf32> to vector<16xf32>
    %swap3A_548 = vector.shape_cast %select_n3A_544 : vector<16xf32> to vector<16xf32>
    tpu.vector_store %arg8[%swap3A_545], %swap3A_548 {strides = array<i32>} : memref<32776xf32, #tpu.memory_space<vmem>>, vector<16xf32>,
    %get3A_549 = arith.constant 16372 : index
    %get3A_550 = tpu.vector_load %arg8[%get3A_549] {strides = array<i32>} : memref<32776xf32, #tpu.memory_space<vmem>>, vector<16xf32>,
    %get3A_551 = vector.shape_cast %get3A_550 : vector<16xf32> to vector<16xf32>
    %eq3A_552 = arith.constant 15 : i32
    %eq3A_553 = vector.broadcast %eq3A_552 : i32 to vector<16xi32>
    %eq3A_554 = arith.cmpi eq, %iota3A, %eq3A_553 : vector<16xi32>
    %jit3A_555 = arith.constant 2.000000e+00 : f32
    %broadcast_in_dim3A_556 = vector.broadcast %jit3A_555 : f32 to vector<16xf32>
    %select_n3A_557 = arith.select %eq3A_554, %broadcast_in_dim3A_556, %get3A_551 : vector<16xi1>, vector<16xf32>
    %swap3A_558 = arith.constant 16372 : index
    %swap3A_559 = tpu.vector_load %arg8[%swap3A_558] {strides = array<i32>} : memref<32776xf32, #tpu.memory_space<vmem>>, vector<16xf32>,
    %swap3A_560 = vector.shape_cast %swap3A_559 : vector<16xf32> to vector<16xf32>
    %swap3A_561 = vector.shape_cast %select_n3A_557 : vector<16xf32> to vector<16xf32>
    tpu.vector_store %arg8[%swap3A_558], %swap3A_561 {strides = array<i32>} : memref<32776xf32, #tpu.memory_space<vmem>>, vector<16xf32>,
    %get3A_562 = arith.constant 20469 : index
    %get3A_563 = tpu.vector_load %arg8[%get3A_562] {strides = array<i32>} : memref<32776xf32, #tpu.memory_space<vmem>>, vector<16xf32>,
    %get3A_564 = vector.shape_cast %get3A_563 : vector<16xf32> to vector<16xf32>
    %eq3A_565 = arith.constant 15 : i32
    %eq3A_566 = vector.broadcast %eq3A_565 : i32 to vector<16xi32>
    %eq3A_567 = arith.cmpi eq, %iota3A, %eq3A_566 : vector<16xi32>
    %jit3A_568 = arith.constant 2.000000e+00 : f32
    %broadcast_in_dim3A_569 = vector.broadcast %jit3A_568 : f32 to vector<16xf32>
    %select_n3A_570 = arith.select %eq3A_567, %broadcast_in_dim3A_569, %get3A_564 : vector<16xi1>, vector<16xf32>
    %swap3A_571 = arith.constant 20469 : index
    %swap3A_572 = tpu.vector_load %arg8[%swap3A_571] {strides = array<i32>} : memref<32776xf32, #tpu.memory_space<vmem>>, vector<16xf32>,
    %swap3A_573 = vector.shape_cast %swap3A_572 : vector<16xf32> to vector<16xf32>
    %swap3A_574 = vector.shape_cast %select_n3A_570 : vector<16xf32> to vector<16xf32>
    tpu.vector_store %arg8[%swap3A_571], %swap3A_574 {strides = array<i32>} : memref<32776xf32, #tpu.memory_space<vmem>>, vector<16xf32>,
    %get3A_575 = arith.constant 24566 : index
    %get3A_576 = tpu.vector_load %arg8[%get3A_575] {strides = array<i32>} : memref<32776xf32, #tpu.memory_space<vmem>>, vector<16xf32>,
    %get3A_577 = vector.shape_cast %get3A_576 : vector<16xf32> to vector<16xf32>
    %eq3A_578 = arith.constant 15 : i32
    %eq3A_579 = vector.broadcast %eq3A_578 : i32 to vector<16xi32>
    %eq3A_580 = arith.cmpi eq, %iota3A, %eq3A_579 : vector<16xi32>
    %jit3A_581 = arith.constant 2.000000e+00 : f32
    %broadcast_in_dim3A_582 = vector.broadcast %jit3A_581 : f32 to vector<16xf32>
    %select_n3A_583 = arith.select %eq3A_580, %broadcast_in_dim3A_582, %get3A_577 : vector<16xi1>, vector<16xf32>
    %swap3A_584 = arith.constant 24566 : index
    %swap3A_585 = tpu.vector_load %arg8[%swap3A_584] {strides = array<i32>} : memref<32776xf32, #tpu.memory_space<vmem>>, vector<16xf32>,
    %swap3A_586 = vector.shape_cast %swap3A_585 : vector<16xf32> to vector<16xf32>
    %swap3A_587 = vector.shape_cast %select_n3A_583 : vector<16xf32> to vector<16xf32>
    tpu.vector_store %arg8[%swap3A_584], %swap3A_587 {strides = array<i32>} : memref<32776xf32, #tpu.memory_space<vmem>>, vector<16xf32>,
    %get3A_588 = arith.constant 28663 : index
    %get3A_589 = tpu.vector_load %arg8[%get3A_588] {strides = array<i32>} : memref<32776xf32, #tpu.memory_space<vmem>>, vector<16xf32>,
    %get3A_590 = vector.shape_cast %get3A_589 : vector<16xf32> to vector<16xf32>
    %eq3A_591 = arith.constant 15 : i32
    %eq3A_592 = vector.broadcast %eq3A_591 : i32 to vector<16xi32>
    %eq3A_593 = arith.cmpi eq, %iota3A, %eq3A_592 : vector<16xi32>
    %jit3A_594 = arith.constant 2.000000e+00 : f32
    %broadcast_in_dim3A_595 = vector.broadcast %jit3A_594 : f32 to vector<16xf32>
    %select_n3A_596 = arith.select %eq3A_593, %broadcast_in_dim3A_595, %get3A_590 : vector<16xi1>, vector<16xf32>
    %swap3A_597 = arith.constant 28663 : index
    %swap3A_598 = tpu.vector_load %arg8[%swap3A_597] {strides = array<i32>} : memref<32776xf32, #tpu.memory_space<vmem>>, vector<16xf32>,
    %swap3A_599 = vector.shape_cast %swap3A_598 : vector<16xf32> to vector<16xf32>
    %swap3A_600 = vector.shape_cast %select_n3A_596 : vector<16xf32> to vector<16xf32>
    tpu.vector_store %arg8[%swap3A_597], %swap3A_600 {strides = array<i32>} : memref<32776xf32, #tpu.memory_space<vmem>>, vector<16xf32>,
    %get3A_601 = arith.constant 32760 : index
    %get3A_602 = tpu.vector_load %arg8[%get3A_601] {strides = array<i32>} : memref<32776xf32, #tpu.memory_space<vmem>>, vector<16xf32>,
    %get3A_603 = vector.shape_cast %get3A_602 : vector<16xf32> to vector<16xf32>
    %eq3A_604 = arith.constant 15 : i32
    %eq3A_605 = vector.broadcast %eq3A_604 : i32 to vector<16xi32>
    %eq3A_606 = arith.cmpi eq, %iota3A, %eq3A_605 : vector<16xi32>
    %jit3A_607 = arith.constant 2.000000e+00 : f32
    %broadcast_in_dim3A_608 = vector.broadcast %jit3A_607 : f32 to vector<16xf32>
    %select_n3A_609 = arith.select %eq3A_606, %broadcast_in_dim3A_608, %get3A_603 : vector<16xi1>, vector<16xf32>
    %swap3A_610 = arith.constant 32760 : index
    %swap3A_611 = tpu.vector_load %arg8[%swap3A_610] {strides = array<i32>} : memref<32776xf32, #tpu.memory_space<vmem>>, vector<16xf32>,
    %swap3A_612 = vector.shape_cast %swap3A_611 : vector<16xf32> to vector<16xf32>
    %swap3A_613 = vector.shape_cast %select_n3A_609 : vector<16xf32> to vector<16xf32>
    tpu.vector_store %arg8[%swap3A_610], %swap3A_613 {strides = array<i32>} : memref<32776xf32, #tpu.memory_space<vmem>>, vector<16xf32>,
    %mul3A_614 = arith.constant 4097 : i32
    %mul3A_615 = arith.muli %add3A_12, %mul3A_614 : i32
    %multiple_of3A_616 = tpu.assume_multiple %mul3A_615, 8 : i32
    %dma_start3A_617 = tpu.memref_slice %arg5[%multiple_of3A_616] : memref<4195328xf32, #tpu.memory_space<hbm>> -> memref<32776xf32, #tpu.memory_space<hbm>>
    %dma_start3A_618 = tpu.memref_slice %arg5[%multiple_of3A_616] : memref<4195328xf32, #tpu.memory_space<hbm>> -> memref<32776xf32, #tpu.memory_space<hbm>>
    tpu.enqueue_dma source(%arg8 : memref<32776xf32, #tpu.memory_space<vmem>>) target(%dma_start3A_618 : memref<32776xf32, #tpu.memory_space<hbm>>) target_semaphore(%arg11 : memref<!tpu.dma_semaphore, #tpu.memory_space<semaphore_mem>>)
    %dma_wait3A_619 = tpu.memref_slice %arg5[%multiple_of3A_616] : memref<4195328xf32, #tpu.memory_space<hbm>> -> memref<32776xf32, #tpu.memory_space<hbm>>
    %dma_wait3A_620 = tpu.memref_slice %arg5[%multiple_of3A_616] : memref<4195328xf32, #tpu.memory_space<hbm>> -> memref<32776xf32, #tpu.memory_space<hbm>>
    tpu.wait_dma2 semaphore(%arg11 : memref<!tpu.dma_semaphore, #tpu.memory_space<semaphore_mem>>) src(%arg8 : memref<32776xf32, #tpu.memory_space<vmem>>) dst(%dma_wait3A_620 : memref<32776xf32, #tpu.memory_space<hbm>>)
    %add3A_621 = arith.constant 8 : i32
    %add3A_622 = arith.addi %mul3A_2, %add3A_621 : i32
    %add3A_623 = arith.constant 0 : i32
    %add3A_624 = arith.addi %add3A_622, %add3A_623 : i32
    %dma_start3A_625 = arith.constant 0 : i32
    %dma_start3A_626 = arith.constant 0 : i32
    %dma_start3A_627 = tpu.memref_slice %arg7[%dma_start3A_626] : memref<32768xf32, #tpu.memory_space<vmem>> -> memref<4096xf32, #tpu.memory_space<vmem>>
    %dma_start3A_628 = arith.constant 0 : i32
    %dma_start3A_629 = tpu.memref_slice %arg2[%add3A_624, %dma_start3A_625, %dma_start3A_628] : memref<1024x2x4096xf32, #tpu.memory_space<hbm>> -> memref<1x1x4096xf32, #tpu.memory_space<hbm>>
    %dma_start3A_630 = tpu.memref_squeeze %dma_start3A_629 : memref<1x1x4096xf32, #tpu.memory_space<hbm>> -> memref<4096xf32, #tpu.memory_space<hbm>>
    %dma_start3A_631 = arith.constant 0 : i32
    %dma_start3A_632 = tpu.memref_slice %arg7[%dma_start3A_631] : memref<32768xf32, #tpu.memory_space<vmem>> -> memref<4096xf32, #tpu.memory_space<vmem>>
    %dma_start3A_633 = arith.constant 0 : i32
    %dma_start3A_634 = tpu.memref_slice %arg2[%add3A_624, %dma_start3A_625, %dma_start3A_633] : memref<1024x2x4096xf32, #tpu.memory_space<hbm>> -> memref<1x1x4096xf32, #tpu.memory_space<hbm>>
    %dma_start3A_635 = tpu.memref_squeeze %dma_start3A_634 : memref<1x1x4096xf32, #tpu.memory_space<hbm>> -> memref<4096xf32, #tpu.memory_space<hbm>>
    tpu.enqueue_dma source(%dma_start3A_635 : memref<4096xf32, #tpu.memory_space<hbm>>) target(%dma_start3A_632 : memref<4096xf32, #tpu.memory_space<vmem>>) target_semaphore(%arg10 : memref<!tpu.dma_semaphore, #tpu.memory_space<semaphore_mem>>)
    %add3A_636 = arith.constant 1 : i32
    %add3A_637 = arith.addi %add3A_622, %add3A_636 : i32
    %dma_start3A_638 = arith.constant 0 : i32
    %dma_start3A_639 = arith.constant 4096 : i32
    %dma_start3A_640 = tpu.memref_slice %arg7[%dma_start3A_639] : memref<32768xf32, #tpu.memory_space<vmem>> -> memref<4096xf32, #tpu.memory_space<vmem>>
    %dma_start3A_641 = arith.constant 0 : i32
    %dma_start3A_642 = tpu.memref_slice %arg2[%add3A_637, %dma_start3A_638, %dma_start3A_641] : memref<1024x2x4096xf32, #tpu.memory_space<hbm>> -> memref<1x1x4096xf32, #tpu.memory_space<hbm>>
    %dma_start3A_643 = tpu.memref_squeeze %dma_start3A_642 : memref<1x1x4096xf32, #tpu.memory_space<hbm>> -> memref<4096xf32, #tpu.memory_space<hbm>>
    %dma_start3A_644 = arith.constant 4096 : i32
    %dma_start3A_645 = tpu.memref_slice %arg7[%dma_start3A_644] : memref<32768xf32, #tpu.memory_space<vmem>> -> memref<4096xf32, #tpu.memory_space<vmem>>
    %dma_start3A_646 = arith.constant 0 : i32
    %dma_start3A_647 = tpu.memref_slice %arg2[%add3A_637, %dma_start3A_638, %dma_start3A_646] : memref<1024x2x4096xf32, #tpu.memory_space<hbm>> -> memref<1x1x4096xf32, #tpu.memory_space<hbm>>
    %dma_start3A_648 = tpu.memref_squeeze %dma_start3A_647 : memref<1x1x4096xf32, #tpu.memory_space<hbm>> -> memref<4096xf32, #tpu.memory_space<hbm>>
    tpu.enqueue_dma source(%dma_start3A_648 : memref<4096xf32, #tpu.memory_space<hbm>>) target(%dma_start3A_645 : memref<4096xf32, #tpu.memory_space<vmem>>) target_semaphore(%arg10 : memref<!tpu.dma_semaphore, #tpu.memory_space<semaphore_mem>>)
    %add3A_649 = arith.constant 2 : i32
    %add3A_650 = arith.addi %add3A_622, %add3A_649 : i32
    %dma_start3A_651 = arith.constant 0 : i32
    %dma_start3A_652 = arith.constant 8192 : i32
    %dma_start3A_653 = tpu.memref_slice %arg7[%dma_start3A_652] : memref<32768xf32, #tpu.memory_space<vmem>> -> memref<4096xf32, #tpu.memory_space<vmem>>
    %dma_start3A_654 = arith.constant 0 : i32
    %dma_start3A_655 = tpu.memref_slice %arg2[%add3A_650, %dma_start3A_651, %dma_start3A_654] : memref<1024x2x4096xf32, #tpu.memory_space<hbm>> -> memref<1x1x4096xf32, #tpu.memory_space<hbm>>
    %dma_start3A_656 = tpu.memref_squeeze %dma_start3A_655 : memref<1x1x4096xf32, #tpu.memory_space<hbm>> -> memref<4096xf32, #tpu.memory_space<hbm>>
    %dma_start3A_657 = arith.constant 8192 : i32
    %dma_start3A_658 = tpu.memref_slice %arg7[%dma_start3A_657] : memref<32768xf32, #tpu.memory_space<vmem>> -> memref<4096xf32, #tpu.memory_space<vmem>>
    %dma_start3A_659 = arith.constant 0 : i32
    %dma_start3A_660 = tpu.memref_slice %arg2[%add3A_650, %dma_start3A_651, %dma_start3A_659] : memref<1024x2x4096xf32, #tpu.memory_space<hbm>> -> memref<1x1x4096xf32, #tpu.memory_space<hbm>>
    %dma_start3A_661 = tpu.memref_squeeze %dma_start3A_660 : memref<1x1x4096xf32, #tpu.memory_space<hbm>> -> memref<4096xf32, #tpu.memory_space<hbm>>
    tpu.enqueue_dma source(%dma_start3A_661 : memref<4096xf32, #tpu.memory_space<hbm>>) target(%dma_start3A_658 : memref<4096xf32, #tpu.memory_space<vmem>>) target_semaphore(%arg10 : memref<!tpu.dma_semaphore, #tpu.memory_space<semaphore_mem>>)
    %add3A_662 = arith.constant 3 : i32
    %add3A_663 = arith.addi %add3A_622, %add3A_662 : i32
    %dma_start3A_664 = arith.constant 0 : i32
    %dma_start3A_665 = arith.constant 12288 : i32
    %dma_start3A_666 = tpu.memref_slice %arg7[%dma_start3A_665] : memref<32768xf32, #tpu.memory_space<vmem>> -> memref<4096xf32, #tpu.memory_space<vmem>>
    %dma_start3A_667 = arith.constant 0 : i32
    %dma_start3A_668 = tpu.memref_slice %arg2[%add3A_663, %dma_start3A_664, %dma_start3A_667] : memref<1024x2x4096xf32, #tpu.memory_space<hbm>> -> memref<1x1x4096xf32, #tpu.memory_space<hbm>>
    %dma_start3A_669 = tpu.memref_squeeze %dma_start3A_668 : memref<1x1x4096xf32, #tpu.memory_space<hbm>> -> memref<4096xf32, #tpu.memory_space<hbm>>
    %dma_start3A_670 = arith.constant 12288 : i32
    %dma_start3A_671 = tpu.memref_slice %arg7[%dma_start3A_670] : memref<32768xf32, #tpu.memory_space<vmem>> -> memref<4096xf32, #tpu.memory_space<vmem>>
    %dma_start3A_672 = arith.constant 0 : i32
    %dma_start3A_673 = tpu.memref_slice %arg2[%add3A_663, %dma_start3A_664, %dma_start3A_672] : memref<1024x2x4096xf32, #tpu.memory_space<hbm>> -> memref<1x1x4096xf32, #tpu.memory_space<hbm>>
    %dma_start3A_674 = tpu.memref_squeeze %dma_start3A_673 : memref<1x1x4096xf32, #tpu.memory_space<hbm>> -> memref<4096xf32, #tpu.memory_space<hbm>>
    tpu.enqueue_dma source(%dma_start3A_674 : memref<4096xf32, #tpu.memory_space<hbm>>) target(%dma_start3A_671 : memref<4096xf32, #tpu.memory_space<vmem>>) target_semaphore(%arg10 : memref<!tpu.dma_semaphore, #tpu.memory_space<semaphore_mem>>)
    %add3A_675 = arith.constant 4 : i32
    %add3A_676 = arith.addi %add3A_622, %add3A_675 : i32
    %dma_start3A_677 = arith.constant 0 : i32
    %dma_start3A_678 = arith.constant 16384 : i32
    %dma_start3A_679 = tpu.memref_slice %arg7[%dma_start3A_678] : memref<32768xf32, #tpu.memory_space<vmem>> -> memref<4096xf32, #tpu.memory_space<vmem>>
    %dma_start3A_680 = arith.constant 0 : i32
    %dma_start3A_681 = tpu.memref_slice %arg2[%add3A_676, %dma_start3A_677, %dma_start3A_680] : memref<1024x2x4096xf32, #tpu.memory_space<hbm>> -> memref<1x1x4096xf32, #tpu.memory_space<hbm>>
    %dma_start3A_682 = tpu.memref_squeeze %dma_start3A_681 : memref<1x1x4096xf32, #tpu.memory_space<hbm>> -> memref<4096xf32, #tpu.memory_space<hbm>>
    %dma_start3A_683 = arith.constant 16384 : i32
    %dma_start3A_684 = tpu.memref_slice %arg7[%dma_start3A_683] : memref<32768xf32, #tpu.memory_space<vmem>> -> memref<4096xf32, #tpu.memory_space<vmem>>
    %dma_start3A_685 = arith.constant 0 : i32
    %dma_start3A_686 = tpu.memref_slice %arg2[%add3A_676, %dma_start3A_677, %dma_start3A_685] : memref<1024x2x4096xf32, #tpu.memory_space<hbm>> -> memref<1x1x4096xf32, #tpu.memory_space<hbm>>
    %dma_start3A_687 = tpu.memref_squeeze %dma_start3A_686 : memref<1x1x4096xf32, #tpu.memory_space<hbm>> -> memref<4096xf32, #tpu.memory_space<hbm>>
    tpu.enqueue_dma source(%dma_start3A_687 : memref<4096xf32, #tpu.memory_space<hbm>>) target(%dma_start3A_684 : memref<4096xf32, #tpu.memory_space<vmem>>) target_semaphore(%arg10 : memref<!tpu.dma_semaphore, #tpu.memory_space<semaphore_mem>>)
    %add3A_688 = arith.constant 5 : i32
    %add3A_689 = arith.addi %add3A_622, %add3A_688 : i32
    %dma_start3A_690 = arith.constant 0 : i32
    %dma_start3A_691 = arith.constant 20480 : i32
    %dma_start3A_692 = tpu.memref_slice %arg7[%dma_start3A_691] : memref<32768xf32, #tpu.memory_space<vmem>> -> memref<4096xf32, #tpu.memory_space<vmem>>
    %dma_start3A_693 = arith.constant 0 : i32
    %dma_start3A_694 = tpu.memref_slice %arg2[%add3A_689, %dma_start3A_690, %dma_start3A_693] : memref<1024x2x4096xf32, #tpu.memory_space<hbm>> -> memref<1x1x4096xf32, #tpu.memory_space<hbm>>
    %dma_start3A_695 = tpu.memref_squeeze %dma_start3A_694 : memref<1x1x4096xf32, #tpu.memory_space<hbm>> -> memref<4096xf32, #tpu.memory_space<hbm>>
    %dma_start3A_696 = arith.constant 20480 : i32
    %dma_start3A_697 = tpu.memref_slice %arg7[%dma_start3A_696] : memref<32768xf32, #tpu.memory_space<vmem>> -> memref<4096xf32, #tpu.memory_space<vmem>>
    %dma_start3A_698 = arith.constant 0 : i32
    %dma_start3A_699 = tpu.memref_slice %arg2[%add3A_689, %dma_start3A_690, %dma_start3A_698] : memref<1024x2x4096xf32, #tpu.memory_space<hbm>> -> memref<1x1x4096xf32, #tpu.memory_space<hbm>>
    %dma_start3A_700 = tpu.memref_squeeze %dma_start3A_699 : memref<1x1x4096xf32, #tpu.memory_space<hbm>> -> memref<4096xf32, #tpu.memory_space<hbm>>
    tpu.enqueue_dma source(%dma_start3A_700 : memref<4096xf32, #tpu.memory_space<hbm>>) target(%dma_start3A_697 : memref<4096xf32, #tpu.memory_space<vmem>>) target_semaphore(%arg10 : memref<!tpu.dma_semaphore, #tpu.memory_space<semaphore_mem>>)
    %add3A_701 = arith.constant 6 : i32
    %add3A_702 = arith.addi %add3A_622, %add3A_701 : i32
    %dma_start3A_703 = arith.constant 0 : i32
    %dma_start3A_704 = arith.constant 24576 : i32
    %dma_start3A_705 = tpu.memref_slice %arg7[%dma_start3A_704] : memref<32768xf32, #tpu.memory_space<vmem>> -> memref<4096xf32, #tpu.memory_space<vmem>>
    %dma_start3A_706 = arith.constant 0 : i32
    %dma_start3A_707 = tpu.memref_slice %arg2[%add3A_702, %dma_start3A_703, %dma_start3A_706] : memref<1024x2x4096xf32, #tpu.memory_space<hbm>> -> memref<1x1x4096xf32, #tpu.memory_space<hbm>>
    %dma_start3A_708 = tpu.memref_squeeze %dma_start3A_707 : memref<1x1x4096xf32, #tpu.memory_space<hbm>> -> memref<4096xf32, #tpu.memory_space<hbm>>
    %dma_start3A_709 = arith.constant 24576 : i32
    %dma_start3A_710 = tpu.memref_slice %arg7[%dma_start3A_709] : memref<32768xf32, #tpu.memory_space<vmem>> -> memref<4096xf32, #tpu.memory_space<vmem>>
    %dma_start3A_711 = arith.constant 0 : i32
    %dma_start3A_712 = tpu.memref_slice %arg2[%add3A_702, %dma_start3A_703, %dma_start3A_711] : memref<1024x2x4096xf32, #tpu.memory_space<hbm>> -> memref<1x1x4096xf32, #tpu.memory_space<hbm>>
    %dma_start3A_713 = tpu.memref_squeeze %dma_start3A_712 : memref<1x1x4096xf32, #tpu.memory_space<hbm>> -> memref<4096xf32, #tpu.memory_space<hbm>>
    tpu.enqueue_dma source(%dma_start3A_713 : memref<4096xf32, #tpu.memory_space<hbm>>) target(%dma_start3A_710 : memref<4096xf32, #tpu.memory_space<vmem>>) target_semaphore(%arg10 : memref<!tpu.dma_semaphore, #tpu.memory_space<semaphore_mem>>)
    %add3A_714 = arith.constant 7 : i32
    %add3A_715 = arith.addi %add3A_622, %add3A_714 : i32
    %dma_start3A_716 = arith.constant 0 : i32
    %dma_start3A_717 = arith.constant 28672 : i32
    %dma_start3A_718 = tpu.memref_slice %arg7[%dma_start3A_717] : memref<32768xf32, #tpu.memory_space<vmem>> -> memref<4096xf32, #tpu.memory_space<vmem>>
    %dma_start3A_719 = arith.constant 0 : i32
    %dma_start3A_720 = tpu.memref_slice %arg2[%add3A_715, %dma_start3A_716, %dma_start3A_719] : memref<1024x2x4096xf32, #tpu.memory_space<hbm>> -> memref<1x1x4096xf32, #tpu.memory_space<hbm>>
    %dma_start3A_721 = tpu.memref_squeeze %dma_start3A_720 : memref<1x1x4096xf32, #tpu.memory_space<hbm>> -> memref<4096xf32, #tpu.memory_space<hbm>>
    %dma_start3A_722 = arith.constant 28672 : i32
    %dma_start3A_723 = tpu.memref_slice %arg7[%dma_start3A_722] : memref<32768xf32, #tpu.memory_space<vmem>> -> memref<4096xf32, #tpu.memory_space<vmem>>
    %dma_start3A_724 = arith.constant 0 : i32
    %dma_start3A_725 = tpu.memref_slice %arg2[%add3A_715, %dma_start3A_716, %dma_start3A_724] : memref<1024x2x4096xf32, #tpu.memory_space<hbm>> -> memref<1x1x4096xf32, #tpu.memory_space<hbm>>
    %dma_start3A_726 = tpu.memref_squeeze %dma_start3A_725 : memref<1x1x4096xf32, #tpu.memory_space<hbm>> -> memref<4096xf32, #tpu.memory_space<hbm>>
    tpu.enqueue_dma source(%dma_start3A_726 : memref<4096xf32, #tpu.memory_space<hbm>>) target(%dma_start3A_723 : memref<4096xf32, #tpu.memory_space<vmem>>) target_semaphore(%arg10 : memref<!tpu.dma_semaphore, #tpu.memory_space<semaphore_mem>>)
    %dma_wait3A_727 = arith.constant 0 : i32
    %dma_wait3A_728 = arith.constant 0 : i32
    %dma_wait3A_729 = tpu.memref_slice %arg7[%dma_wait3A_728] : memref<32768xf32, #tpu.memory_space<vmem>> -> memref<4096xf32, #tpu.memory_space<vmem>>
    %dma_wait3A_730 = arith.constant 0 : i32
    %dma_wait3A_731 = tpu.memref_slice %arg2[%add3A_624, %dma_wait3A_727, %dma_wait3A_730] : memref<1024x2x4096xf32, #tpu.memory_space<hbm>> -> memref<1x1x4096xf32, #tpu.memory_space<hbm>>
    %dma_wait3A_732 = tpu.memref_squeeze %dma_wait3A_731 : memref<1x1x4096xf32, #tpu.memory_space<hbm>> -> memref<4096xf32, #tpu.memory_space<hbm>>
    %dma_wait3A_733 = arith.constant 0 : i32
    %dma_wait3A_734 = tpu.memref_slice %arg7[%dma_wait3A_733] : memref<32768xf32, #tpu.memory_space<vmem>> -> memref<4096xf32, #tpu.memory_space<vmem>>
    %dma_wait3A_735 = arith.constant 0 : i32
    %dma_wait3A_736 = tpu.memref_slice %arg2[%add3A_624, %dma_wait3A_727, %dma_wait3A_735] : memref<1024x2x4096xf32, #tpu.memory_space<hbm>> -> memref<1x1x4096xf32, #tpu.memory_space<hbm>>
    %dma_wait3A_737 = tpu.memref_squeeze %dma_wait3A_736 : memref<1x1x4096xf32, #tpu.memory_space<hbm>> -> memref<4096xf32, #tpu.memory_space<hbm>>
    tpu.wait_dma2 semaphore(%arg10 : memref<!tpu.dma_semaphore, #tpu.memory_space<semaphore_mem>>) src(%dma_wait3A_737 : memref<4096xf32, #tpu.memory_space<hbm>>) dst(%dma_wait3A_734 : memref<4096xf32, #tpu.memory_space<vmem>>)
    %dma_wait3A_738 = arith.constant 0 : i32
    %dma_wait3A_739 = arith.constant 4096 : i32
    %dma_wait3A_740 = tpu.memref_slice %arg7[%dma_wait3A_739] : memref<32768xf32, #tpu.memory_space<vmem>> -> memref<4096xf32, #tpu.memory_space<vmem>>
    %dma_wait3A_741 = arith.constant 0 : i32
    %dma_wait3A_742 = tpu.memref_slice %arg2[%add3A_637, %dma_wait3A_738, %dma_wait3A_741] : memref<1024x2x4096xf32, #tpu.memory_space<hbm>> -> memref<1x1x4096xf32, #tpu.memory_space<hbm>>
    %dma_wait3A_743 = tpu.memref_squeeze %dma_wait3A_742 : memref<1x1x4096xf32, #tpu.memory_space<hbm>> -> memref<4096xf32, #tpu.memory_space<hbm>>
    %dma_wait3A_744 = arith.constant 4096 : i32
    %dma_wait3A_745 = tpu.memref_slice %arg7[%dma_wait3A_744] : memref<32768xf32, #tpu.memory_space<vmem>> -> memref<4096xf32, #tpu.memory_space<vmem>>
    %dma_wait3A_746 = arith.constant 0 : i32
    %dma_wait3A_747 = tpu.memref_slice %arg2[%add3A_637, %dma_wait3A_738, %dma_wait3A_746] : memref<1024x2x4096xf32, #tpu.memory_space<hbm>> -> memref<1x1x4096xf32, #tpu.memory_space<hbm>>
    %dma_wait3A_748 = tpu.memref_squeeze %dma_wait3A_747 : memref<1x1x4096xf32, #tpu.memory_space<hbm>> -> memref<4096xf32, #tpu.memory_space<hbm>>
    tpu.wait_dma2 semaphore(%arg10 : memref<!tpu.dma_semaphore, #tpu.memory_space<semaphore_mem>>) src(%dma_wait3A_748 : memref<4096xf32, #tpu.memory_space<hbm>>) dst(%dma_wait3A_745 : memref<4096xf32, #tpu.memory_space<vmem>>)
    %dma_wait3A_749 = arith.constant 0 : i32
    %dma_wait3A_750 = arith.constant 8192 : i32
    %dma_wait3A_751 = tpu.memref_slice %arg7[%dma_wait3A_750] : memref<32768xf32, #tpu.memory_space<vmem>> -> memref<4096xf32, #tpu.memory_space<vmem>>
    %dma_wait3A_752 = arith.constant 0 : i32
    %dma_wait3A_753 = tpu.memref_slice %arg2[%add3A_650, %dma_wait3A_749, %dma_wait3A_752] : memref<1024x2x4096xf32, #tpu.memory_space<hbm>> -> memref<1x1x4096xf32, #tpu.memory_space<hbm>>
    %dma_wait3A_754 = tpu.memref_squeeze %dma_wait3A_753 : memref<1x1x4096xf32, #tpu.memory_space<hbm>> -> memref<4096xf32, #tpu.memory_space<hbm>>
    %dma_wait3A_755 = arith.constant 8192 : i32
    %dma_wait3A_756 = tpu.memref_slice %arg7[%dma_wait3A_755] : memref<32768xf32, #tpu.memory_space<vmem>> -> memref<4096xf32, #tpu.memory_space<vmem>>
    %dma_wait3A_757 = arith.constant 0 : i32
    %dma_wait3A_758 = tpu.memref_slice %arg2[%add3A_650, %dma_wait3A_749, %dma_wait3A_757] : memref<1024x2x4096xf32, #tpu.memory_space<hbm>> -> memref<1x1x4096xf32, #tpu.memory_space<hbm>>
    %dma_wait3A_759 = tpu.memref_squeeze %dma_wait3A_758 : memref<1x1x4096xf32, #tpu.memory_space<hbm>> -> memref<4096xf32, #tpu.memory_space<hbm>>
    tpu.wait_dma2 semaphore(%arg10 : memref<!tpu.dma_semaphore, #tpu.memory_space<semaphore_mem>>) src(%dma_wait3A_759 : memref<4096xf32, #tpu.memory_space<hbm>>) dst(%dma_wait3A_756 : memref<4096xf32, #tpu.memory_space<vmem>>)
    %dma_wait3A_760 = arith.constant 0 : i32
    %dma_wait3A_761 = arith.constant 12288 : i32
    %dma_wait3A_762 = tpu.memref_slice %arg7[%dma_wait3A_761] : memref<32768xf32, #tpu.memory_space<vmem>> -> memref<4096xf32, #tpu.memory_space<vmem>>
    %dma_wait3A_763 = arith.constant 0 : i32
    %dma_wait3A_764 = tpu.memref_slice %arg2[%add3A_663, %dma_wait3A_760, %dma_wait3A_763] : memref<1024x2x4096xf32, #tpu.memory_space<hbm>> -> memref<1x1x4096xf32, #tpu.memory_space<hbm>>
    %dma_wait3A_765 = tpu.memref_squeeze %dma_wait3A_764 : memref<1x1x4096xf32, #tpu.memory_space<hbm>> -> memref<4096xf32, #tpu.memory_space<hbm>>
    %dma_wait3A_766 = arith.constant 12288 : i32
    %dma_wait3A_767 = tpu.memref_slice %arg7[%dma_wait3A_766] : memref<32768xf32, #tpu.memory_space<vmem>> -> memref<4096xf32, #tpu.memory_space<vmem>>
    %dma_wait3A_768 = arith.constant 0 : i32
    %dma_wait3A_769 = tpu.memref_slice %arg2[%add3A_663, %dma_wait3A_760, %dma_wait3A_768] : memref<1024x2x4096xf32, #tpu.memory_space<hbm>> -> memref<1x1x4096xf32, #tpu.memory_space<hbm>>
    %dma_wait3A_770 = tpu.memref_squeeze %dma_wait3A_769 : memref<1x1x4096xf32, #tpu.memory_space<hbm>> -> memref<4096xf32, #tpu.memory_space<hbm>>
    tpu.wait_dma2 semaphore(%arg10 : memref<!tpu.dma_semaphore, #tpu.memory_space<semaphore_mem>>) src(%dma_wait3A_770 : memref<4096xf32, #tpu.memory_space<hbm>>) dst(%dma_wait3A_767 : memref<4096xf32, #tpu.memory_space<vmem>>)
    %dma_wait3A_771 = arith.constant 0 : i32
    %dma_wait3A_772 = arith.constant 16384 : i32
    %dma_wait3A_773 = tpu.memref_slice %arg7[%dma_wait3A_772] : memref<32768xf32, #tpu.memory_space<vmem>> -> memref<4096xf32, #tpu.memory_space<vmem>>
    %dma_wait3A_774 = arith.constant 0 : i32
    %dma_wait3A_775 = tpu.memref_slice %arg2[%add3A_676, %dma_wait3A_771, %dma_wait3A_774] : memref<1024x2x4096xf32, #tpu.memory_space<hbm>> -> memref<1x1x4096xf32, #tpu.memory_space<hbm>>
    %dma_wait3A_776 = tpu.memref_squeeze %dma_wait3A_775 : memref<1x1x4096xf32, #tpu.memory_space<hbm>> -> memref<4096xf32, #tpu.memory_space<hbm>>
    %dma_wait3A_777 = arith.constant 16384 : i32
    %dma_wait3A_778 = tpu.memref_slice %arg7[%dma_wait3A_777] : memref<32768xf32, #tpu.memory_space<vmem>> -> memref<4096xf32, #tpu.memory_space<vmem>>
    %dma_wait3A_779 = arith.constant 0 : i32
    %dma_wait3A_780 = tpu.memref_slice %arg2[%add3A_676, %dma_wait3A_771, %dma_wait3A_779] : memref<1024x2x4096xf32, #tpu.memory_space<hbm>> -> memref<1x1x4096xf32, #tpu.memory_space<hbm>>
    %dma_wait3A_781 = tpu.memref_squeeze %dma_wait3A_780 : memref<1x1x4096xf32, #tpu.memory_space<hbm>> -> memref<4096xf32, #tpu.memory_space<hbm>>
    tpu.wait_dma2 semaphore(%arg10 : memref<!tpu.dma_semaphore, #tpu.memory_space<semaphore_mem>>) src(%dma_wait3A_781 : memref<4096xf32, #tpu.memory_space<hbm>>) dst(%dma_wait3A_778 : memref<4096xf32, #tpu.memory_space<vmem>>)
    %dma_wait3A_782 = arith.constant 0 : i32
    %dma_wait3A_783 = arith.constant 20480 : i32
    %dma_wait3A_784 = tpu.memref_slice %arg7[%dma_wait3A_783] : memref<32768xf32, #tpu.memory_space<vmem>> -> memref<4096xf32, #tpu.memory_space<vmem>>
    %dma_wait3A_785 = arith.constant 0 : i32
    %dma_wait3A_786 = tpu.memref_slice %arg2[%add3A_689, %dma_wait3A_782, %dma_wait3A_785] : memref<1024x2x4096xf32, #tpu.memory_space<hbm>> -> memref<1x1x4096xf32, #tpu.memory_space<hbm>>
    %dma_wait3A_787 = tpu.memref_squeeze %dma_wait3A_786 : memref<1x1x4096xf32, #tpu.memory_space<hbm>> -> memref<4096xf32, #tpu.memory_space<hbm>>
    %dma_wait3A_788 = arith.constant 20480 : i32
    %dma_wait3A_789 = tpu.memref_slice %arg7[%dma_wait3A_788] : memref<32768xf32, #tpu.memory_space<vmem>> -> memref<4096xf32, #tpu.memory_space<vmem>>
    %dma_wait3A_790 = arith.constant 0 : i32
    %dma_wait3A_791 = tpu.memref_slice %arg2[%add3A_689, %dma_wait3A_782, %dma_wait3A_790] : memref<1024x2x4096xf32, #tpu.memory_space<hbm>> -> memref<1x1x4096xf32, #tpu.memory_space<hbm>>
    %dma_wait3A_792 = tpu.memref_squeeze %dma_wait3A_791 : memref<1x1x4096xf32, #tpu.memory_space<hbm>> -> memref<4096xf32, #tpu.memory_space<hbm>>
    tpu.wait_dma2 semaphore(%arg10 : memref<!tpu.dma_semaphore, #tpu.memory_space<semaphore_mem>>) src(%dma_wait3A_792 : memref<4096xf32, #tpu.memory_space<hbm>>) dst(%dma_wait3A_789 : memref<4096xf32, #tpu.memory_space<vmem>>)
    %dma_wait3A_793 = arith.constant 0 : i32
    %dma_wait3A_794 = arith.constant 24576 : i32
    %dma_wait3A_795 = tpu.memref_slice %arg7[%dma_wait3A_794] : memref<32768xf32, #tpu.memory_space<vmem>> -> memref<4096xf32, #tpu.memory_space<vmem>>
    %dma_wait3A_796 = arith.constant 0 : i32
    %dma_wait3A_797 = tpu.memref_slice %arg2[%add3A_702, %dma_wait3A_793, %dma_wait3A_796] : memref<1024x2x4096xf32, #tpu.memory_space<hbm>> -> memref<1x1x4096xf32, #tpu.memory_space<hbm>>
    %dma_wait3A_798 = tpu.memref_squeeze %dma_wait3A_797 : memref<1x1x4096xf32, #tpu.memory_space<hbm>> -> memref<4096xf32, #tpu.memory_space<hbm>>
    %dma_wait3A_799 = arith.constant 24576 : i32
    %dma_wait3A_800 = tpu.memref_slice %arg7[%dma_wait3A_799] : memref<32768xf32, #tpu.memory_space<vmem>> -> memref<4096xf32, #tpu.memory_space<vmem>>
    %dma_wait3A_801 = arith.constant 0 : i32
    %dma_wait3A_802 = tpu.memref_slice %arg2[%add3A_702, %dma_wait3A_793, %dma_wait3A_801] : memref<1024x2x4096xf32, #tpu.memory_space<hbm>> -> memref<1x1x4096xf32, #tpu.memory_space<hbm>>
    %dma_wait3A_803 = tpu.memref_squeeze %dma_wait3A_802 : memref<1x1x4096xf32, #tpu.memory_space<hbm>> -> memref<4096xf32, #tpu.memory_space<hbm>>
    tpu.wait_dma2 semaphore(%arg10 : memref<!tpu.dma_semaphore, #tpu.memory_space<semaphore_mem>>) src(%dma_wait3A_803 : memref<4096xf32, #tpu.memory_space<hbm>>) dst(%dma_wait3A_800 : memref<4096xf32, #tpu.memory_space<vmem>>)
    %dma_wait3A_804 = arith.constant 0 : i32
    %dma_wait3A_805 = arith.constant 28672 : i32
    %dma_wait3A_806 = tpu.memref_slice %arg7[%dma_wait3A_805] : memref<32768xf32, #tpu.memory_space<vmem>> -> memref<4096xf32, #tpu.memory_space<vmem>>
    %dma_wait3A_807 = arith.constant 0 : i32
    %dma_wait3A_808 = tpu.memref_slice %arg2[%add3A_715, %dma_wait3A_804, %dma_wait3A_807] : memref<1024x2x4096xf32, #tpu.memory_space<hbm>> -> memref<1x1x4096xf32, #tpu.memory_space<hbm>>
    %dma_wait3A_809 = tpu.memref_squeeze %dma_wait3A_808 : memref<1x1x4096xf32, #tpu.memory_space<hbm>> -> memref<4096xf32, #tpu.memory_space<hbm>>
    %dma_wait3A_810 = arith.constant 28672 : i32
    %dma_wait3A_811 = tpu.memref_slice %arg7[%dma_wait3A_810] : memref<32768xf32, #tpu.memory_space<vmem>> -> memref<4096xf32, #tpu.memory_space<vmem>>
    %dma_wait3A_812 = arith.constant 0 : i32
    %dma_wait3A_813 = tpu.memref_slice %arg2[%add3A_715, %dma_wait3A_804, %dma_wait3A_812] : memref<1024x2x4096xf32, #tpu.memory_space<hbm>> -> memref<1x1x4096xf32, #tpu.memory_space<hbm>>
    %dma_wait3A_814 = tpu.memref_squeeze %dma_wait3A_813 : memref<1x1x4096xf32, #tpu.memory_space<hbm>> -> memref<4096xf32, #tpu.memory_space<hbm>>
    tpu.wait_dma2 semaphore(%arg10 : memref<!tpu.dma_semaphore, #tpu.memory_space<semaphore_mem>>) src(%dma_wait3A_814 : memref<4096xf32, #tpu.memory_space<hbm>>) dst(%dma_wait3A_811 : memref<4096xf32, #tpu.memory_space<vmem>>)
    %scan3A_815 = arith.constant 0 : i32
    %scan3A_816 = arith.constant 2048 : i32
    %scan3A_817 = arith.addi %scan3A_815, %scan3A_816 : i32
    %scan3A_818 = arith.constant 1 : i32
    scf.for %scan3A_2475 = %scan3A_815 to %scan3A_817 step %scan3A_818  : i32 {
      %mul3A_2476 = arith.constant 16 : i32
      %mul3A_2477 = arith.muli %scan3A_2475, %mul3A_2476 : i32
      %get3A_2478 = arith.index_cast %mul3A_2477 : i32 to index
      %get3A_2479 = tpu.vector_load %arg7[%get3A_2478] {strides = array<i32>} : memref<32768xf32, #tpu.memory_space<vmem>>, vector<16xf32>,
      %get3A_2480 = vector.shape_cast %get3A_2479 : vector<16xf32> to vector<16xf32>
      %mul3A_2481 = arith.constant 16 : i32
      %mul3A_2482 = arith.muli %scan3A_2475, %mul3A_2481 : i32
      %shift_right_logical3A = arith.constant 8 : i32
      %shift_right_logical3A_2483 = arith.shrui %scan3A_2475, %shift_right_logical3A : i32
      %add3A_2484 = arith.addi %mul3A_2482, %shift_right_logical3A_2483 : i32
      %add3A_2485 = arith.constant 1 : i32
      %add3A_2486 = arith.addi %add3A_2484, %add3A_2485 : i32
      %swap3A_2487 = arith.index_cast %add3A_2486 : i32 to index
      %swap3A_2488 = tpu.vector_load %arg8[%swap3A_2487] {strides = array<i32>} : memref<32776xf32, #tpu.memory_space<vmem>>, vector<16xf32>,
      %swap3A_2489 = vector.shape_cast %swap3A_2488 : vector<16xf32> to vector<16xf32>
      %swap3A_2490 = vector.shape_cast %get3A_2480 : vector<16xf32> to vector<16xf32>
      tpu.vector_store %arg8[%swap3A_2487], %swap3A_2490 {strides = array<i32>} : memref<32776xf32, #tpu.memory_space<vmem>>, vector<16xf32>,
    }
    %scan3A_819 = arith.constant 2048 : i32
    %get3A_820 = arith.constant 0 : index
    %get3A_821 = tpu.vector_load %arg8[%get3A_820] {strides = array<i32>} : memref<32776xf32, #tpu.memory_space<vmem>>, vector<16xf32>,
    %get3A_822 = vector.shape_cast %get3A_821 : vector<16xf32> to vector<16xf32>
    %eq3A_823 = arith.constant 0 : i32
    %eq3A_824 = vector.broadcast %eq3A_823 : i32 to vector<16xi32>
    %eq3A_825 = arith.cmpi eq, %iota3A, %eq3A_824 : vector<16xi32>
    %jit3A_826 = arith.constant 1.000000e+00 : f32
    %broadcast_in_dim3A_827 = vector.broadcast %jit3A_826 : f32 to vector<16xf32>
    %select_n3A_828 = arith.select %eq3A_825, %broadcast_in_dim3A_827, %get3A_822 : vector<16xi1>, vector<16xf32>
    %swap3A_829 = arith.constant 0 : index
    %swap3A_830 = tpu.vector_load %arg8[%swap3A_829] {strides = array<i32>} : memref<32776xf32, #tpu.memory_space<vmem>>, vector<16xf32>,
    %swap3A_831 = vector.shape_cast %swap3A_830 : vector<16xf32> to vector<16xf32>
    %swap3A_832 = vector.shape_cast %select_n3A_828 : vector<16xf32> to vector<16xf32>
    tpu.vector_store %arg8[%swap3A_829], %swap3A_832 {strides = array<i32>} : memref<32776xf32, #tpu.memory_space<vmem>>, vector<16xf32>,
    %get3A_833 = arith.constant 4097 : index
    %get3A_834 = tpu.vector_load %arg8[%get3A_833] {strides = array<i32>} : memref<32776xf32, #tpu.memory_space<vmem>>, vector<16xf32>,
    %get3A_835 = vector.shape_cast %get3A_834 : vector<16xf32> to vector<16xf32>
    %eq3A_836 = arith.constant 0 : i32
    %eq3A_837 = vector.broadcast %eq3A_836 : i32 to vector<16xi32>
    %eq3A_838 = arith.cmpi eq, %iota3A, %eq3A_837 : vector<16xi32>
    %jit3A_839 = arith.constant 1.000000e+00 : f32
    %broadcast_in_dim3A_840 = vector.broadcast %jit3A_839 : f32 to vector<16xf32>
    %select_n3A_841 = arith.select %eq3A_838, %broadcast_in_dim3A_840, %get3A_835 : vector<16xi1>, vector<16xf32>
    %swap3A_842 = arith.constant 4097 : index
    %swap3A_843 = tpu.vector_load %arg8[%swap3A_842] {strides = array<i32>} : memref<32776xf32, #tpu.memory_space<vmem>>, vector<16xf32>,
    %swap3A_844 = vector.shape_cast %swap3A_843 : vector<16xf32> to vector<16xf32>
    %swap3A_845 = vector.shape_cast %select_n3A_841 : vector<16xf32> to vector<16xf32>
    tpu.vector_store %arg8[%swap3A_842], %swap3A_845 {strides = array<i32>} : memref<32776xf32, #tpu.memory_space<vmem>>, vector<16xf32>,
    %get3A_846 = arith.constant 8194 : index
    %get3A_847 = tpu.vector_load %arg8[%get3A_846] {strides = array<i32>} : memref<32776xf32, #tpu.memory_space<vmem>>, vector<16xf32>,
    %get3A_848 = vector.shape_cast %get3A_847 : vector<16xf32> to vector<16xf32>
    %eq3A_849 = arith.constant 0 : i32
    %eq3A_850 = vector.broadcast %eq3A_849 : i32 to vector<16xi32>
    %eq3A_851 = arith.cmpi eq, %iota3A, %eq3A_850 : vector<16xi32>
    %jit3A_852 = arith.constant 1.000000e+00 : f32
    %broadcast_in_dim3A_853 = vector.broadcast %jit3A_852 : f32 to vector<16xf32>
    %select_n3A_854 = arith.select %eq3A_851, %broadcast_in_dim3A_853, %get3A_848 : vector<16xi1>, vector<16xf32>
    %swap3A_855 = arith.constant 8194 : index
    %swap3A_856 = tpu.vector_load %arg8[%swap3A_855] {strides = array<i32>} : memref<32776xf32, #tpu.memory_space<vmem>>, vector<16xf32>,
    %swap3A_857 = vector.shape_cast %swap3A_856 : vector<16xf32> to vector<16xf32>
    %swap3A_858 = vector.shape_cast %select_n3A_854 : vector<16xf32> to vector<16xf32>
    tpu.vector_store %arg8[%swap3A_855], %swap3A_858 {strides = array<i32>} : memref<32776xf32, #tpu.memory_space<vmem>>, vector<16xf32>,
    %get3A_859 = arith.constant 12291 : index
    %get3A_860 = tpu.vector_load %arg8[%get3A_859] {strides = array<i32>} : memref<32776xf32, #tpu.memory_space<vmem>>, vector<16xf32>,
    %get3A_861 = vector.shape_cast %get3A_860 : vector<16xf32> to vector<16xf32>
    %eq3A_862 = arith.constant 0 : i32
    %eq3A_863 = vector.broadcast %eq3A_862 : i32 to vector<16xi32>
    %eq3A_864 = arith.cmpi eq, %iota3A, %eq3A_863 : vector<16xi32>
    %jit3A_865 = arith.constant 1.000000e+00 : f32
    %broadcast_in_dim3A_866 = vector.broadcast %jit3A_865 : f32 to vector<16xf32>
    %select_n3A_867 = arith.select %eq3A_864, %broadcast_in_dim3A_866, %get3A_861 : vector<16xi1>, vector<16xf32>
    %swap3A_868 = arith.constant 12291 : index
    %swap3A_869 = tpu.vector_load %arg8[%swap3A_868] {strides = array<i32>} : memref<32776xf32, #tpu.memory_space<vmem>>, vector<16xf32>,
    %swap3A_870 = vector.shape_cast %swap3A_869 : vector<16xf32> to vector<16xf32>
    %swap3A_871 = vector.shape_cast %select_n3A_867 : vector<16xf32> to vector<16xf32>
    tpu.vector_store %arg8[%swap3A_868], %swap3A_871 {strides = array<i32>} : memref<32776xf32, #tpu.memory_space<vmem>>, vector<16xf32>,
    %get3A_872 = arith.constant 16388 : index
    %get3A_873 = tpu.vector_load %arg8[%get3A_872] {strides = array<i32>} : memref<32776xf32, #tpu.memory_space<vmem>>, vector<16xf32>,
    %get3A_874 = vector.shape_cast %get3A_873 : vector<16xf32> to vector<16xf32>
    %eq3A_875 = arith.constant 0 : i32
    %eq3A_876 = vector.broadcast %eq3A_875 : i32 to vector<16xi32>
    %eq3A_877 = arith.cmpi eq, %iota3A, %eq3A_876 : vector<16xi32>
    %jit3A_878 = arith.constant 1.000000e+00 : f32
    %broadcast_in_dim3A_879 = vector.broadcast %jit3A_878 : f32 to vector<16xf32>
    %select_n3A_880 = arith.select %eq3A_877, %broadcast_in_dim3A_879, %get3A_874 : vector<16xi1>, vector<16xf32>
    %swap3A_881 = arith.constant 16388 : index
    %swap3A_882 = tpu.vector_load %arg8[%swap3A_881] {strides = array<i32>} : memref<32776xf32, #tpu.memory_space<vmem>>, vector<16xf32>,
    %swap3A_883 = vector.shape_cast %swap3A_882 : vector<16xf32> to vector<16xf32>
    %swap3A_884 = vector.shape_cast %select_n3A_880 : vector<16xf32> to vector<16xf32>
    tpu.vector_store %arg8[%swap3A_881], %swap3A_884 {strides = array<i32>} : memref<32776xf32, #tpu.memory_space<vmem>>, vector<16xf32>,
    %get3A_885 = arith.constant 20485 : index
    %get3A_886 = tpu.vector_load %arg8[%get3A_885] {strides = array<i32>} : memref<32776xf32, #tpu.memory_space<vmem>>, vector<16xf32>,
    %get3A_887 = vector.shape_cast %get3A_886 : vector<16xf32> to vector<16xf32>
    %eq3A_888 = arith.constant 0 : i32
    %eq3A_889 = vector.broadcast %eq3A_888 : i32 to vector<16xi32>
    %eq3A_890 = arith.cmpi eq, %iota3A, %eq3A_889 : vector<16xi32>
    %jit3A_891 = arith.constant 1.000000e+00 : f32
    %broadcast_in_dim3A_892 = vector.broadcast %jit3A_891 : f32 to vector<16xf32>
    %select_n3A_893 = arith.select %eq3A_890, %broadcast_in_dim3A_892, %get3A_887 : vector<16xi1>, vector<16xf32>
    %swap3A_894 = arith.constant 20485 : index
    %swap3A_895 = tpu.vector_load %arg8[%swap3A_894] {strides = array<i32>} : memref<32776xf32, #tpu.memory_space<vmem>>, vector<16xf32>,
    %swap3A_896 = vector.shape_cast %swap3A_895 : vector<16xf32> to vector<16xf32>
    %swap3A_897 = vector.shape_cast %select_n3A_893 : vector<16xf32> to vector<16xf32>
    tpu.vector_store %arg8[%swap3A_894], %swap3A_897 {strides = array<i32>} : memref<32776xf32, #tpu.memory_space<vmem>>, vector<16xf32>,
    %get3A_898 = arith.constant 24582 : index
    %get3A_899 = tpu.vector_load %arg8[%get3A_898] {strides = array<i32>} : memref<32776xf32, #tpu.memory_space<vmem>>, vector<16xf32>,
    %get3A_900 = vector.shape_cast %get3A_899 : vector<16xf32> to vector<16xf32>
    %eq3A_901 = arith.constant 0 : i32
    %eq3A_902 = vector.broadcast %eq3A_901 : i32 to vector<16xi32>
    %eq3A_903 = arith.cmpi eq, %iota3A, %eq3A_902 : vector<16xi32>
    %jit3A_904 = arith.constant 1.000000e+00 : f32
    %broadcast_in_dim3A_905 = vector.broadcast %jit3A_904 : f32 to vector<16xf32>
    %select_n3A_906 = arith.select %eq3A_903, %broadcast_in_dim3A_905, %get3A_900 : vector<16xi1>, vector<16xf32>
    %swap3A_907 = arith.constant 24582 : index
    %swap3A_908 = tpu.vector_load %arg8[%swap3A_907] {strides = array<i32>} : memref<32776xf32, #tpu.memory_space<vmem>>, vector<16xf32>,
    %swap3A_909 = vector.shape_cast %swap3A_908 : vector<16xf32> to vector<16xf32>
    %swap3A_910 = vector.shape_cast %select_n3A_906 : vector<16xf32> to vector<16xf32>
    tpu.vector_store %arg8[%swap3A_907], %swap3A_910 {strides = array<i32>} : memref<32776xf32, #tpu.memory_space<vmem>>, vector<16xf32>,
    %get3A_911 = arith.constant 28679 : index
    %get3A_912 = tpu.vector_load %arg8[%get3A_911] {strides = array<i32>} : memref<32776xf32, #tpu.memory_space<vmem>>, vector<16xf32>,
    %get3A_913 = vector.shape_cast %get3A_912 : vector<16xf32> to vector<16xf32>
    %eq3A_914 = arith.constant 0 : i32
    %eq3A_915 = vector.broadcast %eq3A_914 : i32 to vector<16xi32>
    %eq3A_916 = arith.cmpi eq, %iota3A, %eq3A_915 : vector<16xi32>
    %jit3A_917 = arith.constant 1.000000e+00 : f32
    %broadcast_in_dim3A_918 = vector.broadcast %jit3A_917 : f32 to vector<16xf32>
    %select_n3A_919 = arith.select %eq3A_916, %broadcast_in_dim3A_918, %get3A_913 : vector<16xi1>, vector<16xf32>
    %swap3A_920 = arith.constant 28679 : index
    %swap3A_921 = tpu.vector_load %arg8[%swap3A_920] {strides = array<i32>} : memref<32776xf32, #tpu.memory_space<vmem>>, vector<16xf32>,
    %swap3A_922 = vector.shape_cast %swap3A_921 : vector<16xf32> to vector<16xf32>
    %swap3A_923 = vector.shape_cast %select_n3A_919 : vector<16xf32> to vector<16xf32>
    tpu.vector_store %arg8[%swap3A_920], %swap3A_923 {strides = array<i32>} : memref<32776xf32, #tpu.memory_space<vmem>>, vector<16xf32>,
    %mul3A_924 = arith.constant 4097 : i32
    %mul3A_925 = arith.muli %add3A_622, %mul3A_924 : i32
    %multiple_of3A_926 = tpu.assume_multiple %mul3A_925, 8 : i32
    %dma_start3A_927 = tpu.memref_slice %arg3[%multiple_of3A_926] : memref<4195328xf32, #tpu.memory_space<hbm>> -> memref<32776xf32, #tpu.memory_space<hbm>>
    %dma_start3A_928 = tpu.memref_slice %arg3[%multiple_of3A_926] : memref<4195328xf32, #tpu.memory_space<hbm>> -> memref<32776xf32, #tpu.memory_space<hbm>>
    tpu.enqueue_dma source(%arg8 : memref<32776xf32, #tpu.memory_space<vmem>>) target(%dma_start3A_928 : memref<32776xf32, #tpu.memory_space<hbm>>) target_semaphore(%arg11 : memref<!tpu.dma_semaphore, #tpu.memory_space<semaphore_mem>>)
    %dma_wait3A_929 = tpu.memref_slice %arg3[%multiple_of3A_926] : memref<4195328xf32, #tpu.memory_space<hbm>> -> memref<32776xf32, #tpu.memory_space<hbm>>
    %dma_wait3A_930 = tpu.memref_slice %arg3[%multiple_of3A_926] : memref<4195328xf32, #tpu.memory_space<hbm>> -> memref<32776xf32, #tpu.memory_space<hbm>>
    tpu.wait_dma2 semaphore(%arg11 : memref<!tpu.dma_semaphore, #tpu.memory_space<semaphore_mem>>) src(%arg8 : memref<32776xf32, #tpu.memory_space<vmem>>) dst(%dma_wait3A_930 : memref<32776xf32, #tpu.memory_space<hbm>>)
    %add3A_931 = arith.constant 0 : i32
    %add3A_932 = arith.addi %add3A_622, %add3A_931 : i32
    %dma_start3A_933 = arith.constant 1 : i32
    %dma_start3A_934 = arith.constant 0 : i32
    %dma_start3A_935 = tpu.memref_slice %arg7[%dma_start3A_934] : memref<32768xf32, #tpu.memory_space<vmem>> -> memref<4096xf32, #tpu.memory_space<vmem>>
    %dma_start3A_936 = arith.constant 0 : i32
    %dma_start3A_937 = tpu.memref_slice %arg2[%add3A_932, %dma_start3A_933, %dma_start3A_936] : memref<1024x2x4096xf32, #tpu.memory_space<hbm>> -> memref<1x1x4096xf32, #tpu.memory_space<hbm>>
    %dma_start3A_938 = tpu.memref_squeeze %dma_start3A_937 : memref<1x1x4096xf32, #tpu.memory_space<hbm>> -> memref<4096xf32, #tpu.memory_space<hbm>>
    %dma_start3A_939 = arith.constant 0 : i32
    %dma_start3A_940 = tpu.memref_slice %arg7[%dma_start3A_939] : memref<32768xf32, #tpu.memory_space<vmem>> -> memref<4096xf32, #tpu.memory_space<vmem>>
    %dma_start3A_941 = arith.constant 0 : i32
    %dma_start3A_942 = tpu.memref_slice %arg2[%add3A_932, %dma_start3A_933, %dma_start3A_941] : memref<1024x2x4096xf32, #tpu.memory_space<hbm>> -> memref<1x1x4096xf32, #tpu.memory_space<hbm>>
    %dma_start3A_943 = tpu.memref_squeeze %dma_start3A_942 : memref<1x1x4096xf32, #tpu.memory_space<hbm>> -> memref<4096xf32, #tpu.memory_space<hbm>>
    tpu.enqueue_dma source(%dma_start3A_943 : memref<4096xf32, #tpu.memory_space<hbm>>) target(%dma_start3A_940 : memref<4096xf32, #tpu.memory_space<vmem>>) target_semaphore(%arg10 : memref<!tpu.dma_semaphore, #tpu.memory_space<semaphore_mem>>)
    %add3A_944 = arith.constant 1 : i32
    %add3A_945 = arith.addi %add3A_622, %add3A_944 : i32
    %dma_start3A_946 = arith.constant 1 : i32
    %dma_start3A_947 = arith.constant 4096 : i32
    %dma_start3A_948 = tpu.memref_slice %arg7[%dma_start3A_947] : memref<32768xf32, #tpu.memory_space<vmem>> -> memref<4096xf32, #tpu.memory_space<vmem>>
    %dma_start3A_949 = arith.constant 0 : i32
    %dma_start3A_950 = tpu.memref_slice %arg2[%add3A_945, %dma_start3A_946, %dma_start3A_949] : memref<1024x2x4096xf32, #tpu.memory_space<hbm>> -> memref<1x1x4096xf32, #tpu.memory_space<hbm>>
    %dma_start3A_951 = tpu.memref_squeeze %dma_start3A_950 : memref<1x1x4096xf32, #tpu.memory_space<hbm>> -> memref<4096xf32, #tpu.memory_space<hbm>>
    %dma_start3A_952 = arith.constant 4096 : i32
    %dma_start3A_953 = tpu.memref_slice %arg7[%dma_start3A_952] : memref<32768xf32, #tpu.memory_space<vmem>> -> memref<4096xf32, #tpu.memory_space<vmem>>
    %dma_start3A_954 = arith.constant 0 : i32
    %dma_start3A_955 = tpu.memref_slice %arg2[%add3A_945, %dma_start3A_946, %dma_start3A_954] : memref<1024x2x4096xf32, #tpu.memory_space<hbm>> -> memref<1x1x4096xf32, #tpu.memory_space<hbm>>
    %dma_start3A_956 = tpu.memref_squeeze %dma_start3A_955 : memref<1x1x4096xf32, #tpu.memory_space<hbm>> -> memref<4096xf32, #tpu.memory_space<hbm>>
    tpu.enqueue_dma source(%dma_start3A_956 : memref<4096xf32, #tpu.memory_space<hbm>>) target(%dma_start3A_953 : memref<4096xf32, #tpu.memory_space<vmem>>) target_semaphore(%arg10 : memref<!tpu.dma_semaphore, #tpu.memory_space<semaphore_mem>>)
    %add3A_957 = arith.constant 2 : i32
    %add3A_958 = arith.addi %add3A_622, %add3A_957 : i32
    %dma_start3A_959 = arith.constant 1 : i32
    %dma_start3A_960 = arith.constant 8192 : i32
    %dma_start3A_961 = tpu.memref_slice %arg7[%dma_start3A_960] : memref<32768xf32, #tpu.memory_space<vmem>> -> memref<4096xf32, #tpu.memory_space<vmem>>
    %dma_start3A_962 = arith.constant 0 : i32
    %dma_start3A_963 = tpu.memref_slice %arg2[%add3A_958, %dma_start3A_959, %dma_start3A_962] : memref<1024x2x4096xf32, #tpu.memory_space<hbm>> -> memref<1x1x4096xf32, #tpu.memory_space<hbm>>
    %dma_start3A_964 = tpu.memref_squeeze %dma_start3A_963 : memref<1x1x4096xf32, #tpu.memory_space<hbm>> -> memref<4096xf32, #tpu.memory_space<hbm>>
    %dma_start3A_965 = arith.constant 8192 : i32
    %dma_start3A_966 = tpu.memref_slice %arg7[%dma_start3A_965] : memref<32768xf32, #tpu.memory_space<vmem>> -> memref<4096xf32, #tpu.memory_space<vmem>>
    %dma_start3A_967 = arith.constant 0 : i32
    %dma_start3A_968 = tpu.memref_slice %arg2[%add3A_958, %dma_start3A_959, %dma_start3A_967] : memref<1024x2x4096xf32, #tpu.memory_space<hbm>> -> memref<1x1x4096xf32, #tpu.memory_space<hbm>>
    %dma_start3A_969 = tpu.memref_squeeze %dma_start3A_968 : memref<1x1x4096xf32, #tpu.memory_space<hbm>> -> memref<4096xf32, #tpu.memory_space<hbm>>
    tpu.enqueue_dma source(%dma_start3A_969 : memref<4096xf32, #tpu.memory_space<hbm>>) target(%dma_start3A_966 : memref<4096xf32, #tpu.memory_space<vmem>>) target_semaphore(%arg10 : memref<!tpu.dma_semaphore, #tpu.memory_space<semaphore_mem>>)
    %add3A_970 = arith.constant 3 : i32
    %add3A_971 = arith.addi %add3A_622, %add3A_970 : i32
    %dma_start3A_972 = arith.constant 1 : i32
    %dma_start3A_973 = arith.constant 12288 : i32
    %dma_start3A_974 = tpu.memref_slice %arg7[%dma_start3A_973] : memref<32768xf32, #tpu.memory_space<vmem>> -> memref<4096xf32, #tpu.memory_space<vmem>>
    %dma_start3A_975 = arith.constant 0 : i32
    %dma_start3A_976 = tpu.memref_slice %arg2[%add3A_971, %dma_start3A_972, %dma_start3A_975] : memref<1024x2x4096xf32, #tpu.memory_space<hbm>> -> memref<1x1x4096xf32, #tpu.memory_space<hbm>>
    %dma_start3A_977 = tpu.memref_squeeze %dma_start3A_976 : memref<1x1x4096xf32, #tpu.memory_space<hbm>> -> memref<4096xf32, #tpu.memory_space<hbm>>
    %dma_start3A_978 = arith.constant 12288 : i32
    %dma_start3A_979 = tpu.memref_slice %arg7[%dma_start3A_978] : memref<32768xf32, #tpu.memory_space<vmem>> -> memref<4096xf32, #tpu.memory_space<vmem>>
    %dma_start3A_980 = arith.constant 0 : i32
    %dma_start3A_981 = tpu.memref_slice %arg2[%add3A_971, %dma_start3A_972, %dma_start3A_980] : memref<1024x2x4096xf32, #tpu.memory_space<hbm>> -> memref<1x1x4096xf32, #tpu.memory_space<hbm>>
    %dma_start3A_982 = tpu.memref_squeeze %dma_start3A_981 : memref<1x1x4096xf32, #tpu.memory_space<hbm>> -> memref<4096xf32, #tpu.memory_space<hbm>>
    tpu.enqueue_dma source(%dma_start3A_982 : memref<4096xf32, #tpu.memory_space<hbm>>) target(%dma_start3A_979 : memref<4096xf32, #tpu.memory_space<vmem>>) target_semaphore(%arg10 : memref<!tpu.dma_semaphore, #tpu.memory_space<semaphore_mem>>)
    %add3A_983 = arith.constant 4 : i32
    %add3A_984 = arith.addi %add3A_622, %add3A_983 : i32
    %dma_start3A_985 = arith.constant 1 : i32
    %dma_start3A_986 = arith.constant 16384 : i32
    %dma_start3A_987 = tpu.memref_slice %arg7[%dma_start3A_986] : memref<32768xf32, #tpu.memory_space<vmem>> -> memref<4096xf32, #tpu.memory_space<vmem>>
    %dma_start3A_988 = arith.constant 0 : i32
    %dma_start3A_989 = tpu.memref_slice %arg2[%add3A_984, %dma_start3A_985, %dma_start3A_988] : memref<1024x2x4096xf32, #tpu.memory_space<hbm>> -> memref<1x1x4096xf32, #tpu.memory_space<hbm>>
    %dma_start3A_990 = tpu.memref_squeeze %dma_start3A_989 : memref<1x1x4096xf32, #tpu.memory_space<hbm>> -> memref<4096xf32, #tpu.memory_space<hbm>>
    %dma_start3A_991 = arith.constant 16384 : i32
    %dma_start3A_992 = tpu.memref_slice %arg7[%dma_start3A_991] : memref<32768xf32, #tpu.memory_space<vmem>> -> memref<4096xf32, #tpu.memory_space<vmem>>
    %dma_start3A_993 = arith.constant 0 : i32
    %dma_start3A_994 = tpu.memref_slice %arg2[%add3A_984, %dma_start3A_985, %dma_start3A_993] : memref<1024x2x4096xf32, #tpu.memory_space<hbm>> -> memref<1x1x4096xf32, #tpu.memory_space<hbm>>
    %dma_start3A_995 = tpu.memref_squeeze %dma_start3A_994 : memref<1x1x4096xf32, #tpu.memory_space<hbm>> -> memref<4096xf32, #tpu.memory_space<hbm>>
    tpu.enqueue_dma source(%dma_start3A_995 : memref<4096xf32, #tpu.memory_space<hbm>>) target(%dma_start3A_992 : memref<4096xf32, #tpu.memory_space<vmem>>) target_semaphore(%arg10 : memref<!tpu.dma_semaphore, #tpu.memory_space<semaphore_mem>>)
    %add3A_996 = arith.constant 5 : i32
    %add3A_997 = arith.addi %add3A_622, %add3A_996 : i32
    %dma_start3A_998 = arith.constant 1 : i32
    %dma_start3A_999 = arith.constant 20480 : i32
    %dma_start3A_1000 = tpu.memref_slice %arg7[%dma_start3A_999] : memref<32768xf32, #tpu.memory_space<vmem>> -> memref<4096xf32, #tpu.memory_space<vmem>>
    %dma_start3A_1001 = arith.constant 0 : i32
    %dma_start3A_1002 = tpu.memref_slice %arg2[%add3A_997, %dma_start3A_998, %dma_start3A_1001] : memref<1024x2x4096xf32, #tpu.memory_space<hbm>> -> memref<1x1x4096xf32, #tpu.memory_space<hbm>>
    %dma_start3A_1003 = tpu.memref_squeeze %dma_start3A_1002 : memref<1x1x4096xf32, #tpu.memory_space<hbm>> -> memref<4096xf32, #tpu.memory_space<hbm>>
    %dma_start3A_1004 = arith.constant 20480 : i32
    %dma_start3A_1005 = tpu.memref_slice %arg7[%dma_start3A_1004] : memref<32768xf32, #tpu.memory_space<vmem>> -> memref<4096xf32, #tpu.memory_space<vmem>>
    %dma_start3A_1006 = arith.constant 0 : i32
    %dma_start3A_1007 = tpu.memref_slice %arg2[%add3A_997, %dma_start3A_998, %dma_start3A_1006] : memref<1024x2x4096xf32, #tpu.memory_space<hbm>> -> memref<1x1x4096xf32, #tpu.memory_space<hbm>>
    %dma_start3A_1008 = tpu.memref_squeeze %dma_start3A_1007 : memref<1x1x4096xf32, #tpu.memory_space<hbm>> -> memref<4096xf32, #tpu.memory_space<hbm>>
    tpu.enqueue_dma source(%dma_start3A_1008 : memref<4096xf32, #tpu.memory_space<hbm>>) target(%dma_start3A_1005 : memref<4096xf32, #tpu.memory_space<vmem>>) target_semaphore(%arg10 : memref<!tpu.dma_semaphore, #tpu.memory_space<semaphore_mem>>)
    %add3A_1009 = arith.constant 6 : i32
    %add3A_1010 = arith.addi %add3A_622, %add3A_1009 : i32
    %dma_start3A_1011 = arith.constant 1 : i32
    %dma_start3A_1012 = arith.constant 24576 : i32
    %dma_start3A_1013 = tpu.memref_slice %arg7[%dma_start3A_1012] : memref<32768xf32, #tpu.memory_space<vmem>> -> memref<4096xf32, #tpu.memory_space<vmem>>
    %dma_start3A_1014 = arith.constant 0 : i32
    %dma_start3A_1015 = tpu.memref_slice %arg2[%add3A_1010, %dma_start3A_1011, %dma_start3A_1014] : memref<1024x2x4096xf32, #tpu.memory_space<hbm>> -> memref<1x1x4096xf32, #tpu.memory_space<hbm>>
    %dma_start3A_1016 = tpu.memref_squeeze %dma_start3A_1015 : memref<1x1x4096xf32, #tpu.memory_space<hbm>> -> memref<4096xf32, #tpu.memory_space<hbm>>
    %dma_start3A_1017 = arith.constant 24576 : i32
    %dma_start3A_1018 = tpu.memref_slice %arg7[%dma_start3A_1017] : memref<32768xf32, #tpu.memory_space<vmem>> -> memref<4096xf32, #tpu.memory_space<vmem>>
    %dma_start3A_1019 = arith.constant 0 : i32
    %dma_start3A_1020 = tpu.memref_slice %arg2[%add3A_1010, %dma_start3A_1011, %dma_start3A_1019] : memref<1024x2x4096xf32, #tpu.memory_space<hbm>> -> memref<1x1x4096xf32, #tpu.memory_space<hbm>>
    %dma_start3A_1021 = tpu.memref_squeeze %dma_start3A_1020 : memref<1x1x4096xf32, #tpu.memory_space<hbm>> -> memref<4096xf32, #tpu.memory_space<hbm>>
    tpu.enqueue_dma source(%dma_start3A_1021 : memref<4096xf32, #tpu.memory_space<hbm>>) target(%dma_start3A_1018 : memref<4096xf32, #tpu.memory_space<vmem>>) target_semaphore(%arg10 : memref<!tpu.dma_semaphore, #tpu.memory_space<semaphore_mem>>)
    %add3A_1022 = arith.constant 7 : i32
    %add3A_1023 = arith.addi %add3A_622, %add3A_1022 : i32
    %dma_start3A_1024 = arith.constant 1 : i32
    %dma_start3A_1025 = arith.constant 28672 : i32
    %dma_start3A_1026 = tpu.memref_slice %arg7[%dma_start3A_1025] : memref<32768xf32, #tpu.memory_space<vmem>> -> memref<4096xf32, #tpu.memory_space<vmem>>
    %dma_start3A_1027 = arith.constant 0 : i32
    %dma_start3A_1028 = tpu.memref_slice %arg2[%add3A_1023, %dma_start3A_1024, %dma_start3A_1027] : memref<1024x2x4096xf32, #tpu.memory_space<hbm>> -> memref<1x1x4096xf32, #tpu.memory_space<hbm>>
    %dma_start3A_1029 = tpu.memref_squeeze %dma_start3A_1028 : memref<1x1x4096xf32, #tpu.memory_space<hbm>> -> memref<4096xf32, #tpu.memory_space<hbm>>
    %dma_start3A_1030 = arith.constant 28672 : i32
    %dma_start3A_1031 = tpu.memref_slice %arg7[%dma_start3A_1030] : memref<32768xf32, #tpu.memory_space<vmem>> -> memref<4096xf32, #tpu.memory_space<vmem>>
    %dma_start3A_1032 = arith.constant 0 : i32
    %dma_start3A_1033 = tpu.memref_slice %arg2[%add3A_1023, %dma_start3A_1024, %dma_start3A_1032] : memref<1024x2x4096xf32, #tpu.memory_space<hbm>> -> memref<1x1x4096xf32, #tpu.memory_space<hbm>>
    %dma_start3A_1034 = tpu.memref_squeeze %dma_start3A_1033 : memref<1x1x4096xf32, #tpu.memory_space<hbm>> -> memref<4096xf32, #tpu.memory_space<hbm>>
    tpu.enqueue_dma source(%dma_start3A_1034 : memref<4096xf32, #tpu.memory_space<hbm>>) target(%dma_start3A_1031 : memref<4096xf32, #tpu.memory_space<vmem>>) target_semaphore(%arg10 : memref<!tpu.dma_semaphore, #tpu.memory_space<semaphore_mem>>)
    %dma_wait3A_1035 = arith.constant 1 : i32
    %dma_wait3A_1036 = arith.constant 0 : i32
    %dma_wait3A_1037 = tpu.memref_slice %arg7[%dma_wait3A_1036] : memref<32768xf32, #tpu.memory_space<vmem>> -> memref<4096xf32, #tpu.memory_space<vmem>>
    %dma_wait3A_1038 = arith.constant 0 : i32
    %dma_wait3A_1039 = tpu.memref_slice %arg2[%add3A_932, %dma_wait3A_1035, %dma_wait3A_1038] : memref<1024x2x4096xf32, #tpu.memory_space<hbm>> -> memref<1x1x4096xf32, #tpu.memory_space<hbm>>
    %dma_wait3A_1040 = tpu.memref_squeeze %dma_wait3A_1039 : memref<1x1x4096xf32, #tpu.memory_space<hbm>> -> memref<4096xf32, #tpu.memory_space<hbm>>
    %dma_wait3A_1041 = arith.constant 0 : i32
    %dma_wait3A_1042 = tpu.memref_slice %arg7[%dma_wait3A_1041] : memref<32768xf32, #tpu.memory_space<vmem>> -> memref<4096xf32, #tpu.memory_space<vmem>>
    %dma_wait3A_1043 = arith.constant 0 : i32
    %dma_wait3A_1044 = tpu.memref_slice %arg2[%add3A_932, %dma_wait3A_1035, %dma_wait3A_1043] : memref<1024x2x4096xf32, #tpu.memory_space<hbm>> -> memref<1x1x4096xf32, #tpu.memory_space<hbm>>
    %dma_wait3A_1045 = tpu.memref_squeeze %dma_wait3A_1044 : memref<1x1x4096xf32, #tpu.memory_space<hbm>> -> memref<4096xf32, #tpu.memory_space<hbm>>
    tpu.wait_dma2 semaphore(%arg10 : memref<!tpu.dma_semaphore, #tpu.memory_space<semaphore_mem>>) src(%dma_wait3A_1045 : memref<4096xf32, #tpu.memory_space<hbm>>) dst(%dma_wait3A_1042 : memref<4096xf32, #tpu.memory_space<vmem>>)
    %dma_wait3A_1046 = arith.constant 1 : i32
    %dma_wait3A_1047 = arith.constant 4096 : i32
    %dma_wait3A_1048 = tpu.memref_slice %arg7[%dma_wait3A_1047] : memref<32768xf32, #tpu.memory_space<vmem>> -> memref<4096xf32, #tpu.memory_space<vmem>>
    %dma_wait3A_1049 = arith.constant 0 : i32
    %dma_wait3A_1050 = tpu.memref_slice %arg2[%add3A_945, %dma_wait3A_1046, %dma_wait3A_1049] : memref<1024x2x4096xf32, #tpu.memory_space<hbm>> -> memref<1x1x4096xf32, #tpu.memory_space<hbm>>
    %dma_wait3A_1051 = tpu.memref_squeeze %dma_wait3A_1050 : memref<1x1x4096xf32, #tpu.memory_space<hbm>> -> memref<4096xf32, #tpu.memory_space<hbm>>
    %dma_wait3A_1052 = arith.constant 4096 : i32
    %dma_wait3A_1053 = tpu.memref_slice %arg7[%dma_wait3A_1052] : memref<32768xf32, #tpu.memory_space<vmem>> -> memref<4096xf32, #tpu.memory_space<vmem>>
    %dma_wait3A_1054 = arith.constant 0 : i32
    %dma_wait3A_1055 = tpu.memref_slice %arg2[%add3A_945, %dma_wait3A_1046, %dma_wait3A_1054] : memref<1024x2x4096xf32, #tpu.memory_space<hbm>> -> memref<1x1x4096xf32, #tpu.memory_space<hbm>>
    %dma_wait3A_1056 = tpu.memref_squeeze %dma_wait3A_1055 : memref<1x1x4096xf32, #tpu.memory_space<hbm>> -> memref<4096xf32, #tpu.memory_space<hbm>>
    tpu.wait_dma2 semaphore(%arg10 : memref<!tpu.dma_semaphore, #tpu.memory_space<semaphore_mem>>) src(%dma_wait3A_1056 : memref<4096xf32, #tpu.memory_space<hbm>>) dst(%dma_wait3A_1053 : memref<4096xf32, #tpu.memory_space<vmem>>)
    %dma_wait3A_1057 = arith.constant 1 : i32
    %dma_wait3A_1058 = arith.constant 8192 : i32
    %dma_wait3A_1059 = tpu.memref_slice %arg7[%dma_wait3A_1058] : memref<32768xf32, #tpu.memory_space<vmem>> -> memref<4096xf32, #tpu.memory_space<vmem>>
    %dma_wait3A_1060 = arith.constant 0 : i32
    %dma_wait3A_1061 = tpu.memref_slice %arg2[%add3A_958, %dma_wait3A_1057, %dma_wait3A_1060] : memref<1024x2x4096xf32, #tpu.memory_space<hbm>> -> memref<1x1x4096xf32, #tpu.memory_space<hbm>>
    %dma_wait3A_1062 = tpu.memref_squeeze %dma_wait3A_1061 : memref<1x1x4096xf32, #tpu.memory_space<hbm>> -> memref<4096xf32, #tpu.memory_space<hbm>>
    %dma_wait3A_1063 = arith.constant 8192 : i32
    %dma_wait3A_1064 = tpu.memref_slice %arg7[%dma_wait3A_1063] : memref<32768xf32, #tpu.memory_space<vmem>> -> memref<4096xf32, #tpu.memory_space<vmem>>
    %dma_wait3A_1065 = arith.constant 0 : i32
    %dma_wait3A_1066 = tpu.memref_slice %arg2[%add3A_958, %dma_wait3A_1057, %dma_wait3A_1065] : memref<1024x2x4096xf32, #tpu.memory_space<hbm>> -> memref<1x1x4096xf32, #tpu.memory_space<hbm>>
    %dma_wait3A_1067 = tpu.memref_squeeze %dma_wait3A_1066 : memref<1x1x4096xf32, #tpu.memory_space<hbm>> -> memref<4096xf32, #tpu.memory_space<hbm>>
    tpu.wait_dma2 semaphore(%arg10 : memref<!tpu.dma_semaphore, #tpu.memory_space<semaphore_mem>>) src(%dma_wait3A_1067 : memref<4096xf32, #tpu.memory_space<hbm>>) dst(%dma_wait3A_1064 : memref<4096xf32, #tpu.memory_space<vmem>>)
    %dma_wait3A_1068 = arith.constant 1 : i32
    %dma_wait3A_1069 = arith.constant 12288 : i32
    %dma_wait3A_1070 = tpu.memref_slice %arg7[%dma_wait3A_1069] : memref<32768xf32, #tpu.memory_space<vmem>> -> memref<4096xf32, #tpu.memory_space<vmem>>
    %dma_wait3A_1071 = arith.constant 0 : i32
    %dma_wait3A_1072 = tpu.memref_slice %arg2[%add3A_971, %dma_wait3A_1068, %dma_wait3A_1071] : memref<1024x2x4096xf32, #tpu.memory_space<hbm>> -> memref<1x1x4096xf32, #tpu.memory_space<hbm>>
    %dma_wait3A_1073 = tpu.memref_squeeze %dma_wait3A_1072 : memref<1x1x4096xf32, #tpu.memory_space<hbm>> -> memref<4096xf32, #tpu.memory_space<hbm>>
    %dma_wait3A_1074 = arith.constant 12288 : i32
    %dma_wait3A_1075 = tpu.memref_slice %arg7[%dma_wait3A_1074] : memref<32768xf32, #tpu.memory_space<vmem>> -> memref<4096xf32, #tpu.memory_space<vmem>>
    %dma_wait3A_1076 = arith.constant 0 : i32
    %dma_wait3A_1077 = tpu.memref_slice %arg2[%add3A_971, %dma_wait3A_1068, %dma_wait3A_1076] : memref<1024x2x4096xf32, #tpu.memory_space<hbm>> -> memref<1x1x4096xf32, #tpu.memory_space<hbm>>
    %dma_wait3A_1078 = tpu.memref_squeeze %dma_wait3A_1077 : memref<1x1x4096xf32, #tpu.memory_space<hbm>> -> memref<4096xf32, #tpu.memory_space<hbm>>
    tpu.wait_dma2 semaphore(%arg10 : memref<!tpu.dma_semaphore, #tpu.memory_space<semaphore_mem>>) src(%dma_wait3A_1078 : memref<4096xf32, #tpu.memory_space<hbm>>) dst(%dma_wait3A_1075 : memref<4096xf32, #tpu.memory_space<vmem>>)
    %dma_wait3A_1079 = arith.constant 1 : i32
    %dma_wait3A_1080 = arith.constant 16384 : i32
    %dma_wait3A_1081 = tpu.memref_slice %arg7[%dma_wait3A_1080] : memref<32768xf32, #tpu.memory_space<vmem>> -> memref<4096xf32, #tpu.memory_space<vmem>>
    %dma_wait3A_1082 = arith.constant 0 : i32
    %dma_wait3A_1083 = tpu.memref_slice %arg2[%add3A_984, %dma_wait3A_1079, %dma_wait3A_1082] : memref<1024x2x4096xf32, #tpu.memory_space<hbm>> -> memref<1x1x4096xf32, #tpu.memory_space<hbm>>
    %dma_wait3A_1084 = tpu.memref_squeeze %dma_wait3A_1083 : memref<1x1x4096xf32, #tpu.memory_space<hbm>> -> memref<4096xf32, #tpu.memory_space<hbm>>
    %dma_wait3A_1085 = arith.constant 16384 : i32
    %dma_wait3A_1086 = tpu.memref_slice %arg7[%dma_wait3A_1085] : memref<32768xf32, #tpu.memory_space<vmem>> -> memref<4096xf32, #tpu.memory_space<vmem>>
    %dma_wait3A_1087 = arith.constant 0 : i32
    %dma_wait3A_1088 = tpu.memref_slice %arg2[%add3A_984, %dma_wait3A_1079, %dma_wait3A_1087] : memref<1024x2x4096xf32, #tpu.memory_space<hbm>> -> memref<1x1x4096xf32, #tpu.memory_space<hbm>>
    %dma_wait3A_1089 = tpu.memref_squeeze %dma_wait3A_1088 : memref<1x1x4096xf32, #tpu.memory_space<hbm>> -> memref<4096xf32, #tpu.memory_space<hbm>>
    tpu.wait_dma2 semaphore(%arg10 : memref<!tpu.dma_semaphore, #tpu.memory_space<semaphore_mem>>) src(%dma_wait3A_1089 : memref<4096xf32, #tpu.memory_space<hbm>>) dst(%dma_wait3A_1086 : memref<4096xf32, #tpu.memory_space<vmem>>)
    %dma_wait3A_1090 = arith.constant 1 : i32
    %dma_wait3A_1091 = arith.constant 20480 : i32
    %dma_wait3A_1092 = tpu.memref_slice %arg7[%dma_wait3A_1091] : memref<32768xf32, #tpu.memory_space<vmem>> -> memref<4096xf32, #tpu.memory_space<vmem>>
    %dma_wait3A_1093 = arith.constant 0 : i32
    %dma_wait3A_1094 = tpu.memref_slice %arg2[%add3A_997, %dma_wait3A_1090, %dma_wait3A_1093] : memref<1024x2x4096xf32, #tpu.memory_space<hbm>> -> memref<1x1x4096xf32, #tpu.memory_space<hbm>>
    %dma_wait3A_1095 = tpu.memref_squeeze %dma_wait3A_1094 : memref<1x1x4096xf32, #tpu.memory_space<hbm>> -> memref<4096xf32, #tpu.memory_space<hbm>>
    %dma_wait3A_1096 = arith.constant 20480 : i32
    %dma_wait3A_1097 = tpu.memref_slice %arg7[%dma_wait3A_1096] : memref<32768xf32, #tpu.memory_space<vmem>> -> memref<4096xf32, #tpu.memory_space<vmem>>
    %dma_wait3A_1098 = arith.constant 0 : i32
    %dma_wait3A_1099 = tpu.memref_slice %arg2[%add3A_997, %dma_wait3A_1090, %dma_wait3A_1098] : memref<1024x2x4096xf32, #tpu.memory_space<hbm>> -> memref<1x1x4096xf32, #tpu.memory_space<hbm>>
    %dma_wait3A_1100 = tpu.memref_squeeze %dma_wait3A_1099 : memref<1x1x4096xf32, #tpu.memory_space<hbm>> -> memref<4096xf32, #tpu.memory_space<hbm>>
    tpu.wait_dma2 semaphore(%arg10 : memref<!tpu.dma_semaphore, #tpu.memory_space<semaphore_mem>>) src(%dma_wait3A_1100 : memref<4096xf32, #tpu.memory_space<hbm>>) dst(%dma_wait3A_1097 : memref<4096xf32, #tpu.memory_space<vmem>>)
    %dma_wait3A_1101 = arith.constant 1 : i32
    %dma_wait3A_1102 = arith.constant 24576 : i32
    %dma_wait3A_1103 = tpu.memref_slice %arg7[%dma_wait3A_1102] : memref<32768xf32, #tpu.memory_space<vmem>> -> memref<4096xf32, #tpu.memory_space<vmem>>
    %dma_wait3A_1104 = arith.constant 0 : i32
    %dma_wait3A_1105 = tpu.memref_slice %arg2[%add3A_1010, %dma_wait3A_1101, %dma_wait3A_1104] : memref<1024x2x4096xf32, #tpu.memory_space<hbm>> -> memref<1x1x4096xf32, #tpu.memory_space<hbm>>
    %dma_wait3A_1106 = tpu.memref_squeeze %dma_wait3A_1105 : memref<1x1x4096xf32, #tpu.memory_space<hbm>> -> memref<4096xf32, #tpu.memory_space<hbm>>
    %dma_wait3A_1107 = arith.constant 24576 : i32
    %dma_wait3A_1108 = tpu.memref_slice %arg7[%dma_wait3A_1107] : memref<32768xf32, #tpu.memory_space<vmem>> -> memref<4096xf32, #tpu.memory_space<vmem>>
    %dma_wait3A_1109 = arith.constant 0 : i32
    %dma_wait3A_1110 = tpu.memref_slice %arg2[%add3A_1010, %dma_wait3A_1101, %dma_wait3A_1109] : memref<1024x2x4096xf32, #tpu.memory_space<hbm>> -> memref<1x1x4096xf32, #tpu.memory_space<hbm>>
    %dma_wait3A_1111 = tpu.memref_squeeze %dma_wait3A_1110 : memref<1x1x4096xf32, #tpu.memory_space<hbm>> -> memref<4096xf32, #tpu.memory_space<hbm>>
    tpu.wait_dma2 semaphore(%arg10 : memref<!tpu.dma_semaphore, #tpu.memory_space<semaphore_mem>>) src(%dma_wait3A_1111 : memref<4096xf32, #tpu.memory_space<hbm>>) dst(%dma_wait3A_1108 : memref<4096xf32, #tpu.memory_space<vmem>>)
    %dma_wait3A_1112 = arith.constant 1 : i32
    %dma_wait3A_1113 = arith.constant 28672 : i32
    %dma_wait3A_1114 = tpu.memref_slice %arg7[%dma_wait3A_1113] : memref<32768xf32, #tpu.memory_space<vmem>> -> memref<4096xf32, #tpu.memory_space<vmem>>
    %dma_wait3A_1115 = arith.constant 0 : i32
    %dma_wait3A_1116 = tpu.memref_slice %arg2[%add3A_1023, %dma_wait3A_1112, %dma_wait3A_1115] : memref<1024x2x4096xf32, #tpu.memory_space<hbm>> -> memref<1x1x4096xf32, #tpu.memory_space<hbm>>
    %dma_wait3A_1117 = tpu.memref_squeeze %dma_wait3A_1116 : memref<1x1x4096xf32, #tpu.memory_space<hbm>> -> memref<4096xf32, #tpu.memory_space<hbm>>
    %dma_wait3A_1118 = arith.constant 28672 : i32
    %dma_wait3A_1119 = tpu.memref_slice %arg7[%dma_wait3A_1118] : memref<32768xf32, #tpu.memory_space<vmem>> -> memref<4096xf32, #tpu.memory_space<vmem>>
    %dma_wait3A_1120 = arith.constant 0 : i32
    %dma_wait3A_1121 = tpu.memref_slice %arg2[%add3A_1023, %dma_wait3A_1112, %dma_wait3A_1120] : memref<1024x2x4096xf32, #tpu.memory_space<hbm>> -> memref<1x1x4096xf32, #tpu.memory_space<hbm>>
    %dma_wait3A_1122 = tpu.memref_squeeze %dma_wait3A_1121 : memref<1x1x4096xf32, #tpu.memory_space<hbm>> -> memref<4096xf32, #tpu.memory_space<hbm>>
    tpu.wait_dma2 semaphore(%arg10 : memref<!tpu.dma_semaphore, #tpu.memory_space<semaphore_mem>>) src(%dma_wait3A_1122 : memref<4096xf32, #tpu.memory_space<hbm>>) dst(%dma_wait3A_1119 : memref<4096xf32, #tpu.memory_space<vmem>>)
    %scan3A_1123 = arith.constant 0 : i32
    %scan3A_1124 = arith.constant 2048 : i32
    %scan3A_1125 = arith.addi %scan3A_1123, %scan3A_1124 : i32
    %scan3A_1126 = arith.constant 1 : i32
    scf.for %scan3A_2475 = %scan3A_1123 to %scan3A_1125 step %scan3A_1126  : i32 {
      %mul3A_2476 = arith.constant 16 : i32
      %mul3A_2477 = arith.muli %scan3A_2475, %mul3A_2476 : i32
      %get3A_2478 = arith.index_cast %mul3A_2477 : i32 to index
      %get3A_2479 = tpu.vector_load %arg7[%get3A_2478] {strides = array<i32>} : memref<32768xf32, #tpu.memory_space<vmem>>, vector<16xf32>,
      %get3A_2480 = vector.shape_cast %get3A_2479 : vector<16xf32> to vector<16xf32>
      %mul3A_2481 = arith.constant 16 : i32
      %mul3A_2482 = arith.muli %scan3A_2475, %mul3A_2481 : i32
      %shift_right_logical3A = arith.constant 8 : i32
      %shift_right_logical3A_2483 = arith.shrui %scan3A_2475, %shift_right_logical3A : i32
      %add3A_2484 = arith.addi %mul3A_2482, %shift_right_logical3A_2483 : i32
      %add3A_2485 = arith.constant 0 : i32
      %add3A_2486 = arith.addi %add3A_2484, %add3A_2485 : i32
      %swap3A_2487 = arith.index_cast %add3A_2486 : i32 to index
      %swap3A_2488 = tpu.vector_load %arg8[%swap3A_2487] {strides = array<i32>} : memref<32776xf32, #tpu.memory_space<vmem>>, vector<16xf32>,
      %swap3A_2489 = vector.shape_cast %swap3A_2488 : vector<16xf32> to vector<16xf32>
      %swap3A_2490 = vector.shape_cast %get3A_2480 : vector<16xf32> to vector<16xf32>
      tpu.vector_store %arg8[%swap3A_2487], %swap3A_2490 {strides = array<i32>} : memref<32776xf32, #tpu.memory_space<vmem>>, vector<16xf32>,
    }
    %scan3A_1127 = arith.constant 2048 : i32
    %get3A_1128 = arith.constant 4081 : index
    %get3A_1129 = tpu.vector_load %arg8[%get3A_1128] {strides = array<i32>} : memref<32776xf32, #tpu.memory_space<vmem>>, vector<16xf32>,
    %get3A_1130 = vector.shape_cast %get3A_1129 : vector<16xf32> to vector<16xf32>
    %eq3A_1131 = arith.constant 15 : i32
    %eq3A_1132 = vector.broadcast %eq3A_1131 : i32 to vector<16xi32>
    %eq3A_1133 = arith.cmpi eq, %iota3A, %eq3A_1132 : vector<16xi32>
    %jit3A_1134 = arith.constant 2.000000e+00 : f32
    %broadcast_in_dim3A_1135 = vector.broadcast %jit3A_1134 : f32 to vector<16xf32>
    %select_n3A_1136 = arith.select %eq3A_1133, %broadcast_in_dim3A_1135, %get3A_1130 : vector<16xi1>, vector<16xf32>
    %swap3A_1137 = arith.constant 4081 : index
    %swap3A_1138 = tpu.vector_load %arg8[%swap3A_1137] {strides = array<i32>} : memref<32776xf32, #tpu.memory_space<vmem>>, vector<16xf32>,
    %swap3A_1139 = vector.shape_cast %swap3A_1138 : vector<16xf32> to vector<16xf32>
    %swap3A_1140 = vector.shape_cast %select_n3A_1136 : vector<16xf32> to vector<16xf32>
    tpu.vector_store %arg8[%swap3A_1137], %swap3A_1140 {strides = array<i32>} : memref<32776xf32, #tpu.memory_space<vmem>>, vector<16xf32>,
    %get3A_1141 = arith.constant 8178 : index
    %get3A_1142 = tpu.vector_load %arg8[%get3A_1141] {strides = array<i32>} : memref<32776xf32, #tpu.memory_space<vmem>>, vector<16xf32>,
    %get3A_1143 = vector.shape_cast %get3A_1142 : vector<16xf32> to vector<16xf32>
    %eq3A_1144 = arith.constant 15 : i32
    %eq3A_1145 = vector.broadcast %eq3A_1144 : i32 to vector<16xi32>
    %eq3A_1146 = arith.cmpi eq, %iota3A, %eq3A_1145 : vector<16xi32>
    %jit3A_1147 = arith.constant 2.000000e+00 : f32
    %broadcast_in_dim3A_1148 = vector.broadcast %jit3A_1147 : f32 to vector<16xf32>
    %select_n3A_1149 = arith.select %eq3A_1146, %broadcast_in_dim3A_1148, %get3A_1143 : vector<16xi1>, vector<16xf32>
    %swap3A_1150 = arith.constant 8178 : index
    %swap3A_1151 = tpu.vector_load %arg8[%swap3A_1150] {strides = array<i32>} : memref<32776xf32, #tpu.memory_space<vmem>>, vector<16xf32>,
    %swap3A_1152 = vector.shape_cast %swap3A_1151 : vector<16xf32> to vector<16xf32>
    %swap3A_1153 = vector.shape_cast %select_n3A_1149 : vector<16xf32> to vector<16xf32>
    tpu.vector_store %arg8[%swap3A_1150], %swap3A_1153 {strides = array<i32>} : memref<32776xf32, #tpu.memory_space<vmem>>, vector<16xf32>,
    %get3A_1154 = arith.constant 12275 : index
    %get3A_1155 = tpu.vector_load %arg8[%get3A_1154] {strides = array<i32>} : memref<32776xf32, #tpu.memory_space<vmem>>, vector<16xf32>,
    %get3A_1156 = vector.shape_cast %get3A_1155 : vector<16xf32> to vector<16xf32>
    %eq3A_1157 = arith.constant 15 : i32
    %eq3A_1158 = vector.broadcast %eq3A_1157 : i32 to vector<16xi32>
    %eq3A_1159 = arith.cmpi eq, %iota3A, %eq3A_1158 : vector<16xi32>
    %jit3A_1160 = arith.constant 2.000000e+00 : f32
    %broadcast_in_dim3A_1161 = vector.broadcast %jit3A_1160 : f32 to vector<16xf32>
    %select_n3A_1162 = arith.select %eq3A_1159, %broadcast_in_dim3A_1161, %get3A_1156 : vector<16xi1>, vector<16xf32>
    %swap3A_1163 = arith.constant 12275 : index
    %swap3A_1164 = tpu.vector_load %arg8[%swap3A_1163] {strides = array<i32>} : memref<32776xf32, #tpu.memory_space<vmem>>, vector<16xf32>,
    %swap3A_1165 = vector.shape_cast %swap3A_1164 : vector<16xf32> to vector<16xf32>
    %swap3A_1166 = vector.shape_cast %select_n3A_1162 : vector<16xf32> to vector<16xf32>
    tpu.vector_store %arg8[%swap3A_1163], %swap3A_1166 {strides = array<i32>} : memref<32776xf32, #tpu.memory_space<vmem>>, vector<16xf32>,
    %get3A_1167 = arith.constant 16372 : index
    %get3A_1168 = tpu.vector_load %arg8[%get3A_1167] {strides = array<i32>} : memref<32776xf32, #tpu.memory_space<vmem>>, vector<16xf32>,
    %get3A_1169 = vector.shape_cast %get3A_1168 : vector<16xf32> to vector<16xf32>
    %eq3A_1170 = arith.constant 15 : i32
    %eq3A_1171 = vector.broadcast %eq3A_1170 : i32 to vector<16xi32>
    %eq3A_1172 = arith.cmpi eq, %iota3A, %eq3A_1171 : vector<16xi32>
    %jit3A_1173 = arith.constant 2.000000e+00 : f32
    %broadcast_in_dim3A_1174 = vector.broadcast %jit3A_1173 : f32 to vector<16xf32>
    %select_n3A_1175 = arith.select %eq3A_1172, %broadcast_in_dim3A_1174, %get3A_1169 : vector<16xi1>, vector<16xf32>
    %swap3A_1176 = arith.constant 16372 : index
    %swap3A_1177 = tpu.vector_load %arg8[%swap3A_1176] {strides = array<i32>} : memref<32776xf32, #tpu.memory_space<vmem>>, vector<16xf32>,
    %swap3A_1178 = vector.shape_cast %swap3A_1177 : vector<16xf32> to vector<16xf32>
    %swap3A_1179 = vector.shape_cast %select_n3A_1175 : vector<16xf32> to vector<16xf32>
    tpu.vector_store %arg8[%swap3A_1176], %swap3A_1179 {strides = array<i32>} : memref<32776xf32, #tpu.memory_space<vmem>>, vector<16xf32>,
    %get3A_1180 = arith.constant 20469 : index
    %get3A_1181 = tpu.vector_load %arg8[%get3A_1180] {strides = array<i32>} : memref<32776xf32, #tpu.memory_space<vmem>>, vector<16xf32>,
    %get3A_1182 = vector.shape_cast %get3A_1181 : vector<16xf32> to vector<16xf32>
    %eq3A_1183 = arith.constant 15 : i32
    %eq3A_1184 = vector.broadcast %eq3A_1183 : i32 to vector<16xi32>
    %eq3A_1185 = arith.cmpi eq, %iota3A, %eq3A_1184 : vector<16xi32>
    %jit3A_1186 = arith.constant 2.000000e+00 : f32
    %broadcast_in_dim3A_1187 = vector.broadcast %jit3A_1186 : f32 to vector<16xf32>
    %select_n3A_1188 = arith.select %eq3A_1185, %broadcast_in_dim3A_1187, %get3A_1182 : vector<16xi1>, vector<16xf32>
    %swap3A_1189 = arith.constant 20469 : index
    %swap3A_1190 = tpu.vector_load %arg8[%swap3A_1189] {strides = array<i32>} : memref<32776xf32, #tpu.memory_space<vmem>>, vector<16xf32>,
    %swap3A_1191 = vector.shape_cast %swap3A_1190 : vector<16xf32> to vector<16xf32>
    %swap3A_1192 = vector.shape_cast %select_n3A_1188 : vector<16xf32> to vector<16xf32>
    tpu.vector_store %arg8[%swap3A_1189], %swap3A_1192 {strides = array<i32>} : memref<32776xf32, #tpu.memory_space<vmem>>, vector<16xf32>,
    %get3A_1193 = arith.constant 24566 : index
    %get3A_1194 = tpu.vector_load %arg8[%get3A_1193] {strides = array<i32>} : memref<32776xf32, #tpu.memory_space<vmem>>, vector<16xf32>,
    %get3A_1195 = vector.shape_cast %get3A_1194 : vector<16xf32> to vector<16xf32>
    %eq3A_1196 = arith.constant 15 : i32
    %eq3A_1197 = vector.broadcast %eq3A_1196 : i32 to vector<16xi32>
    %eq3A_1198 = arith.cmpi eq, %iota3A, %eq3A_1197 : vector<16xi32>
    %jit3A_1199 = arith.constant 2.000000e+00 : f32
    %broadcast_in_dim3A_1200 = vector.broadcast %jit3A_1199 : f32 to vector<16xf32>
    %select_n3A_1201 = arith.select %eq3A_1198, %broadcast_in_dim3A_1200, %get3A_1195 : vector<16xi1>, vector<16xf32>
    %swap3A_1202 = arith.constant 24566 : index
    %swap3A_1203 = tpu.vector_load %arg8[%swap3A_1202] {strides = array<i32>} : memref<32776xf32, #tpu.memory_space<vmem>>, vector<16xf32>,
    %swap3A_1204 = vector.shape_cast %swap3A_1203 : vector<16xf32> to vector<16xf32>
    %swap3A_1205 = vector.shape_cast %select_n3A_1201 : vector<16xf32> to vector<16xf32>
    tpu.vector_store %arg8[%swap3A_1202], %swap3A_1205 {strides = array<i32>} : memref<32776xf32, #tpu.memory_space<vmem>>, vector<16xf32>,
    %get3A_1206 = arith.constant 28663 : index
    %get3A_1207 = tpu.vector_load %arg8[%get3A_1206] {strides = array<i32>} : memref<32776xf32, #tpu.memory_space<vmem>>, vector<16xf32>,
    %get3A_1208 = vector.shape_cast %get3A_1207 : vector<16xf32> to vector<16xf32>
    %eq3A_1209 = arith.constant 15 : i32
    %eq3A_1210 = vector.broadcast %eq3A_1209 : i32 to vector<16xi32>
    %eq3A_1211 = arith.cmpi eq, %iota3A, %eq3A_1210 : vector<16xi32>
    %jit3A_1212 = arith.constant 2.000000e+00 : f32
    %broadcast_in_dim3A_1213 = vector.broadcast %jit3A_1212 : f32 to vector<16xf32>
    %select_n3A_1214 = arith.select %eq3A_1211, %broadcast_in_dim3A_1213, %get3A_1208 : vector<16xi1>, vector<16xf32>
    %swap3A_1215 = arith.constant 28663 : index
    %swap3A_1216 = tpu.vector_load %arg8[%swap3A_1215] {strides = array<i32>} : memref<32776xf32, #tpu.memory_space<vmem>>, vector<16xf32>,
    %swap3A_1217 = vector.shape_cast %swap3A_1216 : vector<16xf32> to vector<16xf32>
    %swap3A_1218 = vector.shape_cast %select_n3A_1214 : vector<16xf32> to vector<16xf32>
    tpu.vector_store %arg8[%swap3A_1215], %swap3A_1218 {strides = array<i32>} : memref<32776xf32, #tpu.memory_space<vmem>>, vector<16xf32>,
    %get3A_1219 = arith.constant 32760 : index
    %get3A_1220 = tpu.vector_load %arg8[%get3A_1219] {strides = array<i32>} : memref<32776xf32, #tpu.memory_space<vmem>>, vector<16xf32>,
    %get3A_1221 = vector.shape_cast %get3A_1220 : vector<16xf32> to vector<16xf32>
    %eq3A_1222 = arith.constant 15 : i32
    %eq3A_1223 = vector.broadcast %eq3A_1222 : i32 to vector<16xi32>
    %eq3A_1224 = arith.cmpi eq, %iota3A, %eq3A_1223 : vector<16xi32>
    %jit3A_1225 = arith.constant 2.000000e+00 : f32
    %broadcast_in_dim3A_1226 = vector.broadcast %jit3A_1225 : f32 to vector<16xf32>
    %select_n3A_1227 = arith.select %eq3A_1224, %broadcast_in_dim3A_1226, %get3A_1221 : vector<16xi1>, vector<16xf32>
    %swap3A_1228 = arith.constant 32760 : index
    %swap3A_1229 = tpu.vector_load %arg8[%swap3A_1228] {strides = array<i32>} : memref<32776xf32, #tpu.memory_space<vmem>>, vector<16xf32>,
    %swap3A_1230 = vector.shape_cast %swap3A_1229 : vector<16xf32> to vector<16xf32>
    %swap3A_1231 = vector.shape_cast %select_n3A_1227 : vector<16xf32> to vector<16xf32>
    tpu.vector_store %arg8[%swap3A_1228], %swap3A_1231 {strides = array<i32>} : memref<32776xf32, #tpu.memory_space<vmem>>, vector<16xf32>,
    %mul3A_1232 = arith.constant 4097 : i32
    %mul3A_1233 = arith.muli %add3A_622, %mul3A_1232 : i32
    %multiple_of3A_1234 = tpu.assume_multiple %mul3A_1233, 8 : i32
    %dma_start3A_1235 = tpu.memref_slice %arg5[%multiple_of3A_1234] : memref<4195328xf32, #tpu.memory_space<hbm>> -> memref<32776xf32, #tpu.memory_space<hbm>>
    %dma_start3A_1236 = tpu.memref_slice %arg5[%multiple_of3A_1234] : memref<4195328xf32, #tpu.memory_space<hbm>> -> memref<32776xf32, #tpu.memory_space<hbm>>
    tpu.enqueue_dma source(%arg8 : memref<32776xf32, #tpu.memory_space<vmem>>) target(%dma_start3A_1236 : memref<32776xf32, #tpu.memory_space<hbm>>) target_semaphore(%arg11 : memref<!tpu.dma_semaphore, #tpu.memory_space<semaphore_mem>>)
    %dma_wait3A_1237 = tpu.memref_slice %arg5[%multiple_of3A_1234] : memref<4195328xf32, #tpu.memory_space<hbm>> -> memref<32776xf32, #tpu.memory_space<hbm>>
    %dma_wait3A_1238 = tpu.memref_slice %arg5[%multiple_of3A_1234] : memref<4195328xf32, #tpu.memory_space<hbm>> -> memref<32776xf32, #tpu.memory_space<hbm>>
    tpu.wait_dma2 semaphore(%arg11 : memref<!tpu.dma_semaphore, #tpu.memory_space<semaphore_mem>>) src(%arg8 : memref<32776xf32, #tpu.memory_space<vmem>>) dst(%dma_wait3A_1238 : memref<32776xf32, #tpu.memory_space<hbm>>)
    %add3A_1239 = arith.constant 16 : i32
    %add3A_1240 = arith.addi %mul3A_2, %add3A_1239 : i32
    %add3A_1241 = arith.constant 0 : i32
    %add3A_1242 = arith.addi %add3A_1240, %add3A_1241 : i32
    %dma_start3A_1243 = arith.constant 0 : i32
    %dma_start3A_1244 = arith.constant 0 : i32
    %dma_start3A_1245 = tpu.memref_slice %arg7[%dma_start3A_1244] : memref<32768xf32, #tpu.memory_space<vmem>> -> memref<4096xf32, #tpu.memory_space<vmem>>
    %dma_start3A_1246 = arith.constant 0 : i32
    %dma_start3A_1247 = tpu.memref_slice %arg2[%add3A_1242, %dma_start3A_1243, %dma_start3A_1246] : memref<1024x2x4096xf32, #tpu.memory_space<hbm>> -> memref<1x1x4096xf32, #tpu.memory_space<hbm>>
    %dma_start3A_1248 = tpu.memref_squeeze %dma_start3A_1247 : memref<1x1x4096xf32, #tpu.memory_space<hbm>> -> memref<4096xf32, #tpu.memory_space<hbm>>
    %dma_start3A_1249 = arith.constant 0 : i32
    %dma_start3A_1250 = tpu.memref_slice %arg7[%dma_start3A_1249] : memref<32768xf32, #tpu.memory_space<vmem>> -> memref<4096xf32, #tpu.memory_space<vmem>>
    %dma_start3A_1251 = arith.constant 0 : i32
    %dma_start3A_1252 = tpu.memref_slice %arg2[%add3A_1242, %dma_start3A_1243, %dma_start3A_1251] : memref<1024x2x4096xf32, #tpu.memory_space<hbm>> -> memref<1x1x4096xf32, #tpu.memory_space<hbm>>
    %dma_start3A_1253 = tpu.memref_squeeze %dma_start3A_1252 : memref<1x1x4096xf32, #tpu.memory_space<hbm>> -> memref<4096xf32, #tpu.memory_space<hbm>>
    tpu.enqueue_dma source(%dma_start3A_1253 : memref<4096xf32, #tpu.memory_space<hbm>>) target(%dma_start3A_1250 : memref<4096xf32, #tpu.memory_space<vmem>>) target_semaphore(%arg10 : memref<!tpu.dma_semaphore, #tpu.memory_space<semaphore_mem>>)
    %add3A_1254 = arith.constant 1 : i32
    %add3A_1255 = arith.addi %add3A_1240, %add3A_1254 : i32
    %dma_start3A_1256 = arith.constant 0 : i32
    %dma_start3A_1257 = arith.constant 4096 : i32
    %dma_start3A_1258 = tpu.memref_slice %arg7[%dma_start3A_1257] : memref<32768xf32, #tpu.memory_space<vmem>> -> memref<4096xf32, #tpu.memory_space<vmem>>
    %dma_start3A_1259 = arith.constant 0 : i32
    %dma_start3A_1260 = tpu.memref_slice %arg2[%add3A_1255, %dma_start3A_1256, %dma_start3A_1259] : memref<1024x2x4096xf32, #tpu.memory_space<hbm>> -> memref<1x1x4096xf32, #tpu.memory_space<hbm>>
    %dma_start3A_1261 = tpu.memref_squeeze %dma_start3A_1260 : memref<1x1x4096xf32, #tpu.memory_space<hbm>> -> memref<4096xf32, #tpu.memory_space<hbm>>
    %dma_start3A_1262 = arith.constant 4096 : i32
    %dma_start3A_1263 = tpu.memref_slice %arg7[%dma_start3A_1262] : memref<32768xf32, #tpu.memory_space<vmem>> -> memref<4096xf32, #tpu.memory_space<vmem>>
    %dma_start3A_1264 = arith.constant 0 : i32
    %dma_start3A_1265 = tpu.memref_slice %arg2[%add3A_1255, %dma_start3A_1256, %dma_start3A_1264] : memref<1024x2x4096xf32, #tpu.memory_space<hbm>> -> memref<1x1x4096xf32, #tpu.memory_space<hbm>>
    %dma_start3A_1266 = tpu.memref_squeeze %dma_start3A_1265 : memref<1x1x4096xf32, #tpu.memory_space<hbm>> -> memref<4096xf32, #tpu.memory_space<hbm>>
    tpu.enqueue_dma source(%dma_start3A_1266 : memref<4096xf32, #tpu.memory_space<hbm>>) target(%dma_start3A_1263 : memref<4096xf32, #tpu.memory_space<vmem>>) target_semaphore(%arg10 : memref<!tpu.dma_semaphore, #tpu.memory_space<semaphore_mem>>)
    %add3A_1267 = arith.constant 2 : i32
    %add3A_1268 = arith.addi %add3A_1240, %add3A_1267 : i32
    %dma_start3A_1269 = arith.constant 0 : i32
    %dma_start3A_1270 = arith.constant 8192 : i32
    %dma_start3A_1271 = tpu.memref_slice %arg7[%dma_start3A_1270] : memref<32768xf32, #tpu.memory_space<vmem>> -> memref<4096xf32, #tpu.memory_space<vmem>>
    %dma_start3A_1272 = arith.constant 0 : i32
    %dma_start3A_1273 = tpu.memref_slice %arg2[%add3A_1268, %dma_start3A_1269, %dma_start3A_1272] : memref<1024x2x4096xf32, #tpu.memory_space<hbm>> -> memref<1x1x4096xf32, #tpu.memory_space<hbm>>
    %dma_start3A_1274 = tpu.memref_squeeze %dma_start3A_1273 : memref<1x1x4096xf32, #tpu.memory_space<hbm>> -> memref<4096xf32, #tpu.memory_space<hbm>>
    %dma_start3A_1275 = arith.constant 8192 : i32
    %dma_start3A_1276 = tpu.memref_slice %arg7[%dma_start3A_1275] : memref<32768xf32, #tpu.memory_space<vmem>> -> memref<4096xf32, #tpu.memory_space<vmem>>
    %dma_start3A_1277 = arith.constant 0 : i32
    %dma_start3A_1278 = tpu.memref_slice %arg2[%add3A_1268, %dma_start3A_1269, %dma_start3A_1277] : memref<1024x2x4096xf32, #tpu.memory_space<hbm>> -> memref<1x1x4096xf32, #tpu.memory_space<hbm>>
    %dma_start3A_1279 = tpu.memref_squeeze %dma_start3A_1278 : memref<1x1x4096xf32, #tpu.memory_space<hbm>> -> memref<4096xf32, #tpu.memory_space<hbm>>
    tpu.enqueue_dma source(%dma_start3A_1279 : memref<4096xf32, #tpu.memory_space<hbm>>) target(%dma_start3A_1276 : memref<4096xf32, #tpu.memory_space<vmem>>) target_semaphore(%arg10 : memref<!tpu.dma_semaphore, #tpu.memory_space<semaphore_mem>>)
    %add3A_1280 = arith.constant 3 : i32
    %add3A_1281 = arith.addi %add3A_1240, %add3A_1280 : i32
    %dma_start3A_1282 = arith.constant 0 : i32
    %dma_start3A_1283 = arith.constant 12288 : i32
    %dma_start3A_1284 = tpu.memref_slice %arg7[%dma_start3A_1283] : memref<32768xf32, #tpu.memory_space<vmem>> -> memref<4096xf32, #tpu.memory_space<vmem>>
    %dma_start3A_1285 = arith.constant 0 : i32
    %dma_start3A_1286 = tpu.memref_slice %arg2[%add3A_1281, %dma_start3A_1282, %dma_start3A_1285] : memref<1024x2x4096xf32, #tpu.memory_space<hbm>> -> memref<1x1x4096xf32, #tpu.memory_space<hbm>>
    %dma_start3A_1287 = tpu.memref_squeeze %dma_start3A_1286 : memref<1x1x4096xf32, #tpu.memory_space<hbm>> -> memref<4096xf32, #tpu.memory_space<hbm>>
    %dma_start3A_1288 = arith.constant 12288 : i32
    %dma_start3A_1289 = tpu.memref_slice %arg7[%dma_start3A_1288] : memref<32768xf32, #tpu.memory_space<vmem>> -> memref<4096xf32, #tpu.memory_space<vmem>>
    %dma_start3A_1290 = arith.constant 0 : i32
    %dma_start3A_1291 = tpu.memref_slice %arg2[%add3A_1281, %dma_start3A_1282, %dma_start3A_1290] : memref<1024x2x4096xf32, #tpu.memory_space<hbm>> -> memref<1x1x4096xf32, #tpu.memory_space<hbm>>
    %dma_start3A_1292 = tpu.memref_squeeze %dma_start3A_1291 : memref<1x1x4096xf32, #tpu.memory_space<hbm>> -> memref<4096xf32, #tpu.memory_space<hbm>>
    tpu.enqueue_dma source(%dma_start3A_1292 : memref<4096xf32, #tpu.memory_space<hbm>>) target(%dma_start3A_1289 : memref<4096xf32, #tpu.memory_space<vmem>>) target_semaphore(%arg10 : memref<!tpu.dma_semaphore, #tpu.memory_space<semaphore_mem>>)
    %add3A_1293 = arith.constant 4 : i32
    %add3A_1294 = arith.addi %add3A_1240, %add3A_1293 : i32
    %dma_start3A_1295 = arith.constant 0 : i32
    %dma_start3A_1296 = arith.constant 16384 : i32
    %dma_start3A_1297 = tpu.memref_slice %arg7[%dma_start3A_1296] : memref<32768xf32, #tpu.memory_space<vmem>> -> memref<4096xf32, #tpu.memory_space<vmem>>
    %dma_start3A_1298 = arith.constant 0 : i32
    %dma_start3A_1299 = tpu.memref_slice %arg2[%add3A_1294, %dma_start3A_1295, %dma_start3A_1298] : memref<1024x2x4096xf32, #tpu.memory_space<hbm>> -> memref<1x1x4096xf32, #tpu.memory_space<hbm>>
    %dma_start3A_1300 = tpu.memref_squeeze %dma_start3A_1299 : memref<1x1x4096xf32, #tpu.memory_space<hbm>> -> memref<4096xf32, #tpu.memory_space<hbm>>
    %dma_start3A_1301 = arith.constant 16384 : i32
    %dma_start3A_1302 = tpu.memref_slice %arg7[%dma_start3A_1301] : memref<32768xf32, #tpu.memory_space<vmem>> -> memref<4096xf32, #tpu.memory_space<vmem>>
    %dma_start3A_1303 = arith.constant 0 : i32
    %dma_start3A_1304 = tpu.memref_slice %arg2[%add3A_1294, %dma_start3A_1295, %dma_start3A_1303] : memref<1024x2x4096xf32, #tpu.memory_space<hbm>> -> memref<1x1x4096xf32, #tpu.memory_space<hbm>>
    %dma_start3A_1305 = tpu.memref_squeeze %dma_start3A_1304 : memref<1x1x4096xf32, #tpu.memory_space<hbm>> -> memref<4096xf32, #tpu.memory_space<hbm>>
    tpu.enqueue_dma source(%dma_start3A_1305 : memref<4096xf32, #tpu.memory_space<hbm>>) target(%dma_start3A_1302 : memref<4096xf32, #tpu.memory_space<vmem>>) target_semaphore(%arg10 : memref<!tpu.dma_semaphore, #tpu.memory_space<semaphore_mem>>)
    %add3A_1306 = arith.constant 5 : i32
    %add3A_1307 = arith.addi %add3A_1240, %add3A_1306 : i32
    %dma_start3A_1308 = arith.constant 0 : i32
    %dma_start3A_1309 = arith.constant 20480 : i32
    %dma_start3A_1310 = tpu.memref_slice %arg7[%dma_start3A_1309] : memref<32768xf32, #tpu.memory_space<vmem>> -> memref<4096xf32, #tpu.memory_space<vmem>>
    %dma_start3A_1311 = arith.constant 0 : i32
    %dma_start3A_1312 = tpu.memref_slice %arg2[%add3A_1307, %dma_start3A_1308, %dma_start3A_1311] : memref<1024x2x4096xf32, #tpu.memory_space<hbm>> -> memref<1x1x4096xf32, #tpu.memory_space<hbm>>
    %dma_start3A_1313 = tpu.memref_squeeze %dma_start3A_1312 : memref<1x1x4096xf32, #tpu.memory_space<hbm>> -> memref<4096xf32, #tpu.memory_space<hbm>>
    %dma_start3A_1314 = arith.constant 20480 : i32
    %dma_start3A_1315 = tpu.memref_slice %arg7[%dma_start3A_1314] : memref<32768xf32, #tpu.memory_space<vmem>> -> memref<4096xf32, #tpu.memory_space<vmem>>
    %dma_start3A_1316 = arith.constant 0 : i32
    %dma_start3A_1317 = tpu.memref_slice %arg2[%add3A_1307, %dma_start3A_1308, %dma_start3A_1316] : memref<1024x2x4096xf32, #tpu.memory_space<hbm>> -> memref<1x1x4096xf32, #tpu.memory_space<hbm>>
    %dma_start3A_1318 = tpu.memref_squeeze %dma_start3A_1317 : memref<1x1x4096xf32, #tpu.memory_space<hbm>> -> memref<4096xf32, #tpu.memory_space<hbm>>
    tpu.enqueue_dma source(%dma_start3A_1318 : memref<4096xf32, #tpu.memory_space<hbm>>) target(%dma_start3A_1315 : memref<4096xf32, #tpu.memory_space<vmem>>) target_semaphore(%arg10 : memref<!tpu.dma_semaphore, #tpu.memory_space<semaphore_mem>>)
    %add3A_1319 = arith.constant 6 : i32
    %add3A_1320 = arith.addi %add3A_1240, %add3A_1319 : i32
    %dma_start3A_1321 = arith.constant 0 : i32
    %dma_start3A_1322 = arith.constant 24576 : i32
    %dma_start3A_1323 = tpu.memref_slice %arg7[%dma_start3A_1322] : memref<32768xf32, #tpu.memory_space<vmem>> -> memref<4096xf32, #tpu.memory_space<vmem>>
    %dma_start3A_1324 = arith.constant 0 : i32
    %dma_start3A_1325 = tpu.memref_slice %arg2[%add3A_1320, %dma_start3A_1321, %dma_start3A_1324] : memref<1024x2x4096xf32, #tpu.memory_space<hbm>> -> memref<1x1x4096xf32, #tpu.memory_space<hbm>>
    %dma_start3A_1326 = tpu.memref_squeeze %dma_start3A_1325 : memref<1x1x4096xf32, #tpu.memory_space<hbm>> -> memref<4096xf32, #tpu.memory_space<hbm>>
    %dma_start3A_1327 = arith.constant 24576 : i32
    %dma_start3A_1328 = tpu.memref_slice %arg7[%dma_start3A_1327] : memref<32768xf32, #tpu.memory_space<vmem>> -> memref<4096xf32, #tpu.memory_space<vmem>>
    %dma_start3A_1329 = arith.constant 0 : i32
    %dma_start3A_1330 = tpu.memref_slice %arg2[%add3A_1320, %dma_start3A_1321, %dma_start3A_1329] : memref<1024x2x4096xf32, #tpu.memory_space<hbm>> -> memref<1x1x4096xf32, #tpu.memory_space<hbm>>
    %dma_start3A_1331 = tpu.memref_squeeze %dma_start3A_1330 : memref<1x1x4096xf32, #tpu.memory_space<hbm>> -> memref<4096xf32, #tpu.memory_space<hbm>>
    tpu.enqueue_dma source(%dma_start3A_1331 : memref<4096xf32, #tpu.memory_space<hbm>>) target(%dma_start3A_1328 : memref<4096xf32, #tpu.memory_space<vmem>>) target_semaphore(%arg10 : memref<!tpu.dma_semaphore, #tpu.memory_space<semaphore_mem>>)
    %add3A_1332 = arith.constant 7 : i32
    %add3A_1333 = arith.addi %add3A_1240, %add3A_1332 : i32
    %dma_start3A_1334 = arith.constant 0 : i32
    %dma_start3A_1335 = arith.constant 28672 : i32
    %dma_start3A_1336 = tpu.memref_slice %arg7[%dma_start3A_1335] : memref<32768xf32, #tpu.memory_space<vmem>> -> memref<4096xf32, #tpu.memory_space<vmem>>
    %dma_start3A_1337 = arith.constant 0 : i32
    %dma_start3A_1338 = tpu.memref_slice %arg2[%add3A_1333, %dma_start3A_1334, %dma_start3A_1337] : memref<1024x2x4096xf32, #tpu.memory_space<hbm>> -> memref<1x1x4096xf32, #tpu.memory_space<hbm>>
    %dma_start3A_1339 = tpu.memref_squeeze %dma_start3A_1338 : memref<1x1x4096xf32, #tpu.memory_space<hbm>> -> memref<4096xf32, #tpu.memory_space<hbm>>
    %dma_start3A_1340 = arith.constant 28672 : i32
    %dma_start3A_1341 = tpu.memref_slice %arg7[%dma_start3A_1340] : memref<32768xf32, #tpu.memory_space<vmem>> -> memref<4096xf32, #tpu.memory_space<vmem>>
    %dma_start3A_1342 = arith.constant 0 : i32
    %dma_start3A_1343 = tpu.memref_slice %arg2[%add3A_1333, %dma_start3A_1334, %dma_start3A_1342] : memref<1024x2x4096xf32, #tpu.memory_space<hbm>> -> memref<1x1x4096xf32, #tpu.memory_space<hbm>>
    %dma_start3A_1344 = tpu.memref_squeeze %dma_start3A_1343 : memref<1x1x4096xf32, #tpu.memory_space<hbm>> -> memref<4096xf32, #tpu.memory_space<hbm>>
    tpu.enqueue_dma source(%dma_start3A_1344 : memref<4096xf32, #tpu.memory_space<hbm>>) target(%dma_start3A_1341 : memref<4096xf32, #tpu.memory_space<vmem>>) target_semaphore(%arg10 : memref<!tpu.dma_semaphore, #tpu.memory_space<semaphore_mem>>)
    %dma_wait3A_1345 = arith.constant 0 : i32
    %dma_wait3A_1346 = arith.constant 0 : i32
    %dma_wait3A_1347 = tpu.memref_slice %arg7[%dma_wait3A_1346] : memref<32768xf32, #tpu.memory_space<vmem>> -> memref<4096xf32, #tpu.memory_space<vmem>>
    %dma_wait3A_1348 = arith.constant 0 : i32
    %dma_wait3A_1349 = tpu.memref_slice %arg2[%add3A_1242, %dma_wait3A_1345, %dma_wait3A_1348] : memref<1024x2x4096xf32, #tpu.memory_space<hbm>> -> memref<1x1x4096xf32, #tpu.memory_space<hbm>>
    %dma_wait3A_1350 = tpu.memref_squeeze %dma_wait3A_1349 : memref<1x1x4096xf32, #tpu.memory_space<hbm>> -> memref<4096xf32, #tpu.memory_space<hbm>>
    %dma_wait3A_1351 = arith.constant 0 : i32
    %dma_wait3A_1352 = tpu.memref_slice %arg7[%dma_wait3A_1351] : memref<32768xf32, #tpu.memory_space<vmem>> -> memref<4096xf32, #tpu.memory_space<vmem>>
    %dma_wait3A_1353 = arith.constant 0 : i32
    %dma_wait3A_1354 = tpu.memref_slice %arg2[%add3A_1242, %dma_wait3A_1345, %dma_wait3A_1353] : memref<1024x2x4096xf32, #tpu.memory_space<hbm>> -> memref<1x1x4096xf32, #tpu.memory_space<hbm>>
    %dma_wait3A_1355 = tpu.memref_squeeze %dma_wait3A_1354 : memref<1x1x4096xf32, #tpu.memory_space<hbm>> -> memref<4096xf32, #tpu.memory_space<hbm>>
    tpu.wait_dma2 semaphore(%arg10 : memref<!tpu.dma_semaphore, #tpu.memory_space<semaphore_mem>>) src(%dma_wait3A_1355 : memref<4096xf32, #tpu.memory_space<hbm>>) dst(%dma_wait3A_1352 : memref<4096xf32, #tpu.memory_space<vmem>>)
    %dma_wait3A_1356 = arith.constant 0 : i32
    %dma_wait3A_1357 = arith.constant 4096 : i32
    %dma_wait3A_1358 = tpu.memref_slice %arg7[%dma_wait3A_1357] : memref<32768xf32, #tpu.memory_space<vmem>> -> memref<4096xf32, #tpu.memory_space<vmem>>
    %dma_wait3A_1359 = arith.constant 0 : i32
    %dma_wait3A_1360 = tpu.memref_slice %arg2[%add3A_1255, %dma_wait3A_1356, %dma_wait3A_1359] : memref<1024x2x4096xf32, #tpu.memory_space<hbm>> -> memref<1x1x4096xf32, #tpu.memory_space<hbm>>
    %dma_wait3A_1361 = tpu.memref_squeeze %dma_wait3A_1360 : memref<1x1x4096xf32, #tpu.memory_space<hbm>> -> memref<4096xf32, #tpu.memory_space<hbm>>
    %dma_wait3A_1362 = arith.constant 4096 : i32
    %dma_wait3A_1363 = tpu.memref_slice %arg7[%dma_wait3A_1362] : memref<32768xf32, #tpu.memory_space<vmem>> -> memref<4096xf32, #tpu.memory_space<vmem>>
    %dma_wait3A_1364 = arith.constant 0 : i32
    %dma_wait3A_1365 = tpu.memref_slice %arg2[%add3A_1255, %dma_wait3A_1356, %dma_wait3A_1364] : memref<1024x2x4096xf32, #tpu.memory_space<hbm>> -> memref<1x1x4096xf32, #tpu.memory_space<hbm>>
    %dma_wait3A_1366 = tpu.memref_squeeze %dma_wait3A_1365 : memref<1x1x4096xf32, #tpu.memory_space<hbm>> -> memref<4096xf32, #tpu.memory_space<hbm>>
    tpu.wait_dma2 semaphore(%arg10 : memref<!tpu.dma_semaphore, #tpu.memory_space<semaphore_mem>>) src(%dma_wait3A_1366 : memref<4096xf32, #tpu.memory_space<hbm>>) dst(%dma_wait3A_1363 : memref<4096xf32, #tpu.memory_space<vmem>>)
    %dma_wait3A_1367 = arith.constant 0 : i32
    %dma_wait3A_1368 = arith.constant 8192 : i32
    %dma_wait3A_1369 = tpu.memref_slice %arg7[%dma_wait3A_1368] : memref<32768xf32, #tpu.memory_space<vmem>> -> memref<4096xf32, #tpu.memory_space<vmem>>
    %dma_wait3A_1370 = arith.constant 0 : i32
    %dma_wait3A_1371 = tpu.memref_slice %arg2[%add3A_1268, %dma_wait3A_1367, %dma_wait3A_1370] : memref<1024x2x4096xf32, #tpu.memory_space<hbm>> -> memref<1x1x4096xf32, #tpu.memory_space<hbm>>
    %dma_wait3A_1372 = tpu.memref_squeeze %dma_wait3A_1371 : memref<1x1x4096xf32, #tpu.memory_space<hbm>> -> memref<4096xf32, #tpu.memory_space<hbm>>
    %dma_wait3A_1373 = arith.constant 8192 : i32
    %dma_wait3A_1374 = tpu.memref_slice %arg7[%dma_wait3A_1373] : memref<32768xf32, #tpu.memory_space<vmem>> -> memref<4096xf32, #tpu.memory_space<vmem>>
    %dma_wait3A_1375 = arith.constant 0 : i32
    %dma_wait3A_1376 = tpu.memref_slice %arg2[%add3A_1268, %dma_wait3A_1367, %dma_wait3A_1375] : memref<1024x2x4096xf32, #tpu.memory_space<hbm>> -> memref<1x1x4096xf32, #tpu.memory_space<hbm>>
    %dma_wait3A_1377 = tpu.memref_squeeze %dma_wait3A_1376 : memref<1x1x4096xf32, #tpu.memory_space<hbm>> -> memref<4096xf32, #tpu.memory_space<hbm>>
    tpu.wait_dma2 semaphore(%arg10 : memref<!tpu.dma_semaphore, #tpu.memory_space<semaphore_mem>>) src(%dma_wait3A_1377 : memref<4096xf32, #tpu.memory_space<hbm>>) dst(%dma_wait3A_1374 : memref<4096xf32, #tpu.memory_space<vmem>>)
    %dma_wait3A_1378 = arith.constant 0 : i32
    %dma_wait3A_1379 = arith.constant 12288 : i32
    %dma_wait3A_1380 = tpu.memref_slice %arg7[%dma_wait3A_1379] : memref<32768xf32, #tpu.memory_space<vmem>> -> memref<4096xf32, #tpu.memory_space<vmem>>
    %dma_wait3A_1381 = arith.constant 0 : i32
    %dma_wait3A_1382 = tpu.memref_slice %arg2[%add3A_1281, %dma_wait3A_1378, %dma_wait3A_1381] : memref<1024x2x4096xf32, #tpu.memory_space<hbm>> -> memref<1x1x4096xf32, #tpu.memory_space<hbm>>
    %dma_wait3A_1383 = tpu.memref_squeeze %dma_wait3A_1382 : memref<1x1x4096xf32, #tpu.memory_space<hbm>> -> memref<4096xf32, #tpu.memory_space<hbm>>
    %dma_wait3A_1384 = arith.constant 12288 : i32
    %dma_wait3A_1385 = tpu.memref_slice %arg7[%dma_wait3A_1384] : memref<32768xf32, #tpu.memory_space<vmem>> -> memref<4096xf32, #tpu.memory_space<vmem>>
    %dma_wait3A_1386 = arith.constant 0 : i32
    %dma_wait3A_1387 = tpu.memref_slice %arg2[%add3A_1281, %dma_wait3A_1378, %dma_wait3A_1386] : memref<1024x2x4096xf32, #tpu.memory_space<hbm>> -> memref<1x1x4096xf32, #tpu.memory_space<hbm>>
    %dma_wait3A_1388 = tpu.memref_squeeze %dma_wait3A_1387 : memref<1x1x4096xf32, #tpu.memory_space<hbm>> -> memref<4096xf32, #tpu.memory_space<hbm>>
    tpu.wait_dma2 semaphore(%arg10 : memref<!tpu.dma_semaphore, #tpu.memory_space<semaphore_mem>>) src(%dma_wait3A_1388 : memref<4096xf32, #tpu.memory_space<hbm>>) dst(%dma_wait3A_1385 : memref<4096xf32, #tpu.memory_space<vmem>>)
    %dma_wait3A_1389 = arith.constant 0 : i32
    %dma_wait3A_1390 = arith.constant 16384 : i32
    %dma_wait3A_1391 = tpu.memref_slice %arg7[%dma_wait3A_1390] : memref<32768xf32, #tpu.memory_space<vmem>> -> memref<4096xf32, #tpu.memory_space<vmem>>
    %dma_wait3A_1392 = arith.constant 0 : i32
    %dma_wait3A_1393 = tpu.memref_slice %arg2[%add3A_1294, %dma_wait3A_1389, %dma_wait3A_1392] : memref<1024x2x4096xf32, #tpu.memory_space<hbm>> -> memref<1x1x4096xf32, #tpu.memory_space<hbm>>
    %dma_wait3A_1394 = tpu.memref_squeeze %dma_wait3A_1393 : memref<1x1x4096xf32, #tpu.memory_space<hbm>> -> memref<4096xf32, #tpu.memory_space<hbm>>
    %dma_wait3A_1395 = arith.constant 16384 : i32
    %dma_wait3A_1396 = tpu.memref_slice %arg7[%dma_wait3A_1395] : memref<32768xf32, #tpu.memory_space<vmem>> -> memref<4096xf32, #tpu.memory_space<vmem>>
    %dma_wait3A_1397 = arith.constant 0 : i32
    %dma_wait3A_1398 = tpu.memref_slice %arg2[%add3A_1294, %dma_wait3A_1389, %dma_wait3A_1397] : memref<1024x2x4096xf32, #tpu.memory_space<hbm>> -> memref<1x1x4096xf32, #tpu.memory_space<hbm>>
    %dma_wait3A_1399 = tpu.memref_squeeze %dma_wait3A_1398 : memref<1x1x4096xf32, #tpu.memory_space<hbm>> -> memref<4096xf32, #tpu.memory_space<hbm>>
    tpu.wait_dma2 semaphore(%arg10 : memref<!tpu.dma_semaphore, #tpu.memory_space<semaphore_mem>>) src(%dma_wait3A_1399 : memref<4096xf32, #tpu.memory_space<hbm>>) dst(%dma_wait3A_1396 : memref<4096xf32, #tpu.memory_space<vmem>>)
    %dma_wait3A_1400 = arith.constant 0 : i32
    %dma_wait3A_1401 = arith.constant 20480 : i32
    %dma_wait3A_1402 = tpu.memref_slice %arg7[%dma_wait3A_1401] : memref<32768xf32, #tpu.memory_space<vmem>> -> memref<4096xf32, #tpu.memory_space<vmem>>
    %dma_wait3A_1403 = arith.constant 0 : i32
    %dma_wait3A_1404 = tpu.memref_slice %arg2[%add3A_1307, %dma_wait3A_1400, %dma_wait3A_1403] : memref<1024x2x4096xf32, #tpu.memory_space<hbm>> -> memref<1x1x4096xf32, #tpu.memory_space<hbm>>
    %dma_wait3A_1405 = tpu.memref_squeeze %dma_wait3A_1404 : memref<1x1x4096xf32, #tpu.memory_space<hbm>> -> memref<4096xf32, #tpu.memory_space<hbm>>
    %dma_wait3A_1406 = arith.constant 20480 : i32
    %dma_wait3A_1407 = tpu.memref_slice %arg7[%dma_wait3A_1406] : memref<32768xf32, #tpu.memory_space<vmem>> -> memref<4096xf32, #tpu.memory_space<vmem>>
    %dma_wait3A_1408 = arith.constant 0 : i32
    %dma_wait3A_1409 = tpu.memref_slice %arg2[%add3A_1307, %dma_wait3A_1400, %dma_wait3A_1408] : memref<1024x2x4096xf32, #tpu.memory_space<hbm>> -> memref<1x1x4096xf32, #tpu.memory_space<hbm>>
    %dma_wait3A_1410 = tpu.memref_squeeze %dma_wait3A_1409 : memref<1x1x4096xf32, #tpu.memory_space<hbm>> -> memref<4096xf32, #tpu.memory_space<hbm>>
    tpu.wait_dma2 semaphore(%arg10 : memref<!tpu.dma_semaphore, #tpu.memory_space<semaphore_mem>>) src(%dma_wait3A_1410 : memref<4096xf32, #tpu.memory_space<hbm>>) dst(%dma_wait3A_1407 : memref<4096xf32, #tpu.memory_space<vmem>>)
    %dma_wait3A_1411 = arith.constant 0 : i32
    %dma_wait3A_1412 = arith.constant 24576 : i32
    %dma_wait3A_1413 = tpu.memref_slice %arg7[%dma_wait3A_1412] : memref<32768xf32, #tpu.memory_space<vmem>> -> memref<4096xf32, #tpu.memory_space<vmem>>
    %dma_wait3A_1414 = arith.constant 0 : i32
    %dma_wait3A_1415 = tpu.memref_slice %arg2[%add3A_1320, %dma_wait3A_1411, %dma_wait3A_1414] : memref<1024x2x4096xf32, #tpu.memory_space<hbm>> -> memref<1x1x4096xf32, #tpu.memory_space<hbm>>
    %dma_wait3A_1416 = tpu.memref_squeeze %dma_wait3A_1415 : memref<1x1x4096xf32, #tpu.memory_space<hbm>> -> memref<4096xf32, #tpu.memory_space<hbm>>
    %dma_wait3A_1417 = arith.constant 24576 : i32
    %dma_wait3A_1418 = tpu.memref_slice %arg7[%dma_wait3A_1417] : memref<32768xf32, #tpu.memory_space<vmem>> -> memref<4096xf32, #tpu.memory_space<vmem>>
    %dma_wait3A_1419 = arith.constant 0 : i32
    %dma_wait3A_1420 = tpu.memref_slice %arg2[%add3A_1320, %dma_wait3A_1411, %dma_wait3A_1419] : memref<1024x2x4096xf32, #tpu.memory_space<hbm>> -> memref<1x1x4096xf32, #tpu.memory_space<hbm>>
    %dma_wait3A_1421 = tpu.memref_squeeze %dma_wait3A_1420 : memref<1x1x4096xf32, #tpu.memory_space<hbm>> -> memref<4096xf32, #tpu.memory_space<hbm>>
    tpu.wait_dma2 semaphore(%arg10 : memref<!tpu.dma_semaphore, #tpu.memory_space<semaphore_mem>>) src(%dma_wait3A_1421 : memref<4096xf32, #tpu.memory_space<hbm>>) dst(%dma_wait3A_1418 : memref<4096xf32, #tpu.memory_space<vmem>>)
    %dma_wait3A_1422 = arith.constant 0 : i32
    %dma_wait3A_1423 = arith.constant 28672 : i32
    %dma_wait3A_1424 = tpu.memref_slice %arg7[%dma_wait3A_1423] : memref<32768xf32, #tpu.memory_space<vmem>> -> memref<4096xf32, #tpu.memory_space<vmem>>
    %dma_wait3A_1425 = arith.constant 0 : i32
    %dma_wait3A_1426 = tpu.memref_slice %arg2[%add3A_1333, %dma_wait3A_1422, %dma_wait3A_1425] : memref<1024x2x4096xf32, #tpu.memory_space<hbm>> -> memref<1x1x4096xf32, #tpu.memory_space<hbm>>
    %dma_wait3A_1427 = tpu.memref_squeeze %dma_wait3A_1426 : memref<1x1x4096xf32, #tpu.memory_space<hbm>> -> memref<4096xf32, #tpu.memory_space<hbm>>
    %dma_wait3A_1428 = arith.constant 28672 : i32
    %dma_wait3A_1429 = tpu.memref_slice %arg7[%dma_wait3A_1428] : memref<32768xf32, #tpu.memory_space<vmem>> -> memref<4096xf32, #tpu.memory_space<vmem>>
    %dma_wait3A_1430 = arith.constant 0 : i32
    %dma_wait3A_1431 = tpu.memref_slice %arg2[%add3A_1333, %dma_wait3A_1422, %dma_wait3A_1430] : memref<1024x2x4096xf32, #tpu.memory_space<hbm>> -> memref<1x1x4096xf32, #tpu.memory_space<hbm>>
    %dma_wait3A_1432 = tpu.memref_squeeze %dma_wait3A_1431 : memref<1x1x4096xf32, #tpu.memory_space<hbm>> -> memref<4096xf32, #tpu.memory_space<hbm>>
    tpu.wait_dma2 semaphore(%arg10 : memref<!tpu.dma_semaphore, #tpu.memory_space<semaphore_mem>>) src(%dma_wait3A_1432 : memref<4096xf32, #tpu.memory_space<hbm>>) dst(%dma_wait3A_1429 : memref<4096xf32, #tpu.memory_space<vmem>>)
    %scan3A_1433 = arith.constant 0 : i32
    %scan3A_1434 = arith.constant 2048 : i32
    %scan3A_1435 = arith.addi %scan3A_1433, %scan3A_1434 : i32
    %scan3A_1436 = arith.constant 1 : i32
    scf.for %scan3A_2475 = %scan3A_1433 to %scan3A_1435 step %scan3A_1436  : i32 {
      %mul3A_2476 = arith.constant 16 : i32
      %mul3A_2477 = arith.muli %scan3A_2475, %mul3A_2476 : i32
      %get3A_2478 = arith.index_cast %mul3A_2477 : i32 to index
      %get3A_2479 = tpu.vector_load %arg7[%get3A_2478] {strides = array<i32>} : memref<32768xf32, #tpu.memory_space<vmem>>, vector<16xf32>,
      %get3A_2480 = vector.shape_cast %get3A_2479 : vector<16xf32> to vector<16xf32>
      %mul3A_2481 = arith.constant 16 : i32
      %mul3A_2482 = arith.muli %scan3A_2475, %mul3A_2481 : i32
      %shift_right_logical3A = arith.constant 8 : i32
      %shift_right_logical3A_2483 = arith.shrui %scan3A_2475, %shift_right_logical3A : i32
      %add3A_2484 = arith.addi %mul3A_2482, %shift_right_logical3A_2483 : i32
      %add3A_2485 = arith.constant 1 : i32
      %add3A_2486 = arith.addi %add3A_2484, %add3A_2485 : i32
      %swap3A_2487 = arith.index_cast %add3A_2486 : i32 to index
      %swap3A_2488 = tpu.vector_load %arg8[%swap3A_2487] {strides = array<i32>} : memref<32776xf32, #tpu.memory_space<vmem>>, vector<16xf32>,
      %swap3A_2489 = vector.shape_cast %swap3A_2488 : vector<16xf32> to vector<16xf32>
      %swap3A_2490 = vector.shape_cast %get3A_2480 : vector<16xf32> to vector<16xf32>
      tpu.vector_store %arg8[%swap3A_2487], %swap3A_2490 {strides = array<i32>} : memref<32776xf32, #tpu.memory_space<vmem>>, vector<16xf32>,
    }
    %scan3A_1437 = arith.constant 2048 : i32
    %get3A_1438 = arith.constant 0 : index
    %get3A_1439 = tpu.vector_load %arg8[%get3A_1438] {strides = array<i32>} : memref<32776xf32, #tpu.memory_space<vmem>>, vector<16xf32>,
    %get3A_1440 = vector.shape_cast %get3A_1439 : vector<16xf32> to vector<16xf32>
    %eq3A_1441 = arith.constant 0 : i32
    %eq3A_1442 = vector.broadcast %eq3A_1441 : i32 to vector<16xi32>
    %eq3A_1443 = arith.cmpi eq, %iota3A, %eq3A_1442 : vector<16xi32>
    %jit3A_1444 = arith.constant 1.000000e+00 : f32
    %broadcast_in_dim3A_1445 = vector.broadcast %jit3A_1444 : f32 to vector<16xf32>
    %select_n3A_1446 = arith.select %eq3A_1443, %broadcast_in_dim3A_1445, %get3A_1440 : vector<16xi1>, vector<16xf32>
    %swap3A_1447 = arith.constant 0 : index
    %swap3A_1448 = tpu.vector_load %arg8[%swap3A_1447] {strides = array<i32>} : memref<32776xf32, #tpu.memory_space<vmem>>, vector<16xf32>,
    %swap3A_1449 = vector.shape_cast %swap3A_1448 : vector<16xf32> to vector<16xf32>
    %swap3A_1450 = vector.shape_cast %select_n3A_1446 : vector<16xf32> to vector<16xf32>
    tpu.vector_store %arg8[%swap3A_1447], %swap3A_1450 {strides = array<i32>} : memref<32776xf32, #tpu.memory_space<vmem>>, vector<16xf32>,
    %get3A_1451 = arith.constant 4097 : index
    %get3A_1452 = tpu.vector_load %arg8[%get3A_1451] {strides = array<i32>} : memref<32776xf32, #tpu.memory_space<vmem>>, vector<16xf32>,
    %get3A_1453 = vector.shape_cast %get3A_1452 : vector<16xf32> to vector<16xf32>
    %eq3A_1454 = arith.constant 0 : i32
    %eq3A_1455 = vector.broadcast %eq3A_1454 : i32 to vector<16xi32>
    %eq3A_1456 = arith.cmpi eq, %iota3A, %eq3A_1455 : vector<16xi32>
    %jit3A_1457 = arith.constant 1.000000e+00 : f32
    %broadcast_in_dim3A_1458 = vector.broadcast %jit3A_1457 : f32 to vector<16xf32>
    %select_n3A_1459 = arith.select %eq3A_1456, %broadcast_in_dim3A_1458, %get3A_1453 : vector<16xi1>, vector<16xf32>
    %swap3A_1460 = arith.constant 4097 : index
    %swap3A_1461 = tpu.vector_load %arg8[%swap3A_1460] {strides = array<i32>} : memref<32776xf32, #tpu.memory_space<vmem>>, vector<16xf32>,
    %swap3A_1462 = vector.shape_cast %swap3A_1461 : vector<16xf32> to vector<16xf32>
    %swap3A_1463 = vector.shape_cast %select_n3A_1459 : vector<16xf32> to vector<16xf32>
    tpu.vector_store %arg8[%swap3A_1460], %swap3A_1463 {strides = array<i32>} : memref<32776xf32, #tpu.memory_space<vmem>>, vector<16xf32>,
    %get3A_1464 = arith.constant 8194 : index
    %get3A_1465 = tpu.vector_load %arg8[%get3A_1464] {strides = array<i32>} : memref<32776xf32, #tpu.memory_space<vmem>>, vector<16xf32>,
    %get3A_1466 = vector.shape_cast %get3A_1465 : vector<16xf32> to vector<16xf32>
    %eq3A_1467 = arith.constant 0 : i32
    %eq3A_1468 = vector.broadcast %eq3A_1467 : i32 to vector<16xi32>
    %eq3A_1469 = arith.cmpi eq, %iota3A, %eq3A_1468 : vector<16xi32>
    %jit3A_1470 = arith.constant 1.000000e+00 : f32
    %broadcast_in_dim3A_1471 = vector.broadcast %jit3A_1470 : f32 to vector<16xf32>
    %select_n3A_1472 = arith.select %eq3A_1469, %broadcast_in_dim3A_1471, %get3A_1466 : vector<16xi1>, vector<16xf32>
    %swap3A_1473 = arith.constant 8194 : index
    %swap3A_1474 = tpu.vector_load %arg8[%swap3A_1473] {strides = array<i32>} : memref<32776xf32, #tpu.memory_space<vmem>>, vector<16xf32>,
    %swap3A_1475 = vector.shape_cast %swap3A_1474 : vector<16xf32> to vector<16xf32>
    %swap3A_1476 = vector.shape_cast %select_n3A_1472 : vector<16xf32> to vector<16xf32>
    tpu.vector_store %arg8[%swap3A_1473], %swap3A_1476 {strides = array<i32>} : memref<32776xf32, #tpu.memory_space<vmem>>, vector<16xf32>,
    %get3A_1477 = arith.constant 12291 : index
    %get3A_1478 = tpu.vector_load %arg8[%get3A_1477] {strides = array<i32>} : memref<32776xf32, #tpu.memory_space<vmem>>, vector<16xf32>,
    %get3A_1479 = vector.shape_cast %get3A_1478 : vector<16xf32> to vector<16xf32>
    %eq3A_1480 = arith.constant 0 : i32
    %eq3A_1481 = vector.broadcast %eq3A_1480 : i32 to vector<16xi32>
    %eq3A_1482 = arith.cmpi eq, %iota3A, %eq3A_1481 : vector<16xi32>
    %jit3A_1483 = arith.constant 1.000000e+00 : f32
    %broadcast_in_dim3A_1484 = vector.broadcast %jit3A_1483 : f32 to vector<16xf32>
    %select_n3A_1485 = arith.select %eq3A_1482, %broadcast_in_dim3A_1484, %get3A_1479 : vector<16xi1>, vector<16xf32>
    %swap3A_1486 = arith.constant 12291 : index
    %swap3A_1487 = tpu.vector_load %arg8[%swap3A_1486] {strides = array<i32>} : memref<32776xf32, #tpu.memory_space<vmem>>, vector<16xf32>,
    %swap3A_1488 = vector.shape_cast %swap3A_1487 : vector<16xf32> to vector<16xf32>
    %swap3A_1489 = vector.shape_cast %select_n3A_1485 : vector<16xf32> to vector<16xf32>
    tpu.vector_store %arg8[%swap3A_1486], %swap3A_1489 {strides = array<i32>} : memref<32776xf32, #tpu.memory_space<vmem>>, vector<16xf32>,
    %get3A_1490 = arith.constant 16388 : index
    %get3A_1491 = tpu.vector_load %arg8[%get3A_1490] {strides = array<i32>} : memref<32776xf32, #tpu.memory_space<vmem>>, vector<16xf32>,
    %get3A_1492 = vector.shape_cast %get3A_1491 : vector<16xf32> to vector<16xf32>
    %eq3A_1493 = arith.constant 0 : i32
    %eq3A_1494 = vector.broadcast %eq3A_1493 : i32 to vector<16xi32>
    %eq3A_1495 = arith.cmpi eq, %iota3A, %eq3A_1494 : vector<16xi32>
    %jit3A_1496 = arith.constant 1.000000e+00 : f32
    %broadcast_in_dim3A_1497 = vector.broadcast %jit3A_1496 : f32 to vector<16xf32>
    %select_n3A_1498 = arith.select %eq3A_1495, %broadcast_in_dim3A_1497, %get3A_1492 : vector<16xi1>, vector<16xf32>
    %swap3A_1499 = arith.constant 16388 : index
    %swap3A_1500 = tpu.vector_load %arg8[%swap3A_1499] {strides = array<i32>} : memref<32776xf32, #tpu.memory_space<vmem>>, vector<16xf32>,
    %swap3A_1501 = vector.shape_cast %swap3A_1500 : vector<16xf32> to vector<16xf32>
    %swap3A_1502 = vector.shape_cast %select_n3A_1498 : vector<16xf32> to vector<16xf32>
    tpu.vector_store %arg8[%swap3A_1499], %swap3A_1502 {strides = array<i32>} : memref<32776xf32, #tpu.memory_space<vmem>>, vector<16xf32>,
    %get3A_1503 = arith.constant 20485 : index
    %get3A_1504 = tpu.vector_load %arg8[%get3A_1503] {strides = array<i32>} : memref<32776xf32, #tpu.memory_space<vmem>>, vector<16xf32>,
    %get3A_1505 = vector.shape_cast %get3A_1504 : vector<16xf32> to vector<16xf32>
    %eq3A_1506 = arith.constant 0 : i32
    %eq3A_1507 = vector.broadcast %eq3A_1506 : i32 to vector<16xi32>
    %eq3A_1508 = arith.cmpi eq, %iota3A, %eq3A_1507 : vector<16xi32>
    %jit3A_1509 = arith.constant 1.000000e+00 : f32
    %broadcast_in_dim3A_1510 = vector.broadcast %jit3A_1509 : f32 to vector<16xf32>
    %select_n3A_1511 = arith.select %eq3A_1508, %broadcast_in_dim3A_1510, %get3A_1505 : vector<16xi1>, vector<16xf32>
    %swap3A_1512 = arith.constant 20485 : index
    %swap3A_1513 = tpu.vector_load %arg8[%swap3A_1512] {strides = array<i32>} : memref<32776xf32, #tpu.memory_space<vmem>>, vector<16xf32>,
    %swap3A_1514 = vector.shape_cast %swap3A_1513 : vector<16xf32> to vector<16xf32>
    %swap3A_1515 = vector.shape_cast %select_n3A_1511 : vector<16xf32> to vector<16xf32>
    tpu.vector_store %arg8[%swap3A_1512], %swap3A_1515 {strides = array<i32>} : memref<32776xf32, #tpu.memory_space<vmem>>, vector<16xf32>,
    %get3A_1516 = arith.constant 24582 : index
    %get3A_1517 = tpu.vector_load %arg8[%get3A_1516] {strides = array<i32>} : memref<32776xf32, #tpu.memory_space<vmem>>, vector<16xf32>,
    %get3A_1518 = vector.shape_cast %get3A_1517 : vector<16xf32> to vector<16xf32>
    %eq3A_1519 = arith.constant 0 : i32
    %eq3A_1520 = vector.broadcast %eq3A_1519 : i32 to vector<16xi32>
    %eq3A_1521 = arith.cmpi eq, %iota3A, %eq3A_1520 : vector<16xi32>
    %jit3A_1522 = arith.constant 1.000000e+00 : f32
    %broadcast_in_dim3A_1523 = vector.broadcast %jit3A_1522 : f32 to vector<16xf32>
    %select_n3A_1524 = arith.select %eq3A_1521, %broadcast_in_dim3A_1523, %get3A_1518 : vector<16xi1>, vector<16xf32>
    %swap3A_1525 = arith.constant 24582 : index
    %swap3A_1526 = tpu.vector_load %arg8[%swap3A_1525] {strides = array<i32>} : memref<32776xf32, #tpu.memory_space<vmem>>, vector<16xf32>,
    %swap3A_1527 = vector.shape_cast %swap3A_1526 : vector<16xf32> to vector<16xf32>
    %swap3A_1528 = vector.shape_cast %select_n3A_1524 : vector<16xf32> to vector<16xf32>
    tpu.vector_store %arg8[%swap3A_1525], %swap3A_1528 {strides = array<i32>} : memref<32776xf32, #tpu.memory_space<vmem>>, vector<16xf32>,
    %get3A_1529 = arith.constant 28679 : index
    %get3A_1530 = tpu.vector_load %arg8[%get3A_1529] {strides = array<i32>} : memref<32776xf32, #tpu.memory_space<vmem>>, vector<16xf32>,
    %get3A_1531 = vector.shape_cast %get3A_1530 : vector<16xf32> to vector<16xf32>
    %eq3A_1532 = arith.constant 0 : i32
    %eq3A_1533 = vector.broadcast %eq3A_1532 : i32 to vector<16xi32>
    %eq3A_1534 = arith.cmpi eq, %iota3A, %eq3A_1533 : vector<16xi32>
    %jit3A_1535 = arith.constant 1.000000e+00 : f32
    %broadcast_in_dim3A_1536 = vector.broadcast %jit3A_1535 : f32 to vector<16xf32>
    %select_n3A_1537 = arith.select %eq3A_1534, %broadcast_in_dim3A_1536, %get3A_1531 : vector<16xi1>, vector<16xf32>
    %swap3A_1538 = arith.constant 28679 : index
    %swap3A_1539 = tpu.vector_load %arg8[%swap3A_1538] {strides = array<i32>} : memref<32776xf32, #tpu.memory_space<vmem>>, vector<16xf32>,
    %swap3A_1540 = vector.shape_cast %swap3A_1539 : vector<16xf32> to vector<16xf32>
    %swap3A_1541 = vector.shape_cast %select_n3A_1537 : vector<16xf32> to vector<16xf32>
    tpu.vector_store %arg8[%swap3A_1538], %swap3A_1541 {strides = array<i32>} : memref<32776xf32, #tpu.memory_space<vmem>>, vector<16xf32>,
    %mul3A_1542 = arith.constant 4097 : i32
    %mul3A_1543 = arith.muli %add3A_1240, %mul3A_1542 : i32
    %multiple_of3A_1544 = tpu.assume_multiple %mul3A_1543, 8 : i32
    %dma_start3A_1545 = tpu.memref_slice %arg3[%multiple_of3A_1544] : memref<4195328xf32, #tpu.memory_space<hbm>> -> memref<32776xf32, #tpu.memory_space<hbm>>
    %dma_start3A_1546 = tpu.memref_slice %arg3[%multiple_of3A_1544] : memref<4195328xf32, #tpu.memory_space<hbm>> -> memref<32776xf32, #tpu.memory_space<hbm>>
    tpu.enqueue_dma source(%arg8 : memref<32776xf32, #tpu.memory_space<vmem>>) target(%dma_start3A_1546 : memref<32776xf32, #tpu.memory_space<hbm>>) target_semaphore(%arg11 : memref<!tpu.dma_semaphore, #tpu.memory_space<semaphore_mem>>)
    %dma_wait3A_1547 = tpu.memref_slice %arg3[%multiple_of3A_1544] : memref<4195328xf32, #tpu.memory_space<hbm>> -> memref<32776xf32, #tpu.memory_space<hbm>>
    %dma_wait3A_1548 = tpu.memref_slice %arg3[%multiple_of3A_1544] : memref<4195328xf32, #tpu.memory_space<hbm>> -> memref<32776xf32, #tpu.memory_space<hbm>>
    tpu.wait_dma2 semaphore(%arg11 : memref<!tpu.dma_semaphore, #tpu.memory_space<semaphore_mem>>) src(%arg8 : memref<32776xf32, #tpu.memory_space<vmem>>) dst(%dma_wait3A_1548 : memref<32776xf32, #tpu.memory_space<hbm>>)
    %add3A_1549 = arith.constant 0 : i32
    %add3A_1550 = arith.addi %add3A_1240, %add3A_1549 : i32
    %dma_start3A_1551 = arith.constant 1 : i32
    %dma_start3A_1552 = arith.constant 0 : i32
    %dma_start3A_1553 = tpu.memref_slice %arg7[%dma_start3A_1552] : memref<32768xf32, #tpu.memory_space<vmem>> -> memref<4096xf32, #tpu.memory_space<vmem>>
    %dma_start3A_1554 = arith.constant 0 : i32
    %dma_start3A_1555 = tpu.memref_slice %arg2[%add3A_1550, %dma_start3A_1551, %dma_start3A_1554] : memref<1024x2x4096xf32, #tpu.memory_space<hbm>> -> memref<1x1x4096xf32, #tpu.memory_space<hbm>>
    %dma_start3A_1556 = tpu.memref_squeeze %dma_start3A_1555 : memref<1x1x4096xf32, #tpu.memory_space<hbm>> -> memref<4096xf32, #tpu.memory_space<hbm>>
    %dma_start3A_1557 = arith.constant 0 : i32
    %dma_start3A_1558 = tpu.memref_slice %arg7[%dma_start3A_1557] : memref<32768xf32, #tpu.memory_space<vmem>> -> memref<4096xf32, #tpu.memory_space<vmem>>
    %dma_start3A_1559 = arith.constant 0 : i32
    %dma_start3A_1560 = tpu.memref_slice %arg2[%add3A_1550, %dma_start3A_1551, %dma_start3A_1559] : memref<1024x2x4096xf32, #tpu.memory_space<hbm>> -> memref<1x1x4096xf32, #tpu.memory_space<hbm>>
    %dma_start3A_1561 = tpu.memref_squeeze %dma_start3A_1560 : memref<1x1x4096xf32, #tpu.memory_space<hbm>> -> memref<4096xf32, #tpu.memory_space<hbm>>
    tpu.enqueue_dma source(%dma_start3A_1561 : memref<4096xf32, #tpu.memory_space<hbm>>) target(%dma_start3A_1558 : memref<4096xf32, #tpu.memory_space<vmem>>) target_semaphore(%arg10 : memref<!tpu.dma_semaphore, #tpu.memory_space<semaphore_mem>>)
    %add3A_1562 = arith.constant 1 : i32
    %add3A_1563 = arith.addi %add3A_1240, %add3A_1562 : i32
    %dma_start3A_1564 = arith.constant 1 : i32
    %dma_start3A_1565 = arith.constant 4096 : i32
    %dma_start3A_1566 = tpu.memref_slice %arg7[%dma_start3A_1565] : memref<32768xf32, #tpu.memory_space<vmem>> -> memref<4096xf32, #tpu.memory_space<vmem>>
    %dma_start3A_1567 = arith.constant 0 : i32
    %dma_start3A_1568 = tpu.memref_slice %arg2[%add3A_1563, %dma_start3A_1564, %dma_start3A_1567] : memref<1024x2x4096xf32, #tpu.memory_space<hbm>> -> memref<1x1x4096xf32, #tpu.memory_space<hbm>>
    %dma_start3A_1569 = tpu.memref_squeeze %dma_start3A_1568 : memref<1x1x4096xf32, #tpu.memory_space<hbm>> -> memref<4096xf32, #tpu.memory_space<hbm>>
    %dma_start3A_1570 = arith.constant 4096 : i32
    %dma_start3A_1571 = tpu.memref_slice %arg7[%dma_start3A_1570] : memref<32768xf32, #tpu.memory_space<vmem>> -> memref<4096xf32, #tpu.memory_space<vmem>>
    %dma_start3A_1572 = arith.constant 0 : i32
    %dma_start3A_1573 = tpu.memref_slice %arg2[%add3A_1563, %dma_start3A_1564, %dma_start3A_1572] : memref<1024x2x4096xf32, #tpu.memory_space<hbm>> -> memref<1x1x4096xf32, #tpu.memory_space<hbm>>
    %dma_start3A_1574 = tpu.memref_squeeze %dma_start3A_1573 : memref<1x1x4096xf32, #tpu.memory_space<hbm>> -> memref<4096xf32, #tpu.memory_space<hbm>>
    tpu.enqueue_dma source(%dma_start3A_1574 : memref<4096xf32, #tpu.memory_space<hbm>>) target(%dma_start3A_1571 : memref<4096xf32, #tpu.memory_space<vmem>>) target_semaphore(%arg10 : memref<!tpu.dma_semaphore, #tpu.memory_space<semaphore_mem>>)
    %add3A_1575 = arith.constant 2 : i32
    %add3A_1576 = arith.addi %add3A_1240, %add3A_1575 : i32
    %dma_start3A_1577 = arith.constant 1 : i32
    %dma_start3A_1578 = arith.constant 8192 : i32
    %dma_start3A_1579 = tpu.memref_slice %arg7[%dma_start3A_1578] : memref<32768xf32, #tpu.memory_space<vmem>> -> memref<4096xf32, #tpu.memory_space<vmem>>
    %dma_start3A_1580 = arith.constant 0 : i32
    %dma_start3A_1581 = tpu.memref_slice %arg2[%add3A_1576, %dma_start3A_1577, %dma_start3A_1580] : memref<1024x2x4096xf32, #tpu.memory_space<hbm>> -> memref<1x1x4096xf32, #tpu.memory_space<hbm>>
    %dma_start3A_1582 = tpu.memref_squeeze %dma_start3A_1581 : memref<1x1x4096xf32, #tpu.memory_space<hbm>> -> memref<4096xf32, #tpu.memory_space<hbm>>
    %dma_start3A_1583 = arith.constant 8192 : i32
    %dma_start3A_1584 = tpu.memref_slice %arg7[%dma_start3A_1583] : memref<32768xf32, #tpu.memory_space<vmem>> -> memref<4096xf32, #tpu.memory_space<vmem>>
    %dma_start3A_1585 = arith.constant 0 : i32
    %dma_start3A_1586 = tpu.memref_slice %arg2[%add3A_1576, %dma_start3A_1577, %dma_start3A_1585] : memref<1024x2x4096xf32, #tpu.memory_space<hbm>> -> memref<1x1x4096xf32, #tpu.memory_space<hbm>>
    %dma_start3A_1587 = tpu.memref_squeeze %dma_start3A_1586 : memref<1x1x4096xf32, #tpu.memory_space<hbm>> -> memref<4096xf32, #tpu.memory_space<hbm>>
    tpu.enqueue_dma source(%dma_start3A_1587 : memref<4096xf32, #tpu.memory_space<hbm>>) target(%dma_start3A_1584 : memref<4096xf32, #tpu.memory_space<vmem>>) target_semaphore(%arg10 : memref<!tpu.dma_semaphore, #tpu.memory_space<semaphore_mem>>)
    %add3A_1588 = arith.constant 3 : i32
    %add3A_1589 = arith.addi %add3A_1240, %add3A_1588 : i32
    %dma_start3A_1590 = arith.constant 1 : i32
    %dma_start3A_1591 = arith.constant 12288 : i32
    %dma_start3A_1592 = tpu.memref_slice %arg7[%dma_start3A_1591] : memref<32768xf32, #tpu.memory_space<vmem>> -> memref<4096xf32, #tpu.memory_space<vmem>>
    %dma_start3A_1593 = arith.constant 0 : i32
    %dma_start3A_1594 = tpu.memref_slice %arg2[%add3A_1589, %dma_start3A_1590, %dma_start3A_1593] : memref<1024x2x4096xf32, #tpu.memory_space<hbm>> -> memref<1x1x4096xf32, #tpu.memory_space<hbm>>
    %dma_start3A_1595 = tpu.memref_squeeze %dma_start3A_1594 : memref<1x1x4096xf32, #tpu.memory_space<hbm>> -> memref<4096xf32, #tpu.memory_space<hbm>>
    %dma_start3A_1596 = arith.constant 12288 : i32
    %dma_start3A_1597 = tpu.memref_slice %arg7[%dma_start3A_1596] : memref<32768xf32, #tpu.memory_space<vmem>> -> memref<4096xf32, #tpu.memory_space<vmem>>
    %dma_start3A_1598 = arith.constant 0 : i32
    %dma_start3A_1599 = tpu.memref_slice %arg2[%add3A_1589, %dma_start3A_1590, %dma_start3A_1598] : memref<1024x2x4096xf32, #tpu.memory_space<hbm>> -> memref<1x1x4096xf32, #tpu.memory_space<hbm>>
    %dma_start3A_1600 = tpu.memref_squeeze %dma_start3A_1599 : memref<1x1x4096xf32, #tpu.memory_space<hbm>> -> memref<4096xf32, #tpu.memory_space<hbm>>
    tpu.enqueue_dma source(%dma_start3A_1600 : memref<4096xf32, #tpu.memory_space<hbm>>) target(%dma_start3A_1597 : memref<4096xf32, #tpu.memory_space<vmem>>) target_semaphore(%arg10 : memref<!tpu.dma_semaphore, #tpu.memory_space<semaphore_mem>>)
    %add3A_1601 = arith.constant 4 : i32
    %add3A_1602 = arith.addi %add3A_1240, %add3A_1601 : i32
    %dma_start3A_1603 = arith.constant 1 : i32
    %dma_start3A_1604 = arith.constant 16384 : i32
    %dma_start3A_1605 = tpu.memref_slice %arg7[%dma_start3A_1604] : memref<32768xf32, #tpu.memory_space<vmem>> -> memref<4096xf32, #tpu.memory_space<vmem>>
    %dma_start3A_1606 = arith.constant 0 : i32
    %dma_start3A_1607 = tpu.memref_slice %arg2[%add3A_1602, %dma_start3A_1603, %dma_start3A_1606] : memref<1024x2x4096xf32, #tpu.memory_space<hbm>> -> memref<1x1x4096xf32, #tpu.memory_space<hbm>>
    %dma_start3A_1608 = tpu.memref_squeeze %dma_start3A_1607 : memref<1x1x4096xf32, #tpu.memory_space<hbm>> -> memref<4096xf32, #tpu.memory_space<hbm>>
    %dma_start3A_1609 = arith.constant 16384 : i32
    %dma_start3A_1610 = tpu.memref_slice %arg7[%dma_start3A_1609] : memref<32768xf32, #tpu.memory_space<vmem>> -> memref<4096xf32, #tpu.memory_space<vmem>>
    %dma_start3A_1611 = arith.constant 0 : i32
    %dma_start3A_1612 = tpu.memref_slice %arg2[%add3A_1602, %dma_start3A_1603, %dma_start3A_1611] : memref<1024x2x4096xf32, #tpu.memory_space<hbm>> -> memref<1x1x4096xf32, #tpu.memory_space<hbm>>
    %dma_start3A_1613 = tpu.memref_squeeze %dma_start3A_1612 : memref<1x1x4096xf32, #tpu.memory_space<hbm>> -> memref<4096xf32, #tpu.memory_space<hbm>>
    tpu.enqueue_dma source(%dma_start3A_1613 : memref<4096xf32, #tpu.memory_space<hbm>>) target(%dma_start3A_1610 : memref<4096xf32, #tpu.memory_space<vmem>>) target_semaphore(%arg10 : memref<!tpu.dma_semaphore, #tpu.memory_space<semaphore_mem>>)
    %add3A_1614 = arith.constant 5 : i32
    %add3A_1615 = arith.addi %add3A_1240, %add3A_1614 : i32
    %dma_start3A_1616 = arith.constant 1 : i32
    %dma_start3A_1617 = arith.constant 20480 : i32
    %dma_start3A_1618 = tpu.memref_slice %arg7[%dma_start3A_1617] : memref<32768xf32, #tpu.memory_space<vmem>> -> memref<4096xf32, #tpu.memory_space<vmem>>
    %dma_start3A_1619 = arith.constant 0 : i32
    %dma_start3A_1620 = tpu.memref_slice %arg2[%add3A_1615, %dma_start3A_1616, %dma_start3A_1619] : memref<1024x2x4096xf32, #tpu.memory_space<hbm>> -> memref<1x1x4096xf32, #tpu.memory_space<hbm>>
    %dma_start3A_1621 = tpu.memref_squeeze %dma_start3A_1620 : memref<1x1x4096xf32, #tpu.memory_space<hbm>> -> memref<4096xf32, #tpu.memory_space<hbm>>
    %dma_start3A_1622 = arith.constant 20480 : i32
    %dma_start3A_1623 = tpu.memref_slice %arg7[%dma_start3A_1622] : memref<32768xf32, #tpu.memory_space<vmem>> -> memref<4096xf32, #tpu.memory_space<vmem>>
    %dma_start3A_1624 = arith.constant 0 : i32
    %dma_start3A_1625 = tpu.memref_slice %arg2[%add3A_1615, %dma_start3A_1616, %dma_start3A_1624] : memref<1024x2x4096xf32, #tpu.memory_space<hbm>> -> memref<1x1x4096xf32, #tpu.memory_space<hbm>>
    %dma_start3A_1626 = tpu.memref_squeeze %dma_start3A_1625 : memref<1x1x4096xf32, #tpu.memory_space<hbm>> -> memref<4096xf32, #tpu.memory_space<hbm>>
    tpu.enqueue_dma source(%dma_start3A_1626 : memref<4096xf32, #tpu.memory_space<hbm>>) target(%dma_start3A_1623 : memref<4096xf32, #tpu.memory_space<vmem>>) target_semaphore(%arg10 : memref<!tpu.dma_semaphore, #tpu.memory_space<semaphore_mem>>)
    %add3A_1627 = arith.constant 6 : i32
    %add3A_1628 = arith.addi %add3A_1240, %add3A_1627 : i32
    %dma_start3A_1629 = arith.constant 1 : i32
    %dma_start3A_1630 = arith.constant 24576 : i32
    %dma_start3A_1631 = tpu.memref_slice %arg7[%dma_start3A_1630] : memref<32768xf32, #tpu.memory_space<vmem>> -> memref<4096xf32, #tpu.memory_space<vmem>>
    %dma_start3A_1632 = arith.constant 0 : i32
    %dma_start3A_1633 = tpu.memref_slice %arg2[%add3A_1628, %dma_start3A_1629, %dma_start3A_1632] : memref<1024x2x4096xf32, #tpu.memory_space<hbm>> -> memref<1x1x4096xf32, #tpu.memory_space<hbm>>
    %dma_start3A_1634 = tpu.memref_squeeze %dma_start3A_1633 : memref<1x1x4096xf32, #tpu.memory_space<hbm>> -> memref<4096xf32, #tpu.memory_space<hbm>>
    %dma_start3A_1635 = arith.constant 24576 : i32
    %dma_start3A_1636 = tpu.memref_slice %arg7[%dma_start3A_1635] : memref<32768xf32, #tpu.memory_space<vmem>> -> memref<4096xf32, #tpu.memory_space<vmem>>
    %dma_start3A_1637 = arith.constant 0 : i32
    %dma_start3A_1638 = tpu.memref_slice %arg2[%add3A_1628, %dma_start3A_1629, %dma_start3A_1637] : memref<1024x2x4096xf32, #tpu.memory_space<hbm>> -> memref<1x1x4096xf32, #tpu.memory_space<hbm>>
    %dma_start3A_1639 = tpu.memref_squeeze %dma_start3A_1638 : memref<1x1x4096xf32, #tpu.memory_space<hbm>> -> memref<4096xf32, #tpu.memory_space<hbm>>
    tpu.enqueue_dma source(%dma_start3A_1639 : memref<4096xf32, #tpu.memory_space<hbm>>) target(%dma_start3A_1636 : memref<4096xf32, #tpu.memory_space<vmem>>) target_semaphore(%arg10 : memref<!tpu.dma_semaphore, #tpu.memory_space<semaphore_mem>>)
    %add3A_1640 = arith.constant 7 : i32
    %add3A_1641 = arith.addi %add3A_1240, %add3A_1640 : i32
    %dma_start3A_1642 = arith.constant 1 : i32
    %dma_start3A_1643 = arith.constant 28672 : i32
    %dma_start3A_1644 = tpu.memref_slice %arg7[%dma_start3A_1643] : memref<32768xf32, #tpu.memory_space<vmem>> -> memref<4096xf32, #tpu.memory_space<vmem>>
    %dma_start3A_1645 = arith.constant 0 : i32
    %dma_start3A_1646 = tpu.memref_slice %arg2[%add3A_1641, %dma_start3A_1642, %dma_start3A_1645] : memref<1024x2x4096xf32, #tpu.memory_space<hbm>> -> memref<1x1x4096xf32, #tpu.memory_space<hbm>>
    %dma_start3A_1647 = tpu.memref_squeeze %dma_start3A_1646 : memref<1x1x4096xf32, #tpu.memory_space<hbm>> -> memref<4096xf32, #tpu.memory_space<hbm>>
    %dma_start3A_1648 = arith.constant 28672 : i32
    %dma_start3A_1649 = tpu.memref_slice %arg7[%dma_start3A_1648] : memref<32768xf32, #tpu.memory_space<vmem>> -> memref<4096xf32, #tpu.memory_space<vmem>>
    %dma_start3A_1650 = arith.constant 0 : i32
    %dma_start3A_1651 = tpu.memref_slice %arg2[%add3A_1641, %dma_start3A_1642, %dma_start3A_1650] : memref<1024x2x4096xf32, #tpu.memory_space<hbm>> -> memref<1x1x4096xf32, #tpu.memory_space<hbm>>
    %dma_start3A_1652 = tpu.memref_squeeze %dma_start3A_1651 : memref<1x1x4096xf32, #tpu.memory_space<hbm>> -> memref<4096xf32, #tpu.memory_space<hbm>>
    tpu.enqueue_dma source(%dma_start3A_1652 : memref<4096xf32, #tpu.memory_space<hbm>>) target(%dma_start3A_1649 : memref<4096xf32, #tpu.memory_space<vmem>>) target_semaphore(%arg10 : memref<!tpu.dma_semaphore, #tpu.memory_space<semaphore_mem>>)
    %dma_wait3A_1653 = arith.constant 1 : i32
    %dma_wait3A_1654 = arith.constant 0 : i32
    %dma_wait3A_1655 = tpu.memref_slice %arg7[%dma_wait3A_1654] : memref<32768xf32, #tpu.memory_space<vmem>> -> memref<4096xf32, #tpu.memory_space<vmem>>
    %dma_wait3A_1656 = arith.constant 0 : i32
    %dma_wait3A_1657 = tpu.memref_slice %arg2[%add3A_1550, %dma_wait3A_1653, %dma_wait3A_1656] : memref<1024x2x4096xf32, #tpu.memory_space<hbm>> -> memref<1x1x4096xf32, #tpu.memory_space<hbm>>
    %dma_wait3A_1658 = tpu.memref_squeeze %dma_wait3A_1657 : memref<1x1x4096xf32, #tpu.memory_space<hbm>> -> memref<4096xf32, #tpu.memory_space<hbm>>
    %dma_wait3A_1659 = arith.constant 0 : i32
    %dma_wait3A_1660 = tpu.memref_slice %arg7[%dma_wait3A_1659] : memref<32768xf32, #tpu.memory_space<vmem>> -> memref<4096xf32, #tpu.memory_space<vmem>>
    %dma_wait3A_1661 = arith.constant 0 : i32
    %dma_wait3A_1662 = tpu.memref_slice %arg2[%add3A_1550, %dma_wait3A_1653, %dma_wait3A_1661] : memref<1024x2x4096xf32, #tpu.memory_space<hbm>> -> memref<1x1x4096xf32, #tpu.memory_space<hbm>>
    %dma_wait3A_1663 = tpu.memref_squeeze %dma_wait3A_1662 : memref<1x1x4096xf32, #tpu.memory_space<hbm>> -> memref<4096xf32, #tpu.memory_space<hbm>>
    tpu.wait_dma2 semaphore(%arg10 : memref<!tpu.dma_semaphore, #tpu.memory_space<semaphore_mem>>) src(%dma_wait3A_1663 : memref<4096xf32, #tpu.memory_space<hbm>>) dst(%dma_wait3A_1660 : memref<4096xf32, #tpu.memory_space<vmem>>)
    %dma_wait3A_1664 = arith.constant 1 : i32
    %dma_wait3A_1665 = arith.constant 4096 : i32
    %dma_wait3A_1666 = tpu.memref_slice %arg7[%dma_wait3A_1665] : memref<32768xf32, #tpu.memory_space<vmem>> -> memref<4096xf32, #tpu.memory_space<vmem>>
    %dma_wait3A_1667 = arith.constant 0 : i32
    %dma_wait3A_1668 = tpu.memref_slice %arg2[%add3A_1563, %dma_wait3A_1664, %dma_wait3A_1667] : memref<1024x2x4096xf32, #tpu.memory_space<hbm>> -> memref<1x1x4096xf32, #tpu.memory_space<hbm>>
    %dma_wait3A_1669 = tpu.memref_squeeze %dma_wait3A_1668 : memref<1x1x4096xf32, #tpu.memory_space<hbm>> -> memref<4096xf32, #tpu.memory_space<hbm>>
    %dma_wait3A_1670 = arith.constant 4096 : i32
    %dma_wait3A_1671 = tpu.memref_slice %arg7[%dma_wait3A_1670] : memref<32768xf32, #tpu.memory_space<vmem>> -> memref<4096xf32, #tpu.memory_space<vmem>>
    %dma_wait3A_1672 = arith.constant 0 : i32
    %dma_wait3A_1673 = tpu.memref_slice %arg2[%add3A_1563, %dma_wait3A_1664, %dma_wait3A_1672] : memref<1024x2x4096xf32, #tpu.memory_space<hbm>> -> memref<1x1x4096xf32, #tpu.memory_space<hbm>>
    %dma_wait3A_1674 = tpu.memref_squeeze %dma_wait3A_1673 : memref<1x1x4096xf32, #tpu.memory_space<hbm>> -> memref<4096xf32, #tpu.memory_space<hbm>>
    tpu.wait_dma2 semaphore(%arg10 : memref<!tpu.dma_semaphore, #tpu.memory_space<semaphore_mem>>) src(%dma_wait3A_1674 : memref<4096xf32, #tpu.memory_space<hbm>>) dst(%dma_wait3A_1671 : memref<4096xf32, #tpu.memory_space<vmem>>)
    %dma_wait3A_1675 = arith.constant 1 : i32
    %dma_wait3A_1676 = arith.constant 8192 : i32
    %dma_wait3A_1677 = tpu.memref_slice %arg7[%dma_wait3A_1676] : memref<32768xf32, #tpu.memory_space<vmem>> -> memref<4096xf32, #tpu.memory_space<vmem>>
    %dma_wait3A_1678 = arith.constant 0 : i32
    %dma_wait3A_1679 = tpu.memref_slice %arg2[%add3A_1576, %dma_wait3A_1675, %dma_wait3A_1678] : memref<1024x2x4096xf32, #tpu.memory_space<hbm>> -> memref<1x1x4096xf32, #tpu.memory_space<hbm>>
    %dma_wait3A_1680 = tpu.memref_squeeze %dma_wait3A_1679 : memref<1x1x4096xf32, #tpu.memory_space<hbm>> -> memref<4096xf32, #tpu.memory_space<hbm>>
    %dma_wait3A_1681 = arith.constant 8192 : i32
    %dma_wait3A_1682 = tpu.memref_slice %arg7[%dma_wait3A_1681] : memref<32768xf32, #tpu.memory_space<vmem>> -> memref<4096xf32, #tpu.memory_space<vmem>>
    %dma_wait3A_1683 = arith.constant 0 : i32
    %dma_wait3A_1684 = tpu.memref_slice %arg2[%add3A_1576, %dma_wait3A_1675, %dma_wait3A_1683] : memref<1024x2x4096xf32, #tpu.memory_space<hbm>> -> memref<1x1x4096xf32, #tpu.memory_space<hbm>>
    %dma_wait3A_1685 = tpu.memref_squeeze %dma_wait3A_1684 : memref<1x1x4096xf32, #tpu.memory_space<hbm>> -> memref<4096xf32, #tpu.memory_space<hbm>>
    tpu.wait_dma2 semaphore(%arg10 : memref<!tpu.dma_semaphore, #tpu.memory_space<semaphore_mem>>) src(%dma_wait3A_1685 : memref<4096xf32, #tpu.memory_space<hbm>>) dst(%dma_wait3A_1682 : memref<4096xf32, #tpu.memory_space<vmem>>)
    %dma_wait3A_1686 = arith.constant 1 : i32
    %dma_wait3A_1687 = arith.constant 12288 : i32
    %dma_wait3A_1688 = tpu.memref_slice %arg7[%dma_wait3A_1687] : memref<32768xf32, #tpu.memory_space<vmem>> -> memref<4096xf32, #tpu.memory_space<vmem>>
    %dma_wait3A_1689 = arith.constant 0 : i32
    %dma_wait3A_1690 = tpu.memref_slice %arg2[%add3A_1589, %dma_wait3A_1686, %dma_wait3A_1689] : memref<1024x2x4096xf32, #tpu.memory_space<hbm>> -> memref<1x1x4096xf32, #tpu.memory_space<hbm>>
    %dma_wait3A_1691 = tpu.memref_squeeze %dma_wait3A_1690 : memref<1x1x4096xf32, #tpu.memory_space<hbm>> -> memref<4096xf32, #tpu.memory_space<hbm>>
    %dma_wait3A_1692 = arith.constant 12288 : i32
    %dma_wait3A_1693 = tpu.memref_slice %arg7[%dma_wait3A_1692] : memref<32768xf32, #tpu.memory_space<vmem>> -> memref<4096xf32, #tpu.memory_space<vmem>>
    %dma_wait3A_1694 = arith.constant 0 : i32
    %dma_wait3A_1695 = tpu.memref_slice %arg2[%add3A_1589, %dma_wait3A_1686, %dma_wait3A_1694] : memref<1024x2x4096xf32, #tpu.memory_space<hbm>> -> memref<1x1x4096xf32, #tpu.memory_space<hbm>>
    %dma_wait3A_1696 = tpu.memref_squeeze %dma_wait3A_1695 : memref<1x1x4096xf32, #tpu.memory_space<hbm>> -> memref<4096xf32, #tpu.memory_space<hbm>>
    tpu.wait_dma2 semaphore(%arg10 : memref<!tpu.dma_semaphore, #tpu.memory_space<semaphore_mem>>) src(%dma_wait3A_1696 : memref<4096xf32, #tpu.memory_space<hbm>>) dst(%dma_wait3A_1693 : memref<4096xf32, #tpu.memory_space<vmem>>)
    %dma_wait3A_1697 = arith.constant 1 : i32
    %dma_wait3A_1698 = arith.constant 16384 : i32
    %dma_wait3A_1699 = tpu.memref_slice %arg7[%dma_wait3A_1698] : memref<32768xf32, #tpu.memory_space<vmem>> -> memref<4096xf32, #tpu.memory_space<vmem>>
    %dma_wait3A_1700 = arith.constant 0 : i32
    %dma_wait3A_1701 = tpu.memref_slice %arg2[%add3A_1602, %dma_wait3A_1697, %dma_wait3A_1700] : memref<1024x2x4096xf32, #tpu.memory_space<hbm>> -> memref<1x1x4096xf32, #tpu.memory_space<hbm>>
    %dma_wait3A_1702 = tpu.memref_squeeze %dma_wait3A_1701 : memref<1x1x4096xf32, #tpu.memory_space<hbm>> -> memref<4096xf32, #tpu.memory_space<hbm>>
    %dma_wait3A_1703 = arith.constant 16384 : i32
    %dma_wait3A_1704 = tpu.memref_slice %arg7[%dma_wait3A_1703] : memref<32768xf32, #tpu.memory_space<vmem>> -> memref<4096xf32, #tpu.memory_space<vmem>>
    %dma_wait3A_1705 = arith.constant 0 : i32
    %dma_wait3A_1706 = tpu.memref_slice %arg2[%add3A_1602, %dma_wait3A_1697, %dma_wait3A_1705] : memref<1024x2x4096xf32, #tpu.memory_space<hbm>> -> memref<1x1x4096xf32, #tpu.memory_space<hbm>>
    %dma_wait3A_1707 = tpu.memref_squeeze %dma_wait3A_1706 : memref<1x1x4096xf32, #tpu.memory_space<hbm>> -> memref<4096xf32, #tpu.memory_space<hbm>>
    tpu.wait_dma2 semaphore(%arg10 : memref<!tpu.dma_semaphore, #tpu.memory_space<semaphore_mem>>) src(%dma_wait3A_1707 : memref<4096xf32, #tpu.memory_space<hbm>>) dst(%dma_wait3A_1704 : memref<4096xf32, #tpu.memory_space<vmem>>)
    %dma_wait3A_1708 = arith.constant 1 : i32
    %dma_wait3A_1709 = arith.constant 20480 : i32
    %dma_wait3A_1710 = tpu.memref_slice %arg7[%dma_wait3A_1709] : memref<32768xf32, #tpu.memory_space<vmem>> -> memref<4096xf32, #tpu.memory_space<vmem>>
    %dma_wait3A_1711 = arith.constant 0 : i32
    %dma_wait3A_1712 = tpu.memref_slice %arg2[%add3A_1615, %dma_wait3A_1708, %dma_wait3A_1711] : memref<1024x2x4096xf32, #tpu.memory_space<hbm>> -> memref<1x1x4096xf32, #tpu.memory_space<hbm>>
    %dma_wait3A_1713 = tpu.memref_squeeze %dma_wait3A_1712 : memref<1x1x4096xf32, #tpu.memory_space<hbm>> -> memref<4096xf32, #tpu.memory_space<hbm>>
    %dma_wait3A_1714 = arith.constant 20480 : i32
    %dma_wait3A_1715 = tpu.memref_slice %arg7[%dma_wait3A_1714] : memref<32768xf32, #tpu.memory_space<vmem>> -> memref<4096xf32, #tpu.memory_space<vmem>>
    %dma_wait3A_1716 = arith.constant 0 : i32
    %dma_wait3A_1717 = tpu.memref_slice %arg2[%add3A_1615, %dma_wait3A_1708, %dma_wait3A_1716] : memref<1024x2x4096xf32, #tpu.memory_space<hbm>> -> memref<1x1x4096xf32, #tpu.memory_space<hbm>>
    %dma_wait3A_1718 = tpu.memref_squeeze %dma_wait3A_1717 : memref<1x1x4096xf32, #tpu.memory_space<hbm>> -> memref<4096xf32, #tpu.memory_space<hbm>>
    tpu.wait_dma2 semaphore(%arg10 : memref<!tpu.dma_semaphore, #tpu.memory_space<semaphore_mem>>) src(%dma_wait3A_1718 : memref<4096xf32, #tpu.memory_space<hbm>>) dst(%dma_wait3A_1715 : memref<4096xf32, #tpu.memory_space<vmem>>)
    %dma_wait3A_1719 = arith.constant 1 : i32
    %dma_wait3A_1720 = arith.constant 24576 : i32
    %dma_wait3A_1721 = tpu.memref_slice %arg7[%dma_wait3A_1720] : memref<32768xf32, #tpu.memory_space<vmem>> -> memref<4096xf32, #tpu.memory_space<vmem>>
    %dma_wait3A_1722 = arith.constant 0 : i32
    %dma_wait3A_1723 = tpu.memref_slice %arg2[%add3A_1628, %dma_wait3A_1719, %dma_wait3A_1722] : memref<1024x2x4096xf32, #tpu.memory_space<hbm>> -> memref<1x1x4096xf32, #tpu.memory_space<hbm>>
    %dma_wait3A_1724 = tpu.memref_squeeze %dma_wait3A_1723 : memref<1x1x4096xf32, #tpu.memory_space<hbm>> -> memref<4096xf32, #tpu.memory_space<hbm>>
    %dma_wait3A_1725 = arith.constant 24576 : i32
    %dma_wait3A_1726 = tpu.memref_slice %arg7[%dma_wait3A_1725] : memref<32768xf32, #tpu.memory_space<vmem>> -> memref<4096xf32, #tpu.memory_space<vmem>>
    %dma_wait3A_1727 = arith.constant 0 : i32
    %dma_wait3A_1728 = tpu.memref_slice %arg2[%add3A_1628, %dma_wait3A_1719, %dma_wait3A_1727] : memref<1024x2x4096xf32, #tpu.memory_space<hbm>> -> memref<1x1x4096xf32, #tpu.memory_space<hbm>>
    %dma_wait3A_1729 = tpu.memref_squeeze %dma_wait3A_1728 : memref<1x1x4096xf32, #tpu.memory_space<hbm>> -> memref<4096xf32, #tpu.memory_space<hbm>>
    tpu.wait_dma2 semaphore(%arg10 : memref<!tpu.dma_semaphore, #tpu.memory_space<semaphore_mem>>) src(%dma_wait3A_1729 : memref<4096xf32, #tpu.memory_space<hbm>>) dst(%dma_wait3A_1726 : memref<4096xf32, #tpu.memory_space<vmem>>)
    %dma_wait3A_1730 = arith.constant 1 : i32
    %dma_wait3A_1731 = arith.constant 28672 : i32
    %dma_wait3A_1732 = tpu.memref_slice %arg7[%dma_wait3A_1731] : memref<32768xf32, #tpu.memory_space<vmem>> -> memref<4096xf32, #tpu.memory_space<vmem>>
    %dma_wait3A_1733 = arith.constant 0 : i32
    %dma_wait3A_1734 = tpu.memref_slice %arg2[%add3A_1641, %dma_wait3A_1730, %dma_wait3A_1733] : memref<1024x2x4096xf32, #tpu.memory_space<hbm>> -> memref<1x1x4096xf32, #tpu.memory_space<hbm>>
    %dma_wait3A_1735 = tpu.memref_squeeze %dma_wait3A_1734 : memref<1x1x4096xf32, #tpu.memory_space<hbm>> -> memref<4096xf32, #tpu.memory_space<hbm>>
    %dma_wait3A_1736 = arith.constant 28672 : i32
    %dma_wait3A_1737 = tpu.memref_slice %arg7[%dma_wait3A_1736] : memref<32768xf32, #tpu.memory_space<vmem>> -> memref<4096xf32, #tpu.memory_space<vmem>>
    %dma_wait3A_1738 = arith.constant 0 : i32
    %dma_wait3A_1739 = tpu.memref_slice %arg2[%add3A_1641, %dma_wait3A_1730, %dma_wait3A_1738] : memref<1024x2x4096xf32, #tpu.memory_space<hbm>> -> memref<1x1x4096xf32, #tpu.memory_space<hbm>>
    %dma_wait3A_1740 = tpu.memref_squeeze %dma_wait3A_1739 : memref<1x1x4096xf32, #tpu.memory_space<hbm>> -> memref<4096xf32, #tpu.memory_space<hbm>>
    tpu.wait_dma2 semaphore(%arg10 : memref<!tpu.dma_semaphore, #tpu.memory_space<semaphore_mem>>) src(%dma_wait3A_1740 : memref<4096xf32, #tpu.memory_space<hbm>>) dst(%dma_wait3A_1737 : memref<4096xf32, #tpu.memory_space<vmem>>)
    %scan3A_1741 = arith.constant 0 : i32
    %scan3A_1742 = arith.constant 2048 : i32
    %scan3A_1743 = arith.addi %scan3A_1741, %scan3A_1742 : i32
    %scan3A_1744 = arith.constant 1 : i32
    scf.for %scan3A_2475 = %scan3A_1741 to %scan3A_1743 step %scan3A_1744  : i32 {
      %mul3A_2476 = arith.constant 16 : i32
      %mul3A_2477 = arith.muli %scan3A_2475, %mul3A_2476 : i32
      %get3A_2478 = arith.index_cast %mul3A_2477 : i32 to index
      %get3A_2479 = tpu.vector_load %arg7[%get3A_2478] {strides = array<i32>} : memref<32768xf32, #tpu.memory_space<vmem>>, vector<16xf32>,
      %get3A_2480 = vector.shape_cast %get3A_2479 : vector<16xf32> to vector<16xf32>
      %mul3A_2481 = arith.constant 16 : i32
      %mul3A_2482 = arith.muli %scan3A_2475, %mul3A_2481 : i32
      %shift_right_logical3A = arith.constant 8 : i32
      %shift_right_logical3A_2483 = arith.shrui %scan3A_2475, %shift_right_logical3A : i32
      %add3A_2484 = arith.addi %mul3A_2482, %shift_right_logical3A_2483 : i32
      %add3A_2485 = arith.constant 0 : i32
      %add3A_2486 = arith.addi %add3A_2484, %add3A_2485 : i32
      %swap3A_2487 = arith.index_cast %add3A_2486 : i32 to index
      %swap3A_2488 = tpu.vector_load %arg8[%swap3A_2487] {strides = array<i32>} : memref<32776xf32, #tpu.memory_space<vmem>>, vector<16xf32>,
      %swap3A_2489 = vector.shape_cast %swap3A_2488 : vector<16xf32> to vector<16xf32>
      %swap3A_2490 = vector.shape_cast %get3A_2480 : vector<16xf32> to vector<16xf32>
      tpu.vector_store %arg8[%swap3A_2487], %swap3A_2490 {strides = array<i32>} : memref<32776xf32, #tpu.memory_space<vmem>>, vector<16xf32>,
    }
    %scan3A_1745 = arith.constant 2048 : i32
    %get3A_1746 = arith.constant 4081 : index
    %get3A_1747 = tpu.vector_load %arg8[%get3A_1746] {strides = array<i32>} : memref<32776xf32, #tpu.memory_space<vmem>>, vector<16xf32>,
    %get3A_1748 = vector.shape_cast %get3A_1747 : vector<16xf32> to vector<16xf32>
    %eq3A_1749 = arith.constant 15 : i32
    %eq3A_1750 = vector.broadcast %eq3A_1749 : i32 to vector<16xi32>
    %eq3A_1751 = arith.cmpi eq, %iota3A, %eq3A_1750 : vector<16xi32>
    %jit3A_1752 = arith.constant 2.000000e+00 : f32
    %broadcast_in_dim3A_1753 = vector.broadcast %jit3A_1752 : f32 to vector<16xf32>
    %select_n3A_1754 = arith.select %eq3A_1751, %broadcast_in_dim3A_1753, %get3A_1748 : vector<16xi1>, vector<16xf32>
    %swap3A_1755 = arith.constant 4081 : index
    %swap3A_1756 = tpu.vector_load %arg8[%swap3A_1755] {strides = array<i32>} : memref<32776xf32, #tpu.memory_space<vmem>>, vector<16xf32>,
    %swap3A_1757 = vector.shape_cast %swap3A_1756 : vector<16xf32> to vector<16xf32>
    %swap3A_1758 = vector.shape_cast %select_n3A_1754 : vector<16xf32> to vector<16xf32>
    tpu.vector_store %arg8[%swap3A_1755], %swap3A_1758 {strides = array<i32>} : memref<32776xf32, #tpu.memory_space<vmem>>, vector<16xf32>,
    %get3A_1759 = arith.constant 8178 : index
    %get3A_1760 = tpu.vector_load %arg8[%get3A_1759] {strides = array<i32>} : memref<32776xf32, #tpu.memory_space<vmem>>, vector<16xf32>,
    %get3A_1761 = vector.shape_cast %get3A_1760 : vector<16xf32> to vector<16xf32>
    %eq3A_1762 = arith.constant 15 : i32
    %eq3A_1763 = vector.broadcast %eq3A_1762 : i32 to vector<16xi32>
    %eq3A_1764 = arith.cmpi eq, %iota3A, %eq3A_1763 : vector<16xi32>
    %jit3A_1765 = arith.constant 2.000000e+00 : f32
    %broadcast_in_dim3A_1766 = vector.broadcast %jit3A_1765 : f32 to vector<16xf32>
    %select_n3A_1767 = arith.select %eq3A_1764, %broadcast_in_dim3A_1766, %get3A_1761 : vector<16xi1>, vector<16xf32>
    %swap3A_1768 = arith.constant 8178 : index
    %swap3A_1769 = tpu.vector_load %arg8[%swap3A_1768] {strides = array<i32>} : memref<32776xf32, #tpu.memory_space<vmem>>, vector<16xf32>,
    %swap3A_1770 = vector.shape_cast %swap3A_1769 : vector<16xf32> to vector<16xf32>
    %swap3A_1771 = vector.shape_cast %select_n3A_1767 : vector<16xf32> to vector<16xf32>
    tpu.vector_store %arg8[%swap3A_1768], %swap3A_1771 {strides = array<i32>} : memref<32776xf32, #tpu.memory_space<vmem>>, vector<16xf32>,
    %get3A_1772 = arith.constant 12275 : index
    %get3A_1773 = tpu.vector_load %arg8[%get3A_1772] {strides = array<i32>} : memref<32776xf32, #tpu.memory_space<vmem>>, vector<16xf32>,
    %get3A_1774 = vector.shape_cast %get3A_1773 : vector<16xf32> to vector<16xf32>
    %eq3A_1775 = arith.constant 15 : i32
    %eq3A_1776 = vector.broadcast %eq3A_1775 : i32 to vector<16xi32>
    %eq3A_1777 = arith.cmpi eq, %iota3A, %eq3A_1776 : vector<16xi32>
    %jit3A_1778 = arith.constant 2.000000e+00 : f32
    %broadcast_in_dim3A_1779 = vector.broadcast %jit3A_1778 : f32 to vector<16xf32>
    %select_n3A_1780 = arith.select %eq3A_1777, %broadcast_in_dim3A_1779, %get3A_1774 : vector<16xi1>, vector<16xf32>
    %swap3A_1781 = arith.constant 12275 : index
    %swap3A_1782 = tpu.vector_load %arg8[%swap3A_1781] {strides = array<i32>} : memref<32776xf32, #tpu.memory_space<vmem>>, vector<16xf32>,
    %swap3A_1783 = vector.shape_cast %swap3A_1782 : vector<16xf32> to vector<16xf32>
    %swap3A_1784 = vector.shape_cast %select_n3A_1780 : vector<16xf32> to vector<16xf32>
    tpu.vector_store %arg8[%swap3A_1781], %swap3A_1784 {strides = array<i32>} : memref<32776xf32, #tpu.memory_space<vmem>>, vector<16xf32>,
    %get3A_1785 = arith.constant 16372 : index
    %get3A_1786 = tpu.vector_load %arg8[%get3A_1785] {strides = array<i32>} : memref<32776xf32, #tpu.memory_space<vmem>>, vector<16xf32>,
    %get3A_1787 = vector.shape_cast %get3A_1786 : vector<16xf32> to vector<16xf32>
    %eq3A_1788 = arith.constant 15 : i32
    %eq3A_1789 = vector.broadcast %eq3A_1788 : i32 to vector<16xi32>
    %eq3A_1790 = arith.cmpi eq, %iota3A, %eq3A_1789 : vector<16xi32>
    %jit3A_1791 = arith.constant 2.000000e+00 : f32
    %broadcast_in_dim3A_1792 = vector.broadcast %jit3A_1791 : f32 to vector<16xf32>
    %select_n3A_1793 = arith.select %eq3A_1790, %broadcast_in_dim3A_1792, %get3A_1787 : vector<16xi1>, vector<16xf32>
    %swap3A_1794 = arith.constant 16372 : index
    %swap3A_1795 = tpu.vector_load %arg8[%swap3A_1794] {strides = array<i32>} : memref<32776xf32, #tpu.memory_space<vmem>>, vector<16xf32>,
    %swap3A_1796 = vector.shape_cast %swap3A_1795 : vector<16xf32> to vector<16xf32>
    %swap3A_1797 = vector.shape_cast %select_n3A_1793 : vector<16xf32> to vector<16xf32>
    tpu.vector_store %arg8[%swap3A_1794], %swap3A_1797 {strides = array<i32>} : memref<32776xf32, #tpu.memory_space<vmem>>, vector<16xf32>,
    %get3A_1798 = arith.constant 20469 : index
    %get3A_1799 = tpu.vector_load %arg8[%get3A_1798] {strides = array<i32>} : memref<32776xf32, #tpu.memory_space<vmem>>, vector<16xf32>,
    %get3A_1800 = vector.shape_cast %get3A_1799 : vector<16xf32> to vector<16xf32>
    %eq3A_1801 = arith.constant 15 : i32
    %eq3A_1802 = vector.broadcast %eq3A_1801 : i32 to vector<16xi32>
    %eq3A_1803 = arith.cmpi eq, %iota3A, %eq3A_1802 : vector<16xi32>
    %jit3A_1804 = arith.constant 2.000000e+00 : f32
    %broadcast_in_dim3A_1805 = vector.broadcast %jit3A_1804 : f32 to vector<16xf32>
    %select_n3A_1806 = arith.select %eq3A_1803, %broadcast_in_dim3A_1805, %get3A_1800 : vector<16xi1>, vector<16xf32>
    %swap3A_1807 = arith.constant 20469 : index
    %swap3A_1808 = tpu.vector_load %arg8[%swap3A_1807] {strides = array<i32>} : memref<32776xf32, #tpu.memory_space<vmem>>, vector<16xf32>,
    %swap3A_1809 = vector.shape_cast %swap3A_1808 : vector<16xf32> to vector<16xf32>
    %swap3A_1810 = vector.shape_cast %select_n3A_1806 : vector<16xf32> to vector<16xf32>
    tpu.vector_store %arg8[%swap3A_1807], %swap3A_1810 {strides = array<i32>} : memref<32776xf32, #tpu.memory_space<vmem>>, vector<16xf32>,
    %get3A_1811 = arith.constant 24566 : index
    %get3A_1812 = tpu.vector_load %arg8[%get3A_1811] {strides = array<i32>} : memref<32776xf32, #tpu.memory_space<vmem>>, vector<16xf32>,
    %get3A_1813 = vector.shape_cast %get3A_1812 : vector<16xf32> to vector<16xf32>
    %eq3A_1814 = arith.constant 15 : i32
    %eq3A_1815 = vector.broadcast %eq3A_1814 : i32 to vector<16xi32>
    %eq3A_1816 = arith.cmpi eq, %iota3A, %eq3A_1815 : vector<16xi32>
    %jit3A_1817 = arith.constant 2.000000e+00 : f32
    %broadcast_in_dim3A_1818 = vector.broadcast %jit3A_1817 : f32 to vector<16xf32>
    %select_n3A_1819 = arith.select %eq3A_1816, %broadcast_in_dim3A_1818, %get3A_1813 : vector<16xi1>, vector<16xf32>
    %swap3A_1820 = arith.constant 24566 : index
    %swap3A_1821 = tpu.vector_load %arg8[%swap3A_1820] {strides = array<i32>} : memref<32776xf32, #tpu.memory_space<vmem>>, vector<16xf32>,
    %swap3A_1822 = vector.shape_cast %swap3A_1821 : vector<16xf32> to vector<16xf32>
    %swap3A_1823 = vector.shape_cast %select_n3A_1819 : vector<16xf32> to vector<16xf32>
    tpu.vector_store %arg8[%swap3A_1820], %swap3A_1823 {strides = array<i32>} : memref<32776xf32, #tpu.memory_space<vmem>>, vector<16xf32>,
    %get3A_1824 = arith.constant 28663 : index
    %get3A_1825 = tpu.vector_load %arg8[%get3A_1824] {strides = array<i32>} : memref<32776xf32, #tpu.memory_space<vmem>>, vector<16xf32>,
    %get3A_1826 = vector.shape_cast %get3A_1825 : vector<16xf32> to vector<16xf32>
    %eq3A_1827 = arith.constant 15 : i32
    %eq3A_1828 = vector.broadcast %eq3A_1827 : i32 to vector<16xi32>
    %eq3A_1829 = arith.cmpi eq, %iota3A, %eq3A_1828 : vector<16xi32>
    %jit3A_1830 = arith.constant 2.000000e+00 : f32
    %broadcast_in_dim3A_1831 = vector.broadcast %jit3A_1830 : f32 to vector<16xf32>
    %select_n3A_1832 = arith.select %eq3A_1829, %broadcast_in_dim3A_1831, %get3A_1826 : vector<16xi1>, vector<16xf32>
    %swap3A_1833 = arith.constant 28663 : index
    %swap3A_1834 = tpu.vector_load %arg8[%swap3A_1833] {strides = array<i32>} : memref<32776xf32, #tpu.memory_space<vmem>>, vector<16xf32>,
    %swap3A_1835 = vector.shape_cast %swap3A_1834 : vector<16xf32> to vector<16xf32>
    %swap3A_1836 = vector.shape_cast %select_n3A_1832 : vector<16xf32> to vector<16xf32>
    tpu.vector_store %arg8[%swap3A_1833], %swap3A_1836 {strides = array<i32>} : memref<32776xf32, #tpu.memory_space<vmem>>, vector<16xf32>,
    %get3A_1837 = arith.constant 32760 : index
    %get3A_1838 = tpu.vector_load %arg8[%get3A_1837] {strides = array<i32>} : memref<32776xf32, #tpu.memory_space<vmem>>, vector<16xf32>,
    %get3A_1839 = vector.shape_cast %get3A_1838 : vector<16xf32> to vector<16xf32>
    %eq3A_1840 = arith.constant 15 : i32
    %eq3A_1841 = vector.broadcast %eq3A_1840 : i32 to vector<16xi32>
    %eq3A_1842 = arith.cmpi eq, %iota3A, %eq3A_1841 : vector<16xi32>
    %jit3A_1843 = arith.constant 2.000000e+00 : f32
    %broadcast_in_dim3A_1844 = vector.broadcast %jit3A_1843 : f32 to vector<16xf32>
    %select_n3A_1845 = arith.select %eq3A_1842, %broadcast_in_dim3A_1844, %get3A_1839 : vector<16xi1>, vector<16xf32>
    %swap3A_1846 = arith.constant 32760 : index
    %swap3A_1847 = tpu.vector_load %arg8[%swap3A_1846] {strides = array<i32>} : memref<32776xf32, #tpu.memory_space<vmem>>, vector<16xf32>,
    %swap3A_1848 = vector.shape_cast %swap3A_1847 : vector<16xf32> to vector<16xf32>
    %swap3A_1849 = vector.shape_cast %select_n3A_1845 : vector<16xf32> to vector<16xf32>
    tpu.vector_store %arg8[%swap3A_1846], %swap3A_1849 {strides = array<i32>} : memref<32776xf32, #tpu.memory_space<vmem>>, vector<16xf32>,
    %mul3A_1850 = arith.constant 4097 : i32
    %mul3A_1851 = arith.muli %add3A_1240, %mul3A_1850 : i32
    %multiple_of3A_1852 = tpu.assume_multiple %mul3A_1851, 8 : i32
    %dma_start3A_1853 = tpu.memref_slice %arg5[%multiple_of3A_1852] : memref<4195328xf32, #tpu.memory_space<hbm>> -> memref<32776xf32, #tpu.memory_space<hbm>>
    %dma_start3A_1854 = tpu.memref_slice %arg5[%multiple_of3A_1852] : memref<4195328xf32, #tpu.memory_space<hbm>> -> memref<32776xf32, #tpu.memory_space<hbm>>
    tpu.enqueue_dma source(%arg8 : memref<32776xf32, #tpu.memory_space<vmem>>) target(%dma_start3A_1854 : memref<32776xf32, #tpu.memory_space<hbm>>) target_semaphore(%arg11 : memref<!tpu.dma_semaphore, #tpu.memory_space<semaphore_mem>>)
    %dma_wait3A_1855 = tpu.memref_slice %arg5[%multiple_of3A_1852] : memref<4195328xf32, #tpu.memory_space<hbm>> -> memref<32776xf32, #tpu.memory_space<hbm>>
    %dma_wait3A_1856 = tpu.memref_slice %arg5[%multiple_of3A_1852] : memref<4195328xf32, #tpu.memory_space<hbm>> -> memref<32776xf32, #tpu.memory_space<hbm>>
    tpu.wait_dma2 semaphore(%arg11 : memref<!tpu.dma_semaphore, #tpu.memory_space<semaphore_mem>>) src(%arg8 : memref<32776xf32, #tpu.memory_space<vmem>>) dst(%dma_wait3A_1856 : memref<32776xf32, #tpu.memory_space<hbm>>)
    %add3A_1857 = arith.constant 24 : i32
    %add3A_1858 = arith.addi %mul3A_2, %add3A_1857 : i32
    %add3A_1859 = arith.constant 0 : i32
    %add3A_1860 = arith.addi %add3A_1858, %add3A_1859 : i32
    %dma_start3A_1861 = arith.constant 0 : i32
    %dma_start3A_1862 = arith.constant 0 : i32
    %dma_start3A_1863 = tpu.memref_slice %arg7[%dma_start3A_1862] : memref<32768xf32, #tpu.memory_space<vmem>> -> memref<4096xf32, #tpu.memory_space<vmem>>
    %dma_start3A_1864 = arith.constant 0 : i32
    %dma_start3A_1865 = tpu.memref_slice %arg2[%add3A_1860, %dma_start3A_1861, %dma_start3A_1864] : memref<1024x2x4096xf32, #tpu.memory_space<hbm>> -> memref<1x1x4096xf32, #tpu.memory_space<hbm>>
    %dma_start3A_1866 = tpu.memref_squeeze %dma_start3A_1865 : memref<1x1x4096xf32, #tpu.memory_space<hbm>> -> memref<4096xf32, #tpu.memory_space<hbm>>
    %dma_start3A_1867 = arith.constant 0 : i32
    %dma_start3A_1868 = tpu.memref_slice %arg7[%dma_start3A_1867] : memref<32768xf32, #tpu.memory_space<vmem>> -> memref<4096xf32, #tpu.memory_space<vmem>>
    %dma_start3A_1869 = arith.constant 0 : i32
    %dma_start3A_1870 = tpu.memref_slice %arg2[%add3A_1860, %dma_start3A_1861, %dma_start3A_1869] : memref<1024x2x4096xf32, #tpu.memory_space<hbm>> -> memref<1x1x4096xf32, #tpu.memory_space<hbm>>
    %dma_start3A_1871 = tpu.memref_squeeze %dma_start3A_1870 : memref<1x1x4096xf32, #tpu.memory_space<hbm>> -> memref<4096xf32, #tpu.memory_space<hbm>>
    tpu.enqueue_dma source(%dma_start3A_1871 : memref<4096xf32, #tpu.memory_space<hbm>>) target(%dma_start3A_1868 : memref<4096xf32, #tpu.memory_space<vmem>>) target_semaphore(%arg10 : memref<!tpu.dma_semaphore, #tpu.memory_space<semaphore_mem>>)
    %add3A_1872 = arith.constant 1 : i32
    %add3A_1873 = arith.addi %add3A_1858, %add3A_1872 : i32
    %dma_start3A_1874 = arith.constant 0 : i32
    %dma_start3A_1875 = arith.constant 4096 : i32
    %dma_start3A_1876 = tpu.memref_slice %arg7[%dma_start3A_1875] : memref<32768xf32, #tpu.memory_space<vmem>> -> memref<4096xf32, #tpu.memory_space<vmem>>
    %dma_start3A_1877 = arith.constant 0 : i32
    %dma_start3A_1878 = tpu.memref_slice %arg2[%add3A_1873, %dma_start3A_1874, %dma_start3A_1877] : memref<1024x2x4096xf32, #tpu.memory_space<hbm>> -> memref<1x1x4096xf32, #tpu.memory_space<hbm>>
    %dma_start3A_1879 = tpu.memref_squeeze %dma_start3A_1878 : memref<1x1x4096xf32, #tpu.memory_space<hbm>> -> memref<4096xf32, #tpu.memory_space<hbm>>
    %dma_start3A_1880 = arith.constant 4096 : i32
    %dma_start3A_1881 = tpu.memref_slice %arg7[%dma_start3A_1880] : memref<32768xf32, #tpu.memory_space<vmem>> -> memref<4096xf32, #tpu.memory_space<vmem>>
    %dma_start3A_1882 = arith.constant 0 : i32
    %dma_start3A_1883 = tpu.memref_slice %arg2[%add3A_1873, %dma_start3A_1874, %dma_start3A_1882] : memref<1024x2x4096xf32, #tpu.memory_space<hbm>> -> memref<1x1x4096xf32, #tpu.memory_space<hbm>>
    %dma_start3A_1884 = tpu.memref_squeeze %dma_start3A_1883 : memref<1x1x4096xf32, #tpu.memory_space<hbm>> -> memref<4096xf32, #tpu.memory_space<hbm>>
    tpu.enqueue_dma source(%dma_start3A_1884 : memref<4096xf32, #tpu.memory_space<hbm>>) target(%dma_start3A_1881 : memref<4096xf32, #tpu.memory_space<vmem>>) target_semaphore(%arg10 : memref<!tpu.dma_semaphore, #tpu.memory_space<semaphore_mem>>)
    %add3A_1885 = arith.constant 2 : i32
    %add3A_1886 = arith.addi %add3A_1858, %add3A_1885 : i32
    %dma_start3A_1887 = arith.constant 0 : i32
    %dma_start3A_1888 = arith.constant 8192 : i32
    %dma_start3A_1889 = tpu.memref_slice %arg7[%dma_start3A_1888] : memref<32768xf32, #tpu.memory_space<vmem>> -> memref<4096xf32, #tpu.memory_space<vmem>>
    %dma_start3A_1890 = arith.constant 0 : i32
    %dma_start3A_1891 = tpu.memref_slice %arg2[%add3A_1886, %dma_start3A_1887, %dma_start3A_1890] : memref<1024x2x4096xf32, #tpu.memory_space<hbm>> -> memref<1x1x4096xf32, #tpu.memory_space<hbm>>
    %dma_start3A_1892 = tpu.memref_squeeze %dma_start3A_1891 : memref<1x1x4096xf32, #tpu.memory_space<hbm>> -> memref<4096xf32, #tpu.memory_space<hbm>>
    %dma_start3A_1893 = arith.constant 8192 : i32
    %dma_start3A_1894 = tpu.memref_slice %arg7[%dma_start3A_1893] : memref<32768xf32, #tpu.memory_space<vmem>> -> memref<4096xf32, #tpu.memory_space<vmem>>
    %dma_start3A_1895 = arith.constant 0 : i32
    %dma_start3A_1896 = tpu.memref_slice %arg2[%add3A_1886, %dma_start3A_1887, %dma_start3A_1895] : memref<1024x2x4096xf32, #tpu.memory_space<hbm>> -> memref<1x1x4096xf32, #tpu.memory_space<hbm>>
    %dma_start3A_1897 = tpu.memref_squeeze %dma_start3A_1896 : memref<1x1x4096xf32, #tpu.memory_space<hbm>> -> memref<4096xf32, #tpu.memory_space<hbm>>
    tpu.enqueue_dma source(%dma_start3A_1897 : memref<4096xf32, #tpu.memory_space<hbm>>) target(%dma_start3A_1894 : memref<4096xf32, #tpu.memory_space<vmem>>) target_semaphore(%arg10 : memref<!tpu.dma_semaphore, #tpu.memory_space<semaphore_mem>>)
    %add3A_1898 = arith.constant 3 : i32
    %add3A_1899 = arith.addi %add3A_1858, %add3A_1898 : i32
    %dma_start3A_1900 = arith.constant 0 : i32
    %dma_start3A_1901 = arith.constant 12288 : i32
    %dma_start3A_1902 = tpu.memref_slice %arg7[%dma_start3A_1901] : memref<32768xf32, #tpu.memory_space<vmem>> -> memref<4096xf32, #tpu.memory_space<vmem>>
    %dma_start3A_1903 = arith.constant 0 : i32
    %dma_start3A_1904 = tpu.memref_slice %arg2[%add3A_1899, %dma_start3A_1900, %dma_start3A_1903] : memref<1024x2x4096xf32, #tpu.memory_space<hbm>> -> memref<1x1x4096xf32, #tpu.memory_space<hbm>>
    %dma_start3A_1905 = tpu.memref_squeeze %dma_start3A_1904 : memref<1x1x4096xf32, #tpu.memory_space<hbm>> -> memref<4096xf32, #tpu.memory_space<hbm>>
    %dma_start3A_1906 = arith.constant 12288 : i32
    %dma_start3A_1907 = tpu.memref_slice %arg7[%dma_start3A_1906] : memref<32768xf32, #tpu.memory_space<vmem>> -> memref<4096xf32, #tpu.memory_space<vmem>>
    %dma_start3A_1908 = arith.constant 0 : i32
    %dma_start3A_1909 = tpu.memref_slice %arg2[%add3A_1899, %dma_start3A_1900, %dma_start3A_1908] : memref<1024x2x4096xf32, #tpu.memory_space<hbm>> -> memref<1x1x4096xf32, #tpu.memory_space<hbm>>
    %dma_start3A_1910 = tpu.memref_squeeze %dma_start3A_1909 : memref<1x1x4096xf32, #tpu.memory_space<hbm>> -> memref<4096xf32, #tpu.memory_space<hbm>>
    tpu.enqueue_dma source(%dma_start3A_1910 : memref<4096xf32, #tpu.memory_space<hbm>>) target(%dma_start3A_1907 : memref<4096xf32, #tpu.memory_space<vmem>>) target_semaphore(%arg10 : memref<!tpu.dma_semaphore, #tpu.memory_space<semaphore_mem>>)
    %add3A_1911 = arith.constant 4 : i32
    %add3A_1912 = arith.addi %add3A_1858, %add3A_1911 : i32
    %dma_start3A_1913 = arith.constant 0 : i32
    %dma_start3A_1914 = arith.constant 16384 : i32
    %dma_start3A_1915 = tpu.memref_slice %arg7[%dma_start3A_1914] : memref<32768xf32, #tpu.memory_space<vmem>> -> memref<4096xf32, #tpu.memory_space<vmem>>
    %dma_start3A_1916 = arith.constant 0 : i32
    %dma_start3A_1917 = tpu.memref_slice %arg2[%add3A_1912, %dma_start3A_1913, %dma_start3A_1916] : memref<1024x2x4096xf32, #tpu.memory_space<hbm>> -> memref<1x1x4096xf32, #tpu.memory_space<hbm>>
    %dma_start3A_1918 = tpu.memref_squeeze %dma_start3A_1917 : memref<1x1x4096xf32, #tpu.memory_space<hbm>> -> memref<4096xf32, #tpu.memory_space<hbm>>
    %dma_start3A_1919 = arith.constant 16384 : i32
    %dma_start3A_1920 = tpu.memref_slice %arg7[%dma_start3A_1919] : memref<32768xf32, #tpu.memory_space<vmem>> -> memref<4096xf32, #tpu.memory_space<vmem>>
    %dma_start3A_1921 = arith.constant 0 : i32
    %dma_start3A_1922 = tpu.memref_slice %arg2[%add3A_1912, %dma_start3A_1913, %dma_start3A_1921] : memref<1024x2x4096xf32, #tpu.memory_space<hbm>> -> memref<1x1x4096xf32, #tpu.memory_space<hbm>>
    %dma_start3A_1923 = tpu.memref_squeeze %dma_start3A_1922 : memref<1x1x4096xf32, #tpu.memory_space<hbm>> -> memref<4096xf32, #tpu.memory_space<hbm>>
    tpu.enqueue_dma source(%dma_start3A_1923 : memref<4096xf32, #tpu.memory_space<hbm>>) target(%dma_start3A_1920 : memref<4096xf32, #tpu.memory_space<vmem>>) target_semaphore(%arg10 : memref<!tpu.dma_semaphore, #tpu.memory_space<semaphore_mem>>)
    %add3A_1924 = arith.constant 5 : i32
    %add3A_1925 = arith.addi %add3A_1858, %add3A_1924 : i32
    %dma_start3A_1926 = arith.constant 0 : i32
    %dma_start3A_1927 = arith.constant 20480 : i32
    %dma_start3A_1928 = tpu.memref_slice %arg7[%dma_start3A_1927] : memref<32768xf32, #tpu.memory_space<vmem>> -> memref<4096xf32, #tpu.memory_space<vmem>>
    %dma_start3A_1929 = arith.constant 0 : i32
    %dma_start3A_1930 = tpu.memref_slice %arg2[%add3A_1925, %dma_start3A_1926, %dma_start3A_1929] : memref<1024x2x4096xf32, #tpu.memory_space<hbm>> -> memref<1x1x4096xf32, #tpu.memory_space<hbm>>
    %dma_start3A_1931 = tpu.memref_squeeze %dma_start3A_1930 : memref<1x1x4096xf32, #tpu.memory_space<hbm>> -> memref<4096xf32, #tpu.memory_space<hbm>>
    %dma_start3A_1932 = arith.constant 20480 : i32
    %dma_start3A_1933 = tpu.memref_slice %arg7[%dma_start3A_1932] : memref<32768xf32, #tpu.memory_space<vmem>> -> memref<4096xf32, #tpu.memory_space<vmem>>
    %dma_start3A_1934 = arith.constant 0 : i32
    %dma_start3A_1935 = tpu.memref_slice %arg2[%add3A_1925, %dma_start3A_1926, %dma_start3A_1934] : memref<1024x2x4096xf32, #tpu.memory_space<hbm>> -> memref<1x1x4096xf32, #tpu.memory_space<hbm>>
    %dma_start3A_1936 = tpu.memref_squeeze %dma_start3A_1935 : memref<1x1x4096xf32, #tpu.memory_space<hbm>> -> memref<4096xf32, #tpu.memory_space<hbm>>
    tpu.enqueue_dma source(%dma_start3A_1936 : memref<4096xf32, #tpu.memory_space<hbm>>) target(%dma_start3A_1933 : memref<4096xf32, #tpu.memory_space<vmem>>) target_semaphore(%arg10 : memref<!tpu.dma_semaphore, #tpu.memory_space<semaphore_mem>>)
    %add3A_1937 = arith.constant 6 : i32
    %add3A_1938 = arith.addi %add3A_1858, %add3A_1937 : i32
    %dma_start3A_1939 = arith.constant 0 : i32
    %dma_start3A_1940 = arith.constant 24576 : i32
    %dma_start3A_1941 = tpu.memref_slice %arg7[%dma_start3A_1940] : memref<32768xf32, #tpu.memory_space<vmem>> -> memref<4096xf32, #tpu.memory_space<vmem>>
    %dma_start3A_1942 = arith.constant 0 : i32
    %dma_start3A_1943 = tpu.memref_slice %arg2[%add3A_1938, %dma_start3A_1939, %dma_start3A_1942] : memref<1024x2x4096xf32, #tpu.memory_space<hbm>> -> memref<1x1x4096xf32, #tpu.memory_space<hbm>>
    %dma_start3A_1944 = tpu.memref_squeeze %dma_start3A_1943 : memref<1x1x4096xf32, #tpu.memory_space<hbm>> -> memref<4096xf32, #tpu.memory_space<hbm>>
    %dma_start3A_1945 = arith.constant 24576 : i32
    %dma_start3A_1946 = tpu.memref_slice %arg7[%dma_start3A_1945] : memref<32768xf32, #tpu.memory_space<vmem>> -> memref<4096xf32, #tpu.memory_space<vmem>>
    %dma_start3A_1947 = arith.constant 0 : i32
    %dma_start3A_1948 = tpu.memref_slice %arg2[%add3A_1938, %dma_start3A_1939, %dma_start3A_1947] : memref<1024x2x4096xf32, #tpu.memory_space<hbm>> -> memref<1x1x4096xf32, #tpu.memory_space<hbm>>
    %dma_start3A_1949 = tpu.memref_squeeze %dma_start3A_1948 : memref<1x1x4096xf32, #tpu.memory_space<hbm>> -> memref<4096xf32, #tpu.memory_space<hbm>>
    tpu.enqueue_dma source(%dma_start3A_1949 : memref<4096xf32, #tpu.memory_space<hbm>>) target(%dma_start3A_1946 : memref<4096xf32, #tpu.memory_space<vmem>>) target_semaphore(%arg10 : memref<!tpu.dma_semaphore, #tpu.memory_space<semaphore_mem>>)
    %add3A_1950 = arith.constant 7 : i32
    %add3A_1951 = arith.addi %add3A_1858, %add3A_1950 : i32
    %dma_start3A_1952 = arith.constant 0 : i32
    %dma_start3A_1953 = arith.constant 28672 : i32
    %dma_start3A_1954 = tpu.memref_slice %arg7[%dma_start3A_1953] : memref<32768xf32, #tpu.memory_space<vmem>> -> memref<4096xf32, #tpu.memory_space<vmem>>
    %dma_start3A_1955 = arith.constant 0 : i32
    %dma_start3A_1956 = tpu.memref_slice %arg2[%add3A_1951, %dma_start3A_1952, %dma_start3A_1955] : memref<1024x2x4096xf32, #tpu.memory_space<hbm>> -> memref<1x1x4096xf32, #tpu.memory_space<hbm>>
    %dma_start3A_1957 = tpu.memref_squeeze %dma_start3A_1956 : memref<1x1x4096xf32, #tpu.memory_space<hbm>> -> memref<4096xf32, #tpu.memory_space<hbm>>
    %dma_start3A_1958 = arith.constant 28672 : i32
    %dma_start3A_1959 = tpu.memref_slice %arg7[%dma_start3A_1958] : memref<32768xf32, #tpu.memory_space<vmem>> -> memref<4096xf32, #tpu.memory_space<vmem>>
    %dma_start3A_1960 = arith.constant 0 : i32
    %dma_start3A_1961 = tpu.memref_slice %arg2[%add3A_1951, %dma_start3A_1952, %dma_start3A_1960] : memref<1024x2x4096xf32, #tpu.memory_space<hbm>> -> memref<1x1x4096xf32, #tpu.memory_space<hbm>>
    %dma_start3A_1962 = tpu.memref_squeeze %dma_start3A_1961 : memref<1x1x4096xf32, #tpu.memory_space<hbm>> -> memref<4096xf32, #tpu.memory_space<hbm>>
    tpu.enqueue_dma source(%dma_start3A_1962 : memref<4096xf32, #tpu.memory_space<hbm>>) target(%dma_start3A_1959 : memref<4096xf32, #tpu.memory_space<vmem>>) target_semaphore(%arg10 : memref<!tpu.dma_semaphore, #tpu.memory_space<semaphore_mem>>)
    %dma_wait3A_1963 = arith.constant 0 : i32
    %dma_wait3A_1964 = arith.constant 0 : i32
    %dma_wait3A_1965 = tpu.memref_slice %arg7[%dma_wait3A_1964] : memref<32768xf32, #tpu.memory_space<vmem>> -> memref<4096xf32, #tpu.memory_space<vmem>>
    %dma_wait3A_1966 = arith.constant 0 : i32
    %dma_wait3A_1967 = tpu.memref_slice %arg2[%add3A_1860, %dma_wait3A_1963, %dma_wait3A_1966] : memref<1024x2x4096xf32, #tpu.memory_space<hbm>> -> memref<1x1x4096xf32, #tpu.memory_space<hbm>>
    %dma_wait3A_1968 = tpu.memref_squeeze %dma_wait3A_1967 : memref<1x1x4096xf32, #tpu.memory_space<hbm>> -> memref<4096xf32, #tpu.memory_space<hbm>>
    %dma_wait3A_1969 = arith.constant 0 : i32
    %dma_wait3A_1970 = tpu.memref_slice %arg7[%dma_wait3A_1969] : memref<32768xf32, #tpu.memory_space<vmem>> -> memref<4096xf32, #tpu.memory_space<vmem>>
    %dma_wait3A_1971 = arith.constant 0 : i32
    %dma_wait3A_1972 = tpu.memref_slice %arg2[%add3A_1860, %dma_wait3A_1963, %dma_wait3A_1971] : memref<1024x2x4096xf32, #tpu.memory_space<hbm>> -> memref<1x1x4096xf32, #tpu.memory_space<hbm>>
    %dma_wait3A_1973 = tpu.memref_squeeze %dma_wait3A_1972 : memref<1x1x4096xf32, #tpu.memory_space<hbm>> -> memref<4096xf32, #tpu.memory_space<hbm>>
    tpu.wait_dma2 semaphore(%arg10 : memref<!tpu.dma_semaphore, #tpu.memory_space<semaphore_mem>>) src(%dma_wait3A_1973 : memref<4096xf32, #tpu.memory_space<hbm>>) dst(%dma_wait3A_1970 : memref<4096xf32, #tpu.memory_space<vmem>>)
    %dma_wait3A_1974 = arith.constant 0 : i32
    %dma_wait3A_1975 = arith.constant 4096 : i32
    %dma_wait3A_1976 = tpu.memref_slice %arg7[%dma_wait3A_1975] : memref<32768xf32, #tpu.memory_space<vmem>> -> memref<4096xf32, #tpu.memory_space<vmem>>
    %dma_wait3A_1977 = arith.constant 0 : i32
    %dma_wait3A_1978 = tpu.memref_slice %arg2[%add3A_1873, %dma_wait3A_1974, %dma_wait3A_1977] : memref<1024x2x4096xf32, #tpu.memory_space<hbm>> -> memref<1x1x4096xf32, #tpu.memory_space<hbm>>
    %dma_wait3A_1979 = tpu.memref_squeeze %dma_wait3A_1978 : memref<1x1x4096xf32, #tpu.memory_space<hbm>> -> memref<4096xf32, #tpu.memory_space<hbm>>
    %dma_wait3A_1980 = arith.constant 4096 : i32
    %dma_wait3A_1981 = tpu.memref_slice %arg7[%dma_wait3A_1980] : memref<32768xf32, #tpu.memory_space<vmem>> -> memref<4096xf32, #tpu.memory_space<vmem>>
    %dma_wait3A_1982 = arith.constant 0 : i32
    %dma_wait3A_1983 = tpu.memref_slice %arg2[%add3A_1873, %dma_wait3A_1974, %dma_wait3A_1982] : memref<1024x2x4096xf32, #tpu.memory_space<hbm>> -> memref<1x1x4096xf32, #tpu.memory_space<hbm>>
    %dma_wait3A_1984 = tpu.memref_squeeze %dma_wait3A_1983 : memref<1x1x4096xf32, #tpu.memory_space<hbm>> -> memref<4096xf32, #tpu.memory_space<hbm>>
    tpu.wait_dma2 semaphore(%arg10 : memref<!tpu.dma_semaphore, #tpu.memory_space<semaphore_mem>>) src(%dma_wait3A_1984 : memref<4096xf32, #tpu.memory_space<hbm>>) dst(%dma_wait3A_1981 : memref<4096xf32, #tpu.memory_space<vmem>>)
    %dma_wait3A_1985 = arith.constant 0 : i32
    %dma_wait3A_1986 = arith.constant 8192 : i32
    %dma_wait3A_1987 = tpu.memref_slice %arg7[%dma_wait3A_1986] : memref<32768xf32, #tpu.memory_space<vmem>> -> memref<4096xf32, #tpu.memory_space<vmem>>
    %dma_wait3A_1988 = arith.constant 0 : i32
    %dma_wait3A_1989 = tpu.memref_slice %arg2[%add3A_1886, %dma_wait3A_1985, %dma_wait3A_1988] : memref<1024x2x4096xf32, #tpu.memory_space<hbm>> -> memref<1x1x4096xf32, #tpu.memory_space<hbm>>
    %dma_wait3A_1990 = tpu.memref_squeeze %dma_wait3A_1989 : memref<1x1x4096xf32, #tpu.memory_space<hbm>> -> memref<4096xf32, #tpu.memory_space<hbm>>
    %dma_wait3A_1991 = arith.constant 8192 : i32
    %dma_wait3A_1992 = tpu.memref_slice %arg7[%dma_wait3A_1991] : memref<32768xf32, #tpu.memory_space<vmem>> -> memref<4096xf32, #tpu.memory_space<vmem>>
    %dma_wait3A_1993 = arith.constant 0 : i32
    %dma_wait3A_1994 = tpu.memref_slice %arg2[%add3A_1886, %dma_wait3A_1985, %dma_wait3A_1993] : memref<1024x2x4096xf32, #tpu.memory_space<hbm>> -> memref<1x1x4096xf32, #tpu.memory_space<hbm>>
    %dma_wait3A_1995 = tpu.memref_squeeze %dma_wait3A_1994 : memref<1x1x4096xf32, #tpu.memory_space<hbm>> -> memref<4096xf32, #tpu.memory_space<hbm>>
    tpu.wait_dma2 semaphore(%arg10 : memref<!tpu.dma_semaphore, #tpu.memory_space<semaphore_mem>>) src(%dma_wait3A_1995 : memref<4096xf32, #tpu.memory_space<hbm>>) dst(%dma_wait3A_1992 : memref<4096xf32, #tpu.memory_space<vmem>>)
    %dma_wait3A_1996 = arith.constant 0 : i32
    %dma_wait3A_1997 = arith.constant 12288 : i32
    %dma_wait3A_1998 = tpu.memref_slice %arg7[%dma_wait3A_1997] : memref<32768xf32, #tpu.memory_space<vmem>> -> memref<4096xf32, #tpu.memory_space<vmem>>
    %dma_wait3A_1999 = arith.constant 0 : i32
    %dma_wait3A_2000 = tpu.memref_slice %arg2[%add3A_1899, %dma_wait3A_1996, %dma_wait3A_1999] : memref<1024x2x4096xf32, #tpu.memory_space<hbm>> -> memref<1x1x4096xf32, #tpu.memory_space<hbm>>
    %dma_wait3A_2001 = tpu.memref_squeeze %dma_wait3A_2000 : memref<1x1x4096xf32, #tpu.memory_space<hbm>> -> memref<4096xf32, #tpu.memory_space<hbm>>
    %dma_wait3A_2002 = arith.constant 12288 : i32
    %dma_wait3A_2003 = tpu.memref_slice %arg7[%dma_wait3A_2002] : memref<32768xf32, #tpu.memory_space<vmem>> -> memref<4096xf32, #tpu.memory_space<vmem>>
    %dma_wait3A_2004 = arith.constant 0 : i32
    %dma_wait3A_2005 = tpu.memref_slice %arg2[%add3A_1899, %dma_wait3A_1996, %dma_wait3A_2004] : memref<1024x2x4096xf32, #tpu.memory_space<hbm>> -> memref<1x1x4096xf32, #tpu.memory_space<hbm>>
    %dma_wait3A_2006 = tpu.memref_squeeze %dma_wait3A_2005 : memref<1x1x4096xf32, #tpu.memory_space<hbm>> -> memref<4096xf32, #tpu.memory_space<hbm>>
    tpu.wait_dma2 semaphore(%arg10 : memref<!tpu.dma_semaphore, #tpu.memory_space<semaphore_mem>>) src(%dma_wait3A_2006 : memref<4096xf32, #tpu.memory_space<hbm>>) dst(%dma_wait3A_2003 : memref<4096xf32, #tpu.memory_space<vmem>>)
    %dma_wait3A_2007 = arith.constant 0 : i32
    %dma_wait3A_2008 = arith.constant 16384 : i32
    %dma_wait3A_2009 = tpu.memref_slice %arg7[%dma_wait3A_2008] : memref<32768xf32, #tpu.memory_space<vmem>> -> memref<4096xf32, #tpu.memory_space<vmem>>
    %dma_wait3A_2010 = arith.constant 0 : i32
    %dma_wait3A_2011 = tpu.memref_slice %arg2[%add3A_1912, %dma_wait3A_2007, %dma_wait3A_2010] : memref<1024x2x4096xf32, #tpu.memory_space<hbm>> -> memref<1x1x4096xf32, #tpu.memory_space<hbm>>
    %dma_wait3A_2012 = tpu.memref_squeeze %dma_wait3A_2011 : memref<1x1x4096xf32, #tpu.memory_space<hbm>> -> memref<4096xf32, #tpu.memory_space<hbm>>
    %dma_wait3A_2013 = arith.constant 16384 : i32
    %dma_wait3A_2014 = tpu.memref_slice %arg7[%dma_wait3A_2013] : memref<32768xf32, #tpu.memory_space<vmem>> -> memref<4096xf32, #tpu.memory_space<vmem>>
    %dma_wait3A_2015 = arith.constant 0 : i32
    %dma_wait3A_2016 = tpu.memref_slice %arg2[%add3A_1912, %dma_wait3A_2007, %dma_wait3A_2015] : memref<1024x2x4096xf32, #tpu.memory_space<hbm>> -> memref<1x1x4096xf32, #tpu.memory_space<hbm>>
    %dma_wait3A_2017 = tpu.memref_squeeze %dma_wait3A_2016 : memref<1x1x4096xf32, #tpu.memory_space<hbm>> -> memref<4096xf32, #tpu.memory_space<hbm>>
    tpu.wait_dma2 semaphore(%arg10 : memref<!tpu.dma_semaphore, #tpu.memory_space<semaphore_mem>>) src(%dma_wait3A_2017 : memref<4096xf32, #tpu.memory_space<hbm>>) dst(%dma_wait3A_2014 : memref<4096xf32, #tpu.memory_space<vmem>>)
    %dma_wait3A_2018 = arith.constant 0 : i32
    %dma_wait3A_2019 = arith.constant 20480 : i32
    %dma_wait3A_2020 = tpu.memref_slice %arg7[%dma_wait3A_2019] : memref<32768xf32, #tpu.memory_space<vmem>> -> memref<4096xf32, #tpu.memory_space<vmem>>
    %dma_wait3A_2021 = arith.constant 0 : i32
    %dma_wait3A_2022 = tpu.memref_slice %arg2[%add3A_1925, %dma_wait3A_2018, %dma_wait3A_2021] : memref<1024x2x4096xf32, #tpu.memory_space<hbm>> -> memref<1x1x4096xf32, #tpu.memory_space<hbm>>
    %dma_wait3A_2023 = tpu.memref_squeeze %dma_wait3A_2022 : memref<1x1x4096xf32, #tpu.memory_space<hbm>> -> memref<4096xf32, #tpu.memory_space<hbm>>
    %dma_wait3A_2024 = arith.constant 20480 : i32
    %dma_wait3A_2025 = tpu.memref_slice %arg7[%dma_wait3A_2024] : memref<32768xf32, #tpu.memory_space<vmem>> -> memref<4096xf32, #tpu.memory_space<vmem>>
    %dma_wait3A_2026 = arith.constant 0 : i32
    %dma_wait3A_2027 = tpu.memref_slice %arg2[%add3A_1925, %dma_wait3A_2018, %dma_wait3A_2026] : memref<1024x2x4096xf32, #tpu.memory_space<hbm>> -> memref<1x1x4096xf32, #tpu.memory_space<hbm>>
    %dma_wait3A_2028 = tpu.memref_squeeze %dma_wait3A_2027 : memref<1x1x4096xf32, #tpu.memory_space<hbm>> -> memref<4096xf32, #tpu.memory_space<hbm>>
    tpu.wait_dma2 semaphore(%arg10 : memref<!tpu.dma_semaphore, #tpu.memory_space<semaphore_mem>>) src(%dma_wait3A_2028 : memref<4096xf32, #tpu.memory_space<hbm>>) dst(%dma_wait3A_2025 : memref<4096xf32, #tpu.memory_space<vmem>>)
    %dma_wait3A_2029 = arith.constant 0 : i32
    %dma_wait3A_2030 = arith.constant 24576 : i32
    %dma_wait3A_2031 = tpu.memref_slice %arg7[%dma_wait3A_2030] : memref<32768xf32, #tpu.memory_space<vmem>> -> memref<4096xf32, #tpu.memory_space<vmem>>
    %dma_wait3A_2032 = arith.constant 0 : i32
    %dma_wait3A_2033 = tpu.memref_slice %arg2[%add3A_1938, %dma_wait3A_2029, %dma_wait3A_2032] : memref<1024x2x4096xf32, #tpu.memory_space<hbm>> -> memref<1x1x4096xf32, #tpu.memory_space<hbm>>
    %dma_wait3A_2034 = tpu.memref_squeeze %dma_wait3A_2033 : memref<1x1x4096xf32, #tpu.memory_space<hbm>> -> memref<4096xf32, #tpu.memory_space<hbm>>
    %dma_wait3A_2035 = arith.constant 24576 : i32
    %dma_wait3A_2036 = tpu.memref_slice %arg7[%dma_wait3A_2035] : memref<32768xf32, #tpu.memory_space<vmem>> -> memref<4096xf32, #tpu.memory_space<vmem>>
    %dma_wait3A_2037 = arith.constant 0 : i32
    %dma_wait3A_2038 = tpu.memref_slice %arg2[%add3A_1938, %dma_wait3A_2029, %dma_wait3A_2037] : memref<1024x2x4096xf32, #tpu.memory_space<hbm>> -> memref<1x1x4096xf32, #tpu.memory_space<hbm>>
    %dma_wait3A_2039 = tpu.memref_squeeze %dma_wait3A_2038 : memref<1x1x4096xf32, #tpu.memory_space<hbm>> -> memref<4096xf32, #tpu.memory_space<hbm>>
    tpu.wait_dma2 semaphore(%arg10 : memref<!tpu.dma_semaphore, #tpu.memory_space<semaphore_mem>>) src(%dma_wait3A_2039 : memref<4096xf32, #tpu.memory_space<hbm>>) dst(%dma_wait3A_2036 : memref<4096xf32, #tpu.memory_space<vmem>>)
    %dma_wait3A_2040 = arith.constant 0 : i32
    %dma_wait3A_2041 = arith.constant 28672 : i32
    %dma_wait3A_2042 = tpu.memref_slice %arg7[%dma_wait3A_2041] : memref<32768xf32, #tpu.memory_space<vmem>> -> memref<4096xf32, #tpu.memory_space<vmem>>
    %dma_wait3A_2043 = arith.constant 0 : i32
    %dma_wait3A_2044 = tpu.memref_slice %arg2[%add3A_1951, %dma_wait3A_2040, %dma_wait3A_2043] : memref<1024x2x4096xf32, #tpu.memory_space<hbm>> -> memref<1x1x4096xf32, #tpu.memory_space<hbm>>
    %dma_wait3A_2045 = tpu.memref_squeeze %dma_wait3A_2044 : memref<1x1x4096xf32, #tpu.memory_space<hbm>> -> memref<4096xf32, #tpu.memory_space<hbm>>
    %dma_wait3A_2046 = arith.constant 28672 : i32
    %dma_wait3A_2047 = tpu.memref_slice %arg7[%dma_wait3A_2046] : memref<32768xf32, #tpu.memory_space<vmem>> -> memref<4096xf32, #tpu.memory_space<vmem>>
    %dma_wait3A_2048 = arith.constant 0 : i32
    %dma_wait3A_2049 = tpu.memref_slice %arg2[%add3A_1951, %dma_wait3A_2040, %dma_wait3A_2048] : memref<1024x2x4096xf32, #tpu.memory_space<hbm>> -> memref<1x1x4096xf32, #tpu.memory_space<hbm>>
    %dma_wait3A_2050 = tpu.memref_squeeze %dma_wait3A_2049 : memref<1x1x4096xf32, #tpu.memory_space<hbm>> -> memref<4096xf32, #tpu.memory_space<hbm>>
    tpu.wait_dma2 semaphore(%arg10 : memref<!tpu.dma_semaphore, #tpu.memory_space<semaphore_mem>>) src(%dma_wait3A_2050 : memref<4096xf32, #tpu.memory_space<hbm>>) dst(%dma_wait3A_2047 : memref<4096xf32, #tpu.memory_space<vmem>>)
    %scan3A_2051 = arith.constant 0 : i32
    %scan3A_2052 = arith.constant 2048 : i32
    %scan3A_2053 = arith.addi %scan3A_2051, %scan3A_2052 : i32
    %scan3A_2054 = arith.constant 1 : i32
    scf.for %scan3A_2475 = %scan3A_2051 to %scan3A_2053 step %scan3A_2054  : i32 {
      %mul3A_2476 = arith.constant 16 : i32
      %mul3A_2477 = arith.muli %scan3A_2475, %mul3A_2476 : i32
      %get3A_2478 = arith.index_cast %mul3A_2477 : i32 to index
      %get3A_2479 = tpu.vector_load %arg7[%get3A_2478] {strides = array<i32>} : memref<32768xf32, #tpu.memory_space<vmem>>, vector<16xf32>,
      %get3A_2480 = vector.shape_cast %get3A_2479 : vector<16xf32> to vector<16xf32>
      %mul3A_2481 = arith.constant 16 : i32
      %mul3A_2482 = arith.muli %scan3A_2475, %mul3A_2481 : i32
      %shift_right_logical3A = arith.constant 8 : i32
      %shift_right_logical3A_2483 = arith.shrui %scan3A_2475, %shift_right_logical3A : i32
      %add3A_2484 = arith.addi %mul3A_2482, %shift_right_logical3A_2483 : i32
      %add3A_2485 = arith.constant 1 : i32
      %add3A_2486 = arith.addi %add3A_2484, %add3A_2485 : i32
      %swap3A_2487 = arith.index_cast %add3A_2486 : i32 to index
      %swap3A_2488 = tpu.vector_load %arg8[%swap3A_2487] {strides = array<i32>} : memref<32776xf32, #tpu.memory_space<vmem>>, vector<16xf32>,
      %swap3A_2489 = vector.shape_cast %swap3A_2488 : vector<16xf32> to vector<16xf32>
      %swap3A_2490 = vector.shape_cast %get3A_2480 : vector<16xf32> to vector<16xf32>
      tpu.vector_store %arg8[%swap3A_2487], %swap3A_2490 {strides = array<i32>} : memref<32776xf32, #tpu.memory_space<vmem>>, vector<16xf32>,
    }
    %scan3A_2055 = arith.constant 2048 : i32
    %get3A_2056 = arith.constant 0 : index
    %get3A_2057 = tpu.vector_load %arg8[%get3A_2056] {strides = array<i32>} : memref<32776xf32, #tpu.memory_space<vmem>>, vector<16xf32>,
    %get3A_2058 = vector.shape_cast %get3A_2057 : vector<16xf32> to vector<16xf32>
    %eq3A_2059 = arith.constant 0 : i32
    %eq3A_2060 = vector.broadcast %eq3A_2059 : i32 to vector<16xi32>
    %eq3A_2061 = arith.cmpi eq, %iota3A, %eq3A_2060 : vector<16xi32>
    %jit3A_2062 = arith.constant 1.000000e+00 : f32
    %broadcast_in_dim3A_2063 = vector.broadcast %jit3A_2062 : f32 to vector<16xf32>
    %select_n3A_2064 = arith.select %eq3A_2061, %broadcast_in_dim3A_2063, %get3A_2058 : vector<16xi1>, vector<16xf32>
    %swap3A_2065 = arith.constant 0 : index
    %swap3A_2066 = tpu.vector_load %arg8[%swap3A_2065] {strides = array<i32>} : memref<32776xf32, #tpu.memory_space<vmem>>, vector<16xf32>,
    %swap3A_2067 = vector.shape_cast %swap3A_2066 : vector<16xf32> to vector<16xf32>
    %swap3A_2068 = vector.shape_cast %select_n3A_2064 : vector<16xf32> to vector<16xf32>
    tpu.vector_store %arg8[%swap3A_2065], %swap3A_2068 {strides = array<i32>} : memref<32776xf32, #tpu.memory_space<vmem>>, vector<16xf32>,
    %get3A_2069 = arith.constant 4097 : index
    %get3A_2070 = tpu.vector_load %arg8[%get3A_2069] {strides = array<i32>} : memref<32776xf32, #tpu.memory_space<vmem>>, vector<16xf32>,
    %get3A_2071 = vector.shape_cast %get3A_2070 : vector<16xf32> to vector<16xf32>
    %eq3A_2072 = arith.constant 0 : i32
    %eq3A_2073 = vector.broadcast %eq3A_2072 : i32 to vector<16xi32>
    %eq3A_2074 = arith.cmpi eq, %iota3A, %eq3A_2073 : vector<16xi32>
    %jit3A_2075 = arith.constant 1.000000e+00 : f32
    %broadcast_in_dim3A_2076 = vector.broadcast %jit3A_2075 : f32 to vector<16xf32>
    %select_n3A_2077 = arith.select %eq3A_2074, %broadcast_in_dim3A_2076, %get3A_2071 : vector<16xi1>, vector<16xf32>
    %swap3A_2078 = arith.constant 4097 : index
    %swap3A_2079 = tpu.vector_load %arg8[%swap3A_2078] {strides = array<i32>} : memref<32776xf32, #tpu.memory_space<vmem>>, vector<16xf32>,
    %swap3A_2080 = vector.shape_cast %swap3A_2079 : vector<16xf32> to vector<16xf32>
    %swap3A_2081 = vector.shape_cast %select_n3A_2077 : vector<16xf32> to vector<16xf32>
    tpu.vector_store %arg8[%swap3A_2078], %swap3A_2081 {strides = array<i32>} : memref<32776xf32, #tpu.memory_space<vmem>>, vector<16xf32>,
    %get3A_2082 = arith.constant 8194 : index
    %get3A_2083 = tpu.vector_load %arg8[%get3A_2082] {strides = array<i32>} : memref<32776xf32, #tpu.memory_space<vmem>>, vector<16xf32>,
    %get3A_2084 = vector.shape_cast %get3A_2083 : vector<16xf32> to vector<16xf32>
    %eq3A_2085 = arith.constant 0 : i32
    %eq3A_2086 = vector.broadcast %eq3A_2085 : i32 to vector<16xi32>
    %eq3A_2087 = arith.cmpi eq, %iota3A, %eq3A_2086 : vector<16xi32>
    %jit3A_2088 = arith.constant 1.000000e+00 : f32
    %broadcast_in_dim3A_2089 = vector.broadcast %jit3A_2088 : f32 to vector<16xf32>
    %select_n3A_2090 = arith.select %eq3A_2087, %broadcast_in_dim3A_2089, %get3A_2084 : vector<16xi1>, vector<16xf32>
    %swap3A_2091 = arith.constant 8194 : index
    %swap3A_2092 = tpu.vector_load %arg8[%swap3A_2091] {strides = array<i32>} : memref<32776xf32, #tpu.memory_space<vmem>>, vector<16xf32>,
    %swap3A_2093 = vector.shape_cast %swap3A_2092 : vector<16xf32> to vector<16xf32>
    %swap3A_2094 = vector.shape_cast %select_n3A_2090 : vector<16xf32> to vector<16xf32>
    tpu.vector_store %arg8[%swap3A_2091], %swap3A_2094 {strides = array<i32>} : memref<32776xf32, #tpu.memory_space<vmem>>, vector<16xf32>,
    %get3A_2095 = arith.constant 12291 : index
    %get3A_2096 = tpu.vector_load %arg8[%get3A_2095] {strides = array<i32>} : memref<32776xf32, #tpu.memory_space<vmem>>, vector<16xf32>,
    %get3A_2097 = vector.shape_cast %get3A_2096 : vector<16xf32> to vector<16xf32>
    %eq3A_2098 = arith.constant 0 : i32
    %eq3A_2099 = vector.broadcast %eq3A_2098 : i32 to vector<16xi32>
    %eq3A_2100 = arith.cmpi eq, %iota3A, %eq3A_2099 : vector<16xi32>
    %jit3A_2101 = arith.constant 1.000000e+00 : f32
    %broadcast_in_dim3A_2102 = vector.broadcast %jit3A_2101 : f32 to vector<16xf32>
    %select_n3A_2103 = arith.select %eq3A_2100, %broadcast_in_dim3A_2102, %get3A_2097 : vector<16xi1>, vector<16xf32>
    %swap3A_2104 = arith.constant 12291 : index
    %swap3A_2105 = tpu.vector_load %arg8[%swap3A_2104] {strides = array<i32>} : memref<32776xf32, #tpu.memory_space<vmem>>, vector<16xf32>,
    %swap3A_2106 = vector.shape_cast %swap3A_2105 : vector<16xf32> to vector<16xf32>
    %swap3A_2107 = vector.shape_cast %select_n3A_2103 : vector<16xf32> to vector<16xf32>
    tpu.vector_store %arg8[%swap3A_2104], %swap3A_2107 {strides = array<i32>} : memref<32776xf32, #tpu.memory_space<vmem>>, vector<16xf32>,
    %get3A_2108 = arith.constant 16388 : index
    %get3A_2109 = tpu.vector_load %arg8[%get3A_2108] {strides = array<i32>} : memref<32776xf32, #tpu.memory_space<vmem>>, vector<16xf32>,
    %get3A_2110 = vector.shape_cast %get3A_2109 : vector<16xf32> to vector<16xf32>
    %eq3A_2111 = arith.constant 0 : i32
    %eq3A_2112 = vector.broadcast %eq3A_2111 : i32 to vector<16xi32>
    %eq3A_2113 = arith.cmpi eq, %iota3A, %eq3A_2112 : vector<16xi32>
    %jit3A_2114 = arith.constant 1.000000e+00 : f32
    %broadcast_in_dim3A_2115 = vector.broadcast %jit3A_2114 : f32 to vector<16xf32>
    %select_n3A_2116 = arith.select %eq3A_2113, %broadcast_in_dim3A_2115, %get3A_2110 : vector<16xi1>, vector<16xf32>
    %swap3A_2117 = arith.constant 16388 : index
    %swap3A_2118 = tpu.vector_load %arg8[%swap3A_2117] {strides = array<i32>} : memref<32776xf32, #tpu.memory_space<vmem>>, vector<16xf32>,
    %swap3A_2119 = vector.shape_cast %swap3A_2118 : vector<16xf32> to vector<16xf32>
    %swap3A_2120 = vector.shape_cast %select_n3A_2116 : vector<16xf32> to vector<16xf32>
    tpu.vector_store %arg8[%swap3A_2117], %swap3A_2120 {strides = array<i32>} : memref<32776xf32, #tpu.memory_space<vmem>>, vector<16xf32>,
    %get3A_2121 = arith.constant 20485 : index
    %get3A_2122 = tpu.vector_load %arg8[%get3A_2121] {strides = array<i32>} : memref<32776xf32, #tpu.memory_space<vmem>>, vector<16xf32>,
    %get3A_2123 = vector.shape_cast %get3A_2122 : vector<16xf32> to vector<16xf32>
    %eq3A_2124 = arith.constant 0 : i32
    %eq3A_2125 = vector.broadcast %eq3A_2124 : i32 to vector<16xi32>
    %eq3A_2126 = arith.cmpi eq, %iota3A, %eq3A_2125 : vector<16xi32>
    %jit3A_2127 = arith.constant 1.000000e+00 : f32
    %broadcast_in_dim3A_2128 = vector.broadcast %jit3A_2127 : f32 to vector<16xf32>
    %select_n3A_2129 = arith.select %eq3A_2126, %broadcast_in_dim3A_2128, %get3A_2123 : vector<16xi1>, vector<16xf32>
    %swap3A_2130 = arith.constant 20485 : index
    %swap3A_2131 = tpu.vector_load %arg8[%swap3A_2130] {strides = array<i32>} : memref<32776xf32, #tpu.memory_space<vmem>>, vector<16xf32>,
    %swap3A_2132 = vector.shape_cast %swap3A_2131 : vector<16xf32> to vector<16xf32>
    %swap3A_2133 = vector.shape_cast %select_n3A_2129 : vector<16xf32> to vector<16xf32>
    tpu.vector_store %arg8[%swap3A_2130], %swap3A_2133 {strides = array<i32>} : memref<32776xf32, #tpu.memory_space<vmem>>, vector<16xf32>,
    %get3A_2134 = arith.constant 24582 : index
    %get3A_2135 = tpu.vector_load %arg8[%get3A_2134] {strides = array<i32>} : memref<32776xf32, #tpu.memory_space<vmem>>, vector<16xf32>,
    %get3A_2136 = vector.shape_cast %get3A_2135 : vector<16xf32> to vector<16xf32>
    %eq3A_2137 = arith.constant 0 : i32
    %eq3A_2138 = vector.broadcast %eq3A_2137 : i32 to vector<16xi32>
    %eq3A_2139 = arith.cmpi eq, %iota3A, %eq3A_2138 : vector<16xi32>
    %jit3A_2140 = arith.constant 1.000000e+00 : f32
    %broadcast_in_dim3A_2141 = vector.broadcast %jit3A_2140 : f32 to vector<16xf32>
    %select_n3A_2142 = arith.select %eq3A_2139, %broadcast_in_dim3A_2141, %get3A_2136 : vector<16xi1>, vector<16xf32>
    %swap3A_2143 = arith.constant 24582 : index
    %swap3A_2144 = tpu.vector_load %arg8[%swap3A_2143] {strides = array<i32>} : memref<32776xf32, #tpu.memory_space<vmem>>, vector<16xf32>,
    %swap3A_2145 = vector.shape_cast %swap3A_2144 : vector<16xf32> to vector<16xf32>
    %swap3A_2146 = vector.shape_cast %select_n3A_2142 : vector<16xf32> to vector<16xf32>
    tpu.vector_store %arg8[%swap3A_2143], %swap3A_2146 {strides = array<i32>} : memref<32776xf32, #tpu.memory_space<vmem>>, vector<16xf32>,
    %get3A_2147 = arith.constant 28679 : index
    %get3A_2148 = tpu.vector_load %arg8[%get3A_2147] {strides = array<i32>} : memref<32776xf32, #tpu.memory_space<vmem>>, vector<16xf32>,
    %get3A_2149 = vector.shape_cast %get3A_2148 : vector<16xf32> to vector<16xf32>
    %eq3A_2150 = arith.constant 0 : i32
    %eq3A_2151 = vector.broadcast %eq3A_2150 : i32 to vector<16xi32>
    %eq3A_2152 = arith.cmpi eq, %iota3A, %eq3A_2151 : vector<16xi32>
    %jit3A_2153 = arith.constant 1.000000e+00 : f32
    %broadcast_in_dim3A_2154 = vector.broadcast %jit3A_2153 : f32 to vector<16xf32>
    %select_n3A_2155 = arith.select %eq3A_2152, %broadcast_in_dim3A_2154, %get3A_2149 : vector<16xi1>, vector<16xf32>
    %swap3A_2156 = arith.constant 28679 : index
    %swap3A_2157 = tpu.vector_load %arg8[%swap3A_2156] {strides = array<i32>} : memref<32776xf32, #tpu.memory_space<vmem>>, vector<16xf32>,
    %swap3A_2158 = vector.shape_cast %swap3A_2157 : vector<16xf32> to vector<16xf32>
    %swap3A_2159 = vector.shape_cast %select_n3A_2155 : vector<16xf32> to vector<16xf32>
    tpu.vector_store %arg8[%swap3A_2156], %swap3A_2159 {strides = array<i32>} : memref<32776xf32, #tpu.memory_space<vmem>>, vector<16xf32>,
    %mul3A_2160 = arith.constant 4097 : i32
    %mul3A_2161 = arith.muli %add3A_1858, %mul3A_2160 : i32
    %multiple_of3A_2162 = tpu.assume_multiple %mul3A_2161, 8 : i32
    %dma_start3A_2163 = tpu.memref_slice %arg3[%multiple_of3A_2162] : memref<4195328xf32, #tpu.memory_space<hbm>> -> memref<32776xf32, #tpu.memory_space<hbm>>
    %dma_start3A_2164 = tpu.memref_slice %arg3[%multiple_of3A_2162] : memref<4195328xf32, #tpu.memory_space<hbm>> -> memref<32776xf32, #tpu.memory_space<hbm>>
    tpu.enqueue_dma source(%arg8 : memref<32776xf32, #tpu.memory_space<vmem>>) target(%dma_start3A_2164 : memref<32776xf32, #tpu.memory_space<hbm>>) target_semaphore(%arg11 : memref<!tpu.dma_semaphore, #tpu.memory_space<semaphore_mem>>)
    %dma_wait3A_2165 = tpu.memref_slice %arg3[%multiple_of3A_2162] : memref<4195328xf32, #tpu.memory_space<hbm>> -> memref<32776xf32, #tpu.memory_space<hbm>>
    %dma_wait3A_2166 = tpu.memref_slice %arg3[%multiple_of3A_2162] : memref<4195328xf32, #tpu.memory_space<hbm>> -> memref<32776xf32, #tpu.memory_space<hbm>>
    tpu.wait_dma2 semaphore(%arg11 : memref<!tpu.dma_semaphore, #tpu.memory_space<semaphore_mem>>) src(%arg8 : memref<32776xf32, #tpu.memory_space<vmem>>) dst(%dma_wait3A_2166 : memref<32776xf32, #tpu.memory_space<hbm>>)
    %add3A_2167 = arith.constant 0 : i32
    %add3A_2168 = arith.addi %add3A_1858, %add3A_2167 : i32
    %dma_start3A_2169 = arith.constant 1 : i32
    %dma_start3A_2170 = arith.constant 0 : i32
    %dma_start3A_2171 = tpu.memref_slice %arg7[%dma_start3A_2170] : memref<32768xf32, #tpu.memory_space<vmem>> -> memref<4096xf32, #tpu.memory_space<vmem>>
    %dma_start3A_2172 = arith.constant 0 : i32
    %dma_start3A_2173 = tpu.memref_slice %arg2[%add3A_2168, %dma_start3A_2169, %dma_start3A_2172] : memref<1024x2x4096xf32, #tpu.memory_space<hbm>> -> memref<1x1x4096xf32, #tpu.memory_space<hbm>>
    %dma_start3A_2174 = tpu.memref_squeeze %dma_start3A_2173 : memref<1x1x4096xf32, #tpu.memory_space<hbm>> -> memref<4096xf32, #tpu.memory_space<hbm>>
    %dma_start3A_2175 = arith.constant 0 : i32
    %dma_start3A_2176 = tpu.memref_slice %arg7[%dma_start3A_2175] : memref<32768xf32, #tpu.memory_space<vmem>> -> memref<4096xf32, #tpu.memory_space<vmem>>
    %dma_start3A_2177 = arith.constant 0 : i32
    %dma_start3A_2178 = tpu.memref_slice %arg2[%add3A_2168, %dma_start3A_2169, %dma_start3A_2177] : memref<1024x2x4096xf32, #tpu.memory_space<hbm>> -> memref<1x1x4096xf32, #tpu.memory_space<hbm>>
    %dma_start3A_2179 = tpu.memref_squeeze %dma_start3A_2178 : memref<1x1x4096xf32, #tpu.memory_space<hbm>> -> memref<4096xf32, #tpu.memory_space<hbm>>
    tpu.enqueue_dma source(%dma_start3A_2179 : memref<4096xf32, #tpu.memory_space<hbm>>) target(%dma_start3A_2176 : memref<4096xf32, #tpu.memory_space<vmem>>) target_semaphore(%arg10 : memref<!tpu.dma_semaphore, #tpu.memory_space<semaphore_mem>>)
    %add3A_2180 = arith.constant 1 : i32
    %add3A_2181 = arith.addi %add3A_1858, %add3A_2180 : i32
    %dma_start3A_2182 = arith.constant 1 : i32
    %dma_start3A_2183 = arith.constant 4096 : i32
    %dma_start3A_2184 = tpu.memref_slice %arg7[%dma_start3A_2183] : memref<32768xf32, #tpu.memory_space<vmem>> -> memref<4096xf32, #tpu.memory_space<vmem>>
    %dma_start3A_2185 = arith.constant 0 : i32
    %dma_start3A_2186 = tpu.memref_slice %arg2[%add3A_2181, %dma_start3A_2182, %dma_start3A_2185] : memref<1024x2x4096xf32, #tpu.memory_space<hbm>> -> memref<1x1x4096xf32, #tpu.memory_space<hbm>>
    %dma_start3A_2187 = tpu.memref_squeeze %dma_start3A_2186 : memref<1x1x4096xf32, #tpu.memory_space<hbm>> -> memref<4096xf32, #tpu.memory_space<hbm>>
    %dma_start3A_2188 = arith.constant 4096 : i32
    %dma_start3A_2189 = tpu.memref_slice %arg7[%dma_start3A_2188] : memref<32768xf32, #tpu.memory_space<vmem>> -> memref<4096xf32, #tpu.memory_space<vmem>>
    %dma_start3A_2190 = arith.constant 0 : i32
    %dma_start3A_2191 = tpu.memref_slice %arg2[%add3A_2181, %dma_start3A_2182, %dma_start3A_2190] : memref<1024x2x4096xf32, #tpu.memory_space<hbm>> -> memref<1x1x4096xf32, #tpu.memory_space<hbm>>
    %dma_start3A_2192 = tpu.memref_squeeze %dma_start3A_2191 : memref<1x1x4096xf32, #tpu.memory_space<hbm>> -> memref<4096xf32, #tpu.memory_space<hbm>>
    tpu.enqueue_dma source(%dma_start3A_2192 : memref<4096xf32, #tpu.memory_space<hbm>>) target(%dma_start3A_2189 : memref<4096xf32, #tpu.memory_space<vmem>>) target_semaphore(%arg10 : memref<!tpu.dma_semaphore, #tpu.memory_space<semaphore_mem>>)
    %add3A_2193 = arith.constant 2 : i32
    %add3A_2194 = arith.addi %add3A_1858, %add3A_2193 : i32
    %dma_start3A_2195 = arith.constant 1 : i32
    %dma_start3A_2196 = arith.constant 8192 : i32
    %dma_start3A_2197 = tpu.memref_slice %arg7[%dma_start3A_2196] : memref<32768xf32, #tpu.memory_space<vmem>> -> memref<4096xf32, #tpu.memory_space<vmem>>
    %dma_start3A_2198 = arith.constant 0 : i32
    %dma_start3A_2199 = tpu.memref_slice %arg2[%add3A_2194, %dma_start3A_2195, %dma_start3A_2198] : memref<1024x2x4096xf32, #tpu.memory_space<hbm>> -> memref<1x1x4096xf32, #tpu.memory_space<hbm>>
    %dma_start3A_2200 = tpu.memref_squeeze %dma_start3A_2199 : memref<1x1x4096xf32, #tpu.memory_space<hbm>> -> memref<4096xf32, #tpu.memory_space<hbm>>
    %dma_start3A_2201 = arith.constant 8192 : i32
    %dma_start3A_2202 = tpu.memref_slice %arg7[%dma_start3A_2201] : memref<32768xf32, #tpu.memory_space<vmem>> -> memref<4096xf32, #tpu.memory_space<vmem>>
    %dma_start3A_2203 = arith.constant 0 : i32
    %dma_start3A_2204 = tpu.memref_slice %arg2[%add3A_2194, %dma_start3A_2195, %dma_start3A_2203] : memref<1024x2x4096xf32, #tpu.memory_space<hbm>> -> memref<1x1x4096xf32, #tpu.memory_space<hbm>>
    %dma_start3A_2205 = tpu.memref_squeeze %dma_start3A_2204 : memref<1x1x4096xf32, #tpu.memory_space<hbm>> -> memref<4096xf32, #tpu.memory_space<hbm>>
    tpu.enqueue_dma source(%dma_start3A_2205 : memref<4096xf32, #tpu.memory_space<hbm>>) target(%dma_start3A_2202 : memref<4096xf32, #tpu.memory_space<vmem>>) target_semaphore(%arg10 : memref<!tpu.dma_semaphore, #tpu.memory_space<semaphore_mem>>)
    %add3A_2206 = arith.constant 3 : i32
    %add3A_2207 = arith.addi %add3A_1858, %add3A_2206 : i32
    %dma_start3A_2208 = arith.constant 1 : i32
    %dma_start3A_2209 = arith.constant 12288 : i32
    %dma_start3A_2210 = tpu.memref_slice %arg7[%dma_start3A_2209] : memref<32768xf32, #tpu.memory_space<vmem>> -> memref<4096xf32, #tpu.memory_space<vmem>>
    %dma_start3A_2211 = arith.constant 0 : i32
    %dma_start3A_2212 = tpu.memref_slice %arg2[%add3A_2207, %dma_start3A_2208, %dma_start3A_2211] : memref<1024x2x4096xf32, #tpu.memory_space<hbm>> -> memref<1x1x4096xf32, #tpu.memory_space<hbm>>
    %dma_start3A_2213 = tpu.memref_squeeze %dma_start3A_2212 : memref<1x1x4096xf32, #tpu.memory_space<hbm>> -> memref<4096xf32, #tpu.memory_space<hbm>>
    %dma_start3A_2214 = arith.constant 12288 : i32
    %dma_start3A_2215 = tpu.memref_slice %arg7[%dma_start3A_2214] : memref<32768xf32, #tpu.memory_space<vmem>> -> memref<4096xf32, #tpu.memory_space<vmem>>
    %dma_start3A_2216 = arith.constant 0 : i32
    %dma_start3A_2217 = tpu.memref_slice %arg2[%add3A_2207, %dma_start3A_2208, %dma_start3A_2216] : memref<1024x2x4096xf32, #tpu.memory_space<hbm>> -> memref<1x1x4096xf32, #tpu.memory_space<hbm>>
    %dma_start3A_2218 = tpu.memref_squeeze %dma_start3A_2217 : memref<1x1x4096xf32, #tpu.memory_space<hbm>> -> memref<4096xf32, #tpu.memory_space<hbm>>
    tpu.enqueue_dma source(%dma_start3A_2218 : memref<4096xf32, #tpu.memory_space<hbm>>) target(%dma_start3A_2215 : memref<4096xf32, #tpu.memory_space<vmem>>) target_semaphore(%arg10 : memref<!tpu.dma_semaphore, #tpu.memory_space<semaphore_mem>>)
    %add3A_2219 = arith.constant 4 : i32
    %add3A_2220 = arith.addi %add3A_1858, %add3A_2219 : i32
    %dma_start3A_2221 = arith.constant 1 : i32
    %dma_start3A_2222 = arith.constant 16384 : i32
    %dma_start3A_2223 = tpu.memref_slice %arg7[%dma_start3A_2222] : memref<32768xf32, #tpu.memory_space<vmem>> -> memref<4096xf32, #tpu.memory_space<vmem>>
    %dma_start3A_2224 = arith.constant 0 : i32
    %dma_start3A_2225 = tpu.memref_slice %arg2[%add3A_2220, %dma_start3A_2221, %dma_start3A_2224] : memref<1024x2x4096xf32, #tpu.memory_space<hbm>> -> memref<1x1x4096xf32, #tpu.memory_space<hbm>>
    %dma_start3A_2226 = tpu.memref_squeeze %dma_start3A_2225 : memref<1x1x4096xf32, #tpu.memory_space<hbm>> -> memref<4096xf32, #tpu.memory_space<hbm>>
    %dma_start3A_2227 = arith.constant 16384 : i32
    %dma_start3A_2228 = tpu.memref_slice %arg7[%dma_start3A_2227] : memref<32768xf32, #tpu.memory_space<vmem>> -> memref<4096xf32, #tpu.memory_space<vmem>>
    %dma_start3A_2229 = arith.constant 0 : i32
    %dma_start3A_2230 = tpu.memref_slice %arg2[%add3A_2220, %dma_start3A_2221, %dma_start3A_2229] : memref<1024x2x4096xf32, #tpu.memory_space<hbm>> -> memref<1x1x4096xf32, #tpu.memory_space<hbm>>
    %dma_start3A_2231 = tpu.memref_squeeze %dma_start3A_2230 : memref<1x1x4096xf32, #tpu.memory_space<hbm>> -> memref<4096xf32, #tpu.memory_space<hbm>>
    tpu.enqueue_dma source(%dma_start3A_2231 : memref<4096xf32, #tpu.memory_space<hbm>>) target(%dma_start3A_2228 : memref<4096xf32, #tpu.memory_space<vmem>>) target_semaphore(%arg10 : memref<!tpu.dma_semaphore, #tpu.memory_space<semaphore_mem>>)
    %add3A_2232 = arith.constant 5 : i32
    %add3A_2233 = arith.addi %add3A_1858, %add3A_2232 : i32
    %dma_start3A_2234 = arith.constant 1 : i32
    %dma_start3A_2235 = arith.constant 20480 : i32
    %dma_start3A_2236 = tpu.memref_slice %arg7[%dma_start3A_2235] : memref<32768xf32, #tpu.memory_space<vmem>> -> memref<4096xf32, #tpu.memory_space<vmem>>
    %dma_start3A_2237 = arith.constant 0 : i32
    %dma_start3A_2238 = tpu.memref_slice %arg2[%add3A_2233, %dma_start3A_2234, %dma_start3A_2237] : memref<1024x2x4096xf32, #tpu.memory_space<hbm>> -> memref<1x1x4096xf32, #tpu.memory_space<hbm>>
    %dma_start3A_2239 = tpu.memref_squeeze %dma_start3A_2238 : memref<1x1x4096xf32, #tpu.memory_space<hbm>> -> memref<4096xf32, #tpu.memory_space<hbm>>
    %dma_start3A_2240 = arith.constant 20480 : i32
    %dma_start3A_2241 = tpu.memref_slice %arg7[%dma_start3A_2240] : memref<32768xf32, #tpu.memory_space<vmem>> -> memref<4096xf32, #tpu.memory_space<vmem>>
    %dma_start3A_2242 = arith.constant 0 : i32
    %dma_start3A_2243 = tpu.memref_slice %arg2[%add3A_2233, %dma_start3A_2234, %dma_start3A_2242] : memref<1024x2x4096xf32, #tpu.memory_space<hbm>> -> memref<1x1x4096xf32, #tpu.memory_space<hbm>>
    %dma_start3A_2244 = tpu.memref_squeeze %dma_start3A_2243 : memref<1x1x4096xf32, #tpu.memory_space<hbm>> -> memref<4096xf32, #tpu.memory_space<hbm>>
    tpu.enqueue_dma source(%dma_start3A_2244 : memref<4096xf32, #tpu.memory_space<hbm>>) target(%dma_start3A_2241 : memref<4096xf32, #tpu.memory_space<vmem>>) target_semaphore(%arg10 : memref<!tpu.dma_semaphore, #tpu.memory_space<semaphore_mem>>)
    %add3A_2245 = arith.constant 6 : i32
    %add3A_2246 = arith.addi %add3A_1858, %add3A_2245 : i32
    %dma_start3A_2247 = arith.constant 1 : i32
    %dma_start3A_2248 = arith.constant 24576 : i32
    %dma_start3A_2249 = tpu.memref_slice %arg7[%dma_start3A_2248] : memref<32768xf32, #tpu.memory_space<vmem>> -> memref<4096xf32, #tpu.memory_space<vmem>>
    %dma_start3A_2250 = arith.constant 0 : i32
    %dma_start3A_2251 = tpu.memref_slice %arg2[%add3A_2246, %dma_start3A_2247, %dma_start3A_2250] : memref<1024x2x4096xf32, #tpu.memory_space<hbm>> -> memref<1x1x4096xf32, #tpu.memory_space<hbm>>
    %dma_start3A_2252 = tpu.memref_squeeze %dma_start3A_2251 : memref<1x1x4096xf32, #tpu.memory_space<hbm>> -> memref<4096xf32, #tpu.memory_space<hbm>>
    %dma_start3A_2253 = arith.constant 24576 : i32
    %dma_start3A_2254 = tpu.memref_slice %arg7[%dma_start3A_2253] : memref<32768xf32, #tpu.memory_space<vmem>> -> memref<4096xf32, #tpu.memory_space<vmem>>
    %dma_start3A_2255 = arith.constant 0 : i32
    %dma_start3A_2256 = tpu.memref_slice %arg2[%add3A_2246, %dma_start3A_2247, %dma_start3A_2255] : memref<1024x2x4096xf32, #tpu.memory_space<hbm>> -> memref<1x1x4096xf32, #tpu.memory_space<hbm>>
    %dma_start3A_2257 = tpu.memref_squeeze %dma_start3A_2256 : memref<1x1x4096xf32, #tpu.memory_space<hbm>> -> memref<4096xf32, #tpu.memory_space<hbm>>
    tpu.enqueue_dma source(%dma_start3A_2257 : memref<4096xf32, #tpu.memory_space<hbm>>) target(%dma_start3A_2254 : memref<4096xf32, #tpu.memory_space<vmem>>) target_semaphore(%arg10 : memref<!tpu.dma_semaphore, #tpu.memory_space<semaphore_mem>>)
    %add3A_2258 = arith.constant 7 : i32
    %add3A_2259 = arith.addi %add3A_1858, %add3A_2258 : i32
    %dma_start3A_2260 = arith.constant 1 : i32
    %dma_start3A_2261 = arith.constant 28672 : i32
    %dma_start3A_2262 = tpu.memref_slice %arg7[%dma_start3A_2261] : memref<32768xf32, #tpu.memory_space<vmem>> -> memref<4096xf32, #tpu.memory_space<vmem>>
    %dma_start3A_2263 = arith.constant 0 : i32
    %dma_start3A_2264 = tpu.memref_slice %arg2[%add3A_2259, %dma_start3A_2260, %dma_start3A_2263] : memref<1024x2x4096xf32, #tpu.memory_space<hbm>> -> memref<1x1x4096xf32, #tpu.memory_space<hbm>>
    %dma_start3A_2265 = tpu.memref_squeeze %dma_start3A_2264 : memref<1x1x4096xf32, #tpu.memory_space<hbm>> -> memref<4096xf32, #tpu.memory_space<hbm>>
    %dma_start3A_2266 = arith.constant 28672 : i32
    %dma_start3A_2267 = tpu.memref_slice %arg7[%dma_start3A_2266] : memref<32768xf32, #tpu.memory_space<vmem>> -> memref<4096xf32, #tpu.memory_space<vmem>>
    %dma_start3A_2268 = arith.constant 0 : i32
    %dma_start3A_2269 = tpu.memref_slice %arg2[%add3A_2259, %dma_start3A_2260, %dma_start3A_2268] : memref<1024x2x4096xf32, #tpu.memory_space<hbm>> -> memref<1x1x4096xf32, #tpu.memory_space<hbm>>
    %dma_start3A_2270 = tpu.memref_squeeze %dma_start3A_2269 : memref<1x1x4096xf32, #tpu.memory_space<hbm>> -> memref<4096xf32, #tpu.memory_space<hbm>>
    tpu.enqueue_dma source(%dma_start3A_2270 : memref<4096xf32, #tpu.memory_space<hbm>>) target(%dma_start3A_2267 : memref<4096xf32, #tpu.memory_space<vmem>>) target_semaphore(%arg10 : memref<!tpu.dma_semaphore, #tpu.memory_space<semaphore_mem>>)
    %dma_wait3A_2271 = arith.constant 1 : i32
    %dma_wait3A_2272 = arith.constant 0 : i32
    %dma_wait3A_2273 = tpu.memref_slice %arg7[%dma_wait3A_2272] : memref<32768xf32, #tpu.memory_space<vmem>> -> memref<4096xf32, #tpu.memory_space<vmem>>
    %dma_wait3A_2274 = arith.constant 0 : i32
    %dma_wait3A_2275 = tpu.memref_slice %arg2[%add3A_2168, %dma_wait3A_2271, %dma_wait3A_2274] : memref<1024x2x4096xf32, #tpu.memory_space<hbm>> -> memref<1x1x4096xf32, #tpu.memory_space<hbm>>
    %dma_wait3A_2276 = tpu.memref_squeeze %dma_wait3A_2275 : memref<1x1x4096xf32, #tpu.memory_space<hbm>> -> memref<4096xf32, #tpu.memory_space<hbm>>
    %dma_wait3A_2277 = arith.constant 0 : i32
    %dma_wait3A_2278 = tpu.memref_slice %arg7[%dma_wait3A_2277] : memref<32768xf32, #tpu.memory_space<vmem>> -> memref<4096xf32, #tpu.memory_space<vmem>>
    %dma_wait3A_2279 = arith.constant 0 : i32
    %dma_wait3A_2280 = tpu.memref_slice %arg2[%add3A_2168, %dma_wait3A_2271, %dma_wait3A_2279] : memref<1024x2x4096xf32, #tpu.memory_space<hbm>> -> memref<1x1x4096xf32, #tpu.memory_space<hbm>>
    %dma_wait3A_2281 = tpu.memref_squeeze %dma_wait3A_2280 : memref<1x1x4096xf32, #tpu.memory_space<hbm>> -> memref<4096xf32, #tpu.memory_space<hbm>>
    tpu.wait_dma2 semaphore(%arg10 : memref<!tpu.dma_semaphore, #tpu.memory_space<semaphore_mem>>) src(%dma_wait3A_2281 : memref<4096xf32, #tpu.memory_space<hbm>>) dst(%dma_wait3A_2278 : memref<4096xf32, #tpu.memory_space<vmem>>)
    %dma_wait3A_2282 = arith.constant 1 : i32
    %dma_wait3A_2283 = arith.constant 4096 : i32
    %dma_wait3A_2284 = tpu.memref_slice %arg7[%dma_wait3A_2283] : memref<32768xf32, #tpu.memory_space<vmem>> -> memref<4096xf32, #tpu.memory_space<vmem>>
    %dma_wait3A_2285 = arith.constant 0 : i32
    %dma_wait3A_2286 = tpu.memref_slice %arg2[%add3A_2181, %dma_wait3A_2282, %dma_wait3A_2285] : memref<1024x2x4096xf32, #tpu.memory_space<hbm>> -> memref<1x1x4096xf32, #tpu.memory_space<hbm>>
    %dma_wait3A_2287 = tpu.memref_squeeze %dma_wait3A_2286 : memref<1x1x4096xf32, #tpu.memory_space<hbm>> -> memref<4096xf32, #tpu.memory_space<hbm>>
    %dma_wait3A_2288 = arith.constant 4096 : i32
    %dma_wait3A_2289 = tpu.memref_slice %arg7[%dma_wait3A_2288] : memref<32768xf32, #tpu.memory_space<vmem>> -> memref<4096xf32, #tpu.memory_space<vmem>>
    %dma_wait3A_2290 = arith.constant 0 : i32
    %dma_wait3A_2291 = tpu.memref_slice %arg2[%add3A_2181, %dma_wait3A_2282, %dma_wait3A_2290] : memref<1024x2x4096xf32, #tpu.memory_space<hbm>> -> memref<1x1x4096xf32, #tpu.memory_space<hbm>>
    %dma_wait3A_2292 = tpu.memref_squeeze %dma_wait3A_2291 : memref<1x1x4096xf32, #tpu.memory_space<hbm>> -> memref<4096xf32, #tpu.memory_space<hbm>>
    tpu.wait_dma2 semaphore(%arg10 : memref<!tpu.dma_semaphore, #tpu.memory_space<semaphore_mem>>) src(%dma_wait3A_2292 : memref<4096xf32, #tpu.memory_space<hbm>>) dst(%dma_wait3A_2289 : memref<4096xf32, #tpu.memory_space<vmem>>)
    %dma_wait3A_2293 = arith.constant 1 : i32
    %dma_wait3A_2294 = arith.constant 8192 : i32
    %dma_wait3A_2295 = tpu.memref_slice %arg7[%dma_wait3A_2294] : memref<32768xf32, #tpu.memory_space<vmem>> -> memref<4096xf32, #tpu.memory_space<vmem>>
    %dma_wait3A_2296 = arith.constant 0 : i32
    %dma_wait3A_2297 = tpu.memref_slice %arg2[%add3A_2194, %dma_wait3A_2293, %dma_wait3A_2296] : memref<1024x2x4096xf32, #tpu.memory_space<hbm>> -> memref<1x1x4096xf32, #tpu.memory_space<hbm>>
    %dma_wait3A_2298 = tpu.memref_squeeze %dma_wait3A_2297 : memref<1x1x4096xf32, #tpu.memory_space<hbm>> -> memref<4096xf32, #tpu.memory_space<hbm>>
    %dma_wait3A_2299 = arith.constant 8192 : i32
    %dma_wait3A_2300 = tpu.memref_slice %arg7[%dma_wait3A_2299] : memref<32768xf32, #tpu.memory_space<vmem>> -> memref<4096xf32, #tpu.memory_space<vmem>>
    %dma_wait3A_2301 = arith.constant 0 : i32
    %dma_wait3A_2302 = tpu.memref_slice %arg2[%add3A_2194, %dma_wait3A_2293, %dma_wait3A_2301] : memref<1024x2x4096xf32, #tpu.memory_space<hbm>> -> memref<1x1x4096xf32, #tpu.memory_space<hbm>>
    %dma_wait3A_2303 = tpu.memref_squeeze %dma_wait3A_2302 : memref<1x1x4096xf32, #tpu.memory_space<hbm>> -> memref<4096xf32, #tpu.memory_space<hbm>>
    tpu.wait_dma2 semaphore(%arg10 : memref<!tpu.dma_semaphore, #tpu.memory_space<semaphore_mem>>) src(%dma_wait3A_2303 : memref<4096xf32, #tpu.memory_space<hbm>>) dst(%dma_wait3A_2300 : memref<4096xf32, #tpu.memory_space<vmem>>)
    %dma_wait3A_2304 = arith.constant 1 : i32
    %dma_wait3A_2305 = arith.constant 12288 : i32
    %dma_wait3A_2306 = tpu.memref_slice %arg7[%dma_wait3A_2305] : memref<32768xf32, #tpu.memory_space<vmem>> -> memref<4096xf32, #tpu.memory_space<vmem>>
    %dma_wait3A_2307 = arith.constant 0 : i32
    %dma_wait3A_2308 = tpu.memref_slice %arg2[%add3A_2207, %dma_wait3A_2304, %dma_wait3A_2307] : memref<1024x2x4096xf32, #tpu.memory_space<hbm>> -> memref<1x1x4096xf32, #tpu.memory_space<hbm>>
    %dma_wait3A_2309 = tpu.memref_squeeze %dma_wait3A_2308 : memref<1x1x4096xf32, #tpu.memory_space<hbm>> -> memref<4096xf32, #tpu.memory_space<hbm>>
    %dma_wait3A_2310 = arith.constant 12288 : i32
    %dma_wait3A_2311 = tpu.memref_slice %arg7[%dma_wait3A_2310] : memref<32768xf32, #tpu.memory_space<vmem>> -> memref<4096xf32, #tpu.memory_space<vmem>>
    %dma_wait3A_2312 = arith.constant 0 : i32
    %dma_wait3A_2313 = tpu.memref_slice %arg2[%add3A_2207, %dma_wait3A_2304, %dma_wait3A_2312] : memref<1024x2x4096xf32, #tpu.memory_space<hbm>> -> memref<1x1x4096xf32, #tpu.memory_space<hbm>>
    %dma_wait3A_2314 = tpu.memref_squeeze %dma_wait3A_2313 : memref<1x1x4096xf32, #tpu.memory_space<hbm>> -> memref<4096xf32, #tpu.memory_space<hbm>>
    tpu.wait_dma2 semaphore(%arg10 : memref<!tpu.dma_semaphore, #tpu.memory_space<semaphore_mem>>) src(%dma_wait3A_2314 : memref<4096xf32, #tpu.memory_space<hbm>>) dst(%dma_wait3A_2311 : memref<4096xf32, #tpu.memory_space<vmem>>)
    %dma_wait3A_2315 = arith.constant 1 : i32
    %dma_wait3A_2316 = arith.constant 16384 : i32
    %dma_wait3A_2317 = tpu.memref_slice %arg7[%dma_wait3A_2316] : memref<32768xf32, #tpu.memory_space<vmem>> -> memref<4096xf32, #tpu.memory_space<vmem>>
    %dma_wait3A_2318 = arith.constant 0 : i32
    %dma_wait3A_2319 = tpu.memref_slice %arg2[%add3A_2220, %dma_wait3A_2315, %dma_wait3A_2318] : memref<1024x2x4096xf32, #tpu.memory_space<hbm>> -> memref<1x1x4096xf32, #tpu.memory_space<hbm>>
    %dma_wait3A_2320 = tpu.memref_squeeze %dma_wait3A_2319 : memref<1x1x4096xf32, #tpu.memory_space<hbm>> -> memref<4096xf32, #tpu.memory_space<hbm>>
    %dma_wait3A_2321 = arith.constant 16384 : i32
    %dma_wait3A_2322 = tpu.memref_slice %arg7[%dma_wait3A_2321] : memref<32768xf32, #tpu.memory_space<vmem>> -> memref<4096xf32, #tpu.memory_space<vmem>>
    %dma_wait3A_2323 = arith.constant 0 : i32
    %dma_wait3A_2324 = tpu.memref_slice %arg2[%add3A_2220, %dma_wait3A_2315, %dma_wait3A_2323] : memref<1024x2x4096xf32, #tpu.memory_space<hbm>> -> memref<1x1x4096xf32, #tpu.memory_space<hbm>>
    %dma_wait3A_2325 = tpu.memref_squeeze %dma_wait3A_2324 : memref<1x1x4096xf32, #tpu.memory_space<hbm>> -> memref<4096xf32, #tpu.memory_space<hbm>>
    tpu.wait_dma2 semaphore(%arg10 : memref<!tpu.dma_semaphore, #tpu.memory_space<semaphore_mem>>) src(%dma_wait3A_2325 : memref<4096xf32, #tpu.memory_space<hbm>>) dst(%dma_wait3A_2322 : memref<4096xf32, #tpu.memory_space<vmem>>)
    %dma_wait3A_2326 = arith.constant 1 : i32
    %dma_wait3A_2327 = arith.constant 20480 : i32
    %dma_wait3A_2328 = tpu.memref_slice %arg7[%dma_wait3A_2327] : memref<32768xf32, #tpu.memory_space<vmem>> -> memref<4096xf32, #tpu.memory_space<vmem>>
    %dma_wait3A_2329 = arith.constant 0 : i32
    %dma_wait3A_2330 = tpu.memref_slice %arg2[%add3A_2233, %dma_wait3A_2326, %dma_wait3A_2329] : memref<1024x2x4096xf32, #tpu.memory_space<hbm>> -> memref<1x1x4096xf32, #tpu.memory_space<hbm>>
    %dma_wait3A_2331 = tpu.memref_squeeze %dma_wait3A_2330 : memref<1x1x4096xf32, #tpu.memory_space<hbm>> -> memref<4096xf32, #tpu.memory_space<hbm>>
    %dma_wait3A_2332 = arith.constant 20480 : i32
    %dma_wait3A_2333 = tpu.memref_slice %arg7[%dma_wait3A_2332] : memref<32768xf32, #tpu.memory_space<vmem>> -> memref<4096xf32, #tpu.memory_space<vmem>>
    %dma_wait3A_2334 = arith.constant 0 : i32
    %dma_wait3A_2335 = tpu.memref_slice %arg2[%add3A_2233, %dma_wait3A_2326, %dma_wait3A_2334] : memref<1024x2x4096xf32, #tpu.memory_space<hbm>> -> memref<1x1x4096xf32, #tpu.memory_space<hbm>>
    %dma_wait3A_2336 = tpu.memref_squeeze %dma_wait3A_2335 : memref<1x1x4096xf32, #tpu.memory_space<hbm>> -> memref<4096xf32, #tpu.memory_space<hbm>>
    tpu.wait_dma2 semaphore(%arg10 : memref<!tpu.dma_semaphore, #tpu.memory_space<semaphore_mem>>) src(%dma_wait3A_2336 : memref<4096xf32, #tpu.memory_space<hbm>>) dst(%dma_wait3A_2333 : memref<4096xf32, #tpu.memory_space<vmem>>)
    %dma_wait3A_2337 = arith.constant 1 : i32
    %dma_wait3A_2338 = arith.constant 24576 : i32
    %dma_wait3A_2339 = tpu.memref_slice %arg7[%dma_wait3A_2338] : memref<32768xf32, #tpu.memory_space<vmem>> -> memref<4096xf32, #tpu.memory_space<vmem>>
    %dma_wait3A_2340 = arith.constant 0 : i32
    %dma_wait3A_2341 = tpu.memref_slice %arg2[%add3A_2246, %dma_wait3A_2337, %dma_wait3A_2340] : memref<1024x2x4096xf32, #tpu.memory_space<hbm>> -> memref<1x1x4096xf32, #tpu.memory_space<hbm>>
    %dma_wait3A_2342 = tpu.memref_squeeze %dma_wait3A_2341 : memref<1x1x4096xf32, #tpu.memory_space<hbm>> -> memref<4096xf32, #tpu.memory_space<hbm>>
    %dma_wait3A_2343 = arith.constant 24576 : i32
    %dma_wait3A_2344 = tpu.memref_slice %arg7[%dma_wait3A_2343] : memref<32768xf32, #tpu.memory_space<vmem>> -> memref<4096xf32, #tpu.memory_space<vmem>>
    %dma_wait3A_2345 = arith.constant 0 : i32
    %dma_wait3A_2346 = tpu.memref_slice %arg2[%add3A_2246, %dma_wait3A_2337, %dma_wait3A_2345] : memref<1024x2x4096xf32, #tpu.memory_space<hbm>> -> memref<1x1x4096xf32, #tpu.memory_space<hbm>>
    %dma_wait3A_2347 = tpu.memref_squeeze %dma_wait3A_2346 : memref<1x1x4096xf32, #tpu.memory_space<hbm>> -> memref<4096xf32, #tpu.memory_space<hbm>>
    tpu.wait_dma2 semaphore(%arg10 : memref<!tpu.dma_semaphore, #tpu.memory_space<semaphore_mem>>) src(%dma_wait3A_2347 : memref<4096xf32, #tpu.memory_space<hbm>>) dst(%dma_wait3A_2344 : memref<4096xf32, #tpu.memory_space<vmem>>)
    %dma_wait3A_2348 = arith.constant 1 : i32
    %dma_wait3A_2349 = arith.constant 28672 : i32
    %dma_wait3A_2350 = tpu.memref_slice %arg7[%dma_wait3A_2349] : memref<32768xf32, #tpu.memory_space<vmem>> -> memref<4096xf32, #tpu.memory_space<vmem>>
    %dma_wait3A_2351 = arith.constant 0 : i32
    %dma_wait3A_2352 = tpu.memref_slice %arg2[%add3A_2259, %dma_wait3A_2348, %dma_wait3A_2351] : memref<1024x2x4096xf32, #tpu.memory_space<hbm>> -> memref<1x1x4096xf32, #tpu.memory_space<hbm>>
    %dma_wait3A_2353 = tpu.memref_squeeze %dma_wait3A_2352 : memref<1x1x4096xf32, #tpu.memory_space<hbm>> -> memref<4096xf32, #tpu.memory_space<hbm>>
    %dma_wait3A_2354 = arith.constant 28672 : i32
    %dma_wait3A_2355 = tpu.memref_slice %arg7[%dma_wait3A_2354] : memref<32768xf32, #tpu.memory_space<vmem>> -> memref<4096xf32, #tpu.memory_space<vmem>>
    %dma_wait3A_2356 = arith.constant 0 : i32
    %dma_wait3A_2357 = tpu.memref_slice %arg2[%add3A_2259, %dma_wait3A_2348, %dma_wait3A_2356] : memref<1024x2x4096xf32, #tpu.memory_space<hbm>> -> memref<1x1x4096xf32, #tpu.memory_space<hbm>>
    %dma_wait3A_2358 = tpu.memref_squeeze %dma_wait3A_2357 : memref<1x1x4096xf32, #tpu.memory_space<hbm>> -> memref<4096xf32, #tpu.memory_space<hbm>>
    tpu.wait_dma2 semaphore(%arg10 : memref<!tpu.dma_semaphore, #tpu.memory_space<semaphore_mem>>) src(%dma_wait3A_2358 : memref<4096xf32, #tpu.memory_space<hbm>>) dst(%dma_wait3A_2355 : memref<4096xf32, #tpu.memory_space<vmem>>)
    %scan3A_2359 = arith.constant 0 : i32
    %scan3A_2360 = arith.constant 2048 : i32
    %scan3A_2361 = arith.addi %scan3A_2359, %scan3A_2360 : i32
    %scan3A_2362 = arith.constant 1 : i32
    scf.for %scan3A_2475 = %scan3A_2359 to %scan3A_2361 step %scan3A_2362  : i32 {
      %mul3A_2476 = arith.constant 16 : i32
      %mul3A_2477 = arith.muli %scan3A_2475, %mul3A_2476 : i32
      %get3A_2478 = arith.index_cast %mul3A_2477 : i32 to index
      %get3A_2479 = tpu.vector_load %arg7[%get3A_2478] {strides = array<i32>} : memref<32768xf32, #tpu.memory_space<vmem>>, vector<16xf32>,
      %get3A_2480 = vector.shape_cast %get3A_2479 : vector<16xf32> to vector<16xf32>
      %mul3A_2481 = arith.constant 16 : i32
      %mul3A_2482 = arith.muli %scan3A_2475, %mul3A_2481 : i32
      %shift_right_logical3A = arith.constant 8 : i32
      %shift_right_logical3A_2483 = arith.shrui %scan3A_2475, %shift_right_logical3A : i32
      %add3A_2484 = arith.addi %mul3A_2482, %shift_right_logical3A_2483 : i32
      %add3A_2485 = arith.constant 0 : i32
      %add3A_2486 = arith.addi %add3A_2484, %add3A_2485 : i32
      %swap3A_2487 = arith.index_cast %add3A_2486 : i32 to index
      %swap3A_2488 = tpu.vector_load %arg8[%swap3A_2487] {strides = array<i32>} : memref<32776xf32, #tpu.memory_space<vmem>>, vector<16xf32>,
      %swap3A_2489 = vector.shape_cast %swap3A_2488 : vector<16xf32> to vector<16xf32>
      %swap3A_2490 = vector.shape_cast %get3A_2480 : vector<16xf32> to vector<16xf32>
      tpu.vector_store %arg8[%swap3A_2487], %swap3A_2490 {strides = array<i32>} : memref<32776xf32, #tpu.memory_space<vmem>>, vector<16xf32>,
    }
    %scan3A_2363 = arith.constant 2048 : i32
    %get3A_2364 = arith.constant 4081 : index
    %get3A_2365 = tpu.vector_load %arg8[%get3A_2364] {strides = array<i32>} : memref<32776xf32, #tpu.memory_space<vmem>>, vector<16xf32>,
    %get3A_2366 = vector.shape_cast %get3A_2365 : vector<16xf32> to vector<16xf32>
    %eq3A_2367 = arith.constant 15 : i32
    %eq3A_2368 = vector.broadcast %eq3A_2367 : i32 to vector<16xi32>
    %eq3A_2369 = arith.cmpi eq, %iota3A, %eq3A_2368 : vector<16xi32>
    %jit3A_2370 = arith.constant 2.000000e+00 : f32
    %broadcast_in_dim3A_2371 = vector.broadcast %jit3A_2370 : f32 to vector<16xf32>
    %select_n3A_2372 = arith.select %eq3A_2369, %broadcast_in_dim3A_2371, %get3A_2366 : vector<16xi1>, vector<16xf32>
    %swap3A_2373 = arith.constant 4081 : index
    %swap3A_2374 = tpu.vector_load %arg8[%swap3A_2373] {strides = array<i32>} : memref<32776xf32, #tpu.memory_space<vmem>>, vector<16xf32>,
    %swap3A_2375 = vector.shape_cast %swap3A_2374 : vector<16xf32> to vector<16xf32>
    %swap3A_2376 = vector.shape_cast %select_n3A_2372 : vector<16xf32> to vector<16xf32>
    tpu.vector_store %arg8[%swap3A_2373], %swap3A_2376 {strides = array<i32>} : memref<32776xf32, #tpu.memory_space<vmem>>, vector<16xf32>,
    %get3A_2377 = arith.constant 8178 : index
    %get3A_2378 = tpu.vector_load %arg8[%get3A_2377] {strides = array<i32>} : memref<32776xf32, #tpu.memory_space<vmem>>, vector<16xf32>,
    %get3A_2379 = vector.shape_cast %get3A_2378 : vector<16xf32> to vector<16xf32>
    %eq3A_2380 = arith.constant 15 : i32
    %eq3A_2381 = vector.broadcast %eq3A_2380 : i32 to vector<16xi32>
    %eq3A_2382 = arith.cmpi eq, %iota3A, %eq3A_2381 : vector<16xi32>
    %jit3A_2383 = arith.constant 2.000000e+00 : f32
    %broadcast_in_dim3A_2384 = vector.broadcast %jit3A_2383 : f32 to vector<16xf32>
    %select_n3A_2385 = arith.select %eq3A_2382, %broadcast_in_dim3A_2384, %get3A_2379 : vector<16xi1>, vector<16xf32>
    %swap3A_2386 = arith.constant 8178 : index
    %swap3A_2387 = tpu.vector_load %arg8[%swap3A_2386] {strides = array<i32>} : memref<32776xf32, #tpu.memory_space<vmem>>, vector<16xf32>,
    %swap3A_2388 = vector.shape_cast %swap3A_2387 : vector<16xf32> to vector<16xf32>
    %swap3A_2389 = vector.shape_cast %select_n3A_2385 : vector<16xf32> to vector<16xf32>
    tpu.vector_store %arg8[%swap3A_2386], %swap3A_2389 {strides = array<i32>} : memref<32776xf32, #tpu.memory_space<vmem>>, vector<16xf32>,
    %get3A_2390 = arith.constant 12275 : index
    %get3A_2391 = tpu.vector_load %arg8[%get3A_2390] {strides = array<i32>} : memref<32776xf32, #tpu.memory_space<vmem>>, vector<16xf32>,
    %get3A_2392 = vector.shape_cast %get3A_2391 : vector<16xf32> to vector<16xf32>
    %eq3A_2393 = arith.constant 15 : i32
    %eq3A_2394 = vector.broadcast %eq3A_2393 : i32 to vector<16xi32>
    %eq3A_2395 = arith.cmpi eq, %iota3A, %eq3A_2394 : vector<16xi32>
    %jit3A_2396 = arith.constant 2.000000e+00 : f32
    %broadcast_in_dim3A_2397 = vector.broadcast %jit3A_2396 : f32 to vector<16xf32>
    %select_n3A_2398 = arith.select %eq3A_2395, %broadcast_in_dim3A_2397, %get3A_2392 : vector<16xi1>, vector<16xf32>
    %swap3A_2399 = arith.constant 12275 : index
    %swap3A_2400 = tpu.vector_load %arg8[%swap3A_2399] {strides = array<i32>} : memref<32776xf32, #tpu.memory_space<vmem>>, vector<16xf32>,
    %swap3A_2401 = vector.shape_cast %swap3A_2400 : vector<16xf32> to vector<16xf32>
    %swap3A_2402 = vector.shape_cast %select_n3A_2398 : vector<16xf32> to vector<16xf32>
    tpu.vector_store %arg8[%swap3A_2399], %swap3A_2402 {strides = array<i32>} : memref<32776xf32, #tpu.memory_space<vmem>>, vector<16xf32>,
    %get3A_2403 = arith.constant 16372 : index
    %get3A_2404 = tpu.vector_load %arg8[%get3A_2403] {strides = array<i32>} : memref<32776xf32, #tpu.memory_space<vmem>>, vector<16xf32>,
    %get3A_2405 = vector.shape_cast %get3A_2404 : vector<16xf32> to vector<16xf32>
    %eq3A_2406 = arith.constant 15 : i32
    %eq3A_2407 = vector.broadcast %eq3A_2406 : i32 to vector<16xi32>
    %eq3A_2408 = arith.cmpi eq, %iota3A, %eq3A_2407 : vector<16xi32>
    %jit3A_2409 = arith.constant 2.000000e+00 : f32
    %broadcast_in_dim3A_2410 = vector.broadcast %jit3A_2409 : f32 to vector<16xf32>
    %select_n3A_2411 = arith.select %eq3A_2408, %broadcast_in_dim3A_2410, %get3A_2405 : vector<16xi1>, vector<16xf32>
    %swap3A_2412 = arith.constant 16372 : index
    %swap3A_2413 = tpu.vector_load %arg8[%swap3A_2412] {strides = array<i32>} : memref<32776xf32, #tpu.memory_space<vmem>>, vector<16xf32>,
    %swap3A_2414 = vector.shape_cast %swap3A_2413 : vector<16xf32> to vector<16xf32>
    %swap3A_2415 = vector.shape_cast %select_n3A_2411 : vector<16xf32> to vector<16xf32>
    tpu.vector_store %arg8[%swap3A_2412], %swap3A_2415 {strides = array<i32>} : memref<32776xf32, #tpu.memory_space<vmem>>, vector<16xf32>,
    %get3A_2416 = arith.constant 20469 : index
    %get3A_2417 = tpu.vector_load %arg8[%get3A_2416] {strides = array<i32>} : memref<32776xf32, #tpu.memory_space<vmem>>, vector<16xf32>,
    %get3A_2418 = vector.shape_cast %get3A_2417 : vector<16xf32> to vector<16xf32>
    %eq3A_2419 = arith.constant 15 : i32
    %eq3A_2420 = vector.broadcast %eq3A_2419 : i32 to vector<16xi32>
    %eq3A_2421 = arith.cmpi eq, %iota3A, %eq3A_2420 : vector<16xi32>
    %jit3A_2422 = arith.constant 2.000000e+00 : f32
    %broadcast_in_dim3A_2423 = vector.broadcast %jit3A_2422 : f32 to vector<16xf32>
    %select_n3A_2424 = arith.select %eq3A_2421, %broadcast_in_dim3A_2423, %get3A_2418 : vector<16xi1>, vector<16xf32>
    %swap3A_2425 = arith.constant 20469 : index
    %swap3A_2426 = tpu.vector_load %arg8[%swap3A_2425] {strides = array<i32>} : memref<32776xf32, #tpu.memory_space<vmem>>, vector<16xf32>,
    %swap3A_2427 = vector.shape_cast %swap3A_2426 : vector<16xf32> to vector<16xf32>
    %swap3A_2428 = vector.shape_cast %select_n3A_2424 : vector<16xf32> to vector<16xf32>
    tpu.vector_store %arg8[%swap3A_2425], %swap3A_2428 {strides = array<i32>} : memref<32776xf32, #tpu.memory_space<vmem>>, vector<16xf32>,
    %get3A_2429 = arith.constant 24566 : index
    %get3A_2430 = tpu.vector_load %arg8[%get3A_2429] {strides = array<i32>} : memref<32776xf32, #tpu.memory_space<vmem>>, vector<16xf32>,
    %get3A_2431 = vector.shape_cast %get3A_2430 : vector<16xf32> to vector<16xf32>
    %eq3A_2432 = arith.constant 15 : i32
    %eq3A_2433 = vector.broadcast %eq3A_2432 : i32 to vector<16xi32>
    %eq3A_2434 = arith.cmpi eq, %iota3A, %eq3A_2433 : vector<16xi32>
    %jit3A_2435 = arith.constant 2.000000e+00 : f32
    %broadcast_in_dim3A_2436 = vector.broadcast %jit3A_2435 : f32 to vector<16xf32>
    %select_n3A_2437 = arith.select %eq3A_2434, %broadcast_in_dim3A_2436, %get3A_2431 : vector<16xi1>, vector<16xf32>
    %swap3A_2438 = arith.constant 24566 : index
    %swap3A_2439 = tpu.vector_load %arg8[%swap3A_2438] {strides = array<i32>} : memref<32776xf32, #tpu.memory_space<vmem>>, vector<16xf32>,
    %swap3A_2440 = vector.shape_cast %swap3A_2439 : vector<16xf32> to vector<16xf32>
    %swap3A_2441 = vector.shape_cast %select_n3A_2437 : vector<16xf32> to vector<16xf32>
    tpu.vector_store %arg8[%swap3A_2438], %swap3A_2441 {strides = array<i32>} : memref<32776xf32, #tpu.memory_space<vmem>>, vector<16xf32>,
    %get3A_2442 = arith.constant 28663 : index
    %get3A_2443 = tpu.vector_load %arg8[%get3A_2442] {strides = array<i32>} : memref<32776xf32, #tpu.memory_space<vmem>>, vector<16xf32>,
    %get3A_2444 = vector.shape_cast %get3A_2443 : vector<16xf32> to vector<16xf32>
    %eq3A_2445 = arith.constant 15 : i32
    %eq3A_2446 = vector.broadcast %eq3A_2445 : i32 to vector<16xi32>
    %eq3A_2447 = arith.cmpi eq, %iota3A, %eq3A_2446 : vector<16xi32>
    %jit3A_2448 = arith.constant 2.000000e+00 : f32
    %broadcast_in_dim3A_2449 = vector.broadcast %jit3A_2448 : f32 to vector<16xf32>
    %select_n3A_2450 = arith.select %eq3A_2447, %broadcast_in_dim3A_2449, %get3A_2444 : vector<16xi1>, vector<16xf32>
    %swap3A_2451 = arith.constant 28663 : index
    %swap3A_2452 = tpu.vector_load %arg8[%swap3A_2451] {strides = array<i32>} : memref<32776xf32, #tpu.memory_space<vmem>>, vector<16xf32>,
    %swap3A_2453 = vector.shape_cast %swap3A_2452 : vector<16xf32> to vector<16xf32>
    %swap3A_2454 = vector.shape_cast %select_n3A_2450 : vector<16xf32> to vector<16xf32>
    tpu.vector_store %arg8[%swap3A_2451], %swap3A_2454 {strides = array<i32>} : memref<32776xf32, #tpu.memory_space<vmem>>, vector<16xf32>,
    %get3A_2455 = arith.constant 32760 : index
    %get3A_2456 = tpu.vector_load %arg8[%get3A_2455] {strides = array<i32>} : memref<32776xf32, #tpu.memory_space<vmem>>, vector<16xf32>,
    %get3A_2457 = vector.shape_cast %get3A_2456 : vector<16xf32> to vector<16xf32>
    %eq3A_2458 = arith.constant 15 : i32
    %eq3A_2459 = vector.broadcast %eq3A_2458 : i32 to vector<16xi32>
    %eq3A_2460 = arith.cmpi eq, %iota3A, %eq3A_2459 : vector<16xi32>
    %jit3A_2461 = arith.constant 2.000000e+00 : f32
    %broadcast_in_dim3A_2462 = vector.broadcast %jit3A_2461 : f32 to vector<16xf32>
    %select_n3A_2463 = arith.select %eq3A_2460, %broadcast_in_dim3A_2462, %get3A_2457 : vector<16xi1>, vector<16xf32>
    %swap3A_2464 = arith.constant 32760 : index
    %swap3A_2465 = tpu.vector_load %arg8[%swap3A_2464] {strides = array<i32>} : memref<32776xf32, #tpu.memory_space<vmem>>, vector<16xf32>,
    %swap3A_2466 = vector.shape_cast %swap3A_2465 : vector<16xf32> to vector<16xf32>
    %swap3A_2467 = vector.shape_cast %select_n3A_2463 : vector<16xf32> to vector<16xf32>
    tpu.vector_store %arg8[%swap3A_2464], %swap3A_2467 {strides = array<i32>} : memref<32776xf32, #tpu.memory_space<vmem>>, vector<16xf32>,
    %mul3A_2468 = arith.constant 4097 : i32
    %mul3A_2469 = arith.muli %add3A_1858, %mul3A_2468 : i32
    %multiple_of3A_2470 = tpu.assume_multiple %mul3A_2469, 8 : i32
    %dma_start3A_2471 = tpu.memref_slice %arg5[%multiple_of3A_2470] : memref<4195328xf32, #tpu.memory_space<hbm>> -> memref<32776xf32, #tpu.memory_space<hbm>>
    %dma_start3A_2472 = tpu.memref_slice %arg5[%multiple_of3A_2470] : memref<4195328xf32, #tpu.memory_space<hbm>> -> memref<32776xf32, #tpu.memory_space<hbm>>
    tpu.enqueue_dma source(%arg8 : memref<32776xf32, #tpu.memory_space<vmem>>) target(%dma_start3A_2472 : memref<32776xf32, #tpu.memory_space<hbm>>) target_semaphore(%arg11 : memref<!tpu.dma_semaphore, #tpu.memory_space<semaphore_mem>>)
    %dma_wait3A_2473 = tpu.memref_slice %arg5[%multiple_of3A_2470] : memref<4195328xf32, #tpu.memory_space<hbm>> -> memref<32776xf32, #tpu.memory_space<hbm>>
    %dma_wait3A_2474 = tpu.memref_slice %arg5[%multiple_of3A_2470] : memref<4195328xf32, #tpu.memory_space<hbm>> -> memref<32776xf32, #tpu.memory_space<hbm>>
    tpu.wait_dma2 semaphore(%arg11 : memref<!tpu.dma_semaphore, #tpu.memory_space<semaphore_mem>>) src(%arg8 : memref<32776xf32, #tpu.memory_space<vmem>>) dst(%dma_wait3A_2474 : memref<32776xf32, #tpu.memory_space<hbm>>)
    return
  }
}

</mosaic_0001>

<sc_bundles>
// kernel: _collate.3.cloned.1.call-start
scs
__scs_entry_jumppad:
0x0: {  	(pc) =	sbr.rel $0x88, $3  }
0x1: {  	(tag) =	ssettag $0x0;
	lr =	simm.s32 $0x1  }
0x2: {  	[smem:$0x3FA0] =	sst lr;
	_ =	strace $0xD0000000  }
0x3: {  	_ = 	snop  }
0x4: {  	_ = 	snop  }
0x5: {  	_ = 	snop  }
0x6: {  	_ = 	snop  }
0x7: {  	_ = 	snop  }
__scs_overlays_trampoline_lowered:
0x8: {  	[smem:$0x3FAF] =	sst s0  }
0x9: {  	[smem:$0x3FB0] =	sst s1  }
0xa: {  	[smem:$0x3FB1] =	sst s2  }
0xb: {  	[smem:$0x3FB2] =	sst s3  }
0xc: {  	[smem:$0x3FB3] =	sst s4  }
0xd: {  	[smem:$0x3FB4] =	sst s5  }
0xe: {  	[smem:$0x3FB5] =	sst s6  }
0xf: {  	[smem:$0x3FB6] =	sst s7  }
0x10: {  	[smem:$0x3FB7] =	sst s8  }
0x11: {  	[smem:$0x3FB8] =	sst s9;
	s0 =	simm.s32 @!p0 $0x0  }
0x12: {  	s1 =	sld [smem:$0x3F9E];
	s0 =	simm.s32 @p0 $0x1  }
0x13: {  	[smem:$0x3FB9] =	sst s0;
	s0 =	simm.s32 @!p1 $0x0  }
0x14: {  	s2 =	sld [smem:$0x3F9D];
	s0 =	simm.s32 @p1 $0x1  }
0x15: {  	[smem:$0x3FBA] =	sst s0;
	s0 =	simm.s32 @!p2 $0x0  }
0x16: {  	s3 =	sld [smem:$0x3FDB];
	s0 =	simm.s32 @p2 $0x1  }
0x17: {  	s4 =	simm.s32 $0x1BF5;
	[smem:$0x3FBC] =	sst s0  }
0x18: {  	s0 =	sld [smem:$0x3F9F];
	_ =	swait.ge [sflag:s4], $0x0  }
0x19: {  	s7 =	sld [smem:$0x3FA0]  }
0x1a: {  	s8 =	sadd.s32 $0xFFFFE003, lr  }
0x1b: {  	s9 =	sadd.s32 $0xFFFFFEF7, lr;
	s5 =	simm.s32 $0xFFFFFFFF;
	p2 =	slt.u32 s8, $0xFFFFF086  }
0x1c: {  	p1 =	slt.u32 s9, $0xF7A;
	s5 =	simm.s32 @!p2 $0x0  }
0x1d: {  	s5 =	simm.s32 @p1 $0x1;
	p0 =	seq.s32 s7, s2  }
0x1e: {  	s7 =	smul.u32 @!p0 $0xF7A, s2;
	p2 =	seq.s32 @!p0 s5, $0x0  }
0x1f: {  	s9 =	smul.u32 $0xF7A, s1;
	s8 =	simm.s32 @!p0 $0x1BF5;
	p2 =	por !p2, p0  }
0x20: {  	[sflag:s8] =	ssyncset.s32 @!p0 $0xFFFFF086;
	s6 =	sadd.s32 @!p0 s3, s7;
	s7 =	simm.s32 @!p0 $0x108  }
0x21: {  	s3 =	sadd.s32 s3, s9;
	s6 =	sadd.s32 @!p0 $0x88, s6;
	s7 =	simm.s32 @p2 $0x1082  }
0x22: {  	[simem:s7], [sflag:s8] =	dma.local @!p0 [hbm:s6], $0xF7A  }
0x23: {  	s9 =	sor.u32 $0xD0000000, s2;
	s6 =	simm.s32 $0x108;
	_ =	swait.ge @!p0 [sflag:s8], $0x0  }
0x24: {  	s3 =	sadd.s32 $0x88, s3;
	s6 =	simm.s32 @!p1 $0x1082;
	[sflag:s4] =	ssyncset.s32 $0xFFFFF086  }
0x25: {  	[simem:s6], [sflag:s4] =	dma.local [hbm:s3], $0xF7A  }
0x26: {  	[smem:$0x3FA0] =	sst s1;
	(tag) =	ssettag s2;
	_ =	strace s9  }
0x27: {  	s1 =	sld [smem:$0x3FB0]  }
0x28: {  	s2 =	sld [smem:$0x3FB1]  }
0x29: {  	s4 =	sld [smem:$0x3FB3]  }
0x2a: {  	p0 =	seq.s32 s5, $0x0;
	s5 =	sld [smem:$0x3FB4]  }
0x2b: {  	s6 =	sld [smem:$0x3FB5]  }
0x2c: {  	s7 =	sld [smem:$0x3FB6]  }
0x2d: {  	s3 =	simm.s32 $0x108;
	s8 =	sld [smem:$0x3FB7]  }
0x2e: {  	s3 =	simm.s32 @!p0 $0x1082;
	s9 =	sld [smem:$0x3FB8]  }
0x2f: {  	lr =	sadd.s32 s0, s3;
	s0 =	sld [smem:$0x3FAF]  }
0x30: {  	s3 =	sld [smem:$0x3FB2]  }
0x31: {  	[smem:$0x3FBB] =	sst s10  }
0x32: {  	s10 =	sld [smem:$0x3FB9];
	_ =	sdelay $0x3  }
0x33: {  	p0 =	seq.s32 s10, $0x1;
	s10 =	sld [smem:$0x3FBB];
	_ =	sdelay $0x3  }
0x34: {  	[smem:$0x3FBB] =	sst s10  }
0x35: {  	s10 =	sld [smem:$0x3FBA];
	_ =	sdelay $0x3  }
0x36: {  	p1 =	seq.s32 s10, $0x1;
	s10 =	sld [smem:$0x3FBB];
	_ =	sdelay $0x3  }
0x37: {  	[smem:$0x3FBB] =	sst s10  }
0x38: {  	s10 =	sld [smem:$0x3FBC]  }
0x39: {  	_ = 	snop;
	(pc) =	sbr.ind lr, $3  }
0x3a: {  	_ = 	snop  }
0x3b: {  	_ = 	snop  }
0x3c: {  	p2 =	seq.s32 s10, $0x1;
	s10 =	sld [smem:$0x3FBB]  }
0x3d: {  	_ =	shalt  }
0x3e: {  	_ =	shalt  }
0x3f: {  	_ =	shalt  }
0x40: {  	_ =	shalt  }
0x41: {  	_ =	shalt  }
0x42: {  	_ =	shalt  }
0x43: {  	_ =	shalt  }
0x44: {  	_ =	shalt  }
0x45: {  	_ =	shalt  }
0x46: {  	_ =	shalt  }
0x47: {  	_ =	shalt  }
0x48: {  	_ =	shalt  }
0x49: {  	_ =	shalt  }
0x4a: {  	_ =	shalt  }
0x4b: {  	_ =	shalt  }
0x4c: {  	_ =	shalt  }
0x4d: {  	_ =	shalt  }
0x4e: {  	_ =	shalt  }
0x4f: {  	_ =	shalt  }
0x50: {  	_ =	shalt  }
0x51: {  	_ =	shalt  }
0x52: {  	_ =	shalt  }
0x53: {  	_ =	shalt  }
0x54: {  	_ =	shalt  }
0x55: {  	_ =	shalt  }
0x56: {  	_ =	shalt  }
0x57: {  	_ =	shalt  }
0x58: {  	_ =	shalt  }
0x59: {  	_ =	shalt  }
0x5a: {  	_ =	shalt  }
0x5b: {  	_ =	shalt  }
0x5c: {  	_ =	shalt  }
0x5d: {  	_ =	shalt  }
0x5e: {  	_ =	shalt  }
0x5f: {  	_ =	shalt  }
0x60: {  	_ =	shalt  }
0x61: {  	_ =	shalt  }
0x62: {  	_ =	shalt  }
0x63: {  	_ =	shalt  }
0x64: {  	_ =	shalt  }
0x65: {  	_ =	shalt  }
0x66: {  	_ =	shalt  }
0x67: {  	_ =	shalt  }
0x68: {  	_ =	shalt  }
0x69: {  	_ =	shalt  }
0x6a: {  	_ =	shalt  }
0x6b: {  	_ =	shalt  }
0x6c: {  	_ =	shalt  }
0x6d: {  	_ =	shalt  }
0x6e: {  	_ =	shalt  }
0x6f: {  	_ =	shalt  }
0x70: {  	_ =	shalt  }
0x71: {  	_ =	shalt  }
0x72: {  	_ =	shalt  }
0x73: {  	_ =	shalt  }
0x74: {  	_ =	shalt  }
0x75: {  	_ =	shalt  }
0x76: {  	_ =	shalt  }
0x77: {  	_ =	shalt  }
0x78: {  	_ =	shalt  }
0x79: {  	_ =	shalt  }
0x7a: {  	_ =	shalt  }
0x7b: {  	_ =	shalt  }
0x7c: {  	_ =	shalt  }
0x7d: {  	_ =	shalt  }
0x7e: {  	_ =	shalt  }
0x7f: {  	_ =	shalt  }
0x80: {  	_ =	shalt  }
0x81: {  	_ =	shalt  }
0x82: {  	_ =	shalt  }
0x83: {  	_ =	shalt  }
0x84: {  	_ =	shalt  }
0x85: {  	_ =	shalt  }
0x86: {  	_ =	shalt  }
0x87: {  	_ =	shalt  }
.Lfunc_end0:
.L_simem_size_0:
called_computation_lowered:
.L_overlay_start_0:
0x88: {  	s2 =	sld [smem:$0x3FD9]  }
0x89: {  	s3 =	sld [smem:$0x3FFE];
	_ =	sdelay $0x1  }
0x8a: {  	s1 =	srdreg.scid  }
0x8b: {  	s0 =	sand.u32 $0x1, s1  }
0x8c: {  	s15 =	sshll.u32 s0, $0xA;
	s2 =	sadd.s32 s3, s2  }
0x8d: {  	s2 =	sadd.s32 s2, s15  }
0x8e: {  	[smem:$0x3FC7] =	sst s2  }
0x8f: {  	_ = 	snop  }
0x90: {  	s2 =	sld [smem:$0x3FD0];
	_ =	sdelay $0x2  }
0x91: {  	s4 =	simm.s32 $0xA;
	s5 =	simm.s32 $0x10;
	s16 =	sld [smem:$0x3FC9]  }
0x92: {  	[smem:s5], [sflag:s4] =	dma.local [hbm:s2], $0x1  }
0x93: {  	_ =	swait.eq [sflag:s4], $0x1  }
0x94: {  	s17 =	sld [smem:$0x10]  }
0x95: {  	s18 =	sld [smem:$0x11];
	[sflag:s4] =	ssyncset.done $0x0  }
0x96: {  	s6 =	sld [smem:$0x12];
	[sflag:s4] =	ssyncadd.s32 $0xFFFFFFFF  }
0x97: {  	s19 =	sld [smem:$0x13];
	(tm) =	ssettm $0x1  }
0x98: {  	s7 =	sld [smem:$0x3FFB];
	_ =	sdelay $0x3  }
0x99: {  	_ =	strace s7  }
0x9a: {  	s7 =	sld [smem:$0x3FFC];
	_ =	sdelay $0x3  }
0x9b: {  	_ =	strace s7  }
0x9c: {  	s7 =	sld [smem:$0x3FFD];
	_ =	sdelay $0x3  }
0x9d: {  	_ =	strace s7  }
0x9e: {  	_ =	strace $0x8FFFFFFF  }
0x9f: {  	s20 =	sld [smem:$0x3FDB];
	_ =	sdelay $0x1  }
0xa0: {  	s8 =	simm.s32 $_scs_section_size  }
0xa1: {  	s9 =	simm.s32 $_size__tile_overlayer_lowered;
	s10 =	simm.s32 $_tile_overlayer_lowered  }
0xa2: {  	s23 =	simm.s32 $0x1BFF;
	s22 =	sshll.u32 s10, $0x1;
	s7 =	sadd.s32 s8, s20  }
0xa3: {  	s11 =	simm.s32 $0x0;
	s21 =	sshll.u32 s9, $0x1;
	s9 =	sadd.s32 s22, s7  }
0xa4: {  	[timem:s11], [sflag:s23] =	dma.local [hbm:s9], s21  }
0xa5: {  	_ =	swait.ge [sflag:s23], s21  }
0xa6: {  	s8 =	ssub.s32 $0x0, s21;
	[sflag:s23] =	ssyncset.done $0x0  }
0xa7: {  	[sflag:s23] =	ssyncadd.s32 s8;
	_ =	sdelay $0x1  }
0xa8: {  	s24 =	simm.s32 $0x1B8B  }
0xa9: {  	_ =	swait.ge [sflag:s24], $0x1  }
0xaa: {  	[sflag:s24] =	ssyncset.done $0x0  }
0xab: {  	s25 =	simm.s32 $0x1B8E;
	[sflag:s24] =	ssyncadd.s32 $0xFFFFFFFF  }
0xac: {  	s26 =	simm.s32 $execute0_lowered;
	[smem:$0x3FD2] =	sst s25  }
0xad: {  	s8 =	sshll.u32 s26, $0x1;
	_ =	strace $0x80000046;
	[dreg:$0x1] =	wrdreg $0xFFFFFFFF  }
0xae: {  	s28 =	simm.s32 $_size_execute0_lowered;
	s7 =	sadd.s32 s7, s8;
	[dreg:$0x0] =	wrdreg $0x0  }
0xaf: {  	s8 =	sshll.u32 s28, $0x1;
	[dreg:$0x2] =	wrdreg s7  }
0xb0: {  	[dreg:$0x3] =	wrdreg s8  }
0xb1: {  	[dreg:$0x4] =	wrdreg $0xC0  }
0xb2: {  	_ =	task [dreg:s11], $0x5FFFF  }
0xb3: {  	[dreg:$0x1] =	wrdreg $0xFFFFFFFF  }
0xb4: {  	[dreg:$0x0] =	wrdreg $0x60  }
0xb5: {  	[dreg:$0x2] =	wrdreg s16  }
0xb6: {  	[dreg:$0x3] =	wrdreg s17  }
0xb7: {  	[dreg:$0x4] =	wrdreg s18  }
0xb8: {  	[dreg:$0x5] =	wrdreg s6  }
0xb9: {  	[dreg:$0x6] =	wrdreg s19  }
0xba: {  	[dreg:$0x7] =	wrdreg $0x9  }
0xbb: {  	_ =	task.clear_ibuf [dreg:s11], $0x8FFFF;
	_ =	strace $0x90000046  }
0xbc: {  	s29 =	simm.s32 $0x9;
	_ =	strace $0x80000048  }
0xbd: {  	_ =	swait.ge [sflag:s29], $0x1  }
0xbe: {  	[sflag:s29] =	ssyncadd.s32 $0xFFFFFFFF  }
0xbf: {  	_ =	strace $0x90000048  }
0xc0: {  	_ =	sfence  }
0xc1: {  	s30 =	sld [smem:$0x0];
	_ =	sdelay $0x2  }
0xc2: {  	s31 =	sshll.u32 s1, $0xD;
	s1 =	sshrl.u32 s1, $0x2  }
0xc3: {  	s3 =	sand.u32 $0x4000, s31;
	s1 =	sadd.s32 s1, s30  }
0xc4: {  	s0 =	sor.u32 s3, s0;
	s1 =	sshll.u32 s1, $0x11  }
0xc5: {  	s0 =	sor.u32 s1, s0  }
0xc6: {  	s0 =	sadd.s32 $0x8F2B, s0  }
0xc7: {  	[sflag:s0] =	ssyncadd.remote.s32 $0x1  }
0xc8: {  	_ =	sfence.sel $0xFFFF  }
0xc9: {  	[dreg:$0x0] =	wrdreg $0xFFFFFFFF;
	(pc) =	sbr.abs _section_cstart, $3  }
0xca: {  	[dreg:$0x1] =	wrdreg $0xFFFFFFFF  }
0xcb: {  	_ =	task.clear_ibuf [dreg:s11], $0x2FFFF;
	_ =	strace $0x9FFFFFFF  }
0xcc: {  	(tm) =	ssettm $0x7FFFFFFF  }
0xcd: {  	_ =	shalt  }
tec
execute0_lowered:
.L_overlay_start_1:
0x0: {  	(tag) =	ssettag $0x1  }
0x1: {  	s0 =	rddreg [dreg:$0x0]  }
0x2: {  	s1 =	rddreg [dreg:$0x1]  }
0x3: {  	s3 =	rddreg [dreg:$0x2]  }
0x4: {  	s4 =	rddreg [dreg:$0x3]  }
0x5: {  	s6 =	srdreg.scid;
	s8 =	stileid.u32  }
0x6: {  	s5 =	rddreg [dreg:$0x4];
	s6 =	sand.u32 $0x1, s6;
	s8 =	sshll.u32 s8, $0x1  }
0x7: {  	s2 =	simm.s32 $0x0;
	s7 =	ssub.s32 $0x2, s6;
	s6 =	sor.u32 s6, s8  }
0x8: {  	[smem:$0x7FF] =	sst s2;
	s23 =	sshll.u32 s6, $0x2  }
0x9: {  	_ =	strace $0x80000047;
	s25 =	sshll.u32 s6, $0xF;
	s3 =	sadd.s32 s3, s23  }
0xa: {  	s24 =	sadd.s32 s5, s23;
	s5 =	sadd.s32 s0, s25;
	[dreg:$0x6] =	wrdreg s3  }
0xb: {  	s8 =	sshll.u32 s6, $0x5;
	[dreg:$0x7] =	wrdreg s24;
	s10 =	sadd.s32 $0x400, s5  }
0xc: {  	s6 =	smul.u32 $0x4004, s6;
	s12 =	sadd.s32 $0x800, s5;
	[dreg:$0x8] =	wrdreg s10  }
0xd: {  	s11 =	sadd.s32 $0xC00, s5;
	[dreg:$0x9] =	wrdreg s12  }
0xe: {  	s15 =	sadd.s32 $0x10, s0;
	s14 =	sadd.s32 s1, s6;
	[dreg:$0xa] =	wrdreg s11  }
0xf: {  	s9 =	sshrl.u32 s7, $0x1;
	s3 =	sadd.s32 s25, s15;
	[dreg:$0xb] =	wrdreg s14  }
0x10: {  	s7 =	ssub.s32 s7, s9;
	s6 =	sadd.s32 s4, s6;
	[dreg:$0xc] =	wrdreg s3  }
0x11: {  	s26 =	sor.u32 $0x8, s8;
	s9 =	smax.u32 s7, $0x1;
	[dreg:$0xd] =	wrdreg s6  }
0x12: {  	s16 =	sshll.u32 s26, $0xA;
	s7 =	sadd.s32 $0x3410, s5;
	[dreg:$0x1b] =	wrdreg s9  }
0x13: {  	s21 =	sor.u32 $0x10, s8;
	s18 =	sadd.s32 s0, s16;
	[smem:$0x7EA] =	sst s7  }
0x14: {  	s22 =	sshll.u32 s21, $0xA;
	s3 =	sadd.s32 s16, s15;
	[dreg:$0xe] =	wrdreg s18  }
0x15: {  	s8 =	sor.u32 $0x18, s8;
	s23 =	sadd.s32 s0, s22;
	[dreg:$0x10] =	wrdreg s3  }
0x16: {  	s24 =	sshll.u32 s8, $0xA;
	s6 =	sadd.s32 s22, s15;
	[dreg:$0x12] =	wrdreg s23  }
0x17: {  	s0 =	sadd.s32 s0, s24;
	[dreg:$0x13] =	wrdreg s6  }
0x18: {  	s25 =	sadd.s32 s24, s15;
	[dreg:$0x14] =	wrdreg s0  }
0x19: {  	s10 =	sadd.s32 $0x1400, s5;
	[dreg:$0x15] =	wrdreg s25  }
0x1a: {  	s11 =	sadd.s32 $0x1800, s5;
	[dreg:$0x1c] =	wrdreg s10  }
0x1b: {  	s12 =	sadd.s32 $0x1C00, s5;
	[dreg:$0x1d] =	wrdreg s11  }
0x1c: {  	s14 =	sadd.s32 $0x810, s5;
	[dreg:$0x1e] =	wrdreg s12  }
0x1d: {  	s15 =	sadd.s32 $0xC10, s5;
	[smem:$0x7D9] =	sst s14  }
0x1e: {  	s16 =	sadd.s32 $0x1010, s5;
	[smem:$0x7DA] =	sst s15  }
0x1f: {  	s22 =	sadd.s32 $0x2C00, s5;
	[smem:$0x7DB] =	sst s16  }
0x20: {  	s8 =	smul.u32 $0x1001, s8;
	s24 =	sadd.s32 $0x3400, s5;
	[smem:$0x7E1] =	sst s22  }
0x21: {  	s13 =	smul.u32 $0x1001, s26;
	s9 =	sadd.s32 $0x3C10, s5;
	[smem:$0x7E3] =	sst s24  }
0x22: {  	s6 =	sshrl.u32 s8, $0x3;
	s8 =	sadd.s32 $0x1000, s5;
	[smem:$0x7EC] =	sst s9  }
0x23: {  	s17 =	sshrl.u32 s13, $0x3;
	s13 =	sadd.s32 $0x410, s5;
	[dreg:$0x1a] =	wrdreg s8  }
0x24: {  	s18 =	sadd.s32 $0x1810, s5;
	[dreg:$0x1f] =	wrdreg s13  }
0x25: {  	s3 =	smul.u32 $0x1001, s21;
	s21 =	sadd.s32 $0x2800, s5;
	[smem:$0x7DD] =	sst s18  }
0x26: {  	s23 =	sadd.s32 $0x3000, s5;
	[smem:$0x7E0] =	sst s21  }
0x27: {  	s25 =	sadd.s32 $0x3800, s5;
	[smem:$0x7E2] =	sst s23  }
0x28: {  	s10 =	sadd.s32 $0x4400, s5;
	[smem:$0x7E4] =	sst s25  }
0x29: {  	s11 =	sadd.s32 $0x4800, s5;
	[smem:$0x7ED] =	sst s10  }
0x2a: {  	s12 =	sadd.s32 $0x4C00, s5;
	[smem:$0x7EE] =	sst s11  }
0x2b: {  	s14 =	sadd.s32 $0x5400, s5;
	[smem:$0x7EF] =	sst s12  }
0x2c: {  	s15 =	sadd.s32 $0x5800, s5;
	[smem:$0x7F1] =	sst s14  }
0x2d: {  	s16 =	sadd.s32 $0x5C00, s5;
	[smem:$0x7F2] =	sst s15  }
0x2e: {  	s22 =	sadd.s32 $0x5810, s5;
	[smem:$0x7F3] =	sst s16  }
0x2f: {  	s24 =	sadd.s32 $0x6400, s5;
	[smem:$0x7F9] =	sst s22  }
0x30: {  	s28 =	simm.s32 $0x4000;
	s19 =	sadd.s32 s1, s17;
	[smem:$0x7FB] =	sst s24  }
0x31: {  	s29 =	simm.s32 $0x5000;
	s20 =	sadd.s32 s4, s17;
	[dreg:$0xf] =	wrdreg s19  }
0x32: {  	s30 =	simm.s32 $0x6000;
	s0 =	sadd.s32 s4, s6;
	[dreg:$0x11] =	wrdreg s20  }
0x33: {  	s31 =	simm.s32 $0x7000;
	s17 =	sadd.s32 $0x1410, s5;
	[dreg:$0x19] =	wrdreg s0  }
0x34: {  	s9 =	sadd.s32 $0x7000, s5;
	s8 =	sadd.s32 $0x3810, s5;
	[smem:$0x7DC] =	sst s17  }
0x35: {  	s13 =	sadd.s32 $0x5000, s5;
	s18 =	sadd.s32 $0x4810, s5;
	[smem:$0x7EB] =	sst s8  }
0x36: {  	s21 =	sadd.s32 $0x5410, s5;
	s23 =	sadd.s32 $0x5C10, s5;
	[smem:$0x7F0] =	sst s13  }
0x37: {  	s25 =	sadd.s32 $0x6800, s5;
	s10 =	sadd.s32 $0x7400, s5;
	[smem:$0x7F5] =	sst s18  }
0x38: {  	s11 =	sadd.s32 $0x7800, s5;
	s12 =	sadd.s32 $0x7C00, s5;
	[smem:$0x7F8] =	sst s21  }
0x39: {  	s14 =	sadd.s32 $0x6810, s5;
	s15 =	sadd.s32 $0x6C10, s5;
	[smem:$0x7FA] =	sst s23  }
0x3a: {  	s16 =	sadd.s32 $0x7010, s5;
	s19 =	sadd.s32 $0x1C10, s5;
	[smem:$0x7FC] =	sst s25  }
0x3b: {  	s22 =	simm.s32 $0x80;
	s20 =	sadd.s32 $0x2400, s5;
	[smem:$0x7DE] =	sst s19  }
0x3c: {  	s3 =	sshrl.u32 s3, $0x3;
	s17 =	sadd.s32 $0x4410, s5;
	[smem:$0x7DF] =	sst s20  }
0x3d: {  	s24 =	simm.s32 $0x1000;
	s26 =	sadd.s32 s1, s3;
	[smem:$0x7F4] =	sst s17  }
0x3e: {  	s13 =	sadd.s32 $0x6410, s5;
	s3 =	sadd.s32 s4, s3;
	[dreg:$0x16] =	wrdreg s26  }
0x3f: {  	s18 =	sadd.s32 $0x7810, s5;
	s1 =	sadd.s32 s1, s6;
	[dreg:$0x17] =	wrdreg s3  }
0x40: {  	s21 =	simm.s32 $0x3;
	s4 =	sadd.s32 $0x2C10, s5;
	[dreg:$0x18] =	wrdreg s1  }
0x41: {  	s23 =	simm.s32 $0x100;
	s6 =	sadd.s32 $0x3010, s5;
	[smem:$0x7E8] =	sst s4  }
0x42: {  	s25 =	simm.s32 $0x2000;
	s19 =	sadd.s32 $0x4C10, s5;
	[smem:$0x7E9] =	sst s6  }
0x43: {  	s0 =	simm.s32 $0x1;
	s20 =	sadd.s32 $0x5010, s5;
	[smem:$0x7F6] =	sst s19  }
0x44: {  	s17 =	sadd.s32 $0x7410, s5;
	s26 =	sadd.s32 $0x3C00, s5;
	[smem:$0x7F7] =	sst s20  }
0x45: {  	s1 =	sadd.s32 $0x2410, s5;
	s3 =	sadd.s32 $0x2810, s5;
	[smem:$0x7E5] =	sst s26  }
0x46: {  	s19 =	sadd.s32 $0x7C10, s5;
	s4 =	simm.s32 $0x0;
	[smem:$0x7E6] =	sst s1  }
0x47: {  	[smem:$0x7E7] =	sst s3;
	s26 =	sadd.s32 $0x6C00, s5;
	s1 =	simm.s32 $0x2  }
0x48: {  	v0 =	vimm.s32 $0x1001;
	v1 =	vlaneseq.u32;
	s3 =	simm.s32 $0x8000;
	[smem:$0x7FD] =	sst s26;
	s26 =	simm.s32 $0x3000  }
.LBB2_1:
0x49: {  	[tilespmem:$0x10080] =	vst v0  }
0x4a: {  	[tilespmem:$0x10090] =	vst v0;
	s6 =	rddreg [dreg:$0x6];
	s7 =	simm.s32 $0x10080  }
0x4b: {  	[hbm4b:s6+s2] =	stream.linear.scatter [tilespmem:s7], [sflag:$0x3], $0x20, $0x38;
	[tilespmem:$0x10100] =	vst v63  }
0x4c: {  	_ =	swait.ge [sflag:s21], $0x20  }
0x4d: {  	[sflag:s21] =	ssyncset.done $0x0  }
0x4e: {  	s8 =	rddreg [dreg:$0x7];
	[sflag:s21] =	ssyncadd.s32 $0xFFFFFFE0  }
0x4f: {  	[hbm4b:s8+s2] =	stream.linear.scatter [tilespmem:s7], [sflag:$0x3], $0x20, $0x38;
	[tilespmem:$0x10100] =	vst v63  }
0x50: {  	_ =	swait.ge [sflag:s21], $0x20  }
0x51: {  	[sflag:s21] =	ssyncset.done $0x0  }
0x52: {  	[sflag:s21] =	ssyncadd.s32 $0xFFFFFFE0  }
0x53: {  	[tilespmem:s2], [sflag:$0x1] =	stream.strided.gather [hbm4b:s5+s22], $0x1000, s23, s22, $0x38;
	[tilespmem:$0x10100] =	vst v63  }
0x54: {  	s20 =	rddreg [dreg:$0x8]  }
0x55: {  	[tilespmem:s24], [sflag:$0x1] =	stream.strided.gather [hbm4b:s20+s22], $0x1000, s23, s22, $0x38;
	[tilespmem:$0x10100] =	vst v63  }
0x56: {  	s7 =	rddreg [dreg:$0x9]  }
0x57: {  	[tilespmem:s25], [sflag:$0x1] =	stream.strided.gather [hbm4b:s7+s22], $0x1000, s23, s22, $0x38;
	[tilespmem:$0x10100] =	vst v63  }
0x58: {  	s8 =	rddreg [dreg:$0xa]  }
0x59: {  	[tilespmem:s26], [sflag:$0x1] =	stream.strided.gather [hbm4b:s8+s22], $0x1000, s23, s22, $0x38;
	[tilespmem:$0x10100] =	vst v63  }
0x5a: {  	s20 =	rddreg [dreg:$0x1a]  }
0x5b: {  	[tilespmem:s28], [sflag:$0x1] =	stream.strided.gather [hbm4b:s20+s22], $0x1000, s23, s22, $0x38;
	[tilespmem:$0x10100] =	vst v63  }
0x5c: {  	s7 =	rddreg [dreg:$0x1c]  }
0x5d: {  	[tilespmem:s29], [sflag:$0x1] =	stream.strided.gather [hbm4b:s7+s22], $0x1000, s23, s22, $0x38;
	[tilespmem:$0x10100] =	vst v63  }
0x5e: {  	s8 =	rddreg [dreg:$0x1d]  }
0x5f: {  	[tilespmem:s30], [sflag:$0x1] =	stream.strided.gather [hbm4b:s8+s22], $0x1000, s23, s22, $0x38;
	[tilespmem:$0x10100] =	vst v63  }
0x60: {  	s20 =	rddreg [dreg:$0x1e]  }
0x61: {  	[tilespmem:s31], [sflag:$0x1] =	stream.strided.gather [hbm4b:s20+s22], $0x1000, s23, s22, $0x38;
	[tilespmem:$0x10100] =	vst v63  }
0x62: {  	_ =	swait.ge [sflag:s0], $0x1000  }
0x63: {  	[sflag:s0] =	ssyncset.done $0x0  }
0x64: {  	[sflag:s0] =	ssyncadd.s32 $0xFFFFF000  }
0x65: {  	_ =	swait.ge [sflag:s0], $0x1000  }
0x66: {  	[sflag:s0] =	ssyncset.done $0x0  }
0x67: {  	[sflag:s0] =	ssyncadd.s32 $0xFFFFF000  }
0x68: {  	_ =	swait.ge [sflag:s0], $0x1000  }
0x69: {  	[sflag:s0] =	ssyncset.done $0x0  }
0x6a: {  	[sflag:s0] =	ssyncadd.s32 $0xFFFFF000  }
0x6b: {  	_ =	swait.ge [sflag:s0], $0x1000  }
0x6c: {  	[sflag:s0] =	ssyncset.done $0x0  }
0x6d: {  	[sflag:s0] =	ssyncadd.s32 $0xFFFFF000  }
0x6e: {  	_ =	swait.ge [sflag:s0], $0x1000  }
0x6f: {  	[sflag:s0] =	ssyncset.done $0x0  }
0x70: {  	[sflag:s0] =	ssyncadd.s32 $0xFFFFF000  }
0x71: {  	_ =	swait.ge [sflag:s0], $0x1000  }
0x72: {  	[sflag:s0] =	ssyncset.done $0x0  }
0x73: {  	[sflag:s0] =	ssyncadd.s32 $0xFFFFF000  }
0x74: {  	_ =	swait.ge [sflag:s0], $0x1000  }
0x75: {  	[sflag:s0] =	ssyncset.done $0x0  }
0x76: {  	[sflag:s0] =	ssyncadd.s32 $0xFFFFF000  }
0x77: {  	_ =	swait.ge [sflag:s0], $0x1000  }
0x78: {  	[sflag:s0] =	ssyncset.done $0x0  }
0x79: {  	[sflag:s0] =	ssyncadd.s32 $0xFFFFF000  }
0x7a: {  	v2 =	vld [tilespmem:s2+$0x0];
	_ =	sdelay $0x3  }
0x7b: {  	s8 =	simm.s32 $0x8001  }
0x7c: {  	s6 =	simm.s32 $0x8001;
	s7 =	simm.s32 $0x1;
	[tilespmem:s8+$0x0] =	vst v2;
	s8 =	simm.s32 $0x10  }
.LBB2_2:
0x7d: {  	v2 =	vld [tilespmem:s8+$0x0];
	p0 =	sne.s32 s7, $0x7FF;
	s20 =	smov.u32 s7;
	s7 =	sadd.s32 $0x1, s7  }
.Ltmp0:
0x7e: {  	(pc) =	sbr.rel @p0 .LBB2_2-.Ltmp0, $4  }
0x7f: {  	_ = 	snop  }
0x80: {  	s6 =	sadd.s32 $0x10, s6;
	s20 =	sshrl.u32 s20, $0x8  }
0x81: {  	s20 =	sadd.s32 s20, s6  }
0x82: {  	s8 =	sadd.s32 $0x10, s8;
	[tilespmem:s20+$0x0] =	vst v2  }
0x83: {  	v2 =	vld [tilespmem:$0x8000]  }
0x84: {  	v3 =	vld [tilespmem:$0x9001]  }
0x85: {  	v4 =	vld [tilespmem:$0xA002]  }
0x86: {  	v5 =	vld [tilespmem:$0xB003]  }
0x87: {  	vm0 =	veq.s32 v1, $0x0;
	v6 =	vld [tilespmem:$0xC004]  }
0x88: {  	v7 =	vld [tilespmem:$0xD005];
	v2 =	vsel vm0, $0x3F800000, v2  }
0x89: {  	[tilespmem:$0x8000] =	vst v2;
	v2 =	vsel vm0, $0x3F800000, v3;
	v3 =	vld [tilespmem:$0xE006]  }
0x8a: {  	v63 =	vld [tilespmem:$0xF007];
	[tilespmem:$0x9001] =	vst v2;
	v2 =	vsel vm0, $0x3F800000, v4  }
0x8b: {  	[tilespmem:$0xA002] =	vst v2;
	v2 =	vsel vm0, $0x3F800000, v5  }
0x8c: {  	[tilespmem:$0xB003] =	vst v2;
	v2 =	vsel vm0, $0x3F800000, v6  }
0x8d: {  	[tilespmem:$0xC004] =	vst v2;
	v2 =	vsel vm0, $0x3F800000, v7  }
0x8e: {  	[tilespmem:$0xD005] =	vst v2;
	v2 =	vsel vm0, $0x3F800000, v3  }
0x8f: {  	[tilespmem:$0xE006] =	vst v2;
	v2 =	vsel vm0, $0x3F800000, v63  }
0x90: {  	s7 =	simm.s32 $0x0;
	s6 =	simm.s32 $0x8000;
	s8 =	rddreg [dreg:$0xb];
	[tilespmem:$0xF007] =	vst v2  }
0x91: {  	[hbm4b:s8+s7] =	stream.linear.scatter [tilespmem:s6], [sflag:$0x2], $0x8008, $0x38;
	[tilespmem:$0x10100] =	vst v63  }
0x92: {  	_ =	swait.ge [sflag:s1], $0x8008  }
0x93: {  	[sflag:s1] =	ssyncset.done $0x0  }
0x94: {  	s20 =	rddreg [dreg:$0xc];
	[sflag:s1] =	ssyncadd.s32 $0xFFFF7FF8  }
0x95: {  	[tilespmem:s7], [sflag:$0x1] =	stream.strided.gather [hbm4b:s20+s22], $0x1000, s23, s22, $0x38;
	[tilespmem:$0x10100] =	vst v63  }
0x96: {  	s20 =	rddreg [dreg:$0x1f]  }
0x97: {  	[tilespmem:s24], [sflag:$0x1] =	stream.strided.gather [hbm4b:s20+s22], $0x1000, s23, s22, $0x38;
	[tilespmem:$0x10100] =	vst v63  }
0x98: {  	s20 =	sld [smem:$0x7D9];
	_ =	sdelay $0x2  }
0x99: {  	[tilespmem:s25], [sflag:$0x1] =	stream.strided.gather [hbm4b:s20+s22], $0x1000, s23, s22, $0x38;
	[tilespmem:$0x10100] =	vst v63  }
0x9a: {  	s20 =	sld [smem:$0x7DA];
	_ =	sdelay $0x2  }
0x9b: {  	[tilespmem:s26], [sflag:$0x1] =	stream.strided.gather [hbm4b:s20+s22], $0x1000, s23, s22, $0x38;
	[tilespmem:$0x10100] =	vst v63  }
0x9c: {  	s20 =	sld [smem:$0x7DB];
	_ =	sdelay $0x2  }
0x9d: {  	[tilespmem:s28], [sflag:$0x1] =	stream.strided.gather [hbm4b:s20+s22], $0x1000, s23, s22, $0x38;
	[tilespmem:$0x10100] =	vst v63  }
0x9e: {  	s20 =	sld [smem:$0x7DC];
	_ =	sdelay $0x2  }
0x9f: {  	[tilespmem:s29], [sflag:$0x1] =	stream.strided.gather [hbm4b:s20+s22], $0x1000, s23, s22, $0x38;
	[tilespmem:$0x10100] =	vst v63  }
0xa0: {  	s20 =	sld [smem:$0x7DD];
	_ =	sdelay $0x2  }
0xa1: {  	[tilespmem:s30], [sflag:$0x1] =	stream.strided.gather [hbm4b:s20+s22], $0x1000, s23, s22, $0x38;
	[tilespmem:$0x10100] =	vst v63  }
0xa2: {  	s20 =	sld [smem:$0x7DE];
	_ =	sdelay $0x2  }
0xa3: {  	[tilespmem:s31], [sflag:$0x1] =	stream.strided.gather [hbm4b:s20+s22], $0x1000, s23, s22, $0x38;
	[tilespmem:$0x10100] =	vst v63  }
0xa4: {  	_ =	swait.ge [sflag:s0], $0x1000  }
0xa5: {  	[sflag:s0] =	ssyncset.done $0x0  }
0xa6: {  	[sflag:s0] =	ssyncadd.s32 $0xFFFFF000  }
0xa7: {  	_ =	swait.ge [sflag:s0], $0x1000  }
0xa8: {  	[sflag:s0] =	ssyncset.done $0x0  }
0xa9: {  	[sflag:s0] =	ssyncadd.s32 $0xFFFFF000  }
0xaa: {  	_ =	swait.ge [sflag:s0], $0x1000  }
0xab: {  	[sflag:s0] =	ssyncset.done $0x0  }
0xac: {  	[sflag:s0] =	ssyncadd.s32 $0xFFFFF000  }
0xad: {  	_ =	swait.ge [sflag:s0], $0x1000  }
0xae: {  	[sflag:s0] =	ssyncset.done $0x0  }
0xaf: {  	[sflag:s0] =	ssyncadd.s32 $0xFFFFF000  }
0xb0: {  	_ =	swait.ge [sflag:s0], $0x1000  }
0xb1: {  	[sflag:s0] =	ssyncset.done $0x0  }
0xb2: {  	[sflag:s0] =	ssyncadd.s32 $0xFFFFF000  }
0xb3: {  	_ =	swait.ge [sflag:s0], $0x1000  }
0xb4: {  	[sflag:s0] =	ssyncset.done $0x0  }
0xb5: {  	[sflag:s0] =	ssyncadd.s32 $0xFFFFF000  }
0xb6: {  	_ =	swait.ge [sflag:s0], $0x1000  }
0xb7: {  	[sflag:s0] =	ssyncset.done $0x0  }
0xb8: {  	[sflag:s0] =	ssyncadd.s32 $0xFFFFF000  }
0xb9: {  	_ =	swait.ge [sflag:s0], $0x1000  }
0xba: {  	[sflag:s0] =	ssyncset.done $0x0  }
0xbb: {  	[sflag:s0] =	ssyncadd.s32 $0xFFFFF000  }
0xbc: {  	v2 =	vld [tilespmem:s7+$0x0];
	_ =	sdelay $0x3  }
0xbd: {  	s20 =	simm.s32 $0x8000  }
0xbe: {  	s8 =	simm.s32 $0x10;
	s7 =	simm.s32 $0x1;
	[tilespmem:s20+$0x0] =	vst v2  }
.LBB2_4:
0xbf: {  	v2 =	vld [tilespmem:s8+$0x0];
	p0 =	sne.s32 s7, $0x7FF;
	s20 =	smov.u32 s7;
	s7 =	sadd.s32 $0x1, s7  }
.Ltmp1:
0xc0: {  	(pc) =	sbr.rel @p0 .LBB2_4-.Ltmp1, $4  }
0xc1: {  	_ = 	snop  }
0xc2: {  	s6 =	sadd.s32 $0x10, s6;
	s20 =	sshrl.u32 s20, $0x8  }
0xc3: {  	s20 =	sadd.s32 s20, s6  }
0xc4: {  	s8 =	sadd.s32 $0x10, s8;
	[tilespmem:s20+$0x0] =	vst v2  }
0xc5: {  	v2 =	vld [tilespmem:$0x8FF1]  }
0xc6: {  	v3 =	vld [tilespmem:$0x9FF2]  }
0xc7: {  	v4 =	vld [tilespmem:$0xAFF3]  }
0xc8: {  	v5 =	vld [tilespmem:$0xBFF4]  }
0xc9: {  	vm0 =	veq.s32 v1, $0xF;
	v6 =	vld [tilespmem:$0xCFF5]  }
0xca: {  	v7 =	vld [tilespmem:$0xDFF6];
	v2 =	vsel vm0, $0x40000000, v2  }
0xcb: {  	[tilespmem:$0x8FF1] =	vst v2;
	v2 =	vsel vm0, $0x40000000, v3;
	v3 =	vld [tilespmem:$0xEFF7]  }
0xcc: {  	v63 =	vld [tilespmem:$0xFFF8];
	[tilespmem:$0x9FF2] =	vst v2;
	v2 =	vsel vm0, $0x40000000, v4  }
0xcd: {  	[tilespmem:$0xAFF3] =	vst v2;
	v2 =	vsel vm0, $0x40000000, v5  }
0xce: {  	[tilespmem:$0xBFF4] =	vst v2;
	v2 =	vsel vm0, $0x40000000, v6  }
0xcf: {  	[tilespmem:$0xCFF5] =	vst v2;
	v2 =	vsel vm0, $0x40000000, v7  }
0xd0: {  	[tilespmem:$0xDFF6] =	vst v2;
	v2 =	vsel vm0, $0x40000000, v3  }
0xd1: {  	[tilespmem:$0xEFF7] =	vst v2;
	v2 =	vsel vm0, $0x40000000, v63  }
0xd2: {  	s6 =	simm.s32 $0x0;
	s7 =	rddreg [dreg:$0xd];
	[tilespmem:$0xFFF8] =	vst v2  }
0xd3: {  	[hbm4b:s7+s6] =	stream.linear.scatter [tilespmem:s3], [sflag:$0x2], $0x8008, $0x38;
	[tilespmem:$0x10100] =	vst v63  }
0xd4: {  	_ =	swait.ge [sflag:s1], $0x8008  }
0xd5: {  	[sflag:s1] =	ssyncset.done $0x0;
	s8 =	rddreg [dreg:$0xe]  }
0xd6: {  	s20 =	sld [smem:$0x7DF];
	[sflag:s1] =	ssyncadd.s32 $0xFFFF7FF8  }
0xd7: {  	[tilespmem:s6], [sflag:$0x1] =	stream.strided.gather [hbm4b:s8+s22], $0x1000, s23, s22, $0x38;
	[tilespmem:$0x10100] =	vst v63  }
0xd8: {  	s8 =	sld [smem:$0x7E0]  }
0xd9: {  	[tilespmem:s24], [sflag:$0x1] =	stream.strided.gather [hbm4b:s20+s22], $0x1000, s23, s22, $0x38;
	[tilespmem:$0x10100] =	vst v63  }
0xda: {  	s20 =	sld [smem:$0x7E1]  }
0xdb: {  	[tilespmem:s25], [sflag:$0x1] =	stream.strided.gather [hbm4b:s8+s22], $0x1000, s23, s22, $0x38;
	[tilespmem:$0x10100] =	vst v63  }
0xdc: {  	s8 =	sld [smem:$0x7E2]  }
0xdd: {  	[tilespmem:s26], [sflag:$0x1] =	stream.strided.gather [hbm4b:s20+s22], $0x1000, s23, s22, $0x38;
	[tilespmem:$0x10100] =	vst v63  }
0xde: {  	s20 =	sld [smem:$0x7E3]  }
0xdf: {  	[tilespmem:s28], [sflag:$0x1] =	stream.strided.gather [hbm4b:s8+s22], $0x1000, s23, s22, $0x38;
	[tilespmem:$0x10100] =	vst v63  }
0xe0: {  	s8 =	sld [smem:$0x7E4]  }
0xe1: {  	[tilespmem:s29], [sflag:$0x1] =	stream.strided.gather [hbm4b:s20+s22], $0x1000, s23, s22, $0x38;
	[tilespmem:$0x10100] =	vst v63  }
0xe2: {  	s20 =	sld [smem:$0x7E5]  }
0xe3: {  	[tilespmem:s30], [sflag:$0x1] =	stream.strided.gather [hbm4b:s8+s22], $0x1000, s23, s22, $0x38;
	[tilespmem:$0x10100] =	vst v63  }
0xe4: {  	_ = 	snop  }
0xe5: {  	[tilespmem:s31], [sflag:$0x1] =	stream.strided.gather [hbm4b:s20+s22], $0x1000, s23, s22, $0x38;
	[tilespmem:$0x10100] =	vst v63  }
0xe6: {  	_ =	swait.ge [sflag:s0], $0x1000  }
0xe7: {  	[sflag:s0] =	ssyncset.done $0x0  }
0xe8: {  	[sflag:s0] =	ssyncadd.s32 $0xFFFFF000  }
0xe9: {  	_ =	swait.ge [sflag:s0], $0x1000  }
0xea: {  	[sflag:s0] =	ssyncset.done $0x0  }
0xeb: {  	[sflag:s0] =	ssyncadd.s32 $0xFFFFF000  }
0xec: {  	_ =	swait.ge [sflag:s0], $0x1000  }
0xed: {  	[sflag:s0] =	ssyncset.done $0x0  }
0xee: {  	[sflag:s0] =	ssyncadd.s32 $0xFFFFF000  }
0xef: {  	_ =	swait.ge [sflag:s0], $0x1000  }
0xf0: {  	[sflag:s0] =	ssyncset.done $0x0  }
0xf1: {  	[sflag:s0] =	ssyncadd.s32 $0xFFFFF000  }
0xf2: {  	_ =	swait.ge [sflag:s0], $0x1000  }
0xf3: {  	[sflag:s0] =	ssyncset.done $0x0  }
0xf4: {  	[sflag:s0] =	ssyncadd.s32 $0xFFFFF000  }
0xf5: {  	_ =	swait.ge [sflag:s0], $0x1000  }
0xf6: {  	[sflag:s0] =	ssyncset.done $0x0  }
0xf7: {  	[sflag:s0] =	ssyncadd.s32 $0xFFFFF000  }
0xf8: {  	_ =	swait.ge [sflag:s0], $0x1000  }
0xf9: {  	[sflag:s0] =	ssyncset.done $0x0  }
0xfa: {  	[sflag:s0] =	ssyncadd.s32 $0xFFFFF000  }
0xfb: {  	_ =	swait.ge [sflag:s0], $0x1000  }
0xfc: {  	[sflag:s0] =	ssyncset.done $0x0  }
0xfd: {  	[sflag:s0] =	ssyncadd.s32 $0xFFFFF000  }
0xfe: {  	v2 =	vld [tilespmem:s6+$0x0];
	_ =	sdelay $0x3  }
0xff: {  	s8 =	simm.s32 $0x8001  }
0x100: {  	s7 =	simm.s32 $0x1;
	s6 =	simm.s32 $0x8001;
	[tilespmem:s8+$0x0] =	vst v2;
	s8 =	simm.s32 $0x10  }
.LBB2_6:
0x101: {  	v2 =	vld [tilespmem:s8+$0x0];
	p0 =	sne.s32 s7, $0x7FF;
	s20 =	smov.u32 s7;
	s7 =	sadd.s32 $0x1, s7  }
.Ltmp2:
0x102: {  	(pc) =	sbr.rel @p0 .LBB2_6-.Ltmp2, $4  }
0x103: {  	_ = 	snop  }
0x104: {  	s6 =	sadd.s32 $0x10, s6;
	s20 =	sshrl.u32 s20, $0x8  }
0x105: {  	s20 =	sadd.s32 s20, s6  }
0x106: {  	s8 =	sadd.s32 $0x10, s8;
	[tilespmem:s20+$0x0] =	vst v2  }
0x107: {  	v2 =	vld [tilespmem:$0x8000]  }
0x108: {  	v3 =	vld [tilespmem:$0x9001]  }
0x109: {  	v4 =	vld [tilespmem:$0xA002]  }
0x10a: {  	v5 =	vld [tilespmem:$0xB003]  }
0x10b: {  	vm0 =	veq.s32 v1, $0x0;
	v6 =	vld [tilespmem:$0xC004]  }
0x10c: {  	v7 =	vld [tilespmem:$0xD005];
	v2 =	vsel vm0, $0x3F800000, v2  }
0x10d: {  	[tilespmem:$0x8000] =	vst v2;
	v2 =	vsel vm0, $0x3F800000, v3;
	v3 =	vld [tilespmem:$0xE006]  }
0x10e: {  	v63 =	vld [tilespmem:$0xF007];
	[tilespmem:$0x9001] =	vst v2;
	v2 =	vsel vm0, $0x3F800000, v4  }
0x10f: {  	[tilespmem:$0xA002] =	vst v2;
	v2 =	vsel vm0, $0x3F800000, v5  }
0x110: {  	[tilespmem:$0xB003] =	vst v2;
	v2 =	vsel vm0, $0x3F800000, v6  }
0x111: {  	[tilespmem:$0xC004] =	vst v2;
	v2 =	vsel vm0, $0x3F800000, v7  }
0x112: {  	[tilespmem:$0xD005] =	vst v2;
	v2 =	vsel vm0, $0x3F800000, v3  }
0x113: {  	[tilespmem:$0xE006] =	vst v2;
	v2 =	vsel vm0, $0x3F800000, v63  }
0x114: {  	s7 =	simm.s32 $0x0;
	s6 =	simm.s32 $0x8000;
	s8 =	rddreg [dreg:$0xf];
	[tilespmem:$0xF007] =	vst v2  }
0x115: {  	[hbm4b:s8+s7] =	stream.linear.scatter [tilespmem:s6], [sflag:$0x2], $0x8008, $0x38;
	[tilespmem:$0x10100] =	vst v63  }
0x116: {  	_ =	swait.ge [sflag:s1], $0x8008  }
0x117: {  	[sflag:s1] =	ssyncset.done $0x0  }
0x118: {  	s20 =	rddreg [dreg:$0x10];
	[sflag:s1] =	ssyncadd.s32 $0xFFFF7FF8  }
0x119: {  	[tilespmem:s7], [sflag:$0x1] =	stream.strided.gather [hbm4b:s20+s22], $0x1000, s23, s22, $0x38;
	[tilespmem:$0x10100] =	vst v63  }
0x11a: {  	s20 =	sld [smem:$0x7E6];
	_ =	sdelay $0x2  }
0x11b: {  	[tilespmem:s24], [sflag:$0x1] =	stream.strided.gather [hbm4b:s20+s22], $0x1000, s23, s22, $0x38;
	[tilespmem:$0x10100] =	vst v63  }
0x11c: {  	s20 =	sld [smem:$0x7E7];
	_ =	sdelay $0x2  }
0x11d: {  	[tilespmem:s25], [sflag:$0x1] =	stream.strided.gather [hbm4b:s20+s22], $0x1000, s23, s22, $0x38;
	[tilespmem:$0x10100] =	vst v63  }
0x11e: {  	s20 =	sld [smem:$0x7E8];
	_ =	sdelay $0x2  }
0x11f: {  	[tilespmem:s26], [sflag:$0x1] =	stream.strided.gather [hbm4b:s20+s22], $0x1000, s23, s22, $0x38;
	[tilespmem:$0x10100] =	vst v63  }
0x120: {  	s20 =	sld [smem:$0x7E9];
	_ =	sdelay $0x2  }
0x121: {  	[tilespmem:s28], [sflag:$0x1] =	stream.strided.gather [hbm4b:s20+s22], $0x1000, s23, s22, $0x38;
	[tilespmem:$0x10100] =	vst v63  }
0x122: {  	s20 =	sld [smem:$0x7EA];
	_ =	sdelay $0x2  }
0x123: {  	[tilespmem:s29], [sflag:$0x1] =	stream.strided.gather [hbm4b:s20+s22], $0x1000, s23, s22, $0x38;
	[tilespmem:$0x10100] =	vst v63  }
0x124: {  	s20 =	sld [smem:$0x7EB];
	_ =	sdelay $0x2  }
0x125: {  	[tilespmem:s30], [sflag:$0x1] =	stream.strided.gather [hbm4b:s20+s22], $0x1000, s23, s22, $0x38;
	[tilespmem:$0x10100] =	vst v63  }
0x126: {  	s20 =	sld [smem:$0x7EC];
	_ =	sdelay $0x2  }
0x127: {  	[tilespmem:s31], [sflag:$0x1] =	stream.strided.gather [hbm4b:s20+s22], $0x1000, s23, s22, $0x38;
	[tilespmem:$0x10100] =	vst v63  }
0x128: {  	_ =	swait.ge [sflag:s0], $0x1000  }
0x129: {  	[sflag:s0] =	ssyncset.done $0x0  }
0x12a: {  	[sflag:s0] =	ssyncadd.s32 $0xFFFFF000  }
0x12b: {  	_ =	swait.ge [sflag:s0], $0x1000  }
0x12c: {  	[sflag:s0] =	ssyncset.done $0x0  }
0x12d: {  	[sflag:s0] =	ssyncadd.s32 $0xFFFFF000  }
0x12e: {  	_ =	swait.ge [sflag:s0], $0x1000  }
0x12f: {  	[sflag:s0] =	ssyncset.done $0x0  }
0x130: {  	[sflag:s0] =	ssyncadd.s32 $0xFFFFF000  }
0x131: {  	_ =	swait.ge [sflag:s0], $0x1000  }
0x132: {  	[sflag:s0] =	ssyncset.done $0x0  }
0x133: {  	[sflag:s0] =	ssyncadd.s32 $0xFFFFF000  }
0x134: {  	_ =	swait.ge [sflag:s0], $0x1000  }
0x135: {  	[sflag:s0] =	ssyncset.done $0x0  }
0x136: {  	[sflag:s0] =	ssyncadd.s32 $0xFFFFF000  }
0x137: {  	_ =	swait.ge [sflag:s0], $0x1000  }
0x138: {  	[sflag:s0] =	ssyncset.done $0x0  }
0x139: {  	[sflag:s0] =	ssyncadd.s32 $0xFFFFF000  }
0x13a: {  	_ =	swait.ge [sflag:s0], $0x1000  }
0x13b: {  	[sflag:s0] =	ssyncset.done $0x0  }
0x13c: {  	[sflag:s0] =	ssyncadd.s32 $0xFFFFF000  }
0x13d: {  	_ =	swait.ge [sflag:s0], $0x1000  }
0x13e: {  	[sflag:s0] =	ssyncset.done $0x0  }
0x13f: {  	[sflag:s0] =	ssyncadd.s32 $0xFFFFF000  }
0x140: {  	v2 =	vld [tilespmem:s7+$0x0];
	_ =	sdelay $0x3  }
0x141: {  	s20 =	simm.s32 $0x8000  }
0x142: {  	s8 =	simm.s32 $0x10;
	s7 =	simm.s32 $0x1;
	[tilespmem:s20+$0x0] =	vst v2  }
.LBB2_8:
0x143: {  	v2 =	vld [tilespmem:s8+$0x0];
	p0 =	sne.s32 s7, $0x7FF;
	s20 =	smov.u32 s7;
	s7 =	sadd.s32 $0x1, s7  }
.Ltmp3:
0x144: {  	(pc) =	sbr.rel @p0 .LBB2_8-.Ltmp3, $4  }
0x145: {  	_ = 	snop  }
0x146: {  	s6 =	sadd.s32 $0x10, s6;
	s20 =	sshrl.u32 s20, $0x8  }
0x147: {  	s20 =	sadd.s32 s20, s6  }
0x148: {  	s8 =	sadd.s32 $0x10, s8;
	[tilespmem:s20+$0x0] =	vst v2  }
0x149: {  	v2 =	vld [tilespmem:$0x8FF1]  }
0x14a: {  	v3 =	vld [tilespmem:$0x9FF2]  }
0x14b: {  	v4 =	vld [tilespmem:$0xAFF3]  }
0x14c: {  	v5 =	vld [tilespmem:$0xBFF4]  }
0x14d: {  	vm0 =	veq.s32 v1, $0xF;
	v6 =	vld [tilespmem:$0xCFF5]  }
0x14e: {  	v7 =	vld [tilespmem:$0xDFF6];
	v2 =	vsel vm0, $0x40000000, v2  }
0x14f: {  	[tilespmem:$0x8FF1] =	vst v2;
	v2 =	vsel vm0, $0x40000000, v3;
	v3 =	vld [tilespmem:$0xEFF7]  }
0x150: {  	v63 =	vld [tilespmem:$0xFFF8];
	[tilespmem:$0x9FF2] =	vst v2;
	v2 =	vsel vm0, $0x40000000, v4  }
0x151: {  	[tilespmem:$0xAFF3] =	vst v2;
	v2 =	vsel vm0, $0x40000000, v5  }
0x152: {  	[tilespmem:$0xBFF4] =	vst v2;
	v2 =	vsel vm0, $0x40000000, v6  }
0x153: {  	[tilespmem:$0xCFF5] =	vst v2;
	v2 =	vsel vm0, $0x40000000, v7  }
0x154: {  	[tilespmem:$0xDFF6] =	vst v2;
	v2 =	vsel vm0, $0x40000000, v3  }
0x155: {  	[tilespmem:$0xEFF7] =	vst v2;
	v2 =	vsel vm0, $0x40000000, v63  }
0x156: {  	s6 =	simm.s32 $0x0;
	s7 =	rddreg [dreg:$0x11];
	[tilespmem:$0xFFF8] =	vst v2  }
0x157: {  	[hbm4b:s7+s6] =	stream.linear.scatter [tilespmem:s3], [sflag:$0x2], $0x8008, $0x38;
	[tilespmem:$0x10100] =	vst v63  }
0x158: {  	_ =	swait.ge [sflag:s1], $0x8008  }
0x159: {  	[sflag:s1] =	ssyncset.done $0x0;
	s8 =	rddreg [dreg:$0x12]  }
0x15a: {  	s20 =	sld [smem:$0x7ED];
	[sflag:s1] =	ssyncadd.s32 $0xFFFF7FF8  }
0x15b: {  	[tilespmem:s6], [sflag:$0x1] =	stream.strided.gather [hbm4b:s8+s22], $0x1000, s23, s22, $0x38;
	[tilespmem:$0x10100] =	vst v63  }
0x15c: {  	s8 =	sld [smem:$0x7EE]  }
0x15d: {  	[tilespmem:s24], [sflag:$0x1] =	stream.strided.gather [hbm4b:s20+s22], $0x1000, s23, s22, $0x38;
	[tilespmem:$0x10100] =	vst v63  }
0x15e: {  	s20 =	sld [smem:$0x7EF]  }
0x15f: {  	[tilespmem:s25], [sflag:$0x1] =	stream.strided.gather [hbm4b:s8+s22], $0x1000, s23, s22, $0x38;
	[tilespmem:$0x10100] =	vst v63  }
0x160: {  	s8 =	sld [smem:$0x7F0]  }
0x161: {  	[tilespmem:s26], [sflag:$0x1] =	stream.strided.gather [hbm4b:s20+s22], $0x1000, s23, s22, $0x38;
	[tilespmem:$0x10100] =	vst v63  }
0x162: {  	s20 =	sld [smem:$0x7F1]  }
0x163: {  	[tilespmem:s28], [sflag:$0x1] =	stream.strided.gather [hbm4b:s8+s22], $0x1000, s23, s22, $0x38;
	[tilespmem:$0x10100] =	vst v63  }
0x164: {  	s8 =	sld [smem:$0x7F2]  }
0x165: {  	[tilespmem:s29], [sflag:$0x1] =	stream.strided.gather [hbm4b:s20+s22], $0x1000, s23, s22, $0x38;
	[tilespmem:$0x10100] =	vst v63  }
0x166: {  	s20 =	sld [smem:$0x7F3]  }
0x167: {  	[tilespmem:s30], [sflag:$0x1] =	stream.strided.gather [hbm4b:s8+s22], $0x1000, s23, s22, $0x38;
	[tilespmem:$0x10100] =	vst v63  }
0x168: {  	_ = 	snop  }
0x169: {  	[tilespmem:s31], [sflag:$0x1] =	stream.strided.gather [hbm4b:s20+s22], $0x1000, s23, s22, $0x38;
	[tilespmem:$0x10100] =	vst v63  }
0x16a: {  	_ =	swait.ge [sflag:s0], $0x1000  }
0x16b: {  	[sflag:s0] =	ssyncset.done $0x0  }
0x16c: {  	[sflag:s0] =	ssyncadd.s32 $0xFFFFF000  }
0x16d: {  	_ =	swait.ge [sflag:s0], $0x1000  }
0x16e: {  	[sflag:s0] =	ssyncset.done $0x0  }
0x16f: {  	[sflag:s0] =	ssyncadd.s32 $0xFFFFF000  }
0x170: {  	_ =	swait.ge [sflag:s0], $0x1000  }
0x171: {  	[sflag:s0] =	ssyncset.done $0x0  }
0x172: {  	[sflag:s0] =	ssyncadd.s32 $0xFFFFF000  }
0x173: {  	_ =	swait.ge [sflag:s0], $0x1000  }
0x174: {  	[sflag:s0] =	ssyncset.done $0x0  }
0x175: {  	[sflag:s0] =	ssyncadd.s32 $0xFFFFF000  }
0x176: {  	_ =	swait.ge [sflag:s0], $0x1000  }
0x177: {  	[sflag:s0] =	ssyncset.done $0x0  }
0x178: {  	[sflag:s0] =	ssyncadd.s32 $0xFFFFF000  }
0x179: {  	_ =	swait.ge [sflag:s0], $0x1000  }
0x17a: {  	[sflag:s0] =	ssyncset.done $0x0  }
0x17b: {  	[sflag:s0] =	ssyncadd.s32 $0xFFFFF000  }
0x17c: {  	_ =	swait.ge [sflag:s0], $0x1000  }
0x17d: {  	[sflag:s0] =	ssyncset.done $0x0  }
0x17e: {  	[sflag:s0] =	ssyncadd.s32 $0xFFFFF000  }
0x17f: {  	_ =	swait.ge [sflag:s0], $0x1000  }
0x180: {  	[sflag:s0] =	ssyncset.done $0x0  }
0x181: {  	[sflag:s0] =	ssyncadd.s32 $0xFFFFF000  }
0x182: {  	v2 =	vld [tilespmem:s6+$0x0];
	_ =	sdelay $0x3  }
0x183: {  	s8 =	simm.s32 $0x8001  }
0x184: {  	s7 =	simm.s32 $0x1;
	s6 =	simm.s32 $0x8001;
	[tilespmem:s8+$0x0] =	vst v2;
	s8 =	simm.s32 $0x10  }
.LBB2_10:
0x185: {  	v2 =	vld [tilespmem:s8+$0x0];
	p0 =	sne.s32 s7, $0x7FF;
	s20 =	smov.u32 s7;
	s7 =	sadd.s32 $0x1, s7  }
.Ltmp4:
0x186: {  	(pc) =	sbr.rel @p0 .LBB2_10-.Ltmp4, $4  }
0x187: {  	_ = 	snop  }
0x188: {  	s6 =	sadd.s32 $0x10, s6;
	s20 =	sshrl.u32 s20, $0x8  }
0x189: {  	s20 =	sadd.s32 s20, s6  }
0x18a: {  	s8 =	sadd.s32 $0x10, s8;
	[tilespmem:s20+$0x0] =	vst v2  }
0x18b: {  	v2 =	vld [tilespmem:$0x8000]  }
0x18c: {  	v3 =	vld [tilespmem:$0x9001]  }
0x18d: {  	v4 =	vld [tilespmem:$0xA002]  }
0x18e: {  	v5 =	vld [tilespmem:$0xB003]  }
0x18f: {  	vm0 =	veq.s32 v1, $0x0;
	v6 =	vld [tilespmem:$0xC004]  }
0x190: {  	v7 =	vld [tilespmem:$0xD005];
	v2 =	vsel vm0, $0x3F800000, v2  }
0x191: {  	[tilespmem:$0x8000] =	vst v2;
	v2 =	vsel vm0, $0x3F800000, v3;
	v3 =	vld [tilespmem:$0xE006]  }
0x192: {  	v63 =	vld [tilespmem:$0xF007];
	[tilespmem:$0x9001] =	vst v2;
	v2 =	vsel vm0, $0x3F800000, v4  }
0x193: {  	[tilespmem:$0xA002] =	vst v2;
	v2 =	vsel vm0, $0x3F800000, v5  }
0x194: {  	[tilespmem:$0xB003] =	vst v2;
	v2 =	vsel vm0, $0x3F800000, v6  }
0x195: {  	[tilespmem:$0xC004] =	vst v2;
	v2 =	vsel vm0, $0x3F800000, v7  }
0x196: {  	[tilespmem:$0xD005] =	vst v2;
	v2 =	vsel vm0, $0x3F800000, v3  }
0x197: {  	[tilespmem:$0xE006] =	vst v2;
	v2 =	vsel vm0, $0x3F800000, v63  }
0x198: {  	s7 =	simm.s32 $0x0;
	s6 =	simm.s32 $0x8000;
	s8 =	rddreg [dreg:$0x16];
	[tilespmem:$0xF007] =	vst v2  }
0x199: {  	[hbm4b:s8+s7] =	stream.linear.scatter [tilespmem:s6], [sflag:$0x2], $0x8008, $0x38;
	[tilespmem:$0x10100] =	vst v63  }
0x19a: {  	_ =	swait.ge [sflag:s1], $0x8008  }
0x19b: {  	[sflag:s1] =	ssyncset.done $0x0  }
0x19c: {  	s20 =	rddreg [dreg:$0x13];
	[sflag:s1] =	ssyncadd.s32 $0xFFFF7FF8  }
0x19d: {  	[tilespmem:s7], [sflag:$0x1] =	stream.strided.gather [hbm4b:s20+s22], $0x1000, s23, s22, $0x38;
	[tilespmem:$0x10100] =	vst v63  }
0x19e: {  	s20 =	sld [smem:$0x7F4];
	_ =	sdelay $0x2  }
0x19f: {  	[tilespmem:s24], [sflag:$0x1] =	stream.strided.gather [hbm4b:s20+s22], $0x1000, s23, s22, $0x38;
	[tilespmem:$0x10100] =	vst v63  }
0x1a0: {  	s20 =	sld [smem:$0x7F5];
	_ =	sdelay $0x2  }
0x1a1: {  	[tilespmem:s25], [sflag:$0x1] =	stream.strided.gather [hbm4b:s20+s22], $0x1000, s23, s22, $0x38;
	[tilespmem:$0x10100] =	vst v63  }
0x1a2: {  	s20 =	sld [smem:$0x7F6];
	_ =	sdelay $0x2  }
0x1a3: {  	[tilespmem:s26], [sflag:$0x1] =	stream.strided.gather [hbm4b:s20+s22], $0x1000, s23, s22, $0x38;
	[tilespmem:$0x10100] =	vst v63  }
0x1a4: {  	s20 =	sld [smem:$0x7F7];
	_ =	sdelay $0x2  }
0x1a5: {  	[tilespmem:s28], [sflag:$0x1] =	stream.strided.gather [hbm4b:s20+s22], $0x1000, s23, s22, $0x38;
	[tilespmem:$0x10100] =	vst v63  }
0x1a6: {  	s20 =	sld [smem:$0x7F8];
	_ =	sdelay $0x2  }
0x1a7: {  	[tilespmem:s29], [sflag:$0x1] =	stream.strided.gather [hbm4b:s20+s22], $0x1000, s23, s22, $0x38;
	[tilespmem:$0x10100] =	vst v63  }
0x1a8: {  	s20 =	sld [smem:$0x7F9];
	_ =	sdelay $0x2  }
0x1a9: {  	[tilespmem:s30], [sflag:$0x1] =	stream.strided.gather [hbm4b:s20+s22], $0x1000, s23, s22, $0x38;
	[tilespmem:$0x10100] =	vst v63  }
0x1aa: {  	s20 =	sld [smem:$0x7FA];
	_ =	sdelay $0x2  }
0x1ab: {  	[tilespmem:s31], [sflag:$0x1] =	stream.strided.gather [hbm4b:s20+s22], $0x1000, s23, s22, $0x38;
	[tilespmem:$0x10100] =	vst v63  }
0x1ac: {  	_ =	swait.ge [sflag:s0], $0x1000  }
0x1ad: {  	[sflag:s0] =	ssyncset.done $0x0  }
0x1ae: {  	[sflag:s0] =	ssyncadd.s32 $0xFFFFF000  }
0x1af: {  	_ =	swait.ge [sflag:s0], $0x1000  }
0x1b0: {  	[sflag:s0] =	ssyncset.done $0x0  }
0x1b1: {  	[sflag:s0] =	ssyncadd.s32 $0xFFFFF000  }
0x1b2: {  	_ =	swait.ge [sflag:s0], $0x1000  }
0x1b3: {  	[sflag:s0] =	ssyncset.done $0x0  }
0x1b4: {  	[sflag:s0] =	ssyncadd.s32 $0xFFFFF000  }
0x1b5: {  	_ =	swait.ge [sflag:s0], $0x1000  }
0x1b6: {  	[sflag:s0] =	ssyncset.done $0x0  }
0x1b7: {  	[sflag:s0] =	ssyncadd.s32 $0xFFFFF000  }
0x1b8: {  	_ =	swait.ge [sflag:s0], $0x1000  }
0x1b9: {  	[sflag:s0] =	ssyncset.done $0x0  }
0x1ba: {  	[sflag:s0] =	ssyncadd.s32 $0xFFFFF000  }
0x1bb: {  	_ =	swait.ge [sflag:s0], $0x1000  }
0x1bc: {  	[sflag:s0] =	ssyncset.done $0x0  }
0x1bd: {  	[sflag:s0] =	ssyncadd.s32 $0xFFFFF000  }
0x1be: {  	_ =	swait.ge [sflag:s0], $0x1000  }
0x1bf: {  	[sflag:s0] =	ssyncset.done $0x0  }
0x1c0: {  	[sflag:s0] =	ssyncadd.s32 $0xFFFFF000  }
0x1c1: {  	_ =	swait.ge [sflag:s0], $0x1000  }
0x1c2: {  	[sflag:s0] =	ssyncset.done $0x0  }
0x1c3: {  	[sflag:s0] =	ssyncadd.s32 $0xFFFFF000  }
0x1c4: {  	v2 =	vld [tilespmem:s7+$0x0];
	_ =	sdelay $0x3  }
0x1c5: {  	s20 =	simm.s32 $0x8000  }
0x1c6: {  	s8 =	simm.s32 $0x10;
	s7 =	simm.s32 $0x1;
	[tilespmem:s20+$0x0] =	vst v2  }
.LBB2_12:
0x1c7: {  	v2 =	vld [tilespmem:s8+$0x0];
	p0 =	sne.s32 s7, $0x7FF;
	s20 =	smov.u32 s7;
	s7 =	sadd.s32 $0x1, s7  }
.Ltmp5:
0x1c8: {  	(pc) =	sbr.rel @p0 .LBB2_12-.Ltmp5, $4  }
0x1c9: {  	_ = 	snop  }
0x1ca: {  	s6 =	sadd.s32 $0x10, s6;
	s20 =	sshrl.u32 s20, $0x8  }
0x1cb: {  	s20 =	sadd.s32 s20, s6  }
0x1cc: {  	s8 =	sadd.s32 $0x10, s8;
	[tilespmem:s20+$0x0] =	vst v2  }
0x1cd: {  	v2 =	vld [tilespmem:$0x8FF1]  }
0x1ce: {  	v3 =	vld [tilespmem:$0x9FF2]  }
0x1cf: {  	v4 =	vld [tilespmem:$0xAFF3]  }
0x1d0: {  	v5 =	vld [tilespmem:$0xBFF4]  }
0x1d1: {  	vm0 =	veq.s32 v1, $0xF;
	v6 =	vld [tilespmem:$0xCFF5]  }
0x1d2: {  	v7 =	vld [tilespmem:$0xDFF6];
	v2 =	vsel vm0, $0x40000000, v2  }
0x1d3: {  	[tilespmem:$0x8FF1] =	vst v2;
	v2 =	vsel vm0, $0x40000000, v3;
	v3 =	vld [tilespmem:$0xEFF7]  }
0x1d4: {  	v63 =	vld [tilespmem:$0xFFF8];
	[tilespmem:$0x9FF2] =	vst v2;
	v2 =	vsel vm0, $0x40000000, v4  }
0x1d5: {  	[tilespmem:$0xAFF3] =	vst v2;
	v2 =	vsel vm0, $0x40000000, v5  }
0x1d6: {  	[tilespmem:$0xBFF4] =	vst v2;
	v2 =	vsel vm0, $0x40000000, v6  }
0x1d7: {  	[tilespmem:$0xCFF5] =	vst v2;
	v2 =	vsel vm0, $0x40000000, v7  }
0x1d8: {  	[tilespmem:$0xDFF6] =	vst v2;
	v2 =	vsel vm0, $0x40000000, v3  }
0x1d9: {  	[tilespmem:$0xEFF7] =	vst v2;
	v2 =	vsel vm0, $0x40000000, v63  }
0x1da: {  	s6 =	simm.s32 $0x0;
	s7 =	rddreg [dreg:$0x17];
	[tilespmem:$0xFFF8] =	vst v2  }
0x1db: {  	[hbm4b:s7+s6] =	stream.linear.scatter [tilespmem:s3], [sflag:$0x2], $0x8008, $0x38;
	[tilespmem:$0x10100] =	vst v63  }
0x1dc: {  	_ =	swait.ge [sflag:s1], $0x8008  }
0x1dd: {  	[sflag:s1] =	ssyncset.done $0x0;
	s8 =	rddreg [dreg:$0x14]  }
0x1de: {  	s20 =	sld [smem:$0x7FB];
	[sflag:s1] =	ssyncadd.s32 $0xFFFF7FF8  }
0x1df: {  	[tilespmem:s6], [sflag:$0x1] =	stream.strided.gather [hbm4b:s8+s22], $0x1000, s23, s22, $0x38;
	[tilespmem:$0x10100] =	vst v63  }
0x1e0: {  	s8 =	sld [smem:$0x7FC]  }
0x1e1: {  	[tilespmem:s24], [sflag:$0x1] =	stream.strided.gather [hbm4b:s20+s22], $0x1000, s23, s22, $0x38;
	[tilespmem:$0x10100] =	vst v63  }
0x1e2: {  	s20 =	sld [smem:$0x7FD]  }
0x1e3: {  	[tilespmem:s25], [sflag:$0x1] =	stream.strided.gather [hbm4b:s8+s22], $0x1000, s23, s22, $0x38;
	[tilespmem:$0x10100] =	vst v63  }
0x1e4: {  	_ = 	snop  }
0x1e5: {  	[tilespmem:s26], [sflag:$0x1] =	stream.strided.gather [hbm4b:s20+s22], $0x1000, s23, s22, $0x38;
	[tilespmem:$0x10100] =	vst v63  }
0x1e6: {  	_ = 	snop  }
0x1e7: {  	[tilespmem:s28], [sflag:$0x1] =	stream.strided.gather [hbm4b:s9+s22], $0x1000, s23, s22, $0x38;
	[tilespmem:$0x10100] =	vst v63  }
0x1e8: {  	_ = 	snop  }
0x1e9: {  	[tilespmem:s29], [sflag:$0x1] =	stream.strided.gather [hbm4b:s10+s22], $0x1000, s23, s22, $0x38;
	[tilespmem:$0x10100] =	vst v63  }
0x1ea: {  	_ = 	snop  }
0x1eb: {  	[tilespmem:s30], [sflag:$0x1] =	stream.strided.gather [hbm4b:s11+s22], $0x1000, s23, s22, $0x38;
	[tilespmem:$0x10100] =	vst v63  }
0x1ec: {  	_ = 	snop  }
0x1ed: {  	[tilespmem:s31], [sflag:$0x1] =	stream.strided.gather [hbm4b:s12+s22], $0x1000, s23, s22, $0x38;
	[tilespmem:$0x10100] =	vst v63  }
0x1ee: {  	_ =	swait.ge [sflag:s0], $0x1000  }
0x1ef: {  	[sflag:s0] =	ssyncset.done $0x0  }
0x1f0: {  	[sflag:s0] =	ssyncadd.s32 $0xFFFFF000  }
0x1f1: {  	_ =	swait.ge [sflag:s0], $0x1000  }
0x1f2: {  	[sflag:s0] =	ssyncset.done $0x0  }
0x1f3: {  	[sflag:s0] =	ssyncadd.s32 $0xFFFFF000  }
0x1f4: {  	_ =	swait.ge [sflag:s0], $0x1000  }
0x1f5: {  	[sflag:s0] =	ssyncset.done $0x0  }
0x1f6: {  	[sflag:s0] =	ssyncadd.s32 $0xFFFFF000  }
0x1f7: {  	_ =	swait.ge [sflag:s0], $0x1000  }
0x1f8: {  	[sflag:s0] =	ssyncset.done $0x0  }
0x1f9: {  	[sflag:s0] =	ssyncadd.s32 $0xFFFFF000  }
0x1fa: {  	_ =	swait.ge [sflag:s0], $0x1000  }
0x1fb: {  	[sflag:s0] =	ssyncset.done $0x0  }
0x1fc: {  	[sflag:s0] =	ssyncadd.s32 $0xFFFFF000  }
0x1fd: {  	_ =	swait.ge [sflag:s0], $0x1000  }
0x1fe: {  	[sflag:s0] =	ssyncset.done $0x0  }
0x1ff: {  	[sflag:s0] =	ssyncadd.s32 $0xFFFFF000  }
0x200: {  	_ =	swait.ge [sflag:s0], $0x1000  }
0x201: {  	[sflag:s0] =	ssyncset.done $0x0  }
0x202: {  	[sflag:s0] =	ssyncadd.s32 $0xFFFFF000  }
0x203: {  	_ =	swait.ge [sflag:s0], $0x1000  }
0x204: {  	[sflag:s0] =	ssyncset.done $0x0  }
0x205: {  	[sflag:s0] =	ssyncadd.s32 $0xFFFFF000  }
0x206: {  	v2 =	vld [tilespmem:s6+$0x0];
	_ =	sdelay $0x3  }
0x207: {  	s8 =	simm.s32 $0x8001  }
0x208: {  	s7 =	simm.s32 $0x1;
	s6 =	simm.s32 $0x8001;
	[tilespmem:s8+$0x0] =	vst v2;
	s8 =	simm.s32 $0x10  }
.LBB2_14:
0x209: {  	v2 =	vld [tilespmem:s8+$0x0];
	p0 =	sne.s32 s7, $0x7FF;
	s20 =	smov.u32 s7;
	s7 =	sadd.s32 $0x1, s7  }
.Ltmp6:
0x20a: {  	(pc) =	sbr.rel @p0 .LBB2_14-.Ltmp6, $4  }
0x20b: {  	_ = 	snop  }
0x20c: {  	s6 =	sadd.s32 $0x10, s6;
	s20 =	sshrl.u32 s20, $0x8  }
0x20d: {  	s20 =	sadd.s32 s20, s6  }
0x20e: {  	s8 =	sadd.s32 $0x10, s8;
	[tilespmem:s20+$0x0] =	vst v2  }
0x20f: {  	v2 =	vld [tilespmem:$0x8000]  }
0x210: {  	v3 =	vld [tilespmem:$0x9001]  }
0x211: {  	v4 =	vld [tilespmem:$0xA002]  }
0x212: {  	v5 =	vld [tilespmem:$0xB003]  }
0x213: {  	vm0 =	veq.s32 v1, $0x0;
	v6 =	vld [tilespmem:$0xC004]  }
0x214: {  	v7 =	vld [tilespmem:$0xD005];
	v2 =	vsel vm0, $0x3F800000, v2  }
0x215: {  	[tilespmem:$0x8000] =	vst v2;
	v2 =	vsel vm0, $0x3F800000, v3;
	v3 =	vld [tilespmem:$0xE006]  }
0x216: {  	v63 =	vld [tilespmem:$0xF007];
	[tilespmem:$0x9001] =	vst v2;
	v2 =	vsel vm0, $0x3F800000, v4  }
0x217: {  	[tilespmem:$0xA002] =	vst v2;
	v2 =	vsel vm0, $0x3F800000, v5  }
0x218: {  	[tilespmem:$0xB003] =	vst v2;
	v2 =	vsel vm0, $0x3F800000, v6  }
0x219: {  	[tilespmem:$0xC004] =	vst v2;
	v2 =	vsel vm0, $0x3F800000, v7  }
0x21a: {  	[tilespmem:$0xD005] =	vst v2;
	v2 =	vsel vm0, $0x3F800000, v3  }
0x21b: {  	[tilespmem:$0xE006] =	vst v2;
	v2 =	vsel vm0, $0x3F800000, v63  }
0x21c: {  	s7 =	simm.s32 $0x0;
	s6 =	simm.s32 $0x8000;
	s8 =	rddreg [dreg:$0x18];
	[tilespmem:$0xF007] =	vst v2  }
0x21d: {  	[hbm4b:s8+s7] =	stream.linear.scatter [tilespmem:s6], [sflag:$0x2], $0x8008, $0x38;
	[tilespmem:$0x10100] =	vst v63  }
0x21e: {  	_ =	swait.ge [sflag:s1], $0x8008  }
0x21f: {  	[sflag:s1] =	ssyncset.done $0x0  }
0x220: {  	s20 =	rddreg [dreg:$0x15];
	[sflag:s1] =	ssyncadd.s32 $0xFFFF7FF8  }
0x221: {  	[tilespmem:s7], [sflag:$0x1] =	stream.strided.gather [hbm4b:s20+s22], $0x1000, s23, s22, $0x38;
	[tilespmem:$0x10100] =	vst v63  }
0x222: {  	_ = 	snop  }
0x223: {  	[tilespmem:s24], [sflag:$0x1] =	stream.strided.gather [hbm4b:s13+s22], $0x1000, s23, s22, $0x38;
	[tilespmem:$0x10100] =	vst v63  }
0x224: {  	_ = 	snop  }
0x225: {  	[tilespmem:s25], [sflag:$0x1] =	stream.strided.gather [hbm4b:s14+s22], $0x1000, s23, s22, $0x38;
	[tilespmem:$0x10100] =	vst v63  }
0x226: {  	_ = 	snop  }
0x227: {  	[tilespmem:s26], [sflag:$0x1] =	stream.strided.gather [hbm4b:s15+s22], $0x1000, s23, s22, $0x38;
	[tilespmem:$0x10100] =	vst v63  }
0x228: {  	_ = 	snop  }
0x229: {  	[tilespmem:s28], [sflag:$0x1] =	stream.strided.gather [hbm4b:s16+s22], $0x1000, s23, s22, $0x38;
	[tilespmem:$0x10100] =	vst v63  }
0x22a: {  	_ = 	snop  }
0x22b: {  	[tilespmem:s29], [sflag:$0x1] =	stream.strided.gather [hbm4b:s17+s22], $0x1000, s23, s22, $0x38;
	[tilespmem:$0x10100] =	vst v63  }
0x22c: {  	_ = 	snop  }
0x22d: {  	[tilespmem:s30], [sflag:$0x1] =	stream.strided.gather [hbm4b:s18+s22], $0x1000, s23, s22, $0x38;
	[tilespmem:$0x10100] =	vst v63  }
0x22e: {  	_ = 	snop  }
0x22f: {  	[tilespmem:s31], [sflag:$0x1] =	stream.strided.gather [hbm4b:s19+s22], $0x1000, s23, s22, $0x38;
	[tilespmem:$0x10100] =	vst v63  }
0x230: {  	_ =	swait.ge [sflag:s0], $0x1000  }
0x231: {  	[sflag:s0] =	ssyncset.done $0x0  }
0x232: {  	[sflag:s0] =	ssyncadd.s32 $0xFFFFF000  }
0x233: {  	_ =	swait.ge [sflag:s0], $0x1000  }
0x234: {  	[sflag:s0] =	ssyncset.done $0x0  }
0x235: {  	[sflag:s0] =	ssyncadd.s32 $0xFFFFF000  }
0x236: {  	_ =	swait.ge [sflag:s0], $0x1000  }
0x237: {  	[sflag:s0] =	ssyncset.done $0x0  }
0x238: {  	[sflag:s0] =	ssyncadd.s32 $0xFFFFF000  }
0x239: {  	_ =	swait.ge [sflag:s0], $0x1000  }
0x23a: {  	[sflag:s0] =	ssyncset.done $0x0  }
0x23b: {  	[sflag:s0] =	ssyncadd.s32 $0xFFFFF000  }
0x23c: {  	_ =	swait.ge [sflag:s0], $0x1000  }
0x23d: {  	[sflag:s0] =	ssyncset.done $0x0  }
0x23e: {  	[sflag:s0] =	ssyncadd.s32 $0xFFFFF000  }
0x23f: {  	_ =	swait.ge [sflag:s0], $0x1000  }
0x240: {  	[sflag:s0] =	ssyncset.done $0x0  }
0x241: {  	[sflag:s0] =	ssyncadd.s32 $0xFFFFF000  }
0x242: {  	_ =	swait.ge [sflag:s0], $0x1000  }
0x243: {  	[sflag:s0] =	ssyncset.done $0x0  }
0x244: {  	[sflag:s0] =	ssyncadd.s32 $0xFFFFF000  }
0x245: {  	_ =	swait.ge [sflag:s0], $0x1000  }
0x246: {  	[sflag:s0] =	ssyncset.done $0x0  }
0x247: {  	[sflag:s0] =	ssyncadd.s32 $0xFFFFF000  }
0x248: {  	v2 =	vld [tilespmem:s7+$0x0];
	_ =	sdelay $0x3  }
0x249: {  	s20 =	simm.s32 $0x8000  }
0x24a: {  	s8 =	simm.s32 $0x10;
	s7 =	simm.s32 $0x1;
	[tilespmem:s20+$0x0] =	vst v2  }
.LBB2_16:
0x24b: {  	v2 =	vld [tilespmem:s8+$0x0];
	p0 =	sne.s32 s7, $0x7FF;
	s20 =	smov.u32 s7;
	s7 =	sadd.s32 $0x1, s7  }
.Ltmp7:
0x24c: {  	(pc) =	sbr.rel @p0 .LBB2_16-.Ltmp7, $4  }
0x24d: {  	_ = 	snop  }
0x24e: {  	s6 =	sadd.s32 $0x10, s6;
	s20 =	sshrl.u32 s20, $0x8  }
0x24f: {  	s20 =	sadd.s32 s20, s6  }
0x250: {  	s8 =	sadd.s32 $0x10, s8;
	[tilespmem:s20+$0x0] =	vst v2  }
0x251: {  	v2 =	vld [tilespmem:$0x8FF1]  }
0x252: {  	v3 =	vld [tilespmem:$0x9FF2]  }
0x253: {  	v4 =	vld [tilespmem:$0xAFF3]  }
0x254: {  	v5 =	vld [tilespmem:$0xBFF4]  }
0x255: {  	vm0 =	veq.s32 v1, $0xF;
	v6 =	vld [tilespmem:$0xCFF5]  }
0x256: {  	v7 =	vld [tilespmem:$0xDFF6];
	v2 =	vsel vm0, $0x40000000, v2  }
0x257: {  	[tilespmem:$0x8FF1] =	vst v2;
	v2 =	vsel vm0, $0x40000000, v3;
	v3 =	vld [tilespmem:$0xEFF7]  }
0x258: {  	v63 =	vld [tilespmem:$0xFFF8];
	[tilespmem:$0x9FF2] =	vst v2;
	v2 =	vsel vm0, $0x40000000, v4  }
0x259: {  	[tilespmem:$0xAFF3] =	vst v2;
	v2 =	vsel vm0, $0x40000000, v5  }
0x25a: {  	[tilespmem:$0xBFF4] =	vst v2;
	v2 =	vsel vm0, $0x40000000, v6  }
0x25b: {  	[tilespmem:$0xCFF5] =	vst v2;
	v2 =	vsel vm0, $0x40000000, v7  }
0x25c: {  	[tilespmem:$0xDFF6] =	vst v2;
	v2 =	vsel vm0, $0x40000000, v3  }
0x25d: {  	[tilespmem:$0xEFF7] =	vst v2;
	v2 =	vsel vm0, $0x40000000, v63  }
0x25e: {  	s6 =	rddreg [dreg:$0x19];
	[tilespmem:$0xFFF8] =	vst v2  }
0x25f: {  	[hbm4b:s6+s2] =	stream.linear.scatter [tilespmem:s3], [sflag:$0x2], $0x8008, $0x38;
	[tilespmem:$0x10100] =	vst v63  }
0x260: {  	_ =	swait.ge [sflag:s1], $0x8008  }
0x261: {  	s4 =	sadd.s32 $0x1, s4;
	s20 =	rddreg [dreg:$0x1b]  }
0x262: {  	p0 =	sne.s32 s4, s20  }
.Ltmp8:
0x263: {  	_ = 	snop;
	(pc) =	sbr.rel @p0 .LBB2_1-.Ltmp8, $3  }
0x264: {  	_ =	sdelay $0x1  }
0x265: {  	[sflag:s1] =	ssyncset.done $0x0  }
0x266: {  	[sflag:s1] =	ssyncadd.s32 $0xFFFF7FF8  }
0x267: {  	_ =	sfence.sel $0x180000  }
0x268: {  	[bflag:$0x0] =	sbarrier.arrive $0xFFFF  }
0x269: {  	_ =	strace $0x90000047  }
0x26a: {  	s0 =	stileid.u32;
	[bflag:$0x2] =	sbarrier.arrive $0xFFFF  }
0x26b: {  	p0 =	sne.s32 s0, $0x0;
	s0 =	rddreg [dreg:$0x5]  }
0x26c: {  	s0 =	sadd.s32 @!p0 $0x100000, s0  }
0x26d: {  	[sflag:s0] =	ssyncadd.tile.s32 @!p0 $0x1;
	_ =	shalt  }
.Lfunc_end2:
_tile_overlayer_lowered:
.L_overlay_start_2:
0x26e: {  	(tag) =	ssettag $0x2  }
0x26f: {  	s0 =	rddreg [dreg:$0x0];
	s2 =	stileid.u32  }
0x270: {  	s1 =	rddreg [dreg:$0x1];
	p0 =	sne.s32 s2, $0x0  }
0x271: {  	s3 =	rddreg [dreg:$0x2];
	[bflag:$0x3] =	sbarrier.arrive $0xFFFF;
	s2 =	simm.s32 @!p0 $0x1C03  }
0x272: {  	[timem:s3], [sflag:s2] =	dma.local @!p0 [hbm:s0], s1  }
0x273: {  	s0 =	simm.s32 @!p0 $0x3  }
0x274: {  	_ =	swait.ge @!p0 [sflag:s0], s1  }
0x275: {  	s1 =	ssub.s32 @!p0 $0x0, s1;
	[sflag:s0] =	ssyncset.done @!p0 $0x0  }
0x276: {  	[sflag:s0] =	ssyncadd.s32 @!p0 s1  }
0x277: {  	[bflag:$0x3] =	sbarrier.arrive $0xFFFF  }
0x278: {  	_ =	shalt  }

</sc_bundles>
